<compile_context>
chip_gen: v7x
topology: tpu7x:2x2x1
jax: 0.10.2.dev20260603
libtpu: 0.0.44.dev20260713+nightly
codegen_flags: <defaults>
</compile_context>

<pallas_src>
import functools

import jax
import jax.numpy as jnp
from jax import lax
from jax.experimental import pallas as pl
from jax.experimental.pallas import tpu as pltpu
from jax.experimental.pallas import tpu_sc as plsc

N = 10000
E = 320000
D = 128

NC = 2
NS = 16
NW = NC * NS

EDGES_PER_WORKER = E // NW
BLK = 40
NBLK = EDGES_PER_WORKER // BLK
RCHUNK = BLK
NRCHUNK = N // RCHUNK
ROUNDS = (NRCHUNK + NS - 1) // NS
RI = 12
RR = 8
RS = 4
GA = 4


def _sc_aggregate(ndata, eidx_flat, zrows, zdeg, ones_blk):
    mesh = plsc.VectorSubcoreMesh(core_axis_name="c", subcore_axis_name="s")

    @functools.partial(
        pl.kernel,
        mesh=mesh,
        out_type=(
            jax.ShapeDtypeStruct((NC, N, D), jnp.float32),
            jax.ShapeDtypeStruct((N,), jnp.float32),
            jax.ShapeDtypeStruct((N,), jnp.float32),
        ),
        scratch_types=[
            pltpu.VMEM((RI, BLK), jnp.int32),
            pltpu.VMEM((RI, BLK), jnp.int32),
            pltpu.VMEM((RR, BLK, D), jnp.float32),
            pltpu.VMEM((ROUNDS, RCHUNK), jnp.float32),
            pltpu.VMEM((BLK,), jnp.float32),
            pltpu.VMEM_SHARED((N, D), jnp.float32),
            pltpu.VMEM_SHARED((N,), jnp.float32),
            pltpu.SemaphoreType.DMA((RI,)),
            pltpu.SemaphoreType.DMA((RR,)),
            pltpu.SemaphoreType.DMA((RS,)),
            pltpu.SemaphoreType.DMA,
        ],
    )
    def k(ndata_hbm, eidx_hbm, zrows_hbm, zdeg_hbm, ones_hbm,
          acc_out, deg0_out, deg1_out, sidx, didx, rows, dstage,
          ones_v, acc, dacc, semi, semg, sems, semz):
        c = lax.axis_index("c")
        s = lax.axis_index("s")

        pltpu.async_copy(zrows_hbm, rows.at[0], semz)
        pltpu.async_copy(zdeg_hbm, dstage.at[0], semz)
        pltpu.async_copy(ones_hbm, ones_v, semz)
        pltpu.make_async_copy(zrows_hbm, rows.at[0], semz).wait()
        pltpu.make_async_copy(zdeg_hbm, dstage.at[0], semz).wait()
        pltpu.make_async_copy(ones_hbm, ones_v, semz).wait()
        for kk in range(ROUNDS):
            cid = s + NS * kk

            @pl.when(cid < NRCHUNK)
            def _():
                r0 = cid * RCHUNK
                pltpu.async_copy(rows.at[0], acc.at[pl.ds(r0, RCHUNK)],
                                 semz)
                pltpu.async_copy(dstage.at[0], dacc.at[pl.ds(r0, RCHUNK)],
                                 semz)

        for kk in range(ROUNDS):
            cid = s + NS * kk

            @pl.when(cid < NRCHUNK)
            def _():
                r0 = cid * RCHUNK
                pltpu.make_async_copy(rows.at[0],
                                      acc.at[pl.ds(r0, RCHUNK)],
                                      semz).wait()
                pltpu.make_async_copy(dstage.at[0],
                                      dacc.at[pl.ds(r0, RCHUNK)],
                                      semz).wait()

        plsc.subcore_barrier()

        chunk_base = (c * NS + s) * EDGES_PER_WORKER

        def fire_idx(blk):
            isl = lax.rem(blk, RI)
            base = chunk_base + blk * BLK
            pltpu.async_copy(eidx_hbm.at[pl.ds(base, BLK)], sidx.at[isl],
                             semi.at[isl])
            pltpu.async_copy(eidx_hbm.at[pl.ds(E + base, BLK)],
                             didx.at[isl], semi.at[isl])

        def wait_idx(blk):
            isl = lax.rem(blk, RI)
            base = chunk_base + blk * BLK
            pltpu.make_async_copy(eidx_hbm.at[pl.ds(base, BLK)],
                                  sidx.at[isl], semi.at[isl]).wait()
            pltpu.make_async_copy(eidx_hbm.at[pl.ds(E + base, BLK)],
                                  didx.at[isl], semi.at[isl]).wait()

        def fire_gather(blk):
            isl = lax.rem(blk, RI)
            rsl = lax.rem(blk, RR)
            pltpu.async_copy(ndata_hbm.at[sidx.at[isl]], rows.at[rsl],
                             semg.at[rsl])

        def wait_gather(blk):
            isl = lax.rem(blk, RI)
            rsl = lax.rem(blk, RR)
            pltpu.make_async_copy(ndata_hbm.at[sidx.at[isl]], rows.at[rsl],
                                  semg.at[rsl]).wait()

        def fire_scat(blk):
            isl = lax.rem(blk, RI)
            rsl = lax.rem(blk, RR)
            ssl = lax.rem(blk, RS)
            pltpu.async_copy(rows.at[rsl], acc.at[didx.at[isl]],
                             sems.at[ssl], add=True)
            pltpu.async_copy(ones_v, dacc.at[didx.at[isl]], sems.at[ssl],
                             add=True)

        def wait_scat(blk):
            isl = lax.rem(blk, RI)
            rsl = lax.rem(blk, RR)
            ssl = lax.rem(blk, RS)
            pltpu.make_async_copy(rows.at[rsl], acc.at[didx.at[isl]],
                                  sems.at[ssl]).wait()
            pltpu.make_async_copy(ones_v, dacc.at[didx.at[isl]],
                                  sems.at[ssl]).wait()

        for pb in range(2 * GA):
            fire_idx(pb)
        for pb in range(GA):
            wait_idx(pb)
            fire_gather(pb)

        def body(i, carry):
            @pl.when(i >= GA)
            def _():
                wait_scat(i - GA)

            @pl.when(i + 2 * GA < NBLK)
            def _():
                fire_idx(i + 2 * GA)

            @pl.when(i + GA < NBLK)
            def _():
                wait_idx(i + GA)
                fire_gather(i + GA)

            wait_gather(i)
            fire_scat(i)
            return carry

        lax.fori_loop(0, NBLK, body, 0)
        for pb in range(GA):
            wait_scat(NBLK - GA + pb)
        plsc.subcore_barrier()

        for kk in range(ROUNDS):
            cid = s + NS * kk

            @pl.when(cid < NRCHUNK)
            def _():
                r0 = cid * RCHUNK
                pltpu.async_copy(acc.at[pl.ds(r0, RCHUNK)],
                                 acc_out.at[c, pl.ds(r0, RCHUNK)], semz)
                pltpu.async_copy(dacc.at[pl.ds(r0, RCHUNK)], dstage.at[kk],
                                 semz)

        for kk in range(ROUNDS):
            cid = s + NS * kk

            @pl.when(cid < NRCHUNK)
            def _():
                r0 = cid * RCHUNK
                pltpu.make_async_copy(acc.at[pl.ds(r0, RCHUNK)],
                                      acc_out.at[c, pl.ds(r0, RCHUNK)],
                                      semz).wait()
                pltpu.make_async_copy(dacc.at[pl.ds(r0, RCHUNK)],
                                      dstage.at[kk], semz).wait()

                @pl.when(c == 0)
                def _():
                    pltpu.async_copy(dstage.at[kk],
                                     deg0_out.at[pl.ds(r0, RCHUNK)], semz)

                @pl.when(c == 1)
                def _():
                    pltpu.async_copy(dstage.at[kk],
                                     deg1_out.at[pl.ds(r0, RCHUNK)], semz)

        for kk in range(ROUNDS):
            cid = s + NS * kk

            @pl.when(cid < NRCHUNK)
            def _():
                r0 = cid * RCHUNK

                @pl.when(c == 0)
                def _():
                    pltpu.make_async_copy(
                        dstage.at[kk], deg0_out.at[pl.ds(r0, RCHUNK)],
                        semz).wait()

                @pl.when(c == 1)
                def _():
                    pltpu.make_async_copy(
                        dstage.at[kk], deg1_out.at[pl.ds(r0, RCHUNK)],
                        semz).wait()

    return k(ndata, eidx_flat, zrows, zdeg, ones_blk)


ROW_BLK = 2000


def _tc_finish_body(nd_ref, p_ref, d0_ref, d1_ref, w_ref, b_ref, o_ref):
    deg = d0_ref[0] + d1_ref[0]
    dcol = jnp.transpose(deg)
    agg = (p_ref[0] + p_ref[1]) / jnp.maximum(dcol, 1.0)
    rst = nd_ref[...] + agg
    o_ref[...] = (
        lax.dot_general(rst, w_ref[...], (((1,), (1,)), ((), ())),
                        preferred_element_type=jnp.float32)
        + b_ref[...]
    )


def _tc_finish(ndata, p, d0, d1, w, b2):
    grid = (N // ROW_BLK,)
    return pl.pallas_call(
        _tc_finish_body,
        grid=grid,
        in_specs=[
            pl.BlockSpec((ROW_BLK, D), lambda i: (i, 0)),
            pl.BlockSpec((NC, ROW_BLK, D), lambda i: (0, i, 0)),
            pl.BlockSpec((1, 1, ROW_BLK), lambda i: (i, 0, 0)),
            pl.BlockSpec((1, 1, ROW_BLK), lambda i: (i, 0, 0)),
            pl.BlockSpec((D, D), lambda i: (0, 0)),
            pl.BlockSpec((1, D), lambda i: (0, 0)),
        ],
        out_specs=pl.BlockSpec((ROW_BLK, D), lambda i: (i, 0)),
        out_shape=jax.ShapeDtypeStruct((N, D), jnp.float32),
    )(ndata, p, d0, d1, w, b2)


@jax.jit
def kernel(ndata, edge_index, W, b):
    eidx_flat = edge_index.reshape(2 * E)
    zrows = jnp.zeros((RCHUNK, D), jnp.float32)
    zdeg = jnp.zeros((RCHUNK,), jnp.float32)
    ones_blk = jnp.ones((BLK,), jnp.float32)

    acc, deg0, deg1 = _sc_aggregate(ndata, eidx_flat, zrows, zdeg, ones_blk)

    b2 = b.reshape(1, D)
    return _tc_finish(ndata, acc, deg0.reshape(N // ROW_BLK, 1, ROW_BLK),
                      deg1.reshape(N // ROW_BLK, 1, ROW_BLK), W, b2)

# --- scband reference (transcript-rebuilt; emitter-appended) ---
"""Pipeline reference for scband-ginblock-70600672411873 (READ-ONLY COPY).

The authoritative reference and input builder live on the scoring server;
editing this copy changes nothing except your own understanding.
"""

import jax, jax.numpy as jnp
import numpy as np

N = 10000
E = 320000
D = 128

def setup_inputs(seed: int = 0) -> dict:
    key = jax.random.key(seed)
    k1, k2, k3, k4 = jax.random.split(key, 4)
    ndata = jax.random.normal(k1, (N, D), dtype=jnp.float32)
    edge_index = jax.random.randint(k2, (2, E), 0, N, dtype=jnp.int32)
    # nn.Linear(128, 128) parameters (kaiming-uniform-ish scale)
    bound = 1.0 / np.sqrt(D)
    W = jax.random.uniform(k3, (D, D), dtype=jnp.float32, minval=-bound, maxval=bound)
    b = jax.random.uniform(k4, (D,), dtype=jnp.float32, minval=-bound, maxval=bound)
    return {"ndata": ndata, "edge_index": edge_index, "W": W, "b": b}

def reference(ndata, edge_index, W, b):
    # DGL GINConv with aggregator_type='mean', init_eps=0, learn_eps=False:
    #   rst = (1 + eps) * feat + mean_{j in N(i)} feat_j ; out = apply_func(rst)
    src = edge_index[0]
    dst = edge_index[1]
    msgs = jnp.take(ndata, src, axis=0)                       # gather (SparseCore)
    agg_sum = jax.ops.segment_sum(msgs, dst, num_segments=N)  # scatter-add
    deg = jax.ops.segment_sum(jnp.ones((E,), dtype=ndata.dtype), dst, num_segments=N)
    # mean reducer: zero in-degree nodes get 0 (sum is 0, clamp denominator to 1)
    agg = agg_sum / jnp.clip(deg, 1.0)[:, None]
    rst = ndata + agg  # (1 + eps) * x with eps = 0
    out = rst @ W.T + b  # apply_func = nn.Linear(128, 128)
    return out

if __name__ == "__main__":
    import jax
    _d = setup_inputs()
    print(jax.jit(kernel)(*tuple(_d.values())))

</pallas_src>

<mosaic_0001>
#map = affine_map<(d0, d1) -> (0, 0)>
#map1 = affine_map<(d0, d1) -> (0)>
#map2 = affine_map<(d0, d1) -> (0, 0, 0)>
module attributes {stable_mosaic.version = 14 : i64} {
  func.func @k(%arg0: i32, %arg1: i32, %arg2: memref<10000x128xf32, #tpu.memory_space<hbm>>, %arg3: memref<640000xi32, #tpu.memory_space<hbm>>, %arg4: memref<40x128xf32, #tpu.memory_space<hbm>>, %arg5: memref<40xf32, #tpu.memory_space<hbm>>, %arg6: memref<40xf32, #tpu.memory_space<hbm>>, %arg7: memref<2x10000x128xf32, #tpu.memory_space<hbm>>, %arg8: memref<10000xf32, #tpu.memory_space<hbm>>, %arg9: memref<10000xf32, #tpu.memory_space<hbm>>, %arg10: memref<12x40xi32, #tpu.memory_space<vmem>>, %arg11: memref<12x40xi32, #tpu.memory_space<vmem>>, %arg12: memref<8x40x128xf32, #tpu.memory_space<vmem>>, %arg13: memref<16x40xf32, #tpu.memory_space<vmem>>, %arg14: memref<40xf32, #tpu.memory_space<vmem>>, %arg15: memref<10000x128xf32, #tpu.memory_space<vmem_shared>>, %arg16: memref<10000xf32, #tpu.memory_space<vmem_shared>>, %arg17: memref<12x!tpu.dma_semaphore, #tpu.memory_space<semaphore_mem>>, %arg18: memref<8x!tpu.dma_semaphore, #tpu.memory_space<semaphore_mem>>, %arg19: memref<4x!tpu.dma_semaphore, #tpu.memory_space<semaphore_mem>>, %arg20: memref<!tpu.dma_semaphore, #tpu.memory_space<semaphore_mem>>) attributes {dimension_semantics = [#tpu.dimension_semantics<core_parallel>, #tpu.dimension_semantics<subcore_parallel>], iteration_bounds = array<i64: 2, 16>, scalar_prefetch = 0 : i64, scratch_operands = 11 : i64, tpu.core_type = #tpu.core_type<sc_vector_subcore>, window_params = [{transform_indices = #map}, {transform_indices = #map1}, {transform_indices = #map}, {transform_indices = #map1}, {transform_indices = #map1}, {transform_indices = #map2}, {transform_indices = #map1}, {transform_indices = #map1}]} {
    %dma_start3A = arith.constant 0 : i32
    %dma_start3A_0 = arith.constant 0 : i32
    %dma_start3A_1 = arith.constant 0 : i32
    %dma_start3A_2 = tpu.memref_slice %arg12[%dma_start3A, %dma_start3A_0, %dma_start3A_1] : memref<8x40x128xf32, #tpu.memory_space<vmem>> -> memref<1x40x128xf32, #tpu.memory_space<vmem>>
    %dma_start3A_3 = tpu.memref_squeeze %dma_start3A_2 : memref<1x40x128xf32, #tpu.memory_space<vmem>> -> memref<40x128xf32, #tpu.memory_space<vmem>>
    %dma_start3A_4 = arith.constant 0 : i32
    %dma_start3A_5 = arith.constant 0 : i32
    %dma_start3A_6 = tpu.memref_slice %arg12[%dma_start3A, %dma_start3A_4, %dma_start3A_5] : memref<8x40x128xf32, #tpu.memory_space<vmem>> -> memref<1x40x128xf32, #tpu.memory_space<vmem>>
    %dma_start3A_7 = tpu.memref_squeeze %dma_start3A_6 : memref<1x40x128xf32, #tpu.memory_space<vmem>> -> memref<40x128xf32, #tpu.memory_space<vmem>>
    tpu.enqueue_dma source(%arg4 : memref<40x128xf32, #tpu.memory_space<hbm>>) target(%dma_start3A_7 : memref<40x128xf32, #tpu.memory_space<vmem>>) target_semaphore(%arg20 : memref<!tpu.dma_semaphore, #tpu.memory_space<semaphore_mem>>)
    %dma_start3A_8 = arith.constant 0 : i32
    %dma_start3A_9 = arith.constant 0 : i32
    %dma_start3A_10 = tpu.memref_slice %arg13[%dma_start3A_8, %dma_start3A_9] : memref<16x40xf32, #tpu.memory_space<vmem>> -> memref<1x40xf32, #tpu.memory_space<vmem>>
    %dma_start3A_11 = tpu.memref_squeeze %dma_start3A_10 : memref<1x40xf32, #tpu.memory_space<vmem>> -> memref<40xf32, #tpu.memory_space<vmem>>
    %dma_start3A_12 = arith.constant 0 : i32
    %dma_start3A_13 = tpu.memref_slice %arg13[%dma_start3A_8, %dma_start3A_12] : memref<16x40xf32, #tpu.memory_space<vmem>> -> memref<1x40xf32, #tpu.memory_space<vmem>>
    %dma_start3A_14 = tpu.memref_squeeze %dma_start3A_13 : memref<1x40xf32, #tpu.memory_space<vmem>> -> memref<40xf32, #tpu.memory_space<vmem>>
    tpu.enqueue_dma source(%arg5 : memref<40xf32, #tpu.memory_space<hbm>>) target(%dma_start3A_14 : memref<40xf32, #tpu.memory_space<vmem>>) target_semaphore(%arg20 : memref<!tpu.dma_semaphore, #tpu.memory_space<semaphore_mem>>)
    tpu.enqueue_dma source(%arg6 : memref<40xf32, #tpu.memory_space<hbm>>) target(%arg14 : memref<40xf32, #tpu.memory_space<vmem>>) target_semaphore(%arg20 : memref<!tpu.dma_semaphore, #tpu.memory_space<semaphore_mem>>)
    %dma_wait3A = arith.constant 0 : i32
    %dma_wait3A_15 = arith.constant 0 : i32
    %dma_wait3A_16 = arith.constant 0 : i32
    %dma_wait3A_17 = tpu.memref_slice %arg12[%dma_wait3A, %dma_wait3A_15, %dma_wait3A_16] : memref<8x40x128xf32, #tpu.memory_space<vmem>> -> memref<1x40x128xf32, #tpu.memory_space<vmem>>
    %dma_wait3A_18 = tpu.memref_squeeze %dma_wait3A_17 : memref<1x40x128xf32, #tpu.memory_space<vmem>> -> memref<40x128xf32, #tpu.memory_space<vmem>>
    %dma_wait3A_19 = arith.constant 0 : i32
    %dma_wait3A_20 = arith.constant 0 : i32
    %dma_wait3A_21 = tpu.memref_slice %arg12[%dma_wait3A, %dma_wait3A_19, %dma_wait3A_20] : memref<8x40x128xf32, #tpu.memory_space<vmem>> -> memref<1x40x128xf32, #tpu.memory_space<vmem>>
    %dma_wait3A_22 = tpu.memref_squeeze %dma_wait3A_21 : memref<1x40x128xf32, #tpu.memory_space<vmem>> -> memref<40x128xf32, #tpu.memory_space<vmem>>
    tpu.wait_dma2 semaphore(%arg20 : memref<!tpu.dma_semaphore, #tpu.memory_space<semaphore_mem>>) src(%arg4 : memref<40x128xf32, #tpu.memory_space<hbm>>) dst(%dma_wait3A_22 : memref<40x128xf32, #tpu.memory_space<vmem>>)
    %dma_wait3A_23 = arith.constant 0 : i32
    %dma_wait3A_24 = arith.constant 0 : i32
    %dma_wait3A_25 = tpu.memref_slice %arg13[%dma_wait3A_23, %dma_wait3A_24] : memref<16x40xf32, #tpu.memory_space<vmem>> -> memref<1x40xf32, #tpu.memory_space<vmem>>
    %dma_wait3A_26 = tpu.memref_squeeze %dma_wait3A_25 : memref<1x40xf32, #tpu.memory_space<vmem>> -> memref<40xf32, #tpu.memory_space<vmem>>
    %dma_wait3A_27 = arith.constant 0 : i32
    %dma_wait3A_28 = tpu.memref_slice %arg13[%dma_wait3A_23, %dma_wait3A_27] : memref<16x40xf32, #tpu.memory_space<vmem>> -> memref<1x40xf32, #tpu.memory_space<vmem>>
    %dma_wait3A_29 = tpu.memref_squeeze %dma_wait3A_28 : memref<1x40xf32, #tpu.memory_space<vmem>> -> memref<40xf32, #tpu.memory_space<vmem>>
    tpu.wait_dma2 semaphore(%arg20 : memref<!tpu.dma_semaphore, #tpu.memory_space<semaphore_mem>>) src(%arg5 : memref<40xf32, #tpu.memory_space<hbm>>) dst(%dma_wait3A_29 : memref<40xf32, #tpu.memory_space<vmem>>)
    tpu.wait_dma2 semaphore(%arg20 : memref<!tpu.dma_semaphore, #tpu.memory_space<semaphore_mem>>) src(%arg6 : memref<40xf32, #tpu.memory_space<hbm>>) dst(%arg14 : memref<40xf32, #tpu.memory_space<vmem>>)
    %add3A = arith.constant 0 : i32
    %add3A_30 = arith.addi %arg1, %add3A : i32
    %lt3A = arith.constant 250 : i32
    %lt3A_31 = arith.cmpi slt, %add3A_30, %lt3A : i32
    %convert_element_type3A = arith.extui %lt3A_31 : i1 to i32
    %cond3A = arith.constant 0 : i32
    %cond3A_32 = arith.cmpi ne, %convert_element_type3A, %cond3A : i32
    scf.if %cond3A_32 {
      %mul3A_1103 = arith.constant 40 : i32
      %mul3A_1104 = arith.muli %add3A_30, %mul3A_1103 : i32
      %dma_start3A_1105 = arith.constant 0 : i32
      %dma_start3A_1106 = arith.constant 0 : i32
      %dma_start3A_1107 = arith.constant 0 : i32
      %dma_start3A_1108 = tpu.memref_slice %arg12[%dma_start3A_1105, %dma_start3A_1106, %dma_start3A_1107] : memref<8x40x128xf32, #tpu.memory_space<vmem>> -> memref<1x40x128xf32, #tpu.memory_space<vmem>>
      %dma_start3A_1109 = tpu.memref_squeeze %dma_start3A_1108 : memref<1x40x128xf32, #tpu.memory_space<vmem>> -> memref<40x128xf32, #tpu.memory_space<vmem>>
      %dma_start3A_1110 = arith.constant 0 : i32
      %dma_start3A_1111 = tpu.memref_slice %arg15[%mul3A_1104, %dma_start3A_1110] : memref<10000x128xf32, #tpu.memory_space<vmem_shared>> -> memref<40x128xf32, #tpu.memory_space<vmem_shared>>
      %dma_start3A_1112 = arith.constant 0 : i32
      %dma_start3A_1113 = tpu.memref_slice %arg15[%mul3A_1104, %dma_start3A_1112] : memref<10000x128xf32, #tpu.memory_space<vmem_shared>> -> memref<40x128xf32, #tpu.memory_space<vmem_shared>>
      %dma_start3A_1114 = arith.constant 0 : i32
      %dma_start3A_1115 = arith.constant 0 : i32
      %dma_start3A_1116 = tpu.memref_slice %arg12[%dma_start3A_1105, %dma_start3A_1114, %dma_start3A_1115] : memref<8x40x128xf32, #tpu.memory_space<vmem>> -> memref<1x40x128xf32, #tpu.memory_space<vmem>>
      %dma_start3A_1117 = tpu.memref_squeeze %dma_start3A_1116 : memref<1x40x128xf32, #tpu.memory_space<vmem>> -> memref<40x128xf32, #tpu.memory_space<vmem>>
      tpu.enqueue_dma source(%dma_start3A_1117 : memref<40x128xf32, #tpu.memory_space<vmem>>) target(%dma_start3A_1113 : memref<40x128xf32, #tpu.memory_space<vmem_shared>>) target_semaphore(%arg20 : memref<!tpu.dma_semaphore, #tpu.memory_space<semaphore_mem>>)
      %dma_start3A_1118 = arith.constant 0 : i32
      %dma_start3A_1119 = arith.constant 0 : i32
      %dma_start3A_1120 = tpu.memref_slice %arg13[%dma_start3A_1118, %dma_start3A_1119] : memref<16x40xf32, #tpu.memory_space<vmem>> -> memref<1x40xf32, #tpu.memory_space<vmem>>
      %dma_start3A_1121 = tpu.memref_squeeze %dma_start3A_1120 : memref<1x40xf32, #tpu.memory_space<vmem>> -> memref<40xf32, #tpu.memory_space<vmem>>
      %dma_start3A_1122 = tpu.memref_slice %arg16[%mul3A_1104] : memref<10000xf32, #tpu.memory_space<vmem_shared>> -> memref<40xf32, #tpu.memory_space<vmem_shared>>
      %dma_start3A_1123 = tpu.memref_slice %arg16[%mul3A_1104] : memref<10000xf32, #tpu.memory_space<vmem_shared>> -> memref<40xf32, #tpu.memory_space<vmem_shared>>
      %dma_start3A_1124 = arith.constant 0 : i32
      %dma_start3A_1125 = tpu.memref_slice %arg13[%dma_start3A_1118, %dma_start3A_1124] : memref<16x40xf32, #tpu.memory_space<vmem>> -> memref<1x40xf32, #tpu.memory_space<vmem>>
      %dma_start3A_1126 = tpu.memref_squeeze %dma_start3A_1125 : memref<1x40xf32, #tpu.memory_space<vmem>> -> memref<40xf32, #tpu.memory_space<vmem>>
      tpu.enqueue_dma source(%dma_start3A_1126 : memref<40xf32, #tpu.memory_space<vmem>>) target(%dma_start3A_1123 : memref<40xf32, #tpu.memory_space<vmem_shared>>) target_semaphore(%arg20 : memref<!tpu.dma_semaphore, #tpu.memory_space<semaphore_mem>>)
    } else {
    }
    %add3A_33 = arith.constant 16 : i32
    %add3A_34 = arith.addi %arg1, %add3A_33 : i32
    %lt3A_35 = arith.constant 250 : i32
    %lt3A_36 = arith.cmpi slt, %add3A_34, %lt3A_35 : i32
    %convert_element_type3A_37 = arith.extui %lt3A_36 : i1 to i32
    %cond3A_38 = arith.constant 0 : i32
    %cond3A_39 = arith.cmpi ne, %convert_element_type3A_37, %cond3A_38 : i32
    scf.if %cond3A_39 {
      %mul3A_1103 = arith.constant 40 : i32
      %mul3A_1104 = arith.muli %add3A_34, %mul3A_1103 : i32
      %dma_start3A_1105 = arith.constant 0 : i32
      %dma_start3A_1106 = arith.constant 0 : i32
      %dma_start3A_1107 = arith.constant 0 : i32
      %dma_start3A_1108 = tpu.memref_slice %arg12[%dma_start3A_1105, %dma_start3A_1106, %dma_start3A_1107] : memref<8x40x128xf32, #tpu.memory_space<vmem>> -> memref<1x40x128xf32, #tpu.memory_space<vmem>>
      %dma_start3A_1109 = tpu.memref_squeeze %dma_start3A_1108 : memref<1x40x128xf32, #tpu.memory_space<vmem>> -> memref<40x128xf32, #tpu.memory_space<vmem>>
      %dma_start3A_1110 = arith.constant 0 : i32
      %dma_start3A_1111 = tpu.memref_slice %arg15[%mul3A_1104, %dma_start3A_1110] : memref<10000x128xf32, #tpu.memory_space<vmem_shared>> -> memref<40x128xf32, #tpu.memory_space<vmem_shared>>
      %dma_start3A_1112 = arith.constant 0 : i32
      %dma_start3A_1113 = tpu.memref_slice %arg15[%mul3A_1104, %dma_start3A_1112] : memref<10000x128xf32, #tpu.memory_space<vmem_shared>> -> memref<40x128xf32, #tpu.memory_space<vmem_shared>>
      %dma_start3A_1114 = arith.constant 0 : i32
      %dma_start3A_1115 = arith.constant 0 : i32
      %dma_start3A_1116 = tpu.memref_slice %arg12[%dma_start3A_1105, %dma_start3A_1114, %dma_start3A_1115] : memref<8x40x128xf32, #tpu.memory_space<vmem>> -> memref<1x40x128xf32, #tpu.memory_space<vmem>>
      %dma_start3A_1117 = tpu.memref_squeeze %dma_start3A_1116 : memref<1x40x128xf32, #tpu.memory_space<vmem>> -> memref<40x128xf32, #tpu.memory_space<vmem>>
      tpu.enqueue_dma source(%dma_start3A_1117 : memref<40x128xf32, #tpu.memory_space<vmem>>) target(%dma_start3A_1113 : memref<40x128xf32, #tpu.memory_space<vmem_shared>>) target_semaphore(%arg20 : memref<!tpu.dma_semaphore, #tpu.memory_space<semaphore_mem>>)
      %dma_start3A_1118 = arith.constant 0 : i32
      %dma_start3A_1119 = arith.constant 0 : i32
      %dma_start3A_1120 = tpu.memref_slice %arg13[%dma_start3A_1118, %dma_start3A_1119] : memref<16x40xf32, #tpu.memory_space<vmem>> -> memref<1x40xf32, #tpu.memory_space<vmem>>
      %dma_start3A_1121 = tpu.memref_squeeze %dma_start3A_1120 : memref<1x40xf32, #tpu.memory_space<vmem>> -> memref<40xf32, #tpu.memory_space<vmem>>
      %dma_start3A_1122 = tpu.memref_slice %arg16[%mul3A_1104] : memref<10000xf32, #tpu.memory_space<vmem_shared>> -> memref<40xf32, #tpu.memory_space<vmem_shared>>
      %dma_start3A_1123 = tpu.memref_slice %arg16[%mul3A_1104] : memref<10000xf32, #tpu.memory_space<vmem_shared>> -> memref<40xf32, #tpu.memory_space<vmem_shared>>
      %dma_start3A_1124 = arith.constant 0 : i32
      %dma_start3A_1125 = tpu.memref_slice %arg13[%dma_start3A_1118, %dma_start3A_1124] : memref<16x40xf32, #tpu.memory_space<vmem>> -> memref<1x40xf32, #tpu.memory_space<vmem>>
      %dma_start3A_1126 = tpu.memref_squeeze %dma_start3A_1125 : memref<1x40xf32, #tpu.memory_space<vmem>> -> memref<40xf32, #tpu.memory_space<vmem>>
      tpu.enqueue_dma source(%dma_start3A_1126 : memref<40xf32, #tpu.memory_space<vmem>>) target(%dma_start3A_1123 : memref<40xf32, #tpu.memory_space<vmem_shared>>) target_semaphore(%arg20 : memref<!tpu.dma_semaphore, #tpu.memory_space<semaphore_mem>>)
    } else {
    }
    %add3A_40 = arith.constant 32 : i32
    %add3A_41 = arith.addi %arg1, %add3A_40 : i32
    %lt3A_42 = arith.constant 250 : i32
    %lt3A_43 = arith.cmpi slt, %add3A_41, %lt3A_42 : i32
    %convert_element_type3A_44 = arith.extui %lt3A_43 : i1 to i32
    %cond3A_45 = arith.constant 0 : i32
    %cond3A_46 = arith.cmpi ne, %convert_element_type3A_44, %cond3A_45 : i32
    scf.if %cond3A_46 {
      %mul3A_1103 = arith.constant 40 : i32
      %mul3A_1104 = arith.muli %add3A_41, %mul3A_1103 : i32
      %dma_start3A_1105 = arith.constant 0 : i32
      %dma_start3A_1106 = arith.constant 0 : i32
      %dma_start3A_1107 = arith.constant 0 : i32
      %dma_start3A_1108 = tpu.memref_slice %arg12[%dma_start3A_1105, %dma_start3A_1106, %dma_start3A_1107] : memref<8x40x128xf32, #tpu.memory_space<vmem>> -> memref<1x40x128xf32, #tpu.memory_space<vmem>>
      %dma_start3A_1109 = tpu.memref_squeeze %dma_start3A_1108 : memref<1x40x128xf32, #tpu.memory_space<vmem>> -> memref<40x128xf32, #tpu.memory_space<vmem>>
      %dma_start3A_1110 = arith.constant 0 : i32
      %dma_start3A_1111 = tpu.memref_slice %arg15[%mul3A_1104, %dma_start3A_1110] : memref<10000x128xf32, #tpu.memory_space<vmem_shared>> -> memref<40x128xf32, #tpu.memory_space<vmem_shared>>
      %dma_start3A_1112 = arith.constant 0 : i32
      %dma_start3A_1113 = tpu.memref_slice %arg15[%mul3A_1104, %dma_start3A_1112] : memref<10000x128xf32, #tpu.memory_space<vmem_shared>> -> memref<40x128xf32, #tpu.memory_space<vmem_shared>>
      %dma_start3A_1114 = arith.constant 0 : i32
      %dma_start3A_1115 = arith.constant 0 : i32
      %dma_start3A_1116 = tpu.memref_slice %arg12[%dma_start3A_1105, %dma_start3A_1114, %dma_start3A_1115] : memref<8x40x128xf32, #tpu.memory_space<vmem>> -> memref<1x40x128xf32, #tpu.memory_space<vmem>>
      %dma_start3A_1117 = tpu.memref_squeeze %dma_start3A_1116 : memref<1x40x128xf32, #tpu.memory_space<vmem>> -> memref<40x128xf32, #tpu.memory_space<vmem>>
      tpu.enqueue_dma source(%dma_start3A_1117 : memref<40x128xf32, #tpu.memory_space<vmem>>) target(%dma_start3A_1113 : memref<40x128xf32, #tpu.memory_space<vmem_shared>>) target_semaphore(%arg20 : memref<!tpu.dma_semaphore, #tpu.memory_space<semaphore_mem>>)
      %dma_start3A_1118 = arith.constant 0 : i32
      %dma_start3A_1119 = arith.constant 0 : i32
      %dma_start3A_1120 = tpu.memref_slice %arg13[%dma_start3A_1118, %dma_start3A_1119] : memref<16x40xf32, #tpu.memory_space<vmem>> -> memref<1x40xf32, #tpu.memory_space<vmem>>
      %dma_start3A_1121 = tpu.memref_squeeze %dma_start3A_1120 : memref<1x40xf32, #tpu.memory_space<vmem>> -> memref<40xf32, #tpu.memory_space<vmem>>
      %dma_start3A_1122 = tpu.memref_slice %arg16[%mul3A_1104] : memref<10000xf32, #tpu.memory_space<vmem_shared>> -> memref<40xf32, #tpu.memory_space<vmem_shared>>
      %dma_start3A_1123 = tpu.memref_slice %arg16[%mul3A_1104] : memref<10000xf32, #tpu.memory_space<vmem_shared>> -> memref<40xf32, #tpu.memory_space<vmem_shared>>
      %dma_start3A_1124 = arith.constant 0 : i32
      %dma_start3A_1125 = tpu.memref_slice %arg13[%dma_start3A_1118, %dma_start3A_1124] : memref<16x40xf32, #tpu.memory_space<vmem>> -> memref<1x40xf32, #tpu.memory_space<vmem>>
      %dma_start3A_1126 = tpu.memref_squeeze %dma_start3A_1125 : memref<1x40xf32, #tpu.memory_space<vmem>> -> memref<40xf32, #tpu.memory_space<vmem>>
      tpu.enqueue_dma source(%dma_start3A_1126 : memref<40xf32, #tpu.memory_space<vmem>>) target(%dma_start3A_1123 : memref<40xf32, #tpu.memory_space<vmem_shared>>) target_semaphore(%arg20 : memref<!tpu.dma_semaphore, #tpu.memory_space<semaphore_mem>>)
    } else {
    }
    %add3A_47 = arith.constant 48 : i32
    %add3A_48 = arith.addi %arg1, %add3A_47 : i32
    %lt3A_49 = arith.constant 250 : i32
    %lt3A_50 = arith.cmpi slt, %add3A_48, %lt3A_49 : i32
    %convert_element_type3A_51 = arith.extui %lt3A_50 : i1 to i32
    %cond3A_52 = arith.constant 0 : i32
    %cond3A_53 = arith.cmpi ne, %convert_element_type3A_51, %cond3A_52 : i32
    scf.if %cond3A_53 {
      %mul3A_1103 = arith.constant 40 : i32
      %mul3A_1104 = arith.muli %add3A_48, %mul3A_1103 : i32
      %dma_start3A_1105 = arith.constant 0 : i32
      %dma_start3A_1106 = arith.constant 0 : i32
      %dma_start3A_1107 = arith.constant 0 : i32
      %dma_start3A_1108 = tpu.memref_slice %arg12[%dma_start3A_1105, %dma_start3A_1106, %dma_start3A_1107] : memref<8x40x128xf32, #tpu.memory_space<vmem>> -> memref<1x40x128xf32, #tpu.memory_space<vmem>>
      %dma_start3A_1109 = tpu.memref_squeeze %dma_start3A_1108 : memref<1x40x128xf32, #tpu.memory_space<vmem>> -> memref<40x128xf32, #tpu.memory_space<vmem>>
      %dma_start3A_1110 = arith.constant 0 : i32
      %dma_start3A_1111 = tpu.memref_slice %arg15[%mul3A_1104, %dma_start3A_1110] : memref<10000x128xf32, #tpu.memory_space<vmem_shared>> -> memref<40x128xf32, #tpu.memory_space<vmem_shared>>
      %dma_start3A_1112 = arith.constant 0 : i32
      %dma_start3A_1113 = tpu.memref_slice %arg15[%mul3A_1104, %dma_start3A_1112] : memref<10000x128xf32, #tpu.memory_space<vmem_shared>> -> memref<40x128xf32, #tpu.memory_space<vmem_shared>>
      %dma_start3A_1114 = arith.constant 0 : i32
      %dma_start3A_1115 = arith.constant 0 : i32
      %dma_start3A_1116 = tpu.memref_slice %arg12[%dma_start3A_1105, %dma_start3A_1114, %dma_start3A_1115] : memref<8x40x128xf32, #tpu.memory_space<vmem>> -> memref<1x40x128xf32, #tpu.memory_space<vmem>>
      %dma_start3A_1117 = tpu.memref_squeeze %dma_start3A_1116 : memref<1x40x128xf32, #tpu.memory_space<vmem>> -> memref<40x128xf32, #tpu.memory_space<vmem>>
      tpu.enqueue_dma source(%dma_start3A_1117 : memref<40x128xf32, #tpu.memory_space<vmem>>) target(%dma_start3A_1113 : memref<40x128xf32, #tpu.memory_space<vmem_shared>>) target_semaphore(%arg20 : memref<!tpu.dma_semaphore, #tpu.memory_space<semaphore_mem>>)
      %dma_start3A_1118 = arith.constant 0 : i32
      %dma_start3A_1119 = arith.constant 0 : i32
      %dma_start3A_1120 = tpu.memref_slice %arg13[%dma_start3A_1118, %dma_start3A_1119] : memref<16x40xf32, #tpu.memory_space<vmem>> -> memref<1x40xf32, #tpu.memory_space<vmem>>
      %dma_start3A_1121 = tpu.memref_squeeze %dma_start3A_1120 : memref<1x40xf32, #tpu.memory_space<vmem>> -> memref<40xf32, #tpu.memory_space<vmem>>
      %dma_start3A_1122 = tpu.memref_slice %arg16[%mul3A_1104] : memref<10000xf32, #tpu.memory_space<vmem_shared>> -> memref<40xf32, #tpu.memory_space<vmem_shared>>
      %dma_start3A_1123 = tpu.memref_slice %arg16[%mul3A_1104] : memref<10000xf32, #tpu.memory_space<vmem_shared>> -> memref<40xf32, #tpu.memory_space<vmem_shared>>
      %dma_start3A_1124 = arith.constant 0 : i32
      %dma_start3A_1125 = tpu.memref_slice %arg13[%dma_start3A_1118, %dma_start3A_1124] : memref<16x40xf32, #tpu.memory_space<vmem>> -> memref<1x40xf32, #tpu.memory_space<vmem>>
      %dma_start3A_1126 = tpu.memref_squeeze %dma_start3A_1125 : memref<1x40xf32, #tpu.memory_space<vmem>> -> memref<40xf32, #tpu.memory_space<vmem>>
      tpu.enqueue_dma source(%dma_start3A_1126 : memref<40xf32, #tpu.memory_space<vmem>>) target(%dma_start3A_1123 : memref<40xf32, #tpu.memory_space<vmem_shared>>) target_semaphore(%arg20 : memref<!tpu.dma_semaphore, #tpu.memory_space<semaphore_mem>>)
    } else {
    }
    %add3A_54 = arith.constant 64 : i32
    %add3A_55 = arith.addi %arg1, %add3A_54 : i32
    %lt3A_56 = arith.constant 250 : i32
    %lt3A_57 = arith.cmpi slt, %add3A_55, %lt3A_56 : i32
    %convert_element_type3A_58 = arith.extui %lt3A_57 : i1 to i32
    %cond3A_59 = arith.constant 0 : i32
    %cond3A_60 = arith.cmpi ne, %convert_element_type3A_58, %cond3A_59 : i32
    scf.if %cond3A_60 {
      %mul3A_1103 = arith.constant 40 : i32
      %mul3A_1104 = arith.muli %add3A_55, %mul3A_1103 : i32
      %dma_start3A_1105 = arith.constant 0 : i32
      %dma_start3A_1106 = arith.constant 0 : i32
      %dma_start3A_1107 = arith.constant 0 : i32
      %dma_start3A_1108 = tpu.memref_slice %arg12[%dma_start3A_1105, %dma_start3A_1106, %dma_start3A_1107] : memref<8x40x128xf32, #tpu.memory_space<vmem>> -> memref<1x40x128xf32, #tpu.memory_space<vmem>>
      %dma_start3A_1109 = tpu.memref_squeeze %dma_start3A_1108 : memref<1x40x128xf32, #tpu.memory_space<vmem>> -> memref<40x128xf32, #tpu.memory_space<vmem>>
      %dma_start3A_1110 = arith.constant 0 : i32
      %dma_start3A_1111 = tpu.memref_slice %arg15[%mul3A_1104, %dma_start3A_1110] : memref<10000x128xf32, #tpu.memory_space<vmem_shared>> -> memref<40x128xf32, #tpu.memory_space<vmem_shared>>
      %dma_start3A_1112 = arith.constant 0 : i32
      %dma_start3A_1113 = tpu.memref_slice %arg15[%mul3A_1104, %dma_start3A_1112] : memref<10000x128xf32, #tpu.memory_space<vmem_shared>> -> memref<40x128xf32, #tpu.memory_space<vmem_shared>>
      %dma_start3A_1114 = arith.constant 0 : i32
      %dma_start3A_1115 = arith.constant 0 : i32
      %dma_start3A_1116 = tpu.memref_slice %arg12[%dma_start3A_1105, %dma_start3A_1114, %dma_start3A_1115] : memref<8x40x128xf32, #tpu.memory_space<vmem>> -> memref<1x40x128xf32, #tpu.memory_space<vmem>>
      %dma_start3A_1117 = tpu.memref_squeeze %dma_start3A_1116 : memref<1x40x128xf32, #tpu.memory_space<vmem>> -> memref<40x128xf32, #tpu.memory_space<vmem>>
      tpu.enqueue_dma source(%dma_start3A_1117 : memref<40x128xf32, #tpu.memory_space<vmem>>) target(%dma_start3A_1113 : memref<40x128xf32, #tpu.memory_space<vmem_shared>>) target_semaphore(%arg20 : memref<!tpu.dma_semaphore, #tpu.memory_space<semaphore_mem>>)
      %dma_start3A_1118 = arith.constant 0 : i32
      %dma_start3A_1119 = arith.constant 0 : i32
      %dma_start3A_1120 = tpu.memref_slice %arg13[%dma_start3A_1118, %dma_start3A_1119] : memref<16x40xf32, #tpu.memory_space<vmem>> -> memref<1x40xf32, #tpu.memory_space<vmem>>
      %dma_start3A_1121 = tpu.memref_squeeze %dma_start3A_1120 : memref<1x40xf32, #tpu.memory_space<vmem>> -> memref<40xf32, #tpu.memory_space<vmem>>
      %dma_start3A_1122 = tpu.memref_slice %arg16[%mul3A_1104] : memref<10000xf32, #tpu.memory_space<vmem_shared>> -> memref<40xf32, #tpu.memory_space<vmem_shared>>
      %dma_start3A_1123 = tpu.memref_slice %arg16[%mul3A_1104] : memref<10000xf32, #tpu.memory_space<vmem_shared>> -> memref<40xf32, #tpu.memory_space<vmem_shared>>
      %dma_start3A_1124 = arith.constant 0 : i32
      %dma_start3A_1125 = tpu.memref_slice %arg13[%dma_start3A_1118, %dma_start3A_1124] : memref<16x40xf32, #tpu.memory_space<vmem>> -> memref<1x40xf32, #tpu.memory_space<vmem>>
      %dma_start3A_1126 = tpu.memref_squeeze %dma_start3A_1125 : memref<1x40xf32, #tpu.memory_space<vmem>> -> memref<40xf32, #tpu.memory_space<vmem>>
      tpu.enqueue_dma source(%dma_start3A_1126 : memref<40xf32, #tpu.memory_space<vmem>>) target(%dma_start3A_1123 : memref<40xf32, #tpu.memory_space<vmem_shared>>) target_semaphore(%arg20 : memref<!tpu.dma_semaphore, #tpu.memory_space<semaphore_mem>>)
    } else {
    }
    %add3A_61 = arith.constant 80 : i32
    %add3A_62 = arith.addi %arg1, %add3A_61 : i32
    %lt3A_63 = arith.constant 250 : i32
    %lt3A_64 = arith.cmpi slt, %add3A_62, %lt3A_63 : i32
    %convert_element_type3A_65 = arith.extui %lt3A_64 : i1 to i32
    %cond3A_66 = arith.constant 0 : i32
    %cond3A_67 = arith.cmpi ne, %convert_element_type3A_65, %cond3A_66 : i32
    scf.if %cond3A_67 {
      %mul3A_1103 = arith.constant 40 : i32
      %mul3A_1104 = arith.muli %add3A_62, %mul3A_1103 : i32
      %dma_start3A_1105 = arith.constant 0 : i32
      %dma_start3A_1106 = arith.constant 0 : i32
      %dma_start3A_1107 = arith.constant 0 : i32
      %dma_start3A_1108 = tpu.memref_slice %arg12[%dma_start3A_1105, %dma_start3A_1106, %dma_start3A_1107] : memref<8x40x128xf32, #tpu.memory_space<vmem>> -> memref<1x40x128xf32, #tpu.memory_space<vmem>>
      %dma_start3A_1109 = tpu.memref_squeeze %dma_start3A_1108 : memref<1x40x128xf32, #tpu.memory_space<vmem>> -> memref<40x128xf32, #tpu.memory_space<vmem>>
      %dma_start3A_1110 = arith.constant 0 : i32
      %dma_start3A_1111 = tpu.memref_slice %arg15[%mul3A_1104, %dma_start3A_1110] : memref<10000x128xf32, #tpu.memory_space<vmem_shared>> -> memref<40x128xf32, #tpu.memory_space<vmem_shared>>
      %dma_start3A_1112 = arith.constant 0 : i32
      %dma_start3A_1113 = tpu.memref_slice %arg15[%mul3A_1104, %dma_start3A_1112] : memref<10000x128xf32, #tpu.memory_space<vmem_shared>> -> memref<40x128xf32, #tpu.memory_space<vmem_shared>>
      %dma_start3A_1114 = arith.constant 0 : i32
      %dma_start3A_1115 = arith.constant 0 : i32
      %dma_start3A_1116 = tpu.memref_slice %arg12[%dma_start3A_1105, %dma_start3A_1114, %dma_start3A_1115] : memref<8x40x128xf32, #tpu.memory_space<vmem>> -> memref<1x40x128xf32, #tpu.memory_space<vmem>>
      %dma_start3A_1117 = tpu.memref_squeeze %dma_start3A_1116 : memref<1x40x128xf32, #tpu.memory_space<vmem>> -> memref<40x128xf32, #tpu.memory_space<vmem>>
      tpu.enqueue_dma source(%dma_start3A_1117 : memref<40x128xf32, #tpu.memory_space<vmem>>) target(%dma_start3A_1113 : memref<40x128xf32, #tpu.memory_space<vmem_shared>>) target_semaphore(%arg20 : memref<!tpu.dma_semaphore, #tpu.memory_space<semaphore_mem>>)
      %dma_start3A_1118 = arith.constant 0 : i32
      %dma_start3A_1119 = arith.constant 0 : i32
      %dma_start3A_1120 = tpu.memref_slice %arg13[%dma_start3A_1118, %dma_start3A_1119] : memref<16x40xf32, #tpu.memory_space<vmem>> -> memref<1x40xf32, #tpu.memory_space<vmem>>
      %dma_start3A_1121 = tpu.memref_squeeze %dma_start3A_1120 : memref<1x40xf32, #tpu.memory_space<vmem>> -> memref<40xf32, #tpu.memory_space<vmem>>
      %dma_start3A_1122 = tpu.memref_slice %arg16[%mul3A_1104] : memref<10000xf32, #tpu.memory_space<vmem_shared>> -> memref<40xf32, #tpu.memory_space<vmem_shared>>
      %dma_start3A_1123 = tpu.memref_slice %arg16[%mul3A_1104] : memref<10000xf32, #tpu.memory_space<vmem_shared>> -> memref<40xf32, #tpu.memory_space<vmem_shared>>
      %dma_start3A_1124 = arith.constant 0 : i32
      %dma_start3A_1125 = tpu.memref_slice %arg13[%dma_start3A_1118, %dma_start3A_1124] : memref<16x40xf32, #tpu.memory_space<vmem>> -> memref<1x40xf32, #tpu.memory_space<vmem>>
      %dma_start3A_1126 = tpu.memref_squeeze %dma_start3A_1125 : memref<1x40xf32, #tpu.memory_space<vmem>> -> memref<40xf32, #tpu.memory_space<vmem>>
      tpu.enqueue_dma source(%dma_start3A_1126 : memref<40xf32, #tpu.memory_space<vmem>>) target(%dma_start3A_1123 : memref<40xf32, #tpu.memory_space<vmem_shared>>) target_semaphore(%arg20 : memref<!tpu.dma_semaphore, #tpu.memory_space<semaphore_mem>>)
    } else {
    }
    %add3A_68 = arith.constant 96 : i32
    %add3A_69 = arith.addi %arg1, %add3A_68 : i32
    %lt3A_70 = arith.constant 250 : i32
    %lt3A_71 = arith.cmpi slt, %add3A_69, %lt3A_70 : i32
    %convert_element_type3A_72 = arith.extui %lt3A_71 : i1 to i32
    %cond3A_73 = arith.constant 0 : i32
    %cond3A_74 = arith.cmpi ne, %convert_element_type3A_72, %cond3A_73 : i32
    scf.if %cond3A_74 {
      %mul3A_1103 = arith.constant 40 : i32
      %mul3A_1104 = arith.muli %add3A_69, %mul3A_1103 : i32
      %dma_start3A_1105 = arith.constant 0 : i32
      %dma_start3A_1106 = arith.constant 0 : i32
      %dma_start3A_1107 = arith.constant 0 : i32
      %dma_start3A_1108 = tpu.memref_slice %arg12[%dma_start3A_1105, %dma_start3A_1106, %dma_start3A_1107] : memref<8x40x128xf32, #tpu.memory_space<vmem>> -> memref<1x40x128xf32, #tpu.memory_space<vmem>>
      %dma_start3A_1109 = tpu.memref_squeeze %dma_start3A_1108 : memref<1x40x128xf32, #tpu.memory_space<vmem>> -> memref<40x128xf32, #tpu.memory_space<vmem>>
      %dma_start3A_1110 = arith.constant 0 : i32
      %dma_start3A_1111 = tpu.memref_slice %arg15[%mul3A_1104, %dma_start3A_1110] : memref<10000x128xf32, #tpu.memory_space<vmem_shared>> -> memref<40x128xf32, #tpu.memory_space<vmem_shared>>
      %dma_start3A_1112 = arith.constant 0 : i32
      %dma_start3A_1113 = tpu.memref_slice %arg15[%mul3A_1104, %dma_start3A_1112] : memref<10000x128xf32, #tpu.memory_space<vmem_shared>> -> memref<40x128xf32, #tpu.memory_space<vmem_shared>>
      %dma_start3A_1114 = arith.constant 0 : i32
      %dma_start3A_1115 = arith.constant 0 : i32
      %dma_start3A_1116 = tpu.memref_slice %arg12[%dma_start3A_1105, %dma_start3A_1114, %dma_start3A_1115] : memref<8x40x128xf32, #tpu.memory_space<vmem>> -> memref<1x40x128xf32, #tpu.memory_space<vmem>>
      %dma_start3A_1117 = tpu.memref_squeeze %dma_start3A_1116 : memref<1x40x128xf32, #tpu.memory_space<vmem>> -> memref<40x128xf32, #tpu.memory_space<vmem>>
      tpu.enqueue_dma source(%dma_start3A_1117 : memref<40x128xf32, #tpu.memory_space<vmem>>) target(%dma_start3A_1113 : memref<40x128xf32, #tpu.memory_space<vmem_shared>>) target_semaphore(%arg20 : memref<!tpu.dma_semaphore, #tpu.memory_space<semaphore_mem>>)
      %dma_start3A_1118 = arith.constant 0 : i32
      %dma_start3A_1119 = arith.constant 0 : i32
      %dma_start3A_1120 = tpu.memref_slice %arg13[%dma_start3A_1118, %dma_start3A_1119] : memref<16x40xf32, #tpu.memory_space<vmem>> -> memref<1x40xf32, #tpu.memory_space<vmem>>
      %dma_start3A_1121 = tpu.memref_squeeze %dma_start3A_1120 : memref<1x40xf32, #tpu.memory_space<vmem>> -> memref<40xf32, #tpu.memory_space<vmem>>
      %dma_start3A_1122 = tpu.memref_slice %arg16[%mul3A_1104] : memref<10000xf32, #tpu.memory_space<vmem_shared>> -> memref<40xf32, #tpu.memory_space<vmem_shared>>
      %dma_start3A_1123 = tpu.memref_slice %arg16[%mul3A_1104] : memref<10000xf32, #tpu.memory_space<vmem_shared>> -> memref<40xf32, #tpu.memory_space<vmem_shared>>
      %dma_start3A_1124 = arith.constant 0 : i32
      %dma_start3A_1125 = tpu.memref_slice %arg13[%dma_start3A_1118, %dma_start3A_1124] : memref<16x40xf32, #tpu.memory_space<vmem>> -> memref<1x40xf32, #tpu.memory_space<vmem>>
      %dma_start3A_1126 = tpu.memref_squeeze %dma_start3A_1125 : memref<1x40xf32, #tpu.memory_space<vmem>> -> memref<40xf32, #tpu.memory_space<vmem>>
      tpu.enqueue_dma source(%dma_start3A_1126 : memref<40xf32, #tpu.memory_space<vmem>>) target(%dma_start3A_1123 : memref<40xf32, #tpu.memory_space<vmem_shared>>) target_semaphore(%arg20 : memref<!tpu.dma_semaphore, #tpu.memory_space<semaphore_mem>>)
    } else {
    }
    %add3A_75 = arith.constant 112 : i32
    %add3A_76 = arith.addi %arg1, %add3A_75 : i32
    %lt3A_77 = arith.constant 250 : i32
    %lt3A_78 = arith.cmpi slt, %add3A_76, %lt3A_77 : i32
    %convert_element_type3A_79 = arith.extui %lt3A_78 : i1 to i32
    %cond3A_80 = arith.constant 0 : i32
    %cond3A_81 = arith.cmpi ne, %convert_element_type3A_79, %cond3A_80 : i32
    scf.if %cond3A_81 {
      %mul3A_1103 = arith.constant 40 : i32
      %mul3A_1104 = arith.muli %add3A_76, %mul3A_1103 : i32
      %dma_start3A_1105 = arith.constant 0 : i32
      %dma_start3A_1106 = arith.constant 0 : i32
      %dma_start3A_1107 = arith.constant 0 : i32
      %dma_start3A_1108 = tpu.memref_slice %arg12[%dma_start3A_1105, %dma_start3A_1106, %dma_start3A_1107] : memref<8x40x128xf32, #tpu.memory_space<vmem>> -> memref<1x40x128xf32, #tpu.memory_space<vmem>>
      %dma_start3A_1109 = tpu.memref_squeeze %dma_start3A_1108 : memref<1x40x128xf32, #tpu.memory_space<vmem>> -> memref<40x128xf32, #tpu.memory_space<vmem>>
      %dma_start3A_1110 = arith.constant 0 : i32
      %dma_start3A_1111 = tpu.memref_slice %arg15[%mul3A_1104, %dma_start3A_1110] : memref<10000x128xf32, #tpu.memory_space<vmem_shared>> -> memref<40x128xf32, #tpu.memory_space<vmem_shared>>
      %dma_start3A_1112 = arith.constant 0 : i32
      %dma_start3A_1113 = tpu.memref_slice %arg15[%mul3A_1104, %dma_start3A_1112] : memref<10000x128xf32, #tpu.memory_space<vmem_shared>> -> memref<40x128xf32, #tpu.memory_space<vmem_shared>>
      %dma_start3A_1114 = arith.constant 0 : i32
      %dma_start3A_1115 = arith.constant 0 : i32
      %dma_start3A_1116 = tpu.memref_slice %arg12[%dma_start3A_1105, %dma_start3A_1114, %dma_start3A_1115] : memref<8x40x128xf32, #tpu.memory_space<vmem>> -> memref<1x40x128xf32, #tpu.memory_space<vmem>>
      %dma_start3A_1117 = tpu.memref_squeeze %dma_start3A_1116 : memref<1x40x128xf32, #tpu.memory_space<vmem>> -> memref<40x128xf32, #tpu.memory_space<vmem>>
      tpu.enqueue_dma source(%dma_start3A_1117 : memref<40x128xf32, #tpu.memory_space<vmem>>) target(%dma_start3A_1113 : memref<40x128xf32, #tpu.memory_space<vmem_shared>>) target_semaphore(%arg20 : memref<!tpu.dma_semaphore, #tpu.memory_space<semaphore_mem>>)
      %dma_start3A_1118 = arith.constant 0 : i32
      %dma_start3A_1119 = arith.constant 0 : i32
      %dma_start3A_1120 = tpu.memref_slice %arg13[%dma_start3A_1118, %dma_start3A_1119] : memref<16x40xf32, #tpu.memory_space<vmem>> -> memref<1x40xf32, #tpu.memory_space<vmem>>
      %dma_start3A_1121 = tpu.memref_squeeze %dma_start3A_1120 : memref<1x40xf32, #tpu.memory_space<vmem>> -> memref<40xf32, #tpu.memory_space<vmem>>
      %dma_start3A_1122 = tpu.memref_slice %arg16[%mul3A_1104] : memref<10000xf32, #tpu.memory_space<vmem_shared>> -> memref<40xf32, #tpu.memory_space<vmem_shared>>
      %dma_start3A_1123 = tpu.memref_slice %arg16[%mul3A_1104] : memref<10000xf32, #tpu.memory_space<vmem_shared>> -> memref<40xf32, #tpu.memory_space<vmem_shared>>
      %dma_start3A_1124 = arith.constant 0 : i32
      %dma_start3A_1125 = tpu.memref_slice %arg13[%dma_start3A_1118, %dma_start3A_1124] : memref<16x40xf32, #tpu.memory_space<vmem>> -> memref<1x40xf32, #tpu.memory_space<vmem>>
      %dma_start3A_1126 = tpu.memref_squeeze %dma_start3A_1125 : memref<1x40xf32, #tpu.memory_space<vmem>> -> memref<40xf32, #tpu.memory_space<vmem>>
      tpu.enqueue_dma source(%dma_start3A_1126 : memref<40xf32, #tpu.memory_space<vmem>>) target(%dma_start3A_1123 : memref<40xf32, #tpu.memory_space<vmem_shared>>) target_semaphore(%arg20 : memref<!tpu.dma_semaphore, #tpu.memory_space<semaphore_mem>>)
    } else {
    }
    %add3A_82 = arith.constant 128 : i32
    %add3A_83 = arith.addi %arg1, %add3A_82 : i32
    %lt3A_84 = arith.constant 250 : i32
    %lt3A_85 = arith.cmpi slt, %add3A_83, %lt3A_84 : i32
    %convert_element_type3A_86 = arith.extui %lt3A_85 : i1 to i32
    %cond3A_87 = arith.constant 0 : i32
    %cond3A_88 = arith.cmpi ne, %convert_element_type3A_86, %cond3A_87 : i32
    scf.if %cond3A_88 {
      %mul3A_1103 = arith.constant 40 : i32
      %mul3A_1104 = arith.muli %add3A_83, %mul3A_1103 : i32
      %dma_start3A_1105 = arith.constant 0 : i32
      %dma_start3A_1106 = arith.constant 0 : i32
      %dma_start3A_1107 = arith.constant 0 : i32
      %dma_start3A_1108 = tpu.memref_slice %arg12[%dma_start3A_1105, %dma_start3A_1106, %dma_start3A_1107] : memref<8x40x128xf32, #tpu.memory_space<vmem>> -> memref<1x40x128xf32, #tpu.memory_space<vmem>>
      %dma_start3A_1109 = tpu.memref_squeeze %dma_start3A_1108 : memref<1x40x128xf32, #tpu.memory_space<vmem>> -> memref<40x128xf32, #tpu.memory_space<vmem>>
      %dma_start3A_1110 = arith.constant 0 : i32
      %dma_start3A_1111 = tpu.memref_slice %arg15[%mul3A_1104, %dma_start3A_1110] : memref<10000x128xf32, #tpu.memory_space<vmem_shared>> -> memref<40x128xf32, #tpu.memory_space<vmem_shared>>
      %dma_start3A_1112 = arith.constant 0 : i32
      %dma_start3A_1113 = tpu.memref_slice %arg15[%mul3A_1104, %dma_start3A_1112] : memref<10000x128xf32, #tpu.memory_space<vmem_shared>> -> memref<40x128xf32, #tpu.memory_space<vmem_shared>>
      %dma_start3A_1114 = arith.constant 0 : i32
      %dma_start3A_1115 = arith.constant 0 : i32
      %dma_start3A_1116 = tpu.memref_slice %arg12[%dma_start3A_1105, %dma_start3A_1114, %dma_start3A_1115] : memref<8x40x128xf32, #tpu.memory_space<vmem>> -> memref<1x40x128xf32, #tpu.memory_space<vmem>>
      %dma_start3A_1117 = tpu.memref_squeeze %dma_start3A_1116 : memref<1x40x128xf32, #tpu.memory_space<vmem>> -> memref<40x128xf32, #tpu.memory_space<vmem>>
      tpu.enqueue_dma source(%dma_start3A_1117 : memref<40x128xf32, #tpu.memory_space<vmem>>) target(%dma_start3A_1113 : memref<40x128xf32, #tpu.memory_space<vmem_shared>>) target_semaphore(%arg20 : memref<!tpu.dma_semaphore, #tpu.memory_space<semaphore_mem>>)
      %dma_start3A_1118 = arith.constant 0 : i32
      %dma_start3A_1119 = arith.constant 0 : i32
      %dma_start3A_1120 = tpu.memref_slice %arg13[%dma_start3A_1118, %dma_start3A_1119] : memref<16x40xf32, #tpu.memory_space<vmem>> -> memref<1x40xf32, #tpu.memory_space<vmem>>
      %dma_start3A_1121 = tpu.memref_squeeze %dma_start3A_1120 : memref<1x40xf32, #tpu.memory_space<vmem>> -> memref<40xf32, #tpu.memory_space<vmem>>
      %dma_start3A_1122 = tpu.memref_slice %arg16[%mul3A_1104] : memref<10000xf32, #tpu.memory_space<vmem_shared>> -> memref<40xf32, #tpu.memory_space<vmem_shared>>
      %dma_start3A_1123 = tpu.memref_slice %arg16[%mul3A_1104] : memref<10000xf32, #tpu.memory_space<vmem_shared>> -> memref<40xf32, #tpu.memory_space<vmem_shared>>
      %dma_start3A_1124 = arith.constant 0 : i32
      %dma_start3A_1125 = tpu.memref_slice %arg13[%dma_start3A_1118, %dma_start3A_1124] : memref<16x40xf32, #tpu.memory_space<vmem>> -> memref<1x40xf32, #tpu.memory_space<vmem>>
      %dma_start3A_1126 = tpu.memref_squeeze %dma_start3A_1125 : memref<1x40xf32, #tpu.memory_space<vmem>> -> memref<40xf32, #tpu.memory_space<vmem>>
      tpu.enqueue_dma source(%dma_start3A_1126 : memref<40xf32, #tpu.memory_space<vmem>>) target(%dma_start3A_1123 : memref<40xf32, #tpu.memory_space<vmem_shared>>) target_semaphore(%arg20 : memref<!tpu.dma_semaphore, #tpu.memory_space<semaphore_mem>>)
    } else {
    }
    %add3A_89 = arith.constant 144 : i32
    %add3A_90 = arith.addi %arg1, %add3A_89 : i32
    %lt3A_91 = arith.constant 250 : i32
    %lt3A_92 = arith.cmpi slt, %add3A_90, %lt3A_91 : i32
    %convert_element_type3A_93 = arith.extui %lt3A_92 : i1 to i32
    %cond3A_94 = arith.constant 0 : i32
    %cond3A_95 = arith.cmpi ne, %convert_element_type3A_93, %cond3A_94 : i32
    scf.if %cond3A_95 {
      %mul3A_1103 = arith.constant 40 : i32
      %mul3A_1104 = arith.muli %add3A_90, %mul3A_1103 : i32
      %dma_start3A_1105 = arith.constant 0 : i32
      %dma_start3A_1106 = arith.constant 0 : i32
      %dma_start3A_1107 = arith.constant 0 : i32
      %dma_start3A_1108 = tpu.memref_slice %arg12[%dma_start3A_1105, %dma_start3A_1106, %dma_start3A_1107] : memref<8x40x128xf32, #tpu.memory_space<vmem>> -> memref<1x40x128xf32, #tpu.memory_space<vmem>>
      %dma_start3A_1109 = tpu.memref_squeeze %dma_start3A_1108 : memref<1x40x128xf32, #tpu.memory_space<vmem>> -> memref<40x128xf32, #tpu.memory_space<vmem>>
      %dma_start3A_1110 = arith.constant 0 : i32
      %dma_start3A_1111 = tpu.memref_slice %arg15[%mul3A_1104, %dma_start3A_1110] : memref<10000x128xf32, #tpu.memory_space<vmem_shared>> -> memref<40x128xf32, #tpu.memory_space<vmem_shared>>
      %dma_start3A_1112 = arith.constant 0 : i32
      %dma_start3A_1113 = tpu.memref_slice %arg15[%mul3A_1104, %dma_start3A_1112] : memref<10000x128xf32, #tpu.memory_space<vmem_shared>> -> memref<40x128xf32, #tpu.memory_space<vmem_shared>>
      %dma_start3A_1114 = arith.constant 0 : i32
      %dma_start3A_1115 = arith.constant 0 : i32
      %dma_start3A_1116 = tpu.memref_slice %arg12[%dma_start3A_1105, %dma_start3A_1114, %dma_start3A_1115] : memref<8x40x128xf32, #tpu.memory_space<vmem>> -> memref<1x40x128xf32, #tpu.memory_space<vmem>>
      %dma_start3A_1117 = tpu.memref_squeeze %dma_start3A_1116 : memref<1x40x128xf32, #tpu.memory_space<vmem>> -> memref<40x128xf32, #tpu.memory_space<vmem>>
      tpu.enqueue_dma source(%dma_start3A_1117 : memref<40x128xf32, #tpu.memory_space<vmem>>) target(%dma_start3A_1113 : memref<40x128xf32, #tpu.memory_space<vmem_shared>>) target_semaphore(%arg20 : memref<!tpu.dma_semaphore, #tpu.memory_space<semaphore_mem>>)
      %dma_start3A_1118 = arith.constant 0 : i32
      %dma_start3A_1119 = arith.constant 0 : i32
      %dma_start3A_1120 = tpu.memref_slice %arg13[%dma_start3A_1118, %dma_start3A_1119] : memref<16x40xf32, #tpu.memory_space<vmem>> -> memref<1x40xf32, #tpu.memory_space<vmem>>
      %dma_start3A_1121 = tpu.memref_squeeze %dma_start3A_1120 : memref<1x40xf32, #tpu.memory_space<vmem>> -> memref<40xf32, #tpu.memory_space<vmem>>
      %dma_start3A_1122 = tpu.memref_slice %arg16[%mul3A_1104] : memref<10000xf32, #tpu.memory_space<vmem_shared>> -> memref<40xf32, #tpu.memory_space<vmem_shared>>
      %dma_start3A_1123 = tpu.memref_slice %arg16[%mul3A_1104] : memref<10000xf32, #tpu.memory_space<vmem_shared>> -> memref<40xf32, #tpu.memory_space<vmem_shared>>
      %dma_start3A_1124 = arith.constant 0 : i32
      %dma_start3A_1125 = tpu.memref_slice %arg13[%dma_start3A_1118, %dma_start3A_1124] : memref<16x40xf32, #tpu.memory_space<vmem>> -> memref<1x40xf32, #tpu.memory_space<vmem>>
      %dma_start3A_1126 = tpu.memref_squeeze %dma_start3A_1125 : memref<1x40xf32, #tpu.memory_space<vmem>> -> memref<40xf32, #tpu.memory_space<vmem>>
      tpu.enqueue_dma source(%dma_start3A_1126 : memref<40xf32, #tpu.memory_space<vmem>>) target(%dma_start3A_1123 : memref<40xf32, #tpu.memory_space<vmem_shared>>) target_semaphore(%arg20 : memref<!tpu.dma_semaphore, #tpu.memory_space<semaphore_mem>>)
    } else {
    }
    %add3A_96 = arith.constant 160 : i32
    %add3A_97 = arith.addi %arg1, %add3A_96 : i32
    %lt3A_98 = arith.constant 250 : i32
    %lt3A_99 = arith.cmpi slt, %add3A_97, %lt3A_98 : i32
    %convert_element_type3A_100 = arith.extui %lt3A_99 : i1 to i32
    %cond3A_101 = arith.constant 0 : i32
    %cond3A_102 = arith.cmpi ne, %convert_element_type3A_100, %cond3A_101 : i32
    scf.if %cond3A_102 {
      %mul3A_1103 = arith.constant 40 : i32
      %mul3A_1104 = arith.muli %add3A_97, %mul3A_1103 : i32
      %dma_start3A_1105 = arith.constant 0 : i32
      %dma_start3A_1106 = arith.constant 0 : i32
      %dma_start3A_1107 = arith.constant 0 : i32
      %dma_start3A_1108 = tpu.memref_slice %arg12[%dma_start3A_1105, %dma_start3A_1106, %dma_start3A_1107] : memref<8x40x128xf32, #tpu.memory_space<vmem>> -> memref<1x40x128xf32, #tpu.memory_space<vmem>>
      %dma_start3A_1109 = tpu.memref_squeeze %dma_start3A_1108 : memref<1x40x128xf32, #tpu.memory_space<vmem>> -> memref<40x128xf32, #tpu.memory_space<vmem>>
      %dma_start3A_1110 = arith.constant 0 : i32
      %dma_start3A_1111 = tpu.memref_slice %arg15[%mul3A_1104, %dma_start3A_1110] : memref<10000x128xf32, #tpu.memory_space<vmem_shared>> -> memref<40x128xf32, #tpu.memory_space<vmem_shared>>
      %dma_start3A_1112 = arith.constant 0 : i32
      %dma_start3A_1113 = tpu.memref_slice %arg15[%mul3A_1104, %dma_start3A_1112] : memref<10000x128xf32, #tpu.memory_space<vmem_shared>> -> memref<40x128xf32, #tpu.memory_space<vmem_shared>>
      %dma_start3A_1114 = arith.constant 0 : i32
      %dma_start3A_1115 = arith.constant 0 : i32
      %dma_start3A_1116 = tpu.memref_slice %arg12[%dma_start3A_1105, %dma_start3A_1114, %dma_start3A_1115] : memref<8x40x128xf32, #tpu.memory_space<vmem>> -> memref<1x40x128xf32, #tpu.memory_space<vmem>>
      %dma_start3A_1117 = tpu.memref_squeeze %dma_start3A_1116 : memref<1x40x128xf32, #tpu.memory_space<vmem>> -> memref<40x128xf32, #tpu.memory_space<vmem>>
      tpu.enqueue_dma source(%dma_start3A_1117 : memref<40x128xf32, #tpu.memory_space<vmem>>) target(%dma_start3A_1113 : memref<40x128xf32, #tpu.memory_space<vmem_shared>>) target_semaphore(%arg20 : memref<!tpu.dma_semaphore, #tpu.memory_space<semaphore_mem>>)
      %dma_start3A_1118 = arith.constant 0 : i32
      %dma_start3A_1119 = arith.constant 0 : i32
      %dma_start3A_1120 = tpu.memref_slice %arg13[%dma_start3A_1118, %dma_start3A_1119] : memref<16x40xf32, #tpu.memory_space<vmem>> -> memref<1x40xf32, #tpu.memory_space<vmem>>
      %dma_start3A_1121 = tpu.memref_squeeze %dma_start3A_1120 : memref<1x40xf32, #tpu.memory_space<vmem>> -> memref<40xf32, #tpu.memory_space<vmem>>
      %dma_start3A_1122 = tpu.memref_slice %arg16[%mul3A_1104] : memref<10000xf32, #tpu.memory_space<vmem_shared>> -> memref<40xf32, #tpu.memory_space<vmem_shared>>
      %dma_start3A_1123 = tpu.memref_slice %arg16[%mul3A_1104] : memref<10000xf32, #tpu.memory_space<vmem_shared>> -> memref<40xf32, #tpu.memory_space<vmem_shared>>
      %dma_start3A_1124 = arith.constant 0 : i32
      %dma_start3A_1125 = tpu.memref_slice %arg13[%dma_start3A_1118, %dma_start3A_1124] : memref<16x40xf32, #tpu.memory_space<vmem>> -> memref<1x40xf32, #tpu.memory_space<vmem>>
      %dma_start3A_1126 = tpu.memref_squeeze %dma_start3A_1125 : memref<1x40xf32, #tpu.memory_space<vmem>> -> memref<40xf32, #tpu.memory_space<vmem>>
      tpu.enqueue_dma source(%dma_start3A_1126 : memref<40xf32, #tpu.memory_space<vmem>>) target(%dma_start3A_1123 : memref<40xf32, #tpu.memory_space<vmem_shared>>) target_semaphore(%arg20 : memref<!tpu.dma_semaphore, #tpu.memory_space<semaphore_mem>>)
    } else {
    }
    %add3A_103 = arith.constant 176 : i32
    %add3A_104 = arith.addi %arg1, %add3A_103 : i32
    %lt3A_105 = arith.constant 250 : i32
    %lt3A_106 = arith.cmpi slt, %add3A_104, %lt3A_105 : i32
    %convert_element_type3A_107 = arith.extui %lt3A_106 : i1 to i32
    %cond3A_108 = arith.constant 0 : i32
    %cond3A_109 = arith.cmpi ne, %convert_element_type3A_107, %cond3A_108 : i32
    scf.if %cond3A_109 {
      %mul3A_1103 = arith.constant 40 : i32
      %mul3A_1104 = arith.muli %add3A_104, %mul3A_1103 : i32
      %dma_start3A_1105 = arith.constant 0 : i32
      %dma_start3A_1106 = arith.constant 0 : i32
      %dma_start3A_1107 = arith.constant 0 : i32
      %dma_start3A_1108 = tpu.memref_slice %arg12[%dma_start3A_1105, %dma_start3A_1106, %dma_start3A_1107] : memref<8x40x128xf32, #tpu.memory_space<vmem>> -> memref<1x40x128xf32, #tpu.memory_space<vmem>>
      %dma_start3A_1109 = tpu.memref_squeeze %dma_start3A_1108 : memref<1x40x128xf32, #tpu.memory_space<vmem>> -> memref<40x128xf32, #tpu.memory_space<vmem>>
      %dma_start3A_1110 = arith.constant 0 : i32
      %dma_start3A_1111 = tpu.memref_slice %arg15[%mul3A_1104, %dma_start3A_1110] : memref<10000x128xf32, #tpu.memory_space<vmem_shared>> -> memref<40x128xf32, #tpu.memory_space<vmem_shared>>
      %dma_start3A_1112 = arith.constant 0 : i32
      %dma_start3A_1113 = tpu.memref_slice %arg15[%mul3A_1104, %dma_start3A_1112] : memref<10000x128xf32, #tpu.memory_space<vmem_shared>> -> memref<40x128xf32, #tpu.memory_space<vmem_shared>>
      %dma_start3A_1114 = arith.constant 0 : i32
      %dma_start3A_1115 = arith.constant 0 : i32
      %dma_start3A_1116 = tpu.memref_slice %arg12[%dma_start3A_1105, %dma_start3A_1114, %dma_start3A_1115] : memref<8x40x128xf32, #tpu.memory_space<vmem>> -> memref<1x40x128xf32, #tpu.memory_space<vmem>>
      %dma_start3A_1117 = tpu.memref_squeeze %dma_start3A_1116 : memref<1x40x128xf32, #tpu.memory_space<vmem>> -> memref<40x128xf32, #tpu.memory_space<vmem>>
      tpu.enqueue_dma source(%dma_start3A_1117 : memref<40x128xf32, #tpu.memory_space<vmem>>) target(%dma_start3A_1113 : memref<40x128xf32, #tpu.memory_space<vmem_shared>>) target_semaphore(%arg20 : memref<!tpu.dma_semaphore, #tpu.memory_space<semaphore_mem>>)
      %dma_start3A_1118 = arith.constant 0 : i32
      %dma_start3A_1119 = arith.constant 0 : i32
      %dma_start3A_1120 = tpu.memref_slice %arg13[%dma_start3A_1118, %dma_start3A_1119] : memref<16x40xf32, #tpu.memory_space<vmem>> -> memref<1x40xf32, #tpu.memory_space<vmem>>
      %dma_start3A_1121 = tpu.memref_squeeze %dma_start3A_1120 : memref<1x40xf32, #tpu.memory_space<vmem>> -> memref<40xf32, #tpu.memory_space<vmem>>
      %dma_start3A_1122 = tpu.memref_slice %arg16[%mul3A_1104] : memref<10000xf32, #tpu.memory_space<vmem_shared>> -> memref<40xf32, #tpu.memory_space<vmem_shared>>
      %dma_start3A_1123 = tpu.memref_slice %arg16[%mul3A_1104] : memref<10000xf32, #tpu.memory_space<vmem_shared>> -> memref<40xf32, #tpu.memory_space<vmem_shared>>
      %dma_start3A_1124 = arith.constant 0 : i32
      %dma_start3A_1125 = tpu.memref_slice %arg13[%dma_start3A_1118, %dma_start3A_1124] : memref<16x40xf32, #tpu.memory_space<vmem>> -> memref<1x40xf32, #tpu.memory_space<vmem>>
      %dma_start3A_1126 = tpu.memref_squeeze %dma_start3A_1125 : memref<1x40xf32, #tpu.memory_space<vmem>> -> memref<40xf32, #tpu.memory_space<vmem>>
      tpu.enqueue_dma source(%dma_start3A_1126 : memref<40xf32, #tpu.memory_space<vmem>>) target(%dma_start3A_1123 : memref<40xf32, #tpu.memory_space<vmem_shared>>) target_semaphore(%arg20 : memref<!tpu.dma_semaphore, #tpu.memory_space<semaphore_mem>>)
    } else {
    }
    %add3A_110 = arith.constant 192 : i32
    %add3A_111 = arith.addi %arg1, %add3A_110 : i32
    %lt3A_112 = arith.constant 250 : i32
    %lt3A_113 = arith.cmpi slt, %add3A_111, %lt3A_112 : i32
    %convert_element_type3A_114 = arith.extui %lt3A_113 : i1 to i32
    %cond3A_115 = arith.constant 0 : i32
    %cond3A_116 = arith.cmpi ne, %convert_element_type3A_114, %cond3A_115 : i32
    scf.if %cond3A_116 {
      %mul3A_1103 = arith.constant 40 : i32
      %mul3A_1104 = arith.muli %add3A_111, %mul3A_1103 : i32
      %dma_start3A_1105 = arith.constant 0 : i32
      %dma_start3A_1106 = arith.constant 0 : i32
      %dma_start3A_1107 = arith.constant 0 : i32
      %dma_start3A_1108 = tpu.memref_slice %arg12[%dma_start3A_1105, %dma_start3A_1106, %dma_start3A_1107] : memref<8x40x128xf32, #tpu.memory_space<vmem>> -> memref<1x40x128xf32, #tpu.memory_space<vmem>>
      %dma_start3A_1109 = tpu.memref_squeeze %dma_start3A_1108 : memref<1x40x128xf32, #tpu.memory_space<vmem>> -> memref<40x128xf32, #tpu.memory_space<vmem>>
      %dma_start3A_1110 = arith.constant 0 : i32
      %dma_start3A_1111 = tpu.memref_slice %arg15[%mul3A_1104, %dma_start3A_1110] : memref<10000x128xf32, #tpu.memory_space<vmem_shared>> -> memref<40x128xf32, #tpu.memory_space<vmem_shared>>
      %dma_start3A_1112 = arith.constant 0 : i32
      %dma_start3A_1113 = tpu.memref_slice %arg15[%mul3A_1104, %dma_start3A_1112] : memref<10000x128xf32, #tpu.memory_space<vmem_shared>> -> memref<40x128xf32, #tpu.memory_space<vmem_shared>>
      %dma_start3A_1114 = arith.constant 0 : i32
      %dma_start3A_1115 = arith.constant 0 : i32
      %dma_start3A_1116 = tpu.memref_slice %arg12[%dma_start3A_1105, %dma_start3A_1114, %dma_start3A_1115] : memref<8x40x128xf32, #tpu.memory_space<vmem>> -> memref<1x40x128xf32, #tpu.memory_space<vmem>>
      %dma_start3A_1117 = tpu.memref_squeeze %dma_start3A_1116 : memref<1x40x128xf32, #tpu.memory_space<vmem>> -> memref<40x128xf32, #tpu.memory_space<vmem>>
      tpu.enqueue_dma source(%dma_start3A_1117 : memref<40x128xf32, #tpu.memory_space<vmem>>) target(%dma_start3A_1113 : memref<40x128xf32, #tpu.memory_space<vmem_shared>>) target_semaphore(%arg20 : memref<!tpu.dma_semaphore, #tpu.memory_space<semaphore_mem>>)
      %dma_start3A_1118 = arith.constant 0 : i32
      %dma_start3A_1119 = arith.constant 0 : i32
      %dma_start3A_1120 = tpu.memref_slice %arg13[%dma_start3A_1118, %dma_start3A_1119] : memref<16x40xf32, #tpu.memory_space<vmem>> -> memref<1x40xf32, #tpu.memory_space<vmem>>
      %dma_start3A_1121 = tpu.memref_squeeze %dma_start3A_1120 : memref<1x40xf32, #tpu.memory_space<vmem>> -> memref<40xf32, #tpu.memory_space<vmem>>
      %dma_start3A_1122 = tpu.memref_slice %arg16[%mul3A_1104] : memref<10000xf32, #tpu.memory_space<vmem_shared>> -> memref<40xf32, #tpu.memory_space<vmem_shared>>
      %dma_start3A_1123 = tpu.memref_slice %arg16[%mul3A_1104] : memref<10000xf32, #tpu.memory_space<vmem_shared>> -> memref<40xf32, #tpu.memory_space<vmem_shared>>
      %dma_start3A_1124 = arith.constant 0 : i32
      %dma_start3A_1125 = tpu.memref_slice %arg13[%dma_start3A_1118, %dma_start3A_1124] : memref<16x40xf32, #tpu.memory_space<vmem>> -> memref<1x40xf32, #tpu.memory_space<vmem>>
      %dma_start3A_1126 = tpu.memref_squeeze %dma_start3A_1125 : memref<1x40xf32, #tpu.memory_space<vmem>> -> memref<40xf32, #tpu.memory_space<vmem>>
      tpu.enqueue_dma source(%dma_start3A_1126 : memref<40xf32, #tpu.memory_space<vmem>>) target(%dma_start3A_1123 : memref<40xf32, #tpu.memory_space<vmem_shared>>) target_semaphore(%arg20 : memref<!tpu.dma_semaphore, #tpu.memory_space<semaphore_mem>>)
    } else {
    }
    %add3A_117 = arith.constant 208 : i32
    %add3A_118 = arith.addi %arg1, %add3A_117 : i32
    %lt3A_119 = arith.constant 250 : i32
    %lt3A_120 = arith.cmpi slt, %add3A_118, %lt3A_119 : i32
    %convert_element_type3A_121 = arith.extui %lt3A_120 : i1 to i32
    %cond3A_122 = arith.constant 0 : i32
    %cond3A_123 = arith.cmpi ne, %convert_element_type3A_121, %cond3A_122 : i32
    scf.if %cond3A_123 {
      %mul3A_1103 = arith.constant 40 : i32
      %mul3A_1104 = arith.muli %add3A_118, %mul3A_1103 : i32
      %dma_start3A_1105 = arith.constant 0 : i32
      %dma_start3A_1106 = arith.constant 0 : i32
      %dma_start3A_1107 = arith.constant 0 : i32
      %dma_start3A_1108 = tpu.memref_slice %arg12[%dma_start3A_1105, %dma_start3A_1106, %dma_start3A_1107] : memref<8x40x128xf32, #tpu.memory_space<vmem>> -> memref<1x40x128xf32, #tpu.memory_space<vmem>>
      %dma_start3A_1109 = tpu.memref_squeeze %dma_start3A_1108 : memref<1x40x128xf32, #tpu.memory_space<vmem>> -> memref<40x128xf32, #tpu.memory_space<vmem>>
      %dma_start3A_1110 = arith.constant 0 : i32
      %dma_start3A_1111 = tpu.memref_slice %arg15[%mul3A_1104, %dma_start3A_1110] : memref<10000x128xf32, #tpu.memory_space<vmem_shared>> -> memref<40x128xf32, #tpu.memory_space<vmem_shared>>
      %dma_start3A_1112 = arith.constant 0 : i32
      %dma_start3A_1113 = tpu.memref_slice %arg15[%mul3A_1104, %dma_start3A_1112] : memref<10000x128xf32, #tpu.memory_space<vmem_shared>> -> memref<40x128xf32, #tpu.memory_space<vmem_shared>>
      %dma_start3A_1114 = arith.constant 0 : i32
      %dma_start3A_1115 = arith.constant 0 : i32
      %dma_start3A_1116 = tpu.memref_slice %arg12[%dma_start3A_1105, %dma_start3A_1114, %dma_start3A_1115] : memref<8x40x128xf32, #tpu.memory_space<vmem>> -> memref<1x40x128xf32, #tpu.memory_space<vmem>>
      %dma_start3A_1117 = tpu.memref_squeeze %dma_start3A_1116 : memref<1x40x128xf32, #tpu.memory_space<vmem>> -> memref<40x128xf32, #tpu.memory_space<vmem>>
      tpu.enqueue_dma source(%dma_start3A_1117 : memref<40x128xf32, #tpu.memory_space<vmem>>) target(%dma_start3A_1113 : memref<40x128xf32, #tpu.memory_space<vmem_shared>>) target_semaphore(%arg20 : memref<!tpu.dma_semaphore, #tpu.memory_space<semaphore_mem>>)
      %dma_start3A_1118 = arith.constant 0 : i32
      %dma_start3A_1119 = arith.constant 0 : i32
      %dma_start3A_1120 = tpu.memref_slice %arg13[%dma_start3A_1118, %dma_start3A_1119] : memref<16x40xf32, #tpu.memory_space<vmem>> -> memref<1x40xf32, #tpu.memory_space<vmem>>
      %dma_start3A_1121 = tpu.memref_squeeze %dma_start3A_1120 : memref<1x40xf32, #tpu.memory_space<vmem>> -> memref<40xf32, #tpu.memory_space<vmem>>
      %dma_start3A_1122 = tpu.memref_slice %arg16[%mul3A_1104] : memref<10000xf32, #tpu.memory_space<vmem_shared>> -> memref<40xf32, #tpu.memory_space<vmem_shared>>
      %dma_start3A_1123 = tpu.memref_slice %arg16[%mul3A_1104] : memref<10000xf32, #tpu.memory_space<vmem_shared>> -> memref<40xf32, #tpu.memory_space<vmem_shared>>
      %dma_start3A_1124 = arith.constant 0 : i32
      %dma_start3A_1125 = tpu.memref_slice %arg13[%dma_start3A_1118, %dma_start3A_1124] : memref<16x40xf32, #tpu.memory_space<vmem>> -> memref<1x40xf32, #tpu.memory_space<vmem>>
      %dma_start3A_1126 = tpu.memref_squeeze %dma_start3A_1125 : memref<1x40xf32, #tpu.memory_space<vmem>> -> memref<40xf32, #tpu.memory_space<vmem>>
      tpu.enqueue_dma source(%dma_start3A_1126 : memref<40xf32, #tpu.memory_space<vmem>>) target(%dma_start3A_1123 : memref<40xf32, #tpu.memory_space<vmem_shared>>) target_semaphore(%arg20 : memref<!tpu.dma_semaphore, #tpu.memory_space<semaphore_mem>>)
    } else {
    }
    %add3A_124 = arith.constant 224 : i32
    %add3A_125 = arith.addi %arg1, %add3A_124 : i32
    %lt3A_126 = arith.constant 250 : i32
    %lt3A_127 = arith.cmpi slt, %add3A_125, %lt3A_126 : i32
    %convert_element_type3A_128 = arith.extui %lt3A_127 : i1 to i32
    %cond3A_129 = arith.constant 0 : i32
    %cond3A_130 = arith.cmpi ne, %convert_element_type3A_128, %cond3A_129 : i32
    scf.if %cond3A_130 {
      %mul3A_1103 = arith.constant 40 : i32
      %mul3A_1104 = arith.muli %add3A_125, %mul3A_1103 : i32
      %dma_start3A_1105 = arith.constant 0 : i32
      %dma_start3A_1106 = arith.constant 0 : i32
      %dma_start3A_1107 = arith.constant 0 : i32
      %dma_start3A_1108 = tpu.memref_slice %arg12[%dma_start3A_1105, %dma_start3A_1106, %dma_start3A_1107] : memref<8x40x128xf32, #tpu.memory_space<vmem>> -> memref<1x40x128xf32, #tpu.memory_space<vmem>>
      %dma_start3A_1109 = tpu.memref_squeeze %dma_start3A_1108 : memref<1x40x128xf32, #tpu.memory_space<vmem>> -> memref<40x128xf32, #tpu.memory_space<vmem>>
      %dma_start3A_1110 = arith.constant 0 : i32
      %dma_start3A_1111 = tpu.memref_slice %arg15[%mul3A_1104, %dma_start3A_1110] : memref<10000x128xf32, #tpu.memory_space<vmem_shared>> -> memref<40x128xf32, #tpu.memory_space<vmem_shared>>
      %dma_start3A_1112 = arith.constant 0 : i32
      %dma_start3A_1113 = tpu.memref_slice %arg15[%mul3A_1104, %dma_start3A_1112] : memref<10000x128xf32, #tpu.memory_space<vmem_shared>> -> memref<40x128xf32, #tpu.memory_space<vmem_shared>>
      %dma_start3A_1114 = arith.constant 0 : i32
      %dma_start3A_1115 = arith.constant 0 : i32
      %dma_start3A_1116 = tpu.memref_slice %arg12[%dma_start3A_1105, %dma_start3A_1114, %dma_start3A_1115] : memref<8x40x128xf32, #tpu.memory_space<vmem>> -> memref<1x40x128xf32, #tpu.memory_space<vmem>>
      %dma_start3A_1117 = tpu.memref_squeeze %dma_start3A_1116 : memref<1x40x128xf32, #tpu.memory_space<vmem>> -> memref<40x128xf32, #tpu.memory_space<vmem>>
      tpu.enqueue_dma source(%dma_start3A_1117 : memref<40x128xf32, #tpu.memory_space<vmem>>) target(%dma_start3A_1113 : memref<40x128xf32, #tpu.memory_space<vmem_shared>>) target_semaphore(%arg20 : memref<!tpu.dma_semaphore, #tpu.memory_space<semaphore_mem>>)
      %dma_start3A_1118 = arith.constant 0 : i32
      %dma_start3A_1119 = arith.constant 0 : i32
      %dma_start3A_1120 = tpu.memref_slice %arg13[%dma_start3A_1118, %dma_start3A_1119] : memref<16x40xf32, #tpu.memory_space<vmem>> -> memref<1x40xf32, #tpu.memory_space<vmem>>
      %dma_start3A_1121 = tpu.memref_squeeze %dma_start3A_1120 : memref<1x40xf32, #tpu.memory_space<vmem>> -> memref<40xf32, #tpu.memory_space<vmem>>
      %dma_start3A_1122 = tpu.memref_slice %arg16[%mul3A_1104] : memref<10000xf32, #tpu.memory_space<vmem_shared>> -> memref<40xf32, #tpu.memory_space<vmem_shared>>
      %dma_start3A_1123 = tpu.memref_slice %arg16[%mul3A_1104] : memref<10000xf32, #tpu.memory_space<vmem_shared>> -> memref<40xf32, #tpu.memory_space<vmem_shared>>
      %dma_start3A_1124 = arith.constant 0 : i32
      %dma_start3A_1125 = tpu.memref_slice %arg13[%dma_start3A_1118, %dma_start3A_1124] : memref<16x40xf32, #tpu.memory_space<vmem>> -> memref<1x40xf32, #tpu.memory_space<vmem>>
      %dma_start3A_1126 = tpu.memref_squeeze %dma_start3A_1125 : memref<1x40xf32, #tpu.memory_space<vmem>> -> memref<40xf32, #tpu.memory_space<vmem>>
      tpu.enqueue_dma source(%dma_start3A_1126 : memref<40xf32, #tpu.memory_space<vmem>>) target(%dma_start3A_1123 : memref<40xf32, #tpu.memory_space<vmem_shared>>) target_semaphore(%arg20 : memref<!tpu.dma_semaphore, #tpu.memory_space<semaphore_mem>>)
    } else {
    }
    %add3A_131 = arith.constant 240 : i32
    %add3A_132 = arith.addi %arg1, %add3A_131 : i32
    %lt3A_133 = arith.constant 250 : i32
    %lt3A_134 = arith.cmpi slt, %add3A_132, %lt3A_133 : i32
    %convert_element_type3A_135 = arith.extui %lt3A_134 : i1 to i32
    %cond3A_136 = arith.constant 0 : i32
    %cond3A_137 = arith.cmpi ne, %convert_element_type3A_135, %cond3A_136 : i32
    scf.if %cond3A_137 {
      %mul3A_1103 = arith.constant 40 : i32
      %mul3A_1104 = arith.muli %add3A_132, %mul3A_1103 : i32
      %dma_start3A_1105 = arith.constant 0 : i32
      %dma_start3A_1106 = arith.constant 0 : i32
      %dma_start3A_1107 = arith.constant 0 : i32
      %dma_start3A_1108 = tpu.memref_slice %arg12[%dma_start3A_1105, %dma_start3A_1106, %dma_start3A_1107] : memref<8x40x128xf32, #tpu.memory_space<vmem>> -> memref<1x40x128xf32, #tpu.memory_space<vmem>>
      %dma_start3A_1109 = tpu.memref_squeeze %dma_start3A_1108 : memref<1x40x128xf32, #tpu.memory_space<vmem>> -> memref<40x128xf32, #tpu.memory_space<vmem>>
      %dma_start3A_1110 = arith.constant 0 : i32
      %dma_start3A_1111 = tpu.memref_slice %arg15[%mul3A_1104, %dma_start3A_1110] : memref<10000x128xf32, #tpu.memory_space<vmem_shared>> -> memref<40x128xf32, #tpu.memory_space<vmem_shared>>
      %dma_start3A_1112 = arith.constant 0 : i32
      %dma_start3A_1113 = tpu.memref_slice %arg15[%mul3A_1104, %dma_start3A_1112] : memref<10000x128xf32, #tpu.memory_space<vmem_shared>> -> memref<40x128xf32, #tpu.memory_space<vmem_shared>>
      %dma_start3A_1114 = arith.constant 0 : i32
      %dma_start3A_1115 = arith.constant 0 : i32
      %dma_start3A_1116 = tpu.memref_slice %arg12[%dma_start3A_1105, %dma_start3A_1114, %dma_start3A_1115] : memref<8x40x128xf32, #tpu.memory_space<vmem>> -> memref<1x40x128xf32, #tpu.memory_space<vmem>>
      %dma_start3A_1117 = tpu.memref_squeeze %dma_start3A_1116 : memref<1x40x128xf32, #tpu.memory_space<vmem>> -> memref<40x128xf32, #tpu.memory_space<vmem>>
      tpu.enqueue_dma source(%dma_start3A_1117 : memref<40x128xf32, #tpu.memory_space<vmem>>) target(%dma_start3A_1113 : memref<40x128xf32, #tpu.memory_space<vmem_shared>>) target_semaphore(%arg20 : memref<!tpu.dma_semaphore, #tpu.memory_space<semaphore_mem>>)
      %dma_start3A_1118 = arith.constant 0 : i32
      %dma_start3A_1119 = arith.constant 0 : i32
      %dma_start3A_1120 = tpu.memref_slice %arg13[%dma_start3A_1118, %dma_start3A_1119] : memref<16x40xf32, #tpu.memory_space<vmem>> -> memref<1x40xf32, #tpu.memory_space<vmem>>
      %dma_start3A_1121 = tpu.memref_squeeze %dma_start3A_1120 : memref<1x40xf32, #tpu.memory_space<vmem>> -> memref<40xf32, #tpu.memory_space<vmem>>
      %dma_start3A_1122 = tpu.memref_slice %arg16[%mul3A_1104] : memref<10000xf32, #tpu.memory_space<vmem_shared>> -> memref<40xf32, #tpu.memory_space<vmem_shared>>
      %dma_start3A_1123 = tpu.memref_slice %arg16[%mul3A_1104] : memref<10000xf32, #tpu.memory_space<vmem_shared>> -> memref<40xf32, #tpu.memory_space<vmem_shared>>
      %dma_start3A_1124 = arith.constant 0 : i32
      %dma_start3A_1125 = tpu.memref_slice %arg13[%dma_start3A_1118, %dma_start3A_1124] : memref<16x40xf32, #tpu.memory_space<vmem>> -> memref<1x40xf32, #tpu.memory_space<vmem>>
      %dma_start3A_1126 = tpu.memref_squeeze %dma_start3A_1125 : memref<1x40xf32, #tpu.memory_space<vmem>> -> memref<40xf32, #tpu.memory_space<vmem>>
      tpu.enqueue_dma source(%dma_start3A_1126 : memref<40xf32, #tpu.memory_space<vmem>>) target(%dma_start3A_1123 : memref<40xf32, #tpu.memory_space<vmem_shared>>) target_semaphore(%arg20 : memref<!tpu.dma_semaphore, #tpu.memory_space<semaphore_mem>>)
    } else {
    }
    %add3A_138 = arith.constant 0 : i32
    %add3A_139 = arith.addi %arg1, %add3A_138 : i32
    %lt3A_140 = arith.constant 250 : i32
    %lt3A_141 = arith.cmpi slt, %add3A_139, %lt3A_140 : i32
    %convert_element_type3A_142 = arith.extui %lt3A_141 : i1 to i32
    %cond3A_143 = arith.constant 0 : i32
    %cond3A_144 = arith.cmpi ne, %convert_element_type3A_142, %cond3A_143 : i32
    scf.if %cond3A_144 {
      %mul3A_1103 = arith.constant 40 : i32
      %mul3A_1104 = arith.muli %add3A_139, %mul3A_1103 : i32
      %dma_wait3A_1105 = arith.constant 0 : i32
      %dma_wait3A_1106 = arith.constant 0 : i32
      %dma_wait3A_1107 = arith.constant 0 : i32
      %dma_wait3A_1108 = tpu.memref_slice %arg12[%dma_wait3A_1105, %dma_wait3A_1106, %dma_wait3A_1107] : memref<8x40x128xf32, #tpu.memory_space<vmem>> -> memref<1x40x128xf32, #tpu.memory_space<vmem>>
      %dma_wait3A_1109 = tpu.memref_squeeze %dma_wait3A_1108 : memref<1x40x128xf32, #tpu.memory_space<vmem>> -> memref<40x128xf32, #tpu.memory_space<vmem>>
      %dma_wait3A_1110 = arith.constant 0 : i32
      %dma_wait3A_1111 = tpu.memref_slice %arg15[%mul3A_1104, %dma_wait3A_1110] : memref<10000x128xf32, #tpu.memory_space<vmem_shared>> -> memref<40x128xf32, #tpu.memory_space<vmem_shared>>
      %dma_wait3A_1112 = arith.constant 0 : i32
      %dma_wait3A_1113 = tpu.memref_slice %arg15[%mul3A_1104, %dma_wait3A_1112] : memref<10000x128xf32, #tpu.memory_space<vmem_shared>> -> memref<40x128xf32, #tpu.memory_space<vmem_shared>>
      %dma_wait3A_1114 = arith.constant 0 : i32
      %dma_wait3A_1115 = arith.constant 0 : i32
      %dma_wait3A_1116 = tpu.memref_slice %arg12[%dma_wait3A_1105, %dma_wait3A_1114, %dma_wait3A_1115] : memref<8x40x128xf32, #tpu.memory_space<vmem>> -> memref<1x40x128xf32, #tpu.memory_space<vmem>>
      %dma_wait3A_1117 = tpu.memref_squeeze %dma_wait3A_1116 : memref<1x40x128xf32, #tpu.memory_space<vmem>> -> memref<40x128xf32, #tpu.memory_space<vmem>>
      tpu.wait_dma2 semaphore(%arg20 : memref<!tpu.dma_semaphore, #tpu.memory_space<semaphore_mem>>) src(%dma_wait3A_1117 : memref<40x128xf32, #tpu.memory_space<vmem>>) dst(%dma_wait3A_1113 : memref<40x128xf32, #tpu.memory_space<vmem_shared>>)
      %dma_wait3A_1118 = arith.constant 0 : i32
      %dma_wait3A_1119 = arith.constant 0 : i32
      %dma_wait3A_1120 = tpu.memref_slice %arg13[%dma_wait3A_1118, %dma_wait3A_1119] : memref<16x40xf32, #tpu.memory_space<vmem>> -> memref<1x40xf32, #tpu.memory_space<vmem>>
      %dma_wait3A_1121 = tpu.memref_squeeze %dma_wait3A_1120 : memref<1x40xf32, #tpu.memory_space<vmem>> -> memref<40xf32, #tpu.memory_space<vmem>>
      %dma_wait3A_1122 = tpu.memref_slice %arg16[%mul3A_1104] : memref<10000xf32, #tpu.memory_space<vmem_shared>> -> memref<40xf32, #tpu.memory_space<vmem_shared>>
      %dma_wait3A_1123 = tpu.memref_slice %arg16[%mul3A_1104] : memref<10000xf32, #tpu.memory_space<vmem_shared>> -> memref<40xf32, #tpu.memory_space<vmem_shared>>
      %dma_wait3A_1124 = arith.constant 0 : i32
      %dma_wait3A_1125 = tpu.memref_slice %arg13[%dma_wait3A_1118, %dma_wait3A_1124] : memref<16x40xf32, #tpu.memory_space<vmem>> -> memref<1x40xf32, #tpu.memory_space<vmem>>
      %dma_wait3A_1126 = tpu.memref_squeeze %dma_wait3A_1125 : memref<1x40xf32, #tpu.memory_space<vmem>> -> memref<40xf32, #tpu.memory_space<vmem>>
      tpu.wait_dma2 semaphore(%arg20 : memref<!tpu.dma_semaphore, #tpu.memory_space<semaphore_mem>>) src(%dma_wait3A_1126 : memref<40xf32, #tpu.memory_space<vmem>>) dst(%dma_wait3A_1123 : memref<40xf32, #tpu.memory_space<vmem_shared>>)
    } else {
    }
    %add3A_145 = arith.constant 16 : i32
    %add3A_146 = arith.addi %arg1, %add3A_145 : i32
    %lt3A_147 = arith.constant 250 : i32
    %lt3A_148 = arith.cmpi slt, %add3A_146, %lt3A_147 : i32
    %convert_element_type3A_149 = arith.extui %lt3A_148 : i1 to i32
    %cond3A_150 = arith.constant 0 : i32
    %cond3A_151 = arith.cmpi ne, %convert_element_type3A_149, %cond3A_150 : i32
    scf.if %cond3A_151 {
      %mul3A_1103 = arith.constant 40 : i32
      %mul3A_1104 = arith.muli %add3A_146, %mul3A_1103 : i32
      %dma_wait3A_1105 = arith.constant 0 : i32
      %dma_wait3A_1106 = arith.constant 0 : i32
      %dma_wait3A_1107 = arith.constant 0 : i32
      %dma_wait3A_1108 = tpu.memref_slice %arg12[%dma_wait3A_1105, %dma_wait3A_1106, %dma_wait3A_1107] : memref<8x40x128xf32, #tpu.memory_space<vmem>> -> memref<1x40x128xf32, #tpu.memory_space<vmem>>
      %dma_wait3A_1109 = tpu.memref_squeeze %dma_wait3A_1108 : memref<1x40x128xf32, #tpu.memory_space<vmem>> -> memref<40x128xf32, #tpu.memory_space<vmem>>
      %dma_wait3A_1110 = arith.constant 0 : i32
      %dma_wait3A_1111 = tpu.memref_slice %arg15[%mul3A_1104, %dma_wait3A_1110] : memref<10000x128xf32, #tpu.memory_space<vmem_shared>> -> memref<40x128xf32, #tpu.memory_space<vmem_shared>>
      %dma_wait3A_1112 = arith.constant 0 : i32
      %dma_wait3A_1113 = tpu.memref_slice %arg15[%mul3A_1104, %dma_wait3A_1112] : memref<10000x128xf32, #tpu.memory_space<vmem_shared>> -> memref<40x128xf32, #tpu.memory_space<vmem_shared>>
      %dma_wait3A_1114 = arith.constant 0 : i32
      %dma_wait3A_1115 = arith.constant 0 : i32
      %dma_wait3A_1116 = tpu.memref_slice %arg12[%dma_wait3A_1105, %dma_wait3A_1114, %dma_wait3A_1115] : memref<8x40x128xf32, #tpu.memory_space<vmem>> -> memref<1x40x128xf32, #tpu.memory_space<vmem>>
      %dma_wait3A_1117 = tpu.memref_squeeze %dma_wait3A_1116 : memref<1x40x128xf32, #tpu.memory_space<vmem>> -> memref<40x128xf32, #tpu.memory_space<vmem>>
      tpu.wait_dma2 semaphore(%arg20 : memref<!tpu.dma_semaphore, #tpu.memory_space<semaphore_mem>>) src(%dma_wait3A_1117 : memref<40x128xf32, #tpu.memory_space<vmem>>) dst(%dma_wait3A_1113 : memref<40x128xf32, #tpu.memory_space<vmem_shared>>)
      %dma_wait3A_1118 = arith.constant 0 : i32
      %dma_wait3A_1119 = arith.constant 0 : i32
      %dma_wait3A_1120 = tpu.memref_slice %arg13[%dma_wait3A_1118, %dma_wait3A_1119] : memref<16x40xf32, #tpu.memory_space<vmem>> -> memref<1x40xf32, #tpu.memory_space<vmem>>
      %dma_wait3A_1121 = tpu.memref_squeeze %dma_wait3A_1120 : memref<1x40xf32, #tpu.memory_space<vmem>> -> memref<40xf32, #tpu.memory_space<vmem>>
      %dma_wait3A_1122 = tpu.memref_slice %arg16[%mul3A_1104] : memref<10000xf32, #tpu.memory_space<vmem_shared>> -> memref<40xf32, #tpu.memory_space<vmem_shared>>
      %dma_wait3A_1123 = tpu.memref_slice %arg16[%mul3A_1104] : memref<10000xf32, #tpu.memory_space<vmem_shared>> -> memref<40xf32, #tpu.memory_space<vmem_shared>>
      %dma_wait3A_1124 = arith.constant 0 : i32
      %dma_wait3A_1125 = tpu.memref_slice %arg13[%dma_wait3A_1118, %dma_wait3A_1124] : memref<16x40xf32, #tpu.memory_space<vmem>> -> memref<1x40xf32, #tpu.memory_space<vmem>>
      %dma_wait3A_1126 = tpu.memref_squeeze %dma_wait3A_1125 : memref<1x40xf32, #tpu.memory_space<vmem>> -> memref<40xf32, #tpu.memory_space<vmem>>
      tpu.wait_dma2 semaphore(%arg20 : memref<!tpu.dma_semaphore, #tpu.memory_space<semaphore_mem>>) src(%dma_wait3A_1126 : memref<40xf32, #tpu.memory_space<vmem>>) dst(%dma_wait3A_1123 : memref<40xf32, #tpu.memory_space<vmem_shared>>)
    } else {
    }
    %add3A_152 = arith.constant 32 : i32
    %add3A_153 = arith.addi %arg1, %add3A_152 : i32
    %lt3A_154 = arith.constant 250 : i32
    %lt3A_155 = arith.cmpi slt, %add3A_153, %lt3A_154 : i32
    %convert_element_type3A_156 = arith.extui %lt3A_155 : i1 to i32
    %cond3A_157 = arith.constant 0 : i32
    %cond3A_158 = arith.cmpi ne, %convert_element_type3A_156, %cond3A_157 : i32
    scf.if %cond3A_158 {
      %mul3A_1103 = arith.constant 40 : i32
      %mul3A_1104 = arith.muli %add3A_153, %mul3A_1103 : i32
      %dma_wait3A_1105 = arith.constant 0 : i32
      %dma_wait3A_1106 = arith.constant 0 : i32
      %dma_wait3A_1107 = arith.constant 0 : i32
      %dma_wait3A_1108 = tpu.memref_slice %arg12[%dma_wait3A_1105, %dma_wait3A_1106, %dma_wait3A_1107] : memref<8x40x128xf32, #tpu.memory_space<vmem>> -> memref<1x40x128xf32, #tpu.memory_space<vmem>>
      %dma_wait3A_1109 = tpu.memref_squeeze %dma_wait3A_1108 : memref<1x40x128xf32, #tpu.memory_space<vmem>> -> memref<40x128xf32, #tpu.memory_space<vmem>>
      %dma_wait3A_1110 = arith.constant 0 : i32
      %dma_wait3A_1111 = tpu.memref_slice %arg15[%mul3A_1104, %dma_wait3A_1110] : memref<10000x128xf32, #tpu.memory_space<vmem_shared>> -> memref<40x128xf32, #tpu.memory_space<vmem_shared>>
      %dma_wait3A_1112 = arith.constant 0 : i32
      %dma_wait3A_1113 = tpu.memref_slice %arg15[%mul3A_1104, %dma_wait3A_1112] : memref<10000x128xf32, #tpu.memory_space<vmem_shared>> -> memref<40x128xf32, #tpu.memory_space<vmem_shared>>
      %dma_wait3A_1114 = arith.constant 0 : i32
      %dma_wait3A_1115 = arith.constant 0 : i32
      %dma_wait3A_1116 = tpu.memref_slice %arg12[%dma_wait3A_1105, %dma_wait3A_1114, %dma_wait3A_1115] : memref<8x40x128xf32, #tpu.memory_space<vmem>> -> memref<1x40x128xf32, #tpu.memory_space<vmem>>
      %dma_wait3A_1117 = tpu.memref_squeeze %dma_wait3A_1116 : memref<1x40x128xf32, #tpu.memory_space<vmem>> -> memref<40x128xf32, #tpu.memory_space<vmem>>
      tpu.wait_dma2 semaphore(%arg20 : memref<!tpu.dma_semaphore, #tpu.memory_space<semaphore_mem>>) src(%dma_wait3A_1117 : memref<40x128xf32, #tpu.memory_space<vmem>>) dst(%dma_wait3A_1113 : memref<40x128xf32, #tpu.memory_space<vmem_shared>>)
      %dma_wait3A_1118 = arith.constant 0 : i32
      %dma_wait3A_1119 = arith.constant 0 : i32
      %dma_wait3A_1120 = tpu.memref_slice %arg13[%dma_wait3A_1118, %dma_wait3A_1119] : memref<16x40xf32, #tpu.memory_space<vmem>> -> memref<1x40xf32, #tpu.memory_space<vmem>>
      %dma_wait3A_1121 = tpu.memref_squeeze %dma_wait3A_1120 : memref<1x40xf32, #tpu.memory_space<vmem>> -> memref<40xf32, #tpu.memory_space<vmem>>
      %dma_wait3A_1122 = tpu.memref_slice %arg16[%mul3A_1104] : memref<10000xf32, #tpu.memory_space<vmem_shared>> -> memref<40xf32, #tpu.memory_space<vmem_shared>>
      %dma_wait3A_1123 = tpu.memref_slice %arg16[%mul3A_1104] : memref<10000xf32, #tpu.memory_space<vmem_shared>> -> memref<40xf32, #tpu.memory_space<vmem_shared>>
      %dma_wait3A_1124 = arith.constant 0 : i32
      %dma_wait3A_1125 = tpu.memref_slice %arg13[%dma_wait3A_1118, %dma_wait3A_1124] : memref<16x40xf32, #tpu.memory_space<vmem>> -> memref<1x40xf32, #tpu.memory_space<vmem>>
      %dma_wait3A_1126 = tpu.memref_squeeze %dma_wait3A_1125 : memref<1x40xf32, #tpu.memory_space<vmem>> -> memref<40xf32, #tpu.memory_space<vmem>>
      tpu.wait_dma2 semaphore(%arg20 : memref<!tpu.dma_semaphore, #tpu.memory_space<semaphore_mem>>) src(%dma_wait3A_1126 : memref<40xf32, #tpu.memory_space<vmem>>) dst(%dma_wait3A_1123 : memref<40xf32, #tpu.memory_space<vmem_shared>>)
    } else {
    }
    %add3A_159 = arith.constant 48 : i32
    %add3A_160 = arith.addi %arg1, %add3A_159 : i32
    %lt3A_161 = arith.constant 250 : i32
    %lt3A_162 = arith.cmpi slt, %add3A_160, %lt3A_161 : i32
    %convert_element_type3A_163 = arith.extui %lt3A_162 : i1 to i32
    %cond3A_164 = arith.constant 0 : i32
    %cond3A_165 = arith.cmpi ne, %convert_element_type3A_163, %cond3A_164 : i32
    scf.if %cond3A_165 {
      %mul3A_1103 = arith.constant 40 : i32
      %mul3A_1104 = arith.muli %add3A_160, %mul3A_1103 : i32
      %dma_wait3A_1105 = arith.constant 0 : i32
      %dma_wait3A_1106 = arith.constant 0 : i32
      %dma_wait3A_1107 = arith.constant 0 : i32
      %dma_wait3A_1108 = tpu.memref_slice %arg12[%dma_wait3A_1105, %dma_wait3A_1106, %dma_wait3A_1107] : memref<8x40x128xf32, #tpu.memory_space<vmem>> -> memref<1x40x128xf32, #tpu.memory_space<vmem>>
      %dma_wait3A_1109 = tpu.memref_squeeze %dma_wait3A_1108 : memref<1x40x128xf32, #tpu.memory_space<vmem>> -> memref<40x128xf32, #tpu.memory_space<vmem>>
      %dma_wait3A_1110 = arith.constant 0 : i32
      %dma_wait3A_1111 = tpu.memref_slice %arg15[%mul3A_1104, %dma_wait3A_1110] : memref<10000x128xf32, #tpu.memory_space<vmem_shared>> -> memref<40x128xf32, #tpu.memory_space<vmem_shared>>
      %dma_wait3A_1112 = arith.constant 0 : i32
      %dma_wait3A_1113 = tpu.memref_slice %arg15[%mul3A_1104, %dma_wait3A_1112] : memref<10000x128xf32, #tpu.memory_space<vmem_shared>> -> memref<40x128xf32, #tpu.memory_space<vmem_shared>>
      %dma_wait3A_1114 = arith.constant 0 : i32
      %dma_wait3A_1115 = arith.constant 0 : i32
      %dma_wait3A_1116 = tpu.memref_slice %arg12[%dma_wait3A_1105, %dma_wait3A_1114, %dma_wait3A_1115] : memref<8x40x128xf32, #tpu.memory_space<vmem>> -> memref<1x40x128xf32, #tpu.memory_space<vmem>>
      %dma_wait3A_1117 = tpu.memref_squeeze %dma_wait3A_1116 : memref<1x40x128xf32, #tpu.memory_space<vmem>> -> memref<40x128xf32, #tpu.memory_space<vmem>>
      tpu.wait_dma2 semaphore(%arg20 : memref<!tpu.dma_semaphore, #tpu.memory_space<semaphore_mem>>) src(%dma_wait3A_1117 : memref<40x128xf32, #tpu.memory_space<vmem>>) dst(%dma_wait3A_1113 : memref<40x128xf32, #tpu.memory_space<vmem_shared>>)
      %dma_wait3A_1118 = arith.constant 0 : i32
      %dma_wait3A_1119 = arith.constant 0 : i32
      %dma_wait3A_1120 = tpu.memref_slice %arg13[%dma_wait3A_1118, %dma_wait3A_1119] : memref<16x40xf32, #tpu.memory_space<vmem>> -> memref<1x40xf32, #tpu.memory_space<vmem>>
      %dma_wait3A_1121 = tpu.memref_squeeze %dma_wait3A_1120 : memref<1x40xf32, #tpu.memory_space<vmem>> -> memref<40xf32, #tpu.memory_space<vmem>>
      %dma_wait3A_1122 = tpu.memref_slice %arg16[%mul3A_1104] : memref<10000xf32, #tpu.memory_space<vmem_shared>> -> memref<40xf32, #tpu.memory_space<vmem_shared>>
      %dma_wait3A_1123 = tpu.memref_slice %arg16[%mul3A_1104] : memref<10000xf32, #tpu.memory_space<vmem_shared>> -> memref<40xf32, #tpu.memory_space<vmem_shared>>
      %dma_wait3A_1124 = arith.constant 0 : i32
      %dma_wait3A_1125 = tpu.memref_slice %arg13[%dma_wait3A_1118, %dma_wait3A_1124] : memref<16x40xf32, #tpu.memory_space<vmem>> -> memref<1x40xf32, #tpu.memory_space<vmem>>
      %dma_wait3A_1126 = tpu.memref_squeeze %dma_wait3A_1125 : memref<1x40xf32, #tpu.memory_space<vmem>> -> memref<40xf32, #tpu.memory_space<vmem>>
      tpu.wait_dma2 semaphore(%arg20 : memref<!tpu.dma_semaphore, #tpu.memory_space<semaphore_mem>>) src(%dma_wait3A_1126 : memref<40xf32, #tpu.memory_space<vmem>>) dst(%dma_wait3A_1123 : memref<40xf32, #tpu.memory_space<vmem_shared>>)
    } else {
    }
    %add3A_166 = arith.constant 64 : i32
    %add3A_167 = arith.addi %arg1, %add3A_166 : i32
    %lt3A_168 = arith.constant 250 : i32
    %lt3A_169 = arith.cmpi slt, %add3A_167, %lt3A_168 : i32
    %convert_element_type3A_170 = arith.extui %lt3A_169 : i1 to i32
    %cond3A_171 = arith.constant 0 : i32
    %cond3A_172 = arith.cmpi ne, %convert_element_type3A_170, %cond3A_171 : i32
    scf.if %cond3A_172 {
      %mul3A_1103 = arith.constant 40 : i32
      %mul3A_1104 = arith.muli %add3A_167, %mul3A_1103 : i32
      %dma_wait3A_1105 = arith.constant 0 : i32
      %dma_wait3A_1106 = arith.constant 0 : i32
      %dma_wait3A_1107 = arith.constant 0 : i32
      %dma_wait3A_1108 = tpu.memref_slice %arg12[%dma_wait3A_1105, %dma_wait3A_1106, %dma_wait3A_1107] : memref<8x40x128xf32, #tpu.memory_space<vmem>> -> memref<1x40x128xf32, #tpu.memory_space<vmem>>
      %dma_wait3A_1109 = tpu.memref_squeeze %dma_wait3A_1108 : memref<1x40x128xf32, #tpu.memory_space<vmem>> -> memref<40x128xf32, #tpu.memory_space<vmem>>
      %dma_wait3A_1110 = arith.constant 0 : i32
      %dma_wait3A_1111 = tpu.memref_slice %arg15[%mul3A_1104, %dma_wait3A_1110] : memref<10000x128xf32, #tpu.memory_space<vmem_shared>> -> memref<40x128xf32, #tpu.memory_space<vmem_shared>>
      %dma_wait3A_1112 = arith.constant 0 : i32
      %dma_wait3A_1113 = tpu.memref_slice %arg15[%mul3A_1104, %dma_wait3A_1112] : memref<10000x128xf32, #tpu.memory_space<vmem_shared>> -> memref<40x128xf32, #tpu.memory_space<vmem_shared>>
      %dma_wait3A_1114 = arith.constant 0 : i32
      %dma_wait3A_1115 = arith.constant 0 : i32
      %dma_wait3A_1116 = tpu.memref_slice %arg12[%dma_wait3A_1105, %dma_wait3A_1114, %dma_wait3A_1115] : memref<8x40x128xf32, #tpu.memory_space<vmem>> -> memref<1x40x128xf32, #tpu.memory_space<vmem>>
      %dma_wait3A_1117 = tpu.memref_squeeze %dma_wait3A_1116 : memref<1x40x128xf32, #tpu.memory_space<vmem>> -> memref<40x128xf32, #tpu.memory_space<vmem>>
      tpu.wait_dma2 semaphore(%arg20 : memref<!tpu.dma_semaphore, #tpu.memory_space<semaphore_mem>>) src(%dma_wait3A_1117 : memref<40x128xf32, #tpu.memory_space<vmem>>) dst(%dma_wait3A_1113 : memref<40x128xf32, #tpu.memory_space<vmem_shared>>)
      %dma_wait3A_1118 = arith.constant 0 : i32
      %dma_wait3A_1119 = arith.constant 0 : i32
      %dma_wait3A_1120 = tpu.memref_slice %arg13[%dma_wait3A_1118, %dma_wait3A_1119] : memref<16x40xf32, #tpu.memory_space<vmem>> -> memref<1x40xf32, #tpu.memory_space<vmem>>
      %dma_wait3A_1121 = tpu.memref_squeeze %dma_wait3A_1120 : memref<1x40xf32, #tpu.memory_space<vmem>> -> memref<40xf32, #tpu.memory_space<vmem>>
      %dma_wait3A_1122 = tpu.memref_slice %arg16[%mul3A_1104] : memref<10000xf32, #tpu.memory_space<vmem_shared>> -> memref<40xf32, #tpu.memory_space<vmem_shared>>
      %dma_wait3A_1123 = tpu.memref_slice %arg16[%mul3A_1104] : memref<10000xf32, #tpu.memory_space<vmem_shared>> -> memref<40xf32, #tpu.memory_space<vmem_shared>>
      %dma_wait3A_1124 = arith.constant 0 : i32
      %dma_wait3A_1125 = tpu.memref_slice %arg13[%dma_wait3A_1118, %dma_wait3A_1124] : memref<16x40xf32, #tpu.memory_space<vmem>> -> memref<1x40xf32, #tpu.memory_space<vmem>>
      %dma_wait3A_1126 = tpu.memref_squeeze %dma_wait3A_1125 : memref<1x40xf32, #tpu.memory_space<vmem>> -> memref<40xf32, #tpu.memory_space<vmem>>
      tpu.wait_dma2 semaphore(%arg20 : memref<!tpu.dma_semaphore, #tpu.memory_space<semaphore_mem>>) src(%dma_wait3A_1126 : memref<40xf32, #tpu.memory_space<vmem>>) dst(%dma_wait3A_1123 : memref<40xf32, #tpu.memory_space<vmem_shared>>)
    } else {
    }
    %add3A_173 = arith.constant 80 : i32
    %add3A_174 = arith.addi %arg1, %add3A_173 : i32
    %lt3A_175 = arith.constant 250 : i32
    %lt3A_176 = arith.cmpi slt, %add3A_174, %lt3A_175 : i32
    %convert_element_type3A_177 = arith.extui %lt3A_176 : i1 to i32
    %cond3A_178 = arith.constant 0 : i32
    %cond3A_179 = arith.cmpi ne, %convert_element_type3A_177, %cond3A_178 : i32
    scf.if %cond3A_179 {
      %mul3A_1103 = arith.constant 40 : i32
      %mul3A_1104 = arith.muli %add3A_174, %mul3A_1103 : i32
      %dma_wait3A_1105 = arith.constant 0 : i32
      %dma_wait3A_1106 = arith.constant 0 : i32
      %dma_wait3A_1107 = arith.constant 0 : i32
      %dma_wait3A_1108 = tpu.memref_slice %arg12[%dma_wait3A_1105, %dma_wait3A_1106, %dma_wait3A_1107] : memref<8x40x128xf32, #tpu.memory_space<vmem>> -> memref<1x40x128xf32, #tpu.memory_space<vmem>>
      %dma_wait3A_1109 = tpu.memref_squeeze %dma_wait3A_1108 : memref<1x40x128xf32, #tpu.memory_space<vmem>> -> memref<40x128xf32, #tpu.memory_space<vmem>>
      %dma_wait3A_1110 = arith.constant 0 : i32
      %dma_wait3A_1111 = tpu.memref_slice %arg15[%mul3A_1104, %dma_wait3A_1110] : memref<10000x128xf32, #tpu.memory_space<vmem_shared>> -> memref<40x128xf32, #tpu.memory_space<vmem_shared>>
      %dma_wait3A_1112 = arith.constant 0 : i32
      %dma_wait3A_1113 = tpu.memref_slice %arg15[%mul3A_1104, %dma_wait3A_1112] : memref<10000x128xf32, #tpu.memory_space<vmem_shared>> -> memref<40x128xf32, #tpu.memory_space<vmem_shared>>
      %dma_wait3A_1114 = arith.constant 0 : i32
      %dma_wait3A_1115 = arith.constant 0 : i32
      %dma_wait3A_1116 = tpu.memref_slice %arg12[%dma_wait3A_1105, %dma_wait3A_1114, %dma_wait3A_1115] : memref<8x40x128xf32, #tpu.memory_space<vmem>> -> memref<1x40x128xf32, #tpu.memory_space<vmem>>
      %dma_wait3A_1117 = tpu.memref_squeeze %dma_wait3A_1116 : memref<1x40x128xf32, #tpu.memory_space<vmem>> -> memref<40x128xf32, #tpu.memory_space<vmem>>
      tpu.wait_dma2 semaphore(%arg20 : memref<!tpu.dma_semaphore, #tpu.memory_space<semaphore_mem>>) src(%dma_wait3A_1117 : memref<40x128xf32, #tpu.memory_space<vmem>>) dst(%dma_wait3A_1113 : memref<40x128xf32, #tpu.memory_space<vmem_shared>>)
      %dma_wait3A_1118 = arith.constant 0 : i32
      %dma_wait3A_1119 = arith.constant 0 : i32
      %dma_wait3A_1120 = tpu.memref_slice %arg13[%dma_wait3A_1118, %dma_wait3A_1119] : memref<16x40xf32, #tpu.memory_space<vmem>> -> memref<1x40xf32, #tpu.memory_space<vmem>>
      %dma_wait3A_1121 = tpu.memref_squeeze %dma_wait3A_1120 : memref<1x40xf32, #tpu.memory_space<vmem>> -> memref<40xf32, #tpu.memory_space<vmem>>
      %dma_wait3A_1122 = tpu.memref_slice %arg16[%mul3A_1104] : memref<10000xf32, #tpu.memory_space<vmem_shared>> -> memref<40xf32, #tpu.memory_space<vmem_shared>>
      %dma_wait3A_1123 = tpu.memref_slice %arg16[%mul3A_1104] : memref<10000xf32, #tpu.memory_space<vmem_shared>> -> memref<40xf32, #tpu.memory_space<vmem_shared>>
      %dma_wait3A_1124 = arith.constant 0 : i32
      %dma_wait3A_1125 = tpu.memref_slice %arg13[%dma_wait3A_1118, %dma_wait3A_1124] : memref<16x40xf32, #tpu.memory_space<vmem>> -> memref<1x40xf32, #tpu.memory_space<vmem>>
      %dma_wait3A_1126 = tpu.memref_squeeze %dma_wait3A_1125 : memref<1x40xf32, #tpu.memory_space<vmem>> -> memref<40xf32, #tpu.memory_space<vmem>>
      tpu.wait_dma2 semaphore(%arg20 : memref<!tpu.dma_semaphore, #tpu.memory_space<semaphore_mem>>) src(%dma_wait3A_1126 : memref<40xf32, #tpu.memory_space<vmem>>) dst(%dma_wait3A_1123 : memref<40xf32, #tpu.memory_space<vmem_shared>>)
    } else {
    }
    %add3A_180 = arith.constant 96 : i32
    %add3A_181 = arith.addi %arg1, %add3A_180 : i32
    %lt3A_182 = arith.constant 250 : i32
    %lt3A_183 = arith.cmpi slt, %add3A_181, %lt3A_182 : i32
    %convert_element_type3A_184 = arith.extui %lt3A_183 : i1 to i32
    %cond3A_185 = arith.constant 0 : i32
    %cond3A_186 = arith.cmpi ne, %convert_element_type3A_184, %cond3A_185 : i32
    scf.if %cond3A_186 {
      %mul3A_1103 = arith.constant 40 : i32
      %mul3A_1104 = arith.muli %add3A_181, %mul3A_1103 : i32
      %dma_wait3A_1105 = arith.constant 0 : i32
      %dma_wait3A_1106 = arith.constant 0 : i32
      %dma_wait3A_1107 = arith.constant 0 : i32
      %dma_wait3A_1108 = tpu.memref_slice %arg12[%dma_wait3A_1105, %dma_wait3A_1106, %dma_wait3A_1107] : memref<8x40x128xf32, #tpu.memory_space<vmem>> -> memref<1x40x128xf32, #tpu.memory_space<vmem>>
      %dma_wait3A_1109 = tpu.memref_squeeze %dma_wait3A_1108 : memref<1x40x128xf32, #tpu.memory_space<vmem>> -> memref<40x128xf32, #tpu.memory_space<vmem>>
      %dma_wait3A_1110 = arith.constant 0 : i32
      %dma_wait3A_1111 = tpu.memref_slice %arg15[%mul3A_1104, %dma_wait3A_1110] : memref<10000x128xf32, #tpu.memory_space<vmem_shared>> -> memref<40x128xf32, #tpu.memory_space<vmem_shared>>
      %dma_wait3A_1112 = arith.constant 0 : i32
      %dma_wait3A_1113 = tpu.memref_slice %arg15[%mul3A_1104, %dma_wait3A_1112] : memref<10000x128xf32, #tpu.memory_space<vmem_shared>> -> memref<40x128xf32, #tpu.memory_space<vmem_shared>>
      %dma_wait3A_1114 = arith.constant 0 : i32
      %dma_wait3A_1115 = arith.constant 0 : i32
      %dma_wait3A_1116 = tpu.memref_slice %arg12[%dma_wait3A_1105, %dma_wait3A_1114, %dma_wait3A_1115] : memref<8x40x128xf32, #tpu.memory_space<vmem>> -> memref<1x40x128xf32, #tpu.memory_space<vmem>>
      %dma_wait3A_1117 = tpu.memref_squeeze %dma_wait3A_1116 : memref<1x40x128xf32, #tpu.memory_space<vmem>> -> memref<40x128xf32, #tpu.memory_space<vmem>>
      tpu.wait_dma2 semaphore(%arg20 : memref<!tpu.dma_semaphore, #tpu.memory_space<semaphore_mem>>) src(%dma_wait3A_1117 : memref<40x128xf32, #tpu.memory_space<vmem>>) dst(%dma_wait3A_1113 : memref<40x128xf32, #tpu.memory_space<vmem_shared>>)
      %dma_wait3A_1118 = arith.constant 0 : i32
      %dma_wait3A_1119 = arith.constant 0 : i32
      %dma_wait3A_1120 = tpu.memref_slice %arg13[%dma_wait3A_1118, %dma_wait3A_1119] : memref<16x40xf32, #tpu.memory_space<vmem>> -> memref<1x40xf32, #tpu.memory_space<vmem>>
      %dma_wait3A_1121 = tpu.memref_squeeze %dma_wait3A_1120 : memref<1x40xf32, #tpu.memory_space<vmem>> -> memref<40xf32, #tpu.memory_space<vmem>>
      %dma_wait3A_1122 = tpu.memref_slice %arg16[%mul3A_1104] : memref<10000xf32, #tpu.memory_space<vmem_shared>> -> memref<40xf32, #tpu.memory_space<vmem_shared>>
      %dma_wait3A_1123 = tpu.memref_slice %arg16[%mul3A_1104] : memref<10000xf32, #tpu.memory_space<vmem_shared>> -> memref<40xf32, #tpu.memory_space<vmem_shared>>
      %dma_wait3A_1124 = arith.constant 0 : i32
      %dma_wait3A_1125 = tpu.memref_slice %arg13[%dma_wait3A_1118, %dma_wait3A_1124] : memref<16x40xf32, #tpu.memory_space<vmem>> -> memref<1x40xf32, #tpu.memory_space<vmem>>
      %dma_wait3A_1126 = tpu.memref_squeeze %dma_wait3A_1125 : memref<1x40xf32, #tpu.memory_space<vmem>> -> memref<40xf32, #tpu.memory_space<vmem>>
      tpu.wait_dma2 semaphore(%arg20 : memref<!tpu.dma_semaphore, #tpu.memory_space<semaphore_mem>>) src(%dma_wait3A_1126 : memref<40xf32, #tpu.memory_space<vmem>>) dst(%dma_wait3A_1123 : memref<40xf32, #tpu.memory_space<vmem_shared>>)
    } else {
    }
    %add3A_187 = arith.constant 112 : i32
    %add3A_188 = arith.addi %arg1, %add3A_187 : i32
    %lt3A_189 = arith.constant 250 : i32
    %lt3A_190 = arith.cmpi slt, %add3A_188, %lt3A_189 : i32
    %convert_element_type3A_191 = arith.extui %lt3A_190 : i1 to i32
    %cond3A_192 = arith.constant 0 : i32
    %cond3A_193 = arith.cmpi ne, %convert_element_type3A_191, %cond3A_192 : i32
    scf.if %cond3A_193 {
      %mul3A_1103 = arith.constant 40 : i32
      %mul3A_1104 = arith.muli %add3A_188, %mul3A_1103 : i32
      %dma_wait3A_1105 = arith.constant 0 : i32
      %dma_wait3A_1106 = arith.constant 0 : i32
      %dma_wait3A_1107 = arith.constant 0 : i32
      %dma_wait3A_1108 = tpu.memref_slice %arg12[%dma_wait3A_1105, %dma_wait3A_1106, %dma_wait3A_1107] : memref<8x40x128xf32, #tpu.memory_space<vmem>> -> memref<1x40x128xf32, #tpu.memory_space<vmem>>
      %dma_wait3A_1109 = tpu.memref_squeeze %dma_wait3A_1108 : memref<1x40x128xf32, #tpu.memory_space<vmem>> -> memref<40x128xf32, #tpu.memory_space<vmem>>
      %dma_wait3A_1110 = arith.constant 0 : i32
      %dma_wait3A_1111 = tpu.memref_slice %arg15[%mul3A_1104, %dma_wait3A_1110] : memref<10000x128xf32, #tpu.memory_space<vmem_shared>> -> memref<40x128xf32, #tpu.memory_space<vmem_shared>>
      %dma_wait3A_1112 = arith.constant 0 : i32
      %dma_wait3A_1113 = tpu.memref_slice %arg15[%mul3A_1104, %dma_wait3A_1112] : memref<10000x128xf32, #tpu.memory_space<vmem_shared>> -> memref<40x128xf32, #tpu.memory_space<vmem_shared>>
      %dma_wait3A_1114 = arith.constant 0 : i32
      %dma_wait3A_1115 = arith.constant 0 : i32
      %dma_wait3A_1116 = tpu.memref_slice %arg12[%dma_wait3A_1105, %dma_wait3A_1114, %dma_wait3A_1115] : memref<8x40x128xf32, #tpu.memory_space<vmem>> -> memref<1x40x128xf32, #tpu.memory_space<vmem>>
      %dma_wait3A_1117 = tpu.memref_squeeze %dma_wait3A_1116 : memref<1x40x128xf32, #tpu.memory_space<vmem>> -> memref<40x128xf32, #tpu.memory_space<vmem>>
      tpu.wait_dma2 semaphore(%arg20 : memref<!tpu.dma_semaphore, #tpu.memory_space<semaphore_mem>>) src(%dma_wait3A_1117 : memref<40x128xf32, #tpu.memory_space<vmem>>) dst(%dma_wait3A_1113 : memref<40x128xf32, #tpu.memory_space<vmem_shared>>)
      %dma_wait3A_1118 = arith.constant 0 : i32
      %dma_wait3A_1119 = arith.constant 0 : i32
      %dma_wait3A_1120 = tpu.memref_slice %arg13[%dma_wait3A_1118, %dma_wait3A_1119] : memref<16x40xf32, #tpu.memory_space<vmem>> -> memref<1x40xf32, #tpu.memory_space<vmem>>
      %dma_wait3A_1121 = tpu.memref_squeeze %dma_wait3A_1120 : memref<1x40xf32, #tpu.memory_space<vmem>> -> memref<40xf32, #tpu.memory_space<vmem>>
      %dma_wait3A_1122 = tpu.memref_slice %arg16[%mul3A_1104] : memref<10000xf32, #tpu.memory_space<vmem_shared>> -> memref<40xf32, #tpu.memory_space<vmem_shared>>
      %dma_wait3A_1123 = tpu.memref_slice %arg16[%mul3A_1104] : memref<10000xf32, #tpu.memory_space<vmem_shared>> -> memref<40xf32, #tpu.memory_space<vmem_shared>>
      %dma_wait3A_1124 = arith.constant 0 : i32
      %dma_wait3A_1125 = tpu.memref_slice %arg13[%dma_wait3A_1118, %dma_wait3A_1124] : memref<16x40xf32, #tpu.memory_space<vmem>> -> memref<1x40xf32, #tpu.memory_space<vmem>>
      %dma_wait3A_1126 = tpu.memref_squeeze %dma_wait3A_1125 : memref<1x40xf32, #tpu.memory_space<vmem>> -> memref<40xf32, #tpu.memory_space<vmem>>
      tpu.wait_dma2 semaphore(%arg20 : memref<!tpu.dma_semaphore, #tpu.memory_space<semaphore_mem>>) src(%dma_wait3A_1126 : memref<40xf32, #tpu.memory_space<vmem>>) dst(%dma_wait3A_1123 : memref<40xf32, #tpu.memory_space<vmem_shared>>)
    } else {
    }
    %add3A_194 = arith.constant 128 : i32
    %add3A_195 = arith.addi %arg1, %add3A_194 : i32
    %lt3A_196 = arith.constant 250 : i32
    %lt3A_197 = arith.cmpi slt, %add3A_195, %lt3A_196 : i32
    %convert_element_type3A_198 = arith.extui %lt3A_197 : i1 to i32
    %cond3A_199 = arith.constant 0 : i32
    %cond3A_200 = arith.cmpi ne, %convert_element_type3A_198, %cond3A_199 : i32
    scf.if %cond3A_200 {
      %mul3A_1103 = arith.constant 40 : i32
      %mul3A_1104 = arith.muli %add3A_195, %mul3A_1103 : i32
      %dma_wait3A_1105 = arith.constant 0 : i32
      %dma_wait3A_1106 = arith.constant 0 : i32
      %dma_wait3A_1107 = arith.constant 0 : i32
      %dma_wait3A_1108 = tpu.memref_slice %arg12[%dma_wait3A_1105, %dma_wait3A_1106, %dma_wait3A_1107] : memref<8x40x128xf32, #tpu.memory_space<vmem>> -> memref<1x40x128xf32, #tpu.memory_space<vmem>>
      %dma_wait3A_1109 = tpu.memref_squeeze %dma_wait3A_1108 : memref<1x40x128xf32, #tpu.memory_space<vmem>> -> memref<40x128xf32, #tpu.memory_space<vmem>>
      %dma_wait3A_1110 = arith.constant 0 : i32
      %dma_wait3A_1111 = tpu.memref_slice %arg15[%mul3A_1104, %dma_wait3A_1110] : memref<10000x128xf32, #tpu.memory_space<vmem_shared>> -> memref<40x128xf32, #tpu.memory_space<vmem_shared>>
      %dma_wait3A_1112 = arith.constant 0 : i32
      %dma_wait3A_1113 = tpu.memref_slice %arg15[%mul3A_1104, %dma_wait3A_1112] : memref<10000x128xf32, #tpu.memory_space<vmem_shared>> -> memref<40x128xf32, #tpu.memory_space<vmem_shared>>
      %dma_wait3A_1114 = arith.constant 0 : i32
      %dma_wait3A_1115 = arith.constant 0 : i32
      %dma_wait3A_1116 = tpu.memref_slice %arg12[%dma_wait3A_1105, %dma_wait3A_1114, %dma_wait3A_1115] : memref<8x40x128xf32, #tpu.memory_space<vmem>> -> memref<1x40x128xf32, #tpu.memory_space<vmem>>
      %dma_wait3A_1117 = tpu.memref_squeeze %dma_wait3A_1116 : memref<1x40x128xf32, #tpu.memory_space<vmem>> -> memref<40x128xf32, #tpu.memory_space<vmem>>
      tpu.wait_dma2 semaphore(%arg20 : memref<!tpu.dma_semaphore, #tpu.memory_space<semaphore_mem>>) src(%dma_wait3A_1117 : memref<40x128xf32, #tpu.memory_space<vmem>>) dst(%dma_wait3A_1113 : memref<40x128xf32, #tpu.memory_space<vmem_shared>>)
      %dma_wait3A_1118 = arith.constant 0 : i32
      %dma_wait3A_1119 = arith.constant 0 : i32
      %dma_wait3A_1120 = tpu.memref_slice %arg13[%dma_wait3A_1118, %dma_wait3A_1119] : memref<16x40xf32, #tpu.memory_space<vmem>> -> memref<1x40xf32, #tpu.memory_space<vmem>>
      %dma_wait3A_1121 = tpu.memref_squeeze %dma_wait3A_1120 : memref<1x40xf32, #tpu.memory_space<vmem>> -> memref<40xf32, #tpu.memory_space<vmem>>
      %dma_wait3A_1122 = tpu.memref_slice %arg16[%mul3A_1104] : memref<10000xf32, #tpu.memory_space<vmem_shared>> -> memref<40xf32, #tpu.memory_space<vmem_shared>>
      %dma_wait3A_1123 = tpu.memref_slice %arg16[%mul3A_1104] : memref<10000xf32, #tpu.memory_space<vmem_shared>> -> memref<40xf32, #tpu.memory_space<vmem_shared>>
      %dma_wait3A_1124 = arith.constant 0 : i32
      %dma_wait3A_1125 = tpu.memref_slice %arg13[%dma_wait3A_1118, %dma_wait3A_1124] : memref<16x40xf32, #tpu.memory_space<vmem>> -> memref<1x40xf32, #tpu.memory_space<vmem>>
      %dma_wait3A_1126 = tpu.memref_squeeze %dma_wait3A_1125 : memref<1x40xf32, #tpu.memory_space<vmem>> -> memref<40xf32, #tpu.memory_space<vmem>>
      tpu.wait_dma2 semaphore(%arg20 : memref<!tpu.dma_semaphore, #tpu.memory_space<semaphore_mem>>) src(%dma_wait3A_1126 : memref<40xf32, #tpu.memory_space<vmem>>) dst(%dma_wait3A_1123 : memref<40xf32, #tpu.memory_space<vmem_shared>>)
    } else {
    }
    %add3A_201 = arith.constant 144 : i32
    %add3A_202 = arith.addi %arg1, %add3A_201 : i32
    %lt3A_203 = arith.constant 250 : i32
    %lt3A_204 = arith.cmpi slt, %add3A_202, %lt3A_203 : i32
    %convert_element_type3A_205 = arith.extui %lt3A_204 : i1 to i32
    %cond3A_206 = arith.constant 0 : i32
    %cond3A_207 = arith.cmpi ne, %convert_element_type3A_205, %cond3A_206 : i32
    scf.if %cond3A_207 {
      %mul3A_1103 = arith.constant 40 : i32
      %mul3A_1104 = arith.muli %add3A_202, %mul3A_1103 : i32
      %dma_wait3A_1105 = arith.constant 0 : i32
      %dma_wait3A_1106 = arith.constant 0 : i32
      %dma_wait3A_1107 = arith.constant 0 : i32
      %dma_wait3A_1108 = tpu.memref_slice %arg12[%dma_wait3A_1105, %dma_wait3A_1106, %dma_wait3A_1107] : memref<8x40x128xf32, #tpu.memory_space<vmem>> -> memref<1x40x128xf32, #tpu.memory_space<vmem>>
      %dma_wait3A_1109 = tpu.memref_squeeze %dma_wait3A_1108 : memref<1x40x128xf32, #tpu.memory_space<vmem>> -> memref<40x128xf32, #tpu.memory_space<vmem>>
      %dma_wait3A_1110 = arith.constant 0 : i32
      %dma_wait3A_1111 = tpu.memref_slice %arg15[%mul3A_1104, %dma_wait3A_1110] : memref<10000x128xf32, #tpu.memory_space<vmem_shared>> -> memref<40x128xf32, #tpu.memory_space<vmem_shared>>
      %dma_wait3A_1112 = arith.constant 0 : i32
      %dma_wait3A_1113 = tpu.memref_slice %arg15[%mul3A_1104, %dma_wait3A_1112] : memref<10000x128xf32, #tpu.memory_space<vmem_shared>> -> memref<40x128xf32, #tpu.memory_space<vmem_shared>>
      %dma_wait3A_1114 = arith.constant 0 : i32
      %dma_wait3A_1115 = arith.constant 0 : i32
      %dma_wait3A_1116 = tpu.memref_slice %arg12[%dma_wait3A_1105, %dma_wait3A_1114, %dma_wait3A_1115] : memref<8x40x128xf32, #tpu.memory_space<vmem>> -> memref<1x40x128xf32, #tpu.memory_space<vmem>>
      %dma_wait3A_1117 = tpu.memref_squeeze %dma_wait3A_1116 : memref<1x40x128xf32, #tpu.memory_space<vmem>> -> memref<40x128xf32, #tpu.memory_space<vmem>>
      tpu.wait_dma2 semaphore(%arg20 : memref<!tpu.dma_semaphore, #tpu.memory_space<semaphore_mem>>) src(%dma_wait3A_1117 : memref<40x128xf32, #tpu.memory_space<vmem>>) dst(%dma_wait3A_1113 : memref<40x128xf32, #tpu.memory_space<vmem_shared>>)
      %dma_wait3A_1118 = arith.constant 0 : i32
      %dma_wait3A_1119 = arith.constant 0 : i32
      %dma_wait3A_1120 = tpu.memref_slice %arg13[%dma_wait3A_1118, %dma_wait3A_1119] : memref<16x40xf32, #tpu.memory_space<vmem>> -> memref<1x40xf32, #tpu.memory_space<vmem>>
      %dma_wait3A_1121 = tpu.memref_squeeze %dma_wait3A_1120 : memref<1x40xf32, #tpu.memory_space<vmem>> -> memref<40xf32, #tpu.memory_space<vmem>>
      %dma_wait3A_1122 = tpu.memref_slice %arg16[%mul3A_1104] : memref<10000xf32, #tpu.memory_space<vmem_shared>> -> memref<40xf32, #tpu.memory_space<vmem_shared>>
      %dma_wait3A_1123 = tpu.memref_slice %arg16[%mul3A_1104] : memref<10000xf32, #tpu.memory_space<vmem_shared>> -> memref<40xf32, #tpu.memory_space<vmem_shared>>
      %dma_wait3A_1124 = arith.constant 0 : i32
      %dma_wait3A_1125 = tpu.memref_slice %arg13[%dma_wait3A_1118, %dma_wait3A_1124] : memref<16x40xf32, #tpu.memory_space<vmem>> -> memref<1x40xf32, #tpu.memory_space<vmem>>
      %dma_wait3A_1126 = tpu.memref_squeeze %dma_wait3A_1125 : memref<1x40xf32, #tpu.memory_space<vmem>> -> memref<40xf32, #tpu.memory_space<vmem>>
      tpu.wait_dma2 semaphore(%arg20 : memref<!tpu.dma_semaphore, #tpu.memory_space<semaphore_mem>>) src(%dma_wait3A_1126 : memref<40xf32, #tpu.memory_space<vmem>>) dst(%dma_wait3A_1123 : memref<40xf32, #tpu.memory_space<vmem_shared>>)
    } else {
    }
    %add3A_208 = arith.constant 160 : i32
    %add3A_209 = arith.addi %arg1, %add3A_208 : i32
    %lt3A_210 = arith.constant 250 : i32
    %lt3A_211 = arith.cmpi slt, %add3A_209, %lt3A_210 : i32
    %convert_element_type3A_212 = arith.extui %lt3A_211 : i1 to i32
    %cond3A_213 = arith.constant 0 : i32
    %cond3A_214 = arith.cmpi ne, %convert_element_type3A_212, %cond3A_213 : i32
    scf.if %cond3A_214 {
      %mul3A_1103 = arith.constant 40 : i32
      %mul3A_1104 = arith.muli %add3A_209, %mul3A_1103 : i32
      %dma_wait3A_1105 = arith.constant 0 : i32
      %dma_wait3A_1106 = arith.constant 0 : i32
      %dma_wait3A_1107 = arith.constant 0 : i32
      %dma_wait3A_1108 = tpu.memref_slice %arg12[%dma_wait3A_1105, %dma_wait3A_1106, %dma_wait3A_1107] : memref<8x40x128xf32, #tpu.memory_space<vmem>> -> memref<1x40x128xf32, #tpu.memory_space<vmem>>
      %dma_wait3A_1109 = tpu.memref_squeeze %dma_wait3A_1108 : memref<1x40x128xf32, #tpu.memory_space<vmem>> -> memref<40x128xf32, #tpu.memory_space<vmem>>
      %dma_wait3A_1110 = arith.constant 0 : i32
      %dma_wait3A_1111 = tpu.memref_slice %arg15[%mul3A_1104, %dma_wait3A_1110] : memref<10000x128xf32, #tpu.memory_space<vmem_shared>> -> memref<40x128xf32, #tpu.memory_space<vmem_shared>>
      %dma_wait3A_1112 = arith.constant 0 : i32
      %dma_wait3A_1113 = tpu.memref_slice %arg15[%mul3A_1104, %dma_wait3A_1112] : memref<10000x128xf32, #tpu.memory_space<vmem_shared>> -> memref<40x128xf32, #tpu.memory_space<vmem_shared>>
      %dma_wait3A_1114 = arith.constant 0 : i32
      %dma_wait3A_1115 = arith.constant 0 : i32
      %dma_wait3A_1116 = tpu.memref_slice %arg12[%dma_wait3A_1105, %dma_wait3A_1114, %dma_wait3A_1115] : memref<8x40x128xf32, #tpu.memory_space<vmem>> -> memref<1x40x128xf32, #tpu.memory_space<vmem>>
      %dma_wait3A_1117 = tpu.memref_squeeze %dma_wait3A_1116 : memref<1x40x128xf32, #tpu.memory_space<vmem>> -> memref<40x128xf32, #tpu.memory_space<vmem>>
      tpu.wait_dma2 semaphore(%arg20 : memref<!tpu.dma_semaphore, #tpu.memory_space<semaphore_mem>>) src(%dma_wait3A_1117 : memref<40x128xf32, #tpu.memory_space<vmem>>) dst(%dma_wait3A_1113 : memref<40x128xf32, #tpu.memory_space<vmem_shared>>)
      %dma_wait3A_1118 = arith.constant 0 : i32
      %dma_wait3A_1119 = arith.constant 0 : i32
      %dma_wait3A_1120 = tpu.memref_slice %arg13[%dma_wait3A_1118, %dma_wait3A_1119] : memref<16x40xf32, #tpu.memory_space<vmem>> -> memref<1x40xf32, #tpu.memory_space<vmem>>
      %dma_wait3A_1121 = tpu.memref_squeeze %dma_wait3A_1120 : memref<1x40xf32, #tpu.memory_space<vmem>> -> memref<40xf32, #tpu.memory_space<vmem>>
      %dma_wait3A_1122 = tpu.memref_slice %arg16[%mul3A_1104] : memref<10000xf32, #tpu.memory_space<vmem_shared>> -> memref<40xf32, #tpu.memory_space<vmem_shared>>
      %dma_wait3A_1123 = tpu.memref_slice %arg16[%mul3A_1104] : memref<10000xf32, #tpu.memory_space<vmem_shared>> -> memref<40xf32, #tpu.memory_space<vmem_shared>>
      %dma_wait3A_1124 = arith.constant 0 : i32
      %dma_wait3A_1125 = tpu.memref_slice %arg13[%dma_wait3A_1118, %dma_wait3A_1124] : memref<16x40xf32, #tpu.memory_space<vmem>> -> memref<1x40xf32, #tpu.memory_space<vmem>>
      %dma_wait3A_1126 = tpu.memref_squeeze %dma_wait3A_1125 : memref<1x40xf32, #tpu.memory_space<vmem>> -> memref<40xf32, #tpu.memory_space<vmem>>
      tpu.wait_dma2 semaphore(%arg20 : memref<!tpu.dma_semaphore, #tpu.memory_space<semaphore_mem>>) src(%dma_wait3A_1126 : memref<40xf32, #tpu.memory_space<vmem>>) dst(%dma_wait3A_1123 : memref<40xf32, #tpu.memory_space<vmem_shared>>)
    } else {
    }
    %add3A_215 = arith.constant 176 : i32
    %add3A_216 = arith.addi %arg1, %add3A_215 : i32
    %lt3A_217 = arith.constant 250 : i32
    %lt3A_218 = arith.cmpi slt, %add3A_216, %lt3A_217 : i32
    %convert_element_type3A_219 = arith.extui %lt3A_218 : i1 to i32
    %cond3A_220 = arith.constant 0 : i32
    %cond3A_221 = arith.cmpi ne, %convert_element_type3A_219, %cond3A_220 : i32
    scf.if %cond3A_221 {
      %mul3A_1103 = arith.constant 40 : i32
      %mul3A_1104 = arith.muli %add3A_216, %mul3A_1103 : i32
      %dma_wait3A_1105 = arith.constant 0 : i32
      %dma_wait3A_1106 = arith.constant 0 : i32
      %dma_wait3A_1107 = arith.constant 0 : i32
      %dma_wait3A_1108 = tpu.memref_slice %arg12[%dma_wait3A_1105, %dma_wait3A_1106, %dma_wait3A_1107] : memref<8x40x128xf32, #tpu.memory_space<vmem>> -> memref<1x40x128xf32, #tpu.memory_space<vmem>>
      %dma_wait3A_1109 = tpu.memref_squeeze %dma_wait3A_1108 : memref<1x40x128xf32, #tpu.memory_space<vmem>> -> memref<40x128xf32, #tpu.memory_space<vmem>>
      %dma_wait3A_1110 = arith.constant 0 : i32
      %dma_wait3A_1111 = tpu.memref_slice %arg15[%mul3A_1104, %dma_wait3A_1110] : memref<10000x128xf32, #tpu.memory_space<vmem_shared>> -> memref<40x128xf32, #tpu.memory_space<vmem_shared>>
      %dma_wait3A_1112 = arith.constant 0 : i32
      %dma_wait3A_1113 = tpu.memref_slice %arg15[%mul3A_1104, %dma_wait3A_1112] : memref<10000x128xf32, #tpu.memory_space<vmem_shared>> -> memref<40x128xf32, #tpu.memory_space<vmem_shared>>
      %dma_wait3A_1114 = arith.constant 0 : i32
      %dma_wait3A_1115 = arith.constant 0 : i32
      %dma_wait3A_1116 = tpu.memref_slice %arg12[%dma_wait3A_1105, %dma_wait3A_1114, %dma_wait3A_1115] : memref<8x40x128xf32, #tpu.memory_space<vmem>> -> memref<1x40x128xf32, #tpu.memory_space<vmem>>
      %dma_wait3A_1117 = tpu.memref_squeeze %dma_wait3A_1116 : memref<1x40x128xf32, #tpu.memory_space<vmem>> -> memref<40x128xf32, #tpu.memory_space<vmem>>
      tpu.wait_dma2 semaphore(%arg20 : memref<!tpu.dma_semaphore, #tpu.memory_space<semaphore_mem>>) src(%dma_wait3A_1117 : memref<40x128xf32, #tpu.memory_space<vmem>>) dst(%dma_wait3A_1113 : memref<40x128xf32, #tpu.memory_space<vmem_shared>>)
      %dma_wait3A_1118 = arith.constant 0 : i32
      %dma_wait3A_1119 = arith.constant 0 : i32
      %dma_wait3A_1120 = tpu.memref_slice %arg13[%dma_wait3A_1118, %dma_wait3A_1119] : memref<16x40xf32, #tpu.memory_space<vmem>> -> memref<1x40xf32, #tpu.memory_space<vmem>>
      %dma_wait3A_1121 = tpu.memref_squeeze %dma_wait3A_1120 : memref<1x40xf32, #tpu.memory_space<vmem>> -> memref<40xf32, #tpu.memory_space<vmem>>
      %dma_wait3A_1122 = tpu.memref_slice %arg16[%mul3A_1104] : memref<10000xf32, #tpu.memory_space<vmem_shared>> -> memref<40xf32, #tpu.memory_space<vmem_shared>>
      %dma_wait3A_1123 = tpu.memref_slice %arg16[%mul3A_1104] : memref<10000xf32, #tpu.memory_space<vmem_shared>> -> memref<40xf32, #tpu.memory_space<vmem_shared>>
      %dma_wait3A_1124 = arith.constant 0 : i32
      %dma_wait3A_1125 = tpu.memref_slice %arg13[%dma_wait3A_1118, %dma_wait3A_1124] : memref<16x40xf32, #tpu.memory_space<vmem>> -> memref<1x40xf32, #tpu.memory_space<vmem>>
      %dma_wait3A_1126 = tpu.memref_squeeze %dma_wait3A_1125 : memref<1x40xf32, #tpu.memory_space<vmem>> -> memref<40xf32, #tpu.memory_space<vmem>>
      tpu.wait_dma2 semaphore(%arg20 : memref<!tpu.dma_semaphore, #tpu.memory_space<semaphore_mem>>) src(%dma_wait3A_1126 : memref<40xf32, #tpu.memory_space<vmem>>) dst(%dma_wait3A_1123 : memref<40xf32, #tpu.memory_space<vmem_shared>>)
    } else {
    }
    %add3A_222 = arith.constant 192 : i32
    %add3A_223 = arith.addi %arg1, %add3A_222 : i32
    %lt3A_224 = arith.constant 250 : i32
    %lt3A_225 = arith.cmpi slt, %add3A_223, %lt3A_224 : i32
    %convert_element_type3A_226 = arith.extui %lt3A_225 : i1 to i32
    %cond3A_227 = arith.constant 0 : i32
    %cond3A_228 = arith.cmpi ne, %convert_element_type3A_226, %cond3A_227 : i32
    scf.if %cond3A_228 {
      %mul3A_1103 = arith.constant 40 : i32
      %mul3A_1104 = arith.muli %add3A_223, %mul3A_1103 : i32
      %dma_wait3A_1105 = arith.constant 0 : i32
      %dma_wait3A_1106 = arith.constant 0 : i32
      %dma_wait3A_1107 = arith.constant 0 : i32
      %dma_wait3A_1108 = tpu.memref_slice %arg12[%dma_wait3A_1105, %dma_wait3A_1106, %dma_wait3A_1107] : memref<8x40x128xf32, #tpu.memory_space<vmem>> -> memref<1x40x128xf32, #tpu.memory_space<vmem>>
      %dma_wait3A_1109 = tpu.memref_squeeze %dma_wait3A_1108 : memref<1x40x128xf32, #tpu.memory_space<vmem>> -> memref<40x128xf32, #tpu.memory_space<vmem>>
      %dma_wait3A_1110 = arith.constant 0 : i32
      %dma_wait3A_1111 = tpu.memref_slice %arg15[%mul3A_1104, %dma_wait3A_1110] : memref<10000x128xf32, #tpu.memory_space<vmem_shared>> -> memref<40x128xf32, #tpu.memory_space<vmem_shared>>
      %dma_wait3A_1112 = arith.constant 0 : i32
      %dma_wait3A_1113 = tpu.memref_slice %arg15[%mul3A_1104, %dma_wait3A_1112] : memref<10000x128xf32, #tpu.memory_space<vmem_shared>> -> memref<40x128xf32, #tpu.memory_space<vmem_shared>>
      %dma_wait3A_1114 = arith.constant 0 : i32
      %dma_wait3A_1115 = arith.constant 0 : i32
      %dma_wait3A_1116 = tpu.memref_slice %arg12[%dma_wait3A_1105, %dma_wait3A_1114, %dma_wait3A_1115] : memref<8x40x128xf32, #tpu.memory_space<vmem>> -> memref<1x40x128xf32, #tpu.memory_space<vmem>>
      %dma_wait3A_1117 = tpu.memref_squeeze %dma_wait3A_1116 : memref<1x40x128xf32, #tpu.memory_space<vmem>> -> memref<40x128xf32, #tpu.memory_space<vmem>>
      tpu.wait_dma2 semaphore(%arg20 : memref<!tpu.dma_semaphore, #tpu.memory_space<semaphore_mem>>) src(%dma_wait3A_1117 : memref<40x128xf32, #tpu.memory_space<vmem>>) dst(%dma_wait3A_1113 : memref<40x128xf32, #tpu.memory_space<vmem_shared>>)
      %dma_wait3A_1118 = arith.constant 0 : i32
      %dma_wait3A_1119 = arith.constant 0 : i32
      %dma_wait3A_1120 = tpu.memref_slice %arg13[%dma_wait3A_1118, %dma_wait3A_1119] : memref<16x40xf32, #tpu.memory_space<vmem>> -> memref<1x40xf32, #tpu.memory_space<vmem>>
      %dma_wait3A_1121 = tpu.memref_squeeze %dma_wait3A_1120 : memref<1x40xf32, #tpu.memory_space<vmem>> -> memref<40xf32, #tpu.memory_space<vmem>>
      %dma_wait3A_1122 = tpu.memref_slice %arg16[%mul3A_1104] : memref<10000xf32, #tpu.memory_space<vmem_shared>> -> memref<40xf32, #tpu.memory_space<vmem_shared>>
      %dma_wait3A_1123 = tpu.memref_slice %arg16[%mul3A_1104] : memref<10000xf32, #tpu.memory_space<vmem_shared>> -> memref<40xf32, #tpu.memory_space<vmem_shared>>
      %dma_wait3A_1124 = arith.constant 0 : i32
      %dma_wait3A_1125 = tpu.memref_slice %arg13[%dma_wait3A_1118, %dma_wait3A_1124] : memref<16x40xf32, #tpu.memory_space<vmem>> -> memref<1x40xf32, #tpu.memory_space<vmem>>
      %dma_wait3A_1126 = tpu.memref_squeeze %dma_wait3A_1125 : memref<1x40xf32, #tpu.memory_space<vmem>> -> memref<40xf32, #tpu.memory_space<vmem>>
      tpu.wait_dma2 semaphore(%arg20 : memref<!tpu.dma_semaphore, #tpu.memory_space<semaphore_mem>>) src(%dma_wait3A_1126 : memref<40xf32, #tpu.memory_space<vmem>>) dst(%dma_wait3A_1123 : memref<40xf32, #tpu.memory_space<vmem_shared>>)
    } else {
    }
    %add3A_229 = arith.constant 208 : i32
    %add3A_230 = arith.addi %arg1, %add3A_229 : i32
    %lt3A_231 = arith.constant 250 : i32
    %lt3A_232 = arith.cmpi slt, %add3A_230, %lt3A_231 : i32
    %convert_element_type3A_233 = arith.extui %lt3A_232 : i1 to i32
    %cond3A_234 = arith.constant 0 : i32
    %cond3A_235 = arith.cmpi ne, %convert_element_type3A_233, %cond3A_234 : i32
    scf.if %cond3A_235 {
      %mul3A_1103 = arith.constant 40 : i32
      %mul3A_1104 = arith.muli %add3A_230, %mul3A_1103 : i32
      %dma_wait3A_1105 = arith.constant 0 : i32
      %dma_wait3A_1106 = arith.constant 0 : i32
      %dma_wait3A_1107 = arith.constant 0 : i32
      %dma_wait3A_1108 = tpu.memref_slice %arg12[%dma_wait3A_1105, %dma_wait3A_1106, %dma_wait3A_1107] : memref<8x40x128xf32, #tpu.memory_space<vmem>> -> memref<1x40x128xf32, #tpu.memory_space<vmem>>
      %dma_wait3A_1109 = tpu.memref_squeeze %dma_wait3A_1108 : memref<1x40x128xf32, #tpu.memory_space<vmem>> -> memref<40x128xf32, #tpu.memory_space<vmem>>
      %dma_wait3A_1110 = arith.constant 0 : i32
      %dma_wait3A_1111 = tpu.memref_slice %arg15[%mul3A_1104, %dma_wait3A_1110] : memref<10000x128xf32, #tpu.memory_space<vmem_shared>> -> memref<40x128xf32, #tpu.memory_space<vmem_shared>>
      %dma_wait3A_1112 = arith.constant 0 : i32
      %dma_wait3A_1113 = tpu.memref_slice %arg15[%mul3A_1104, %dma_wait3A_1112] : memref<10000x128xf32, #tpu.memory_space<vmem_shared>> -> memref<40x128xf32, #tpu.memory_space<vmem_shared>>
      %dma_wait3A_1114 = arith.constant 0 : i32
      %dma_wait3A_1115 = arith.constant 0 : i32
      %dma_wait3A_1116 = tpu.memref_slice %arg12[%dma_wait3A_1105, %dma_wait3A_1114, %dma_wait3A_1115] : memref<8x40x128xf32, #tpu.memory_space<vmem>> -> memref<1x40x128xf32, #tpu.memory_space<vmem>>
      %dma_wait3A_1117 = tpu.memref_squeeze %dma_wait3A_1116 : memref<1x40x128xf32, #tpu.memory_space<vmem>> -> memref<40x128xf32, #tpu.memory_space<vmem>>
      tpu.wait_dma2 semaphore(%arg20 : memref<!tpu.dma_semaphore, #tpu.memory_space<semaphore_mem>>) src(%dma_wait3A_1117 : memref<40x128xf32, #tpu.memory_space<vmem>>) dst(%dma_wait3A_1113 : memref<40x128xf32, #tpu.memory_space<vmem_shared>>)
      %dma_wait3A_1118 = arith.constant 0 : i32
      %dma_wait3A_1119 = arith.constant 0 : i32
      %dma_wait3A_1120 = tpu.memref_slice %arg13[%dma_wait3A_1118, %dma_wait3A_1119] : memref<16x40xf32, #tpu.memory_space<vmem>> -> memref<1x40xf32, #tpu.memory_space<vmem>>
      %dma_wait3A_1121 = tpu.memref_squeeze %dma_wait3A_1120 : memref<1x40xf32, #tpu.memory_space<vmem>> -> memref<40xf32, #tpu.memory_space<vmem>>
      %dma_wait3A_1122 = tpu.memref_slice %arg16[%mul3A_1104] : memref<10000xf32, #tpu.memory_space<vmem_shared>> -> memref<40xf32, #tpu.memory_space<vmem_shared>>
      %dma_wait3A_1123 = tpu.memref_slice %arg16[%mul3A_1104] : memref<10000xf32, #tpu.memory_space<vmem_shared>> -> memref<40xf32, #tpu.memory_space<vmem_shared>>
      %dma_wait3A_1124 = arith.constant 0 : i32
      %dma_wait3A_1125 = tpu.memref_slice %arg13[%dma_wait3A_1118, %dma_wait3A_1124] : memref<16x40xf32, #tpu.memory_space<vmem>> -> memref<1x40xf32, #tpu.memory_space<vmem>>
      %dma_wait3A_1126 = tpu.memref_squeeze %dma_wait3A_1125 : memref<1x40xf32, #tpu.memory_space<vmem>> -> memref<40xf32, #tpu.memory_space<vmem>>
      tpu.wait_dma2 semaphore(%arg20 : memref<!tpu.dma_semaphore, #tpu.memory_space<semaphore_mem>>) src(%dma_wait3A_1126 : memref<40xf32, #tpu.memory_space<vmem>>) dst(%dma_wait3A_1123 : memref<40xf32, #tpu.memory_space<vmem_shared>>)
    } else {
    }
    %add3A_236 = arith.constant 224 : i32
    %add3A_237 = arith.addi %arg1, %add3A_236 : i32
    %lt3A_238 = arith.constant 250 : i32
    %lt3A_239 = arith.cmpi slt, %add3A_237, %lt3A_238 : i32
    %convert_element_type3A_240 = arith.extui %lt3A_239 : i1 to i32
    %cond3A_241 = arith.constant 0 : i32
    %cond3A_242 = arith.cmpi ne, %convert_element_type3A_240, %cond3A_241 : i32
    scf.if %cond3A_242 {
      %mul3A_1103 = arith.constant 40 : i32
      %mul3A_1104 = arith.muli %add3A_237, %mul3A_1103 : i32
      %dma_wait3A_1105 = arith.constant 0 : i32
      %dma_wait3A_1106 = arith.constant 0 : i32
      %dma_wait3A_1107 = arith.constant 0 : i32
      %dma_wait3A_1108 = tpu.memref_slice %arg12[%dma_wait3A_1105, %dma_wait3A_1106, %dma_wait3A_1107] : memref<8x40x128xf32, #tpu.memory_space<vmem>> -> memref<1x40x128xf32, #tpu.memory_space<vmem>>
      %dma_wait3A_1109 = tpu.memref_squeeze %dma_wait3A_1108 : memref<1x40x128xf32, #tpu.memory_space<vmem>> -> memref<40x128xf32, #tpu.memory_space<vmem>>
      %dma_wait3A_1110 = arith.constant 0 : i32
      %dma_wait3A_1111 = tpu.memref_slice %arg15[%mul3A_1104, %dma_wait3A_1110] : memref<10000x128xf32, #tpu.memory_space<vmem_shared>> -> memref<40x128xf32, #tpu.memory_space<vmem_shared>>
      %dma_wait3A_1112 = arith.constant 0 : i32
      %dma_wait3A_1113 = tpu.memref_slice %arg15[%mul3A_1104, %dma_wait3A_1112] : memref<10000x128xf32, #tpu.memory_space<vmem_shared>> -> memref<40x128xf32, #tpu.memory_space<vmem_shared>>
      %dma_wait3A_1114 = arith.constant 0 : i32
      %dma_wait3A_1115 = arith.constant 0 : i32
      %dma_wait3A_1116 = tpu.memref_slice %arg12[%dma_wait3A_1105, %dma_wait3A_1114, %dma_wait3A_1115] : memref<8x40x128xf32, #tpu.memory_space<vmem>> -> memref<1x40x128xf32, #tpu.memory_space<vmem>>
      %dma_wait3A_1117 = tpu.memref_squeeze %dma_wait3A_1116 : memref<1x40x128xf32, #tpu.memory_space<vmem>> -> memref<40x128xf32, #tpu.memory_space<vmem>>
      tpu.wait_dma2 semaphore(%arg20 : memref<!tpu.dma_semaphore, #tpu.memory_space<semaphore_mem>>) src(%dma_wait3A_1117 : memref<40x128xf32, #tpu.memory_space<vmem>>) dst(%dma_wait3A_1113 : memref<40x128xf32, #tpu.memory_space<vmem_shared>>)
      %dma_wait3A_1118 = arith.constant 0 : i32
      %dma_wait3A_1119 = arith.constant 0 : i32
      %dma_wait3A_1120 = tpu.memref_slice %arg13[%dma_wait3A_1118, %dma_wait3A_1119] : memref<16x40xf32, #tpu.memory_space<vmem>> -> memref<1x40xf32, #tpu.memory_space<vmem>>
      %dma_wait3A_1121 = tpu.memref_squeeze %dma_wait3A_1120 : memref<1x40xf32, #tpu.memory_space<vmem>> -> memref<40xf32, #tpu.memory_space<vmem>>
      %dma_wait3A_1122 = tpu.memref_slice %arg16[%mul3A_1104] : memref<10000xf32, #tpu.memory_space<vmem_shared>> -> memref<40xf32, #tpu.memory_space<vmem_shared>>
      %dma_wait3A_1123 = tpu.memref_slice %arg16[%mul3A_1104] : memref<10000xf32, #tpu.memory_space<vmem_shared>> -> memref<40xf32, #tpu.memory_space<vmem_shared>>
      %dma_wait3A_1124 = arith.constant 0 : i32
      %dma_wait3A_1125 = tpu.memref_slice %arg13[%dma_wait3A_1118, %dma_wait3A_1124] : memref<16x40xf32, #tpu.memory_space<vmem>> -> memref<1x40xf32, #tpu.memory_space<vmem>>
      %dma_wait3A_1126 = tpu.memref_squeeze %dma_wait3A_1125 : memref<1x40xf32, #tpu.memory_space<vmem>> -> memref<40xf32, #tpu.memory_space<vmem>>
      tpu.wait_dma2 semaphore(%arg20 : memref<!tpu.dma_semaphore, #tpu.memory_space<semaphore_mem>>) src(%dma_wait3A_1126 : memref<40xf32, #tpu.memory_space<vmem>>) dst(%dma_wait3A_1123 : memref<40xf32, #tpu.memory_space<vmem_shared>>)
    } else {
    }
    %add3A_243 = arith.constant 240 : i32
    %add3A_244 = arith.addi %arg1, %add3A_243 : i32
    %lt3A_245 = arith.constant 250 : i32
    %lt3A_246 = arith.cmpi slt, %add3A_244, %lt3A_245 : i32
    %convert_element_type3A_247 = arith.extui %lt3A_246 : i1 to i32
    %cond3A_248 = arith.constant 0 : i32
    %cond3A_249 = arith.cmpi ne, %convert_element_type3A_247, %cond3A_248 : i32
    scf.if %cond3A_249 {
      %mul3A_1103 = arith.constant 40 : i32
      %mul3A_1104 = arith.muli %add3A_244, %mul3A_1103 : i32
      %dma_wait3A_1105 = arith.constant 0 : i32
      %dma_wait3A_1106 = arith.constant 0 : i32
      %dma_wait3A_1107 = arith.constant 0 : i32
      %dma_wait3A_1108 = tpu.memref_slice %arg12[%dma_wait3A_1105, %dma_wait3A_1106, %dma_wait3A_1107] : memref<8x40x128xf32, #tpu.memory_space<vmem>> -> memref<1x40x128xf32, #tpu.memory_space<vmem>>
      %dma_wait3A_1109 = tpu.memref_squeeze %dma_wait3A_1108 : memref<1x40x128xf32, #tpu.memory_space<vmem>> -> memref<40x128xf32, #tpu.memory_space<vmem>>
      %dma_wait3A_1110 = arith.constant 0 : i32
      %dma_wait3A_1111 = tpu.memref_slice %arg15[%mul3A_1104, %dma_wait3A_1110] : memref<10000x128xf32, #tpu.memory_space<vmem_shared>> -> memref<40x128xf32, #tpu.memory_space<vmem_shared>>
      %dma_wait3A_1112 = arith.constant 0 : i32
      %dma_wait3A_1113 = tpu.memref_slice %arg15[%mul3A_1104, %dma_wait3A_1112] : memref<10000x128xf32, #tpu.memory_space<vmem_shared>> -> memref<40x128xf32, #tpu.memory_space<vmem_shared>>
      %dma_wait3A_1114 = arith.constant 0 : i32
      %dma_wait3A_1115 = arith.constant 0 : i32
      %dma_wait3A_1116 = tpu.memref_slice %arg12[%dma_wait3A_1105, %dma_wait3A_1114, %dma_wait3A_1115] : memref<8x40x128xf32, #tpu.memory_space<vmem>> -> memref<1x40x128xf32, #tpu.memory_space<vmem>>
      %dma_wait3A_1117 = tpu.memref_squeeze %dma_wait3A_1116 : memref<1x40x128xf32, #tpu.memory_space<vmem>> -> memref<40x128xf32, #tpu.memory_space<vmem>>
      tpu.wait_dma2 semaphore(%arg20 : memref<!tpu.dma_semaphore, #tpu.memory_space<semaphore_mem>>) src(%dma_wait3A_1117 : memref<40x128xf32, #tpu.memory_space<vmem>>) dst(%dma_wait3A_1113 : memref<40x128xf32, #tpu.memory_space<vmem_shared>>)
      %dma_wait3A_1118 = arith.constant 0 : i32
      %dma_wait3A_1119 = arith.constant 0 : i32
      %dma_wait3A_1120 = tpu.memref_slice %arg13[%dma_wait3A_1118, %dma_wait3A_1119] : memref<16x40xf32, #tpu.memory_space<vmem>> -> memref<1x40xf32, #tpu.memory_space<vmem>>
      %dma_wait3A_1121 = tpu.memref_squeeze %dma_wait3A_1120 : memref<1x40xf32, #tpu.memory_space<vmem>> -> memref<40xf32, #tpu.memory_space<vmem>>
      %dma_wait3A_1122 = tpu.memref_slice %arg16[%mul3A_1104] : memref<10000xf32, #tpu.memory_space<vmem_shared>> -> memref<40xf32, #tpu.memory_space<vmem_shared>>
      %dma_wait3A_1123 = tpu.memref_slice %arg16[%mul3A_1104] : memref<10000xf32, #tpu.memory_space<vmem_shared>> -> memref<40xf32, #tpu.memory_space<vmem_shared>>
      %dma_wait3A_1124 = arith.constant 0 : i32
      %dma_wait3A_1125 = tpu.memref_slice %arg13[%dma_wait3A_1118, %dma_wait3A_1124] : memref<16x40xf32, #tpu.memory_space<vmem>> -> memref<1x40xf32, #tpu.memory_space<vmem>>
      %dma_wait3A_1126 = tpu.memref_squeeze %dma_wait3A_1125 : memref<1x40xf32, #tpu.memory_space<vmem>> -> memref<40xf32, #tpu.memory_space<vmem>>
      tpu.wait_dma2 semaphore(%arg20 : memref<!tpu.dma_semaphore, #tpu.memory_space<semaphore_mem>>) src(%dma_wait3A_1126 : memref<40xf32, #tpu.memory_space<vmem>>) dst(%dma_wait3A_1123 : memref<40xf32, #tpu.memory_space<vmem_shared>>)
    } else {
    }
    %barrier3A = arith.constant 0 : index
    tpu.barrier barrier_id(%barrier3A)
    %mul3A = arith.constant 16 : i32
    %mul3A_250 = arith.muli %arg0, %mul3A : i32
    %add3A_251 = arith.addi %mul3A_250, %arg1 : i32
    %mul3A_252 = arith.constant 10000 : i32
    %mul3A_253 = arith.muli %add3A_251, %mul3A_252 : i32
    %rem3A = arith.constant 0 : i32
    %rem3A_254 = arith.constant 12 : i32
    %rem3A_255 = arith.remsi %rem3A, %rem3A_254 : i32
    %add3A_256 = arith.constant 0 : i32
    %add3A_257 = arith.addi %mul3A_253, %add3A_256 : i32
    %dma_start3A_258 = arith.constant 0 : i32
    %dma_start3A_259 = tpu.memref_slice %arg10[%rem3A_255, %dma_start3A_258] : memref<12x40xi32, #tpu.memory_space<vmem>> -> memref<1x40xi32, #tpu.memory_space<vmem>>
    %dma_start3A_260 = tpu.memref_squeeze %dma_start3A_259 : memref<1x40xi32, #tpu.memory_space<vmem>> -> memref<40xi32, #tpu.memory_space<vmem>>
    %dma_start3A_261 = tpu.memref_slice %arg3[%add3A_257] : memref<640000xi32, #tpu.memory_space<hbm>> -> memref<40xi32, #tpu.memory_space<hbm>>
    %dma_start3A_262 = tpu.memref_slice %arg17[%rem3A_255] : memref<12x!tpu.dma_semaphore, #tpu.memory_space<semaphore_mem>> -> memref<1x!tpu.dma_semaphore, #tpu.memory_space<semaphore_mem>>
    %dma_start3A_263 = tpu.memref_squeeze %dma_start3A_262 : memref<1x!tpu.dma_semaphore, #tpu.memory_space<semaphore_mem>> -> memref<!tpu.dma_semaphore, #tpu.memory_space<semaphore_mem>>
    %dma_start3A_264 = arith.constant 0 : i32
    %dma_start3A_265 = tpu.memref_slice %arg10[%rem3A_255, %dma_start3A_264] : memref<12x40xi32, #tpu.memory_space<vmem>> -> memref<1x40xi32, #tpu.memory_space<vmem>>
    %dma_start3A_266 = tpu.memref_squeeze %dma_start3A_265 : memref<1x40xi32, #tpu.memory_space<vmem>> -> memref<40xi32, #tpu.memory_space<vmem>>
    %dma_start3A_267 = tpu.memref_slice %arg3[%add3A_257] : memref<640000xi32, #tpu.memory_space<hbm>> -> memref<40xi32, #tpu.memory_space<hbm>>
    tpu.enqueue_dma source(%dma_start3A_267 : memref<40xi32, #tpu.memory_space<hbm>>) target(%dma_start3A_266 : memref<40xi32, #tpu.memory_space<vmem>>) target_semaphore(%dma_start3A_263 : memref<!tpu.dma_semaphore, #tpu.memory_space<semaphore_mem>>)
    %add3A_268 = arith.constant 320000 : i32
    %add3A_269 = arith.addi %add3A_268, %add3A_257 : i32
    %dma_start3A_270 = arith.constant 0 : i32
    %dma_start3A_271 = tpu.memref_slice %arg11[%rem3A_255, %dma_start3A_270] : memref<12x40xi32, #tpu.memory_space<vmem>> -> memref<1x40xi32, #tpu.memory_space<vmem>>
    %dma_start3A_272 = tpu.memref_squeeze %dma_start3A_271 : memref<1x40xi32, #tpu.memory_space<vmem>> -> memref<40xi32, #tpu.memory_space<vmem>>
    %dma_start3A_273 = tpu.memref_slice %arg3[%add3A_269] : memref<640000xi32, #tpu.memory_space<hbm>> -> memref<40xi32, #tpu.memory_space<hbm>>
    %dma_start3A_274 = tpu.memref_slice %arg17[%rem3A_255] : memref<12x!tpu.dma_semaphore, #tpu.memory_space<semaphore_mem>> -> memref<1x!tpu.dma_semaphore, #tpu.memory_space<semaphore_mem>>
    %dma_start3A_275 = tpu.memref_squeeze %dma_start3A_274 : memref<1x!tpu.dma_semaphore, #tpu.memory_space<semaphore_mem>> -> memref<!tpu.dma_semaphore, #tpu.memory_space<semaphore_mem>>
    %dma_start3A_276 = arith.constant 0 : i32
    %dma_start3A_277 = tpu.memref_slice %arg11[%rem3A_255, %dma_start3A_276] : memref<12x40xi32, #tpu.memory_space<vmem>> -> memref<1x40xi32, #tpu.memory_space<vmem>>
    %dma_start3A_278 = tpu.memref_squeeze %dma_start3A_277 : memref<1x40xi32, #tpu.memory_space<vmem>> -> memref<40xi32, #tpu.memory_space<vmem>>
    %dma_start3A_279 = tpu.memref_slice %arg3[%add3A_269] : memref<640000xi32, #tpu.memory_space<hbm>> -> memref<40xi32, #tpu.memory_space<hbm>>
    tpu.enqueue_dma source(%dma_start3A_279 : memref<40xi32, #tpu.memory_space<hbm>>) target(%dma_start3A_278 : memref<40xi32, #tpu.memory_space<vmem>>) target_semaphore(%dma_start3A_275 : memref<!tpu.dma_semaphore, #tpu.memory_space<semaphore_mem>>)
    %rem3A_280 = arith.constant 1 : i32
    %rem3A_281 = arith.constant 12 : i32
    %rem3A_282 = arith.remsi %rem3A_280, %rem3A_281 : i32
    %add3A_283 = arith.constant 40 : i32
    %add3A_284 = arith.addi %mul3A_253, %add3A_283 : i32
    %dma_start3A_285 = arith.constant 0 : i32
    %dma_start3A_286 = tpu.memref_slice %arg10[%rem3A_282, %dma_start3A_285] : memref<12x40xi32, #tpu.memory_space<vmem>> -> memref<1x40xi32, #tpu.memory_space<vmem>>
    %dma_start3A_287 = tpu.memref_squeeze %dma_start3A_286 : memref<1x40xi32, #tpu.memory_space<vmem>> -> memref<40xi32, #tpu.memory_space<vmem>>
    %dma_start3A_288 = tpu.memref_slice %arg3[%add3A_284] : memref<640000xi32, #tpu.memory_space<hbm>> -> memref<40xi32, #tpu.memory_space<hbm>>
    %dma_start3A_289 = tpu.memref_slice %arg17[%rem3A_282] : memref<12x!tpu.dma_semaphore, #tpu.memory_space<semaphore_mem>> -> memref<1x!tpu.dma_semaphore, #tpu.memory_space<semaphore_mem>>
    %dma_start3A_290 = tpu.memref_squeeze %dma_start3A_289 : memref<1x!tpu.dma_semaphore, #tpu.memory_space<semaphore_mem>> -> memref<!tpu.dma_semaphore, #tpu.memory_space<semaphore_mem>>
    %dma_start3A_291 = arith.constant 0 : i32
    %dma_start3A_292 = tpu.memref_slice %arg10[%rem3A_282, %dma_start3A_291] : memref<12x40xi32, #tpu.memory_space<vmem>> -> memref<1x40xi32, #tpu.memory_space<vmem>>
    %dma_start3A_293 = tpu.memref_squeeze %dma_start3A_292 : memref<1x40xi32, #tpu.memory_space<vmem>> -> memref<40xi32, #tpu.memory_space<vmem>>
    %dma_start3A_294 = tpu.memref_slice %arg3[%add3A_284] : memref<640000xi32, #tpu.memory_space<hbm>> -> memref<40xi32, #tpu.memory_space<hbm>>
    tpu.enqueue_dma source(%dma_start3A_294 : memref<40xi32, #tpu.memory_space<hbm>>) target(%dma_start3A_293 : memref<40xi32, #tpu.memory_space<vmem>>) target_semaphore(%dma_start3A_290 : memref<!tpu.dma_semaphore, #tpu.memory_space<semaphore_mem>>)
    %add3A_295 = arith.constant 320000 : i32
    %add3A_296 = arith.addi %add3A_295, %add3A_284 : i32
    %dma_start3A_297 = arith.constant 0 : i32
    %dma_start3A_298 = tpu.memref_slice %arg11[%rem3A_282, %dma_start3A_297] : memref<12x40xi32, #tpu.memory_space<vmem>> -> memref<1x40xi32, #tpu.memory_space<vmem>>
    %dma_start3A_299 = tpu.memref_squeeze %dma_start3A_298 : memref<1x40xi32, #tpu.memory_space<vmem>> -> memref<40xi32, #tpu.memory_space<vmem>>
    %dma_start3A_300 = tpu.memref_slice %arg3[%add3A_296] : memref<640000xi32, #tpu.memory_space<hbm>> -> memref<40xi32, #tpu.memory_space<hbm>>
    %dma_start3A_301 = tpu.memref_slice %arg17[%rem3A_282] : memref<12x!tpu.dma_semaphore, #tpu.memory_space<semaphore_mem>> -> memref<1x!tpu.dma_semaphore, #tpu.memory_space<semaphore_mem>>
    %dma_start3A_302 = tpu.memref_squeeze %dma_start3A_301 : memref<1x!tpu.dma_semaphore, #tpu.memory_space<semaphore_mem>> -> memref<!tpu.dma_semaphore, #tpu.memory_space<semaphore_mem>>
    %dma_start3A_303 = arith.constant 0 : i32
    %dma_start3A_304 = tpu.memref_slice %arg11[%rem3A_282, %dma_start3A_303] : memref<12x40xi32, #tpu.memory_space<vmem>> -> memref<1x40xi32, #tpu.memory_space<vmem>>
    %dma_start3A_305 = tpu.memref_squeeze %dma_start3A_304 : memref<1x40xi32, #tpu.memory_space<vmem>> -> memref<40xi32, #tpu.memory_space<vmem>>
    %dma_start3A_306 = tpu.memref_slice %arg3[%add3A_296] : memref<640000xi32, #tpu.memory_space<hbm>> -> memref<40xi32, #tpu.memory_space<hbm>>
    tpu.enqueue_dma source(%dma_start3A_306 : memref<40xi32, #tpu.memory_space<hbm>>) target(%dma_start3A_305 : memref<40xi32, #tpu.memory_space<vmem>>) target_semaphore(%dma_start3A_302 : memref<!tpu.dma_semaphore, #tpu.memory_space<semaphore_mem>>)
    %rem3A_307 = arith.constant 2 : i32
    %rem3A_308 = arith.constant 12 : i32
    %rem3A_309 = arith.remsi %rem3A_307, %rem3A_308 : i32
    %add3A_310 = arith.constant 80 : i32
    %add3A_311 = arith.addi %mul3A_253, %add3A_310 : i32
    %dma_start3A_312 = arith.constant 0 : i32
    %dma_start3A_313 = tpu.memref_slice %arg10[%rem3A_309, %dma_start3A_312] : memref<12x40xi32, #tpu.memory_space<vmem>> -> memref<1x40xi32, #tpu.memory_space<vmem>>
    %dma_start3A_314 = tpu.memref_squeeze %dma_start3A_313 : memref<1x40xi32, #tpu.memory_space<vmem>> -> memref<40xi32, #tpu.memory_space<vmem>>
    %dma_start3A_315 = tpu.memref_slice %arg3[%add3A_311] : memref<640000xi32, #tpu.memory_space<hbm>> -> memref<40xi32, #tpu.memory_space<hbm>>
    %dma_start3A_316 = tpu.memref_slice %arg17[%rem3A_309] : memref<12x!tpu.dma_semaphore, #tpu.memory_space<semaphore_mem>> -> memref<1x!tpu.dma_semaphore, #tpu.memory_space<semaphore_mem>>
    %dma_start3A_317 = tpu.memref_squeeze %dma_start3A_316 : memref<1x!tpu.dma_semaphore, #tpu.memory_space<semaphore_mem>> -> memref<!tpu.dma_semaphore, #tpu.memory_space<semaphore_mem>>
    %dma_start3A_318 = arith.constant 0 : i32
    %dma_start3A_319 = tpu.memref_slice %arg10[%rem3A_309, %dma_start3A_318] : memref<12x40xi32, #tpu.memory_space<vmem>> -> memref<1x40xi32, #tpu.memory_space<vmem>>
    %dma_start3A_320 = tpu.memref_squeeze %dma_start3A_319 : memref<1x40xi32, #tpu.memory_space<vmem>> -> memref<40xi32, #tpu.memory_space<vmem>>
    %dma_start3A_321 = tpu.memref_slice %arg3[%add3A_311] : memref<640000xi32, #tpu.memory_space<hbm>> -> memref<40xi32, #tpu.memory_space<hbm>>
    tpu.enqueue_dma source(%dma_start3A_321 : memref<40xi32, #tpu.memory_space<hbm>>) target(%dma_start3A_320 : memref<40xi32, #tpu.memory_space<vmem>>) target_semaphore(%dma_start3A_317 : memref<!tpu.dma_semaphore, #tpu.memory_space<semaphore_mem>>)
    %add3A_322 = arith.constant 320000 : i32
    %add3A_323 = arith.addi %add3A_322, %add3A_311 : i32
    %dma_start3A_324 = arith.constant 0 : i32
    %dma_start3A_325 = tpu.memref_slice %arg11[%rem3A_309, %dma_start3A_324] : memref<12x40xi32, #tpu.memory_space<vmem>> -> memref<1x40xi32, #tpu.memory_space<vmem>>
    %dma_start3A_326 = tpu.memref_squeeze %dma_start3A_325 : memref<1x40xi32, #tpu.memory_space<vmem>> -> memref<40xi32, #tpu.memory_space<vmem>>
    %dma_start3A_327 = tpu.memref_slice %arg3[%add3A_323] : memref<640000xi32, #tpu.memory_space<hbm>> -> memref<40xi32, #tpu.memory_space<hbm>>
    %dma_start3A_328 = tpu.memref_slice %arg17[%rem3A_309] : memref<12x!tpu.dma_semaphore, #tpu.memory_space<semaphore_mem>> -> memref<1x!tpu.dma_semaphore, #tpu.memory_space<semaphore_mem>>
    %dma_start3A_329 = tpu.memref_squeeze %dma_start3A_328 : memref<1x!tpu.dma_semaphore, #tpu.memory_space<semaphore_mem>> -> memref<!tpu.dma_semaphore, #tpu.memory_space<semaphore_mem>>
    %dma_start3A_330 = arith.constant 0 : i32
    %dma_start3A_331 = tpu.memref_slice %arg11[%rem3A_309, %dma_start3A_330] : memref<12x40xi32, #tpu.memory_space<vmem>> -> memref<1x40xi32, #tpu.memory_space<vmem>>
    %dma_start3A_332 = tpu.memref_squeeze %dma_start3A_331 : memref<1x40xi32, #tpu.memory_space<vmem>> -> memref<40xi32, #tpu.memory_space<vmem>>
    %dma_start3A_333 = tpu.memref_slice %arg3[%add3A_323] : memref<640000xi32, #tpu.memory_space<hbm>> -> memref<40xi32, #tpu.memory_space<hbm>>
    tpu.enqueue_dma source(%dma_start3A_333 : memref<40xi32, #tpu.memory_space<hbm>>) target(%dma_start3A_332 : memref<40xi32, #tpu.memory_space<vmem>>) target_semaphore(%dma_start3A_329 : memref<!tpu.dma_semaphore, #tpu.memory_space<semaphore_mem>>)
    %rem3A_334 = arith.constant 3 : i32
    %rem3A_335 = arith.constant 12 : i32
    %rem3A_336 = arith.remsi %rem3A_334, %rem3A_335 : i32
    %add3A_337 = arith.constant 120 : i32
    %add3A_338 = arith.addi %mul3A_253, %add3A_337 : i32
    %dma_start3A_339 = arith.constant 0 : i32
    %dma_start3A_340 = tpu.memref_slice %arg10[%rem3A_336, %dma_start3A_339] : memref<12x40xi32, #tpu.memory_space<vmem>> -> memref<1x40xi32, #tpu.memory_space<vmem>>
    %dma_start3A_341 = tpu.memref_squeeze %dma_start3A_340 : memref<1x40xi32, #tpu.memory_space<vmem>> -> memref<40xi32, #tpu.memory_space<vmem>>
    %dma_start3A_342 = tpu.memref_slice %arg3[%add3A_338] : memref<640000xi32, #tpu.memory_space<hbm>> -> memref<40xi32, #tpu.memory_space<hbm>>
    %dma_start3A_343 = tpu.memref_slice %arg17[%rem3A_336] : memref<12x!tpu.dma_semaphore, #tpu.memory_space<semaphore_mem>> -> memref<1x!tpu.dma_semaphore, #tpu.memory_space<semaphore_mem>>
    %dma_start3A_344 = tpu.memref_squeeze %dma_start3A_343 : memref<1x!tpu.dma_semaphore, #tpu.memory_space<semaphore_mem>> -> memref<!tpu.dma_semaphore, #tpu.memory_space<semaphore_mem>>
    %dma_start3A_345 = arith.constant 0 : i32
    %dma_start3A_346 = tpu.memref_slice %arg10[%rem3A_336, %dma_start3A_345] : memref<12x40xi32, #tpu.memory_space<vmem>> -> memref<1x40xi32, #tpu.memory_space<vmem>>
    %dma_start3A_347 = tpu.memref_squeeze %dma_start3A_346 : memref<1x40xi32, #tpu.memory_space<vmem>> -> memref<40xi32, #tpu.memory_space<vmem>>
    %dma_start3A_348 = tpu.memref_slice %arg3[%add3A_338] : memref<640000xi32, #tpu.memory_space<hbm>> -> memref<40xi32, #tpu.memory_space<hbm>>
    tpu.enqueue_dma source(%dma_start3A_348 : memref<40xi32, #tpu.memory_space<hbm>>) target(%dma_start3A_347 : memref<40xi32, #tpu.memory_space<vmem>>) target_semaphore(%dma_start3A_344 : memref<!tpu.dma_semaphore, #tpu.memory_space<semaphore_mem>>)
    %add3A_349 = arith.constant 320000 : i32
    %add3A_350 = arith.addi %add3A_349, %add3A_338 : i32
    %dma_start3A_351 = arith.constant 0 : i32
    %dma_start3A_352 = tpu.memref_slice %arg11[%rem3A_336, %dma_start3A_351] : memref<12x40xi32, #tpu.memory_space<vmem>> -> memref<1x40xi32, #tpu.memory_space<vmem>>
    %dma_start3A_353 = tpu.memref_squeeze %dma_start3A_352 : memref<1x40xi32, #tpu.memory_space<vmem>> -> memref<40xi32, #tpu.memory_space<vmem>>
    %dma_start3A_354 = tpu.memref_slice %arg3[%add3A_350] : memref<640000xi32, #tpu.memory_space<hbm>> -> memref<40xi32, #tpu.memory_space<hbm>>
    %dma_start3A_355 = tpu.memref_slice %arg17[%rem3A_336] : memref<12x!tpu.dma_semaphore, #tpu.memory_space<semaphore_mem>> -> memref<1x!tpu.dma_semaphore, #tpu.memory_space<semaphore_mem>>
    %dma_start3A_356 = tpu.memref_squeeze %dma_start3A_355 : memref<1x!tpu.dma_semaphore, #tpu.memory_space<semaphore_mem>> -> memref<!tpu.dma_semaphore, #tpu.memory_space<semaphore_mem>>
    %dma_start3A_357 = arith.constant 0 : i32
    %dma_start3A_358 = tpu.memref_slice %arg11[%rem3A_336, %dma_start3A_357] : memref<12x40xi32, #tpu.memory_space<vmem>> -> memref<1x40xi32, #tpu.memory_space<vmem>>
    %dma_start3A_359 = tpu.memref_squeeze %dma_start3A_358 : memref<1x40xi32, #tpu.memory_space<vmem>> -> memref<40xi32, #tpu.memory_space<vmem>>
    %dma_start3A_360 = tpu.memref_slice %arg3[%add3A_350] : memref<640000xi32, #tpu.memory_space<hbm>> -> memref<40xi32, #tpu.memory_space<hbm>>
    tpu.enqueue_dma source(%dma_start3A_360 : memref<40xi32, #tpu.memory_space<hbm>>) target(%dma_start3A_359 : memref<40xi32, #tpu.memory_space<vmem>>) target_semaphore(%dma_start3A_356 : memref<!tpu.dma_semaphore, #tpu.memory_space<semaphore_mem>>)
    %rem3A_361 = arith.constant 4 : i32
    %rem3A_362 = arith.constant 12 : i32
    %rem3A_363 = arith.remsi %rem3A_361, %rem3A_362 : i32
    %add3A_364 = arith.constant 160 : i32
    %add3A_365 = arith.addi %mul3A_253, %add3A_364 : i32
    %dma_start3A_366 = arith.constant 0 : i32
    %dma_start3A_367 = tpu.memref_slice %arg10[%rem3A_363, %dma_start3A_366] : memref<12x40xi32, #tpu.memory_space<vmem>> -> memref<1x40xi32, #tpu.memory_space<vmem>>
    %dma_start3A_368 = tpu.memref_squeeze %dma_start3A_367 : memref<1x40xi32, #tpu.memory_space<vmem>> -> memref<40xi32, #tpu.memory_space<vmem>>
    %dma_start3A_369 = tpu.memref_slice %arg3[%add3A_365] : memref<640000xi32, #tpu.memory_space<hbm>> -> memref<40xi32, #tpu.memory_space<hbm>>
    %dma_start3A_370 = tpu.memref_slice %arg17[%rem3A_363] : memref<12x!tpu.dma_semaphore, #tpu.memory_space<semaphore_mem>> -> memref<1x!tpu.dma_semaphore, #tpu.memory_space<semaphore_mem>>
    %dma_start3A_371 = tpu.memref_squeeze %dma_start3A_370 : memref<1x!tpu.dma_semaphore, #tpu.memory_space<semaphore_mem>> -> memref<!tpu.dma_semaphore, #tpu.memory_space<semaphore_mem>>
    %dma_start3A_372 = arith.constant 0 : i32
    %dma_start3A_373 = tpu.memref_slice %arg10[%rem3A_363, %dma_start3A_372] : memref<12x40xi32, #tpu.memory_space<vmem>> -> memref<1x40xi32, #tpu.memory_space<vmem>>
    %dma_start3A_374 = tpu.memref_squeeze %dma_start3A_373 : memref<1x40xi32, #tpu.memory_space<vmem>> -> memref<40xi32, #tpu.memory_space<vmem>>
    %dma_start3A_375 = tpu.memref_slice %arg3[%add3A_365] : memref<640000xi32, #tpu.memory_space<hbm>> -> memref<40xi32, #tpu.memory_space<hbm>>
    tpu.enqueue_dma source(%dma_start3A_375 : memref<40xi32, #tpu.memory_space<hbm>>) target(%dma_start3A_374 : memref<40xi32, #tpu.memory_space<vmem>>) target_semaphore(%dma_start3A_371 : memref<!tpu.dma_semaphore, #tpu.memory_space<semaphore_mem>>)
    %add3A_376 = arith.constant 320000 : i32
    %add3A_377 = arith.addi %add3A_376, %add3A_365 : i32
    %dma_start3A_378 = arith.constant 0 : i32
    %dma_start3A_379 = tpu.memref_slice %arg11[%rem3A_363, %dma_start3A_378] : memref<12x40xi32, #tpu.memory_space<vmem>> -> memref<1x40xi32, #tpu.memory_space<vmem>>
    %dma_start3A_380 = tpu.memref_squeeze %dma_start3A_379 : memref<1x40xi32, #tpu.memory_space<vmem>> -> memref<40xi32, #tpu.memory_space<vmem>>
    %dma_start3A_381 = tpu.memref_slice %arg3[%add3A_377] : memref<640000xi32, #tpu.memory_space<hbm>> -> memref<40xi32, #tpu.memory_space<hbm>>
    %dma_start3A_382 = tpu.memref_slice %arg17[%rem3A_363] : memref<12x!tpu.dma_semaphore, #tpu.memory_space<semaphore_mem>> -> memref<1x!tpu.dma_semaphore, #tpu.memory_space<semaphore_mem>>
    %dma_start3A_383 = tpu.memref_squeeze %dma_start3A_382 : memref<1x!tpu.dma_semaphore, #tpu.memory_space<semaphore_mem>> -> memref<!tpu.dma_semaphore, #tpu.memory_space<semaphore_mem>>
    %dma_start3A_384 = arith.constant 0 : i32
    %dma_start3A_385 = tpu.memref_slice %arg11[%rem3A_363, %dma_start3A_384] : memref<12x40xi32, #tpu.memory_space<vmem>> -> memref<1x40xi32, #tpu.memory_space<vmem>>
    %dma_start3A_386 = tpu.memref_squeeze %dma_start3A_385 : memref<1x40xi32, #tpu.memory_space<vmem>> -> memref<40xi32, #tpu.memory_space<vmem>>
    %dma_start3A_387 = tpu.memref_slice %arg3[%add3A_377] : memref<640000xi32, #tpu.memory_space<hbm>> -> memref<40xi32, #tpu.memory_space<hbm>>
    tpu.enqueue_dma source(%dma_start3A_387 : memref<40xi32, #tpu.memory_space<hbm>>) target(%dma_start3A_386 : memref<40xi32, #tpu.memory_space<vmem>>) target_semaphore(%dma_start3A_383 : memref<!tpu.dma_semaphore, #tpu.memory_space<semaphore_mem>>)
    %rem3A_388 = arith.constant 5 : i32
    %rem3A_389 = arith.constant 12 : i32
    %rem3A_390 = arith.remsi %rem3A_388, %rem3A_389 : i32
    %add3A_391 = arith.constant 200 : i32
    %add3A_392 = arith.addi %mul3A_253, %add3A_391 : i32
    %dma_start3A_393 = arith.constant 0 : i32
    %dma_start3A_394 = tpu.memref_slice %arg10[%rem3A_390, %dma_start3A_393] : memref<12x40xi32, #tpu.memory_space<vmem>> -> memref<1x40xi32, #tpu.memory_space<vmem>>
    %dma_start3A_395 = tpu.memref_squeeze %dma_start3A_394 : memref<1x40xi32, #tpu.memory_space<vmem>> -> memref<40xi32, #tpu.memory_space<vmem>>
    %dma_start3A_396 = tpu.memref_slice %arg3[%add3A_392] : memref<640000xi32, #tpu.memory_space<hbm>> -> memref<40xi32, #tpu.memory_space<hbm>>
    %dma_start3A_397 = tpu.memref_slice %arg17[%rem3A_390] : memref<12x!tpu.dma_semaphore, #tpu.memory_space<semaphore_mem>> -> memref<1x!tpu.dma_semaphore, #tpu.memory_space<semaphore_mem>>
    %dma_start3A_398 = tpu.memref_squeeze %dma_start3A_397 : memref<1x!tpu.dma_semaphore, #tpu.memory_space<semaphore_mem>> -> memref<!tpu.dma_semaphore, #tpu.memory_space<semaphore_mem>>
    %dma_start3A_399 = arith.constant 0 : i32
    %dma_start3A_400 = tpu.memref_slice %arg10[%rem3A_390, %dma_start3A_399] : memref<12x40xi32, #tpu.memory_space<vmem>> -> memref<1x40xi32, #tpu.memory_space<vmem>>
    %dma_start3A_401 = tpu.memref_squeeze %dma_start3A_400 : memref<1x40xi32, #tpu.memory_space<vmem>> -> memref<40xi32, #tpu.memory_space<vmem>>
    %dma_start3A_402 = tpu.memref_slice %arg3[%add3A_392] : memref<640000xi32, #tpu.memory_space<hbm>> -> memref<40xi32, #tpu.memory_space<hbm>>
    tpu.enqueue_dma source(%dma_start3A_402 : memref<40xi32, #tpu.memory_space<hbm>>) target(%dma_start3A_401 : memref<40xi32, #tpu.memory_space<vmem>>) target_semaphore(%dma_start3A_398 : memref<!tpu.dma_semaphore, #tpu.memory_space<semaphore_mem>>)
    %add3A_403 = arith.constant 320000 : i32
    %add3A_404 = arith.addi %add3A_403, %add3A_392 : i32
    %dma_start3A_405 = arith.constant 0 : i32
    %dma_start3A_406 = tpu.memref_slice %arg11[%rem3A_390, %dma_start3A_405] : memref<12x40xi32, #tpu.memory_space<vmem>> -> memref<1x40xi32, #tpu.memory_space<vmem>>
    %dma_start3A_407 = tpu.memref_squeeze %dma_start3A_406 : memref<1x40xi32, #tpu.memory_space<vmem>> -> memref<40xi32, #tpu.memory_space<vmem>>
    %dma_start3A_408 = tpu.memref_slice %arg3[%add3A_404] : memref<640000xi32, #tpu.memory_space<hbm>> -> memref<40xi32, #tpu.memory_space<hbm>>
    %dma_start3A_409 = tpu.memref_slice %arg17[%rem3A_390] : memref<12x!tpu.dma_semaphore, #tpu.memory_space<semaphore_mem>> -> memref<1x!tpu.dma_semaphore, #tpu.memory_space<semaphore_mem>>
    %dma_start3A_410 = tpu.memref_squeeze %dma_start3A_409 : memref<1x!tpu.dma_semaphore, #tpu.memory_space<semaphore_mem>> -> memref<!tpu.dma_semaphore, #tpu.memory_space<semaphore_mem>>
    %dma_start3A_411 = arith.constant 0 : i32
    %dma_start3A_412 = tpu.memref_slice %arg11[%rem3A_390, %dma_start3A_411] : memref<12x40xi32, #tpu.memory_space<vmem>> -> memref<1x40xi32, #tpu.memory_space<vmem>>
    %dma_start3A_413 = tpu.memref_squeeze %dma_start3A_412 : memref<1x40xi32, #tpu.memory_space<vmem>> -> memref<40xi32, #tpu.memory_space<vmem>>
    %dma_start3A_414 = tpu.memref_slice %arg3[%add3A_404] : memref<640000xi32, #tpu.memory_space<hbm>> -> memref<40xi32, #tpu.memory_space<hbm>>
    tpu.enqueue_dma source(%dma_start3A_414 : memref<40xi32, #tpu.memory_space<hbm>>) target(%dma_start3A_413 : memref<40xi32, #tpu.memory_space<vmem>>) target_semaphore(%dma_start3A_410 : memref<!tpu.dma_semaphore, #tpu.memory_space<semaphore_mem>>)
    %rem3A_415 = arith.constant 6 : i32
    %rem3A_416 = arith.constant 12 : i32
    %rem3A_417 = arith.remsi %rem3A_415, %rem3A_416 : i32
    %add3A_418 = arith.constant 240 : i32
    %add3A_419 = arith.addi %mul3A_253, %add3A_418 : i32
    %dma_start3A_420 = arith.constant 0 : i32
    %dma_start3A_421 = tpu.memref_slice %arg10[%rem3A_417, %dma_start3A_420] : memref<12x40xi32, #tpu.memory_space<vmem>> -> memref<1x40xi32, #tpu.memory_space<vmem>>
    %dma_start3A_422 = tpu.memref_squeeze %dma_start3A_421 : memref<1x40xi32, #tpu.memory_space<vmem>> -> memref<40xi32, #tpu.memory_space<vmem>>
    %dma_start3A_423 = tpu.memref_slice %arg3[%add3A_419] : memref<640000xi32, #tpu.memory_space<hbm>> -> memref<40xi32, #tpu.memory_space<hbm>>
    %dma_start3A_424 = tpu.memref_slice %arg17[%rem3A_417] : memref<12x!tpu.dma_semaphore, #tpu.memory_space<semaphore_mem>> -> memref<1x!tpu.dma_semaphore, #tpu.memory_space<semaphore_mem>>
    %dma_start3A_425 = tpu.memref_squeeze %dma_start3A_424 : memref<1x!tpu.dma_semaphore, #tpu.memory_space<semaphore_mem>> -> memref<!tpu.dma_semaphore, #tpu.memory_space<semaphore_mem>>
    %dma_start3A_426 = arith.constant 0 : i32
    %dma_start3A_427 = tpu.memref_slice %arg10[%rem3A_417, %dma_start3A_426] : memref<12x40xi32, #tpu.memory_space<vmem>> -> memref<1x40xi32, #tpu.memory_space<vmem>>
    %dma_start3A_428 = tpu.memref_squeeze %dma_start3A_427 : memref<1x40xi32, #tpu.memory_space<vmem>> -> memref<40xi32, #tpu.memory_space<vmem>>
    %dma_start3A_429 = tpu.memref_slice %arg3[%add3A_419] : memref<640000xi32, #tpu.memory_space<hbm>> -> memref<40xi32, #tpu.memory_space<hbm>>
    tpu.enqueue_dma source(%dma_start3A_429 : memref<40xi32, #tpu.memory_space<hbm>>) target(%dma_start3A_428 : memref<40xi32, #tpu.memory_space<vmem>>) target_semaphore(%dma_start3A_425 : memref<!tpu.dma_semaphore, #tpu.memory_space<semaphore_mem>>)
    %add3A_430 = arith.constant 320000 : i32
    %add3A_431 = arith.addi %add3A_430, %add3A_419 : i32
    %dma_start3A_432 = arith.constant 0 : i32
    %dma_start3A_433 = tpu.memref_slice %arg11[%rem3A_417, %dma_start3A_432] : memref<12x40xi32, #tpu.memory_space<vmem>> -> memref<1x40xi32, #tpu.memory_space<vmem>>
    %dma_start3A_434 = tpu.memref_squeeze %dma_start3A_433 : memref<1x40xi32, #tpu.memory_space<vmem>> -> memref<40xi32, #tpu.memory_space<vmem>>
    %dma_start3A_435 = tpu.memref_slice %arg3[%add3A_431] : memref<640000xi32, #tpu.memory_space<hbm>> -> memref<40xi32, #tpu.memory_space<hbm>>
    %dma_start3A_436 = tpu.memref_slice %arg17[%rem3A_417] : memref<12x!tpu.dma_semaphore, #tpu.memory_space<semaphore_mem>> -> memref<1x!tpu.dma_semaphore, #tpu.memory_space<semaphore_mem>>
    %dma_start3A_437 = tpu.memref_squeeze %dma_start3A_436 : memref<1x!tpu.dma_semaphore, #tpu.memory_space<semaphore_mem>> -> memref<!tpu.dma_semaphore, #tpu.memory_space<semaphore_mem>>
    %dma_start3A_438 = arith.constant 0 : i32
    %dma_start3A_439 = tpu.memref_slice %arg11[%rem3A_417, %dma_start3A_438] : memref<12x40xi32, #tpu.memory_space<vmem>> -> memref<1x40xi32, #tpu.memory_space<vmem>>
    %dma_start3A_440 = tpu.memref_squeeze %dma_start3A_439 : memref<1x40xi32, #tpu.memory_space<vmem>> -> memref<40xi32, #tpu.memory_space<vmem>>
    %dma_start3A_441 = tpu.memref_slice %arg3[%add3A_431] : memref<640000xi32, #tpu.memory_space<hbm>> -> memref<40xi32, #tpu.memory_space<hbm>>
    tpu.enqueue_dma source(%dma_start3A_441 : memref<40xi32, #tpu.memory_space<hbm>>) target(%dma_start3A_440 : memref<40xi32, #tpu.memory_space<vmem>>) target_semaphore(%dma_start3A_437 : memref<!tpu.dma_semaphore, #tpu.memory_space<semaphore_mem>>)
    %rem3A_442 = arith.constant 7 : i32
    %rem3A_443 = arith.constant 12 : i32
    %rem3A_444 = arith.remsi %rem3A_442, %rem3A_443 : i32
    %add3A_445 = arith.constant 280 : i32
    %add3A_446 = arith.addi %mul3A_253, %add3A_445 : i32
    %dma_start3A_447 = arith.constant 0 : i32
    %dma_start3A_448 = tpu.memref_slice %arg10[%rem3A_444, %dma_start3A_447] : memref<12x40xi32, #tpu.memory_space<vmem>> -> memref<1x40xi32, #tpu.memory_space<vmem>>
    %dma_start3A_449 = tpu.memref_squeeze %dma_start3A_448 : memref<1x40xi32, #tpu.memory_space<vmem>> -> memref<40xi32, #tpu.memory_space<vmem>>
    %dma_start3A_450 = tpu.memref_slice %arg3[%add3A_446] : memref<640000xi32, #tpu.memory_space<hbm>> -> memref<40xi32, #tpu.memory_space<hbm>>
    %dma_start3A_451 = tpu.memref_slice %arg17[%rem3A_444] : memref<12x!tpu.dma_semaphore, #tpu.memory_space<semaphore_mem>> -> memref<1x!tpu.dma_semaphore, #tpu.memory_space<semaphore_mem>>
    %dma_start3A_452 = tpu.memref_squeeze %dma_start3A_451 : memref<1x!tpu.dma_semaphore, #tpu.memory_space<semaphore_mem>> -> memref<!tpu.dma_semaphore, #tpu.memory_space<semaphore_mem>>
    %dma_start3A_453 = arith.constant 0 : i32
    %dma_start3A_454 = tpu.memref_slice %arg10[%rem3A_444, %dma_start3A_453] : memref<12x40xi32, #tpu.memory_space<vmem>> -> memref<1x40xi32, #tpu.memory_space<vmem>>
    %dma_start3A_455 = tpu.memref_squeeze %dma_start3A_454 : memref<1x40xi32, #tpu.memory_space<vmem>> -> memref<40xi32, #tpu.memory_space<vmem>>
    %dma_start3A_456 = tpu.memref_slice %arg3[%add3A_446] : memref<640000xi32, #tpu.memory_space<hbm>> -> memref<40xi32, #tpu.memory_space<hbm>>
    tpu.enqueue_dma source(%dma_start3A_456 : memref<40xi32, #tpu.memory_space<hbm>>) target(%dma_start3A_455 : memref<40xi32, #tpu.memory_space<vmem>>) target_semaphore(%dma_start3A_452 : memref<!tpu.dma_semaphore, #tpu.memory_space<semaphore_mem>>)
    %add3A_457 = arith.constant 320000 : i32
    %add3A_458 = arith.addi %add3A_457, %add3A_446 : i32
    %dma_start3A_459 = arith.constant 0 : i32
    %dma_start3A_460 = tpu.memref_slice %arg11[%rem3A_444, %dma_start3A_459] : memref<12x40xi32, #tpu.memory_space<vmem>> -> memref<1x40xi32, #tpu.memory_space<vmem>>
    %dma_start3A_461 = tpu.memref_squeeze %dma_start3A_460 : memref<1x40xi32, #tpu.memory_space<vmem>> -> memref<40xi32, #tpu.memory_space<vmem>>
    %dma_start3A_462 = tpu.memref_slice %arg3[%add3A_458] : memref<640000xi32, #tpu.memory_space<hbm>> -> memref<40xi32, #tpu.memory_space<hbm>>
    %dma_start3A_463 = tpu.memref_slice %arg17[%rem3A_444] : memref<12x!tpu.dma_semaphore, #tpu.memory_space<semaphore_mem>> -> memref<1x!tpu.dma_semaphore, #tpu.memory_space<semaphore_mem>>
    %dma_start3A_464 = tpu.memref_squeeze %dma_start3A_463 : memref<1x!tpu.dma_semaphore, #tpu.memory_space<semaphore_mem>> -> memref<!tpu.dma_semaphore, #tpu.memory_space<semaphore_mem>>
    %dma_start3A_465 = arith.constant 0 : i32
    %dma_start3A_466 = tpu.memref_slice %arg11[%rem3A_444, %dma_start3A_465] : memref<12x40xi32, #tpu.memory_space<vmem>> -> memref<1x40xi32, #tpu.memory_space<vmem>>
    %dma_start3A_467 = tpu.memref_squeeze %dma_start3A_466 : memref<1x40xi32, #tpu.memory_space<vmem>> -> memref<40xi32, #tpu.memory_space<vmem>>
    %dma_start3A_468 = tpu.memref_slice %arg3[%add3A_458] : memref<640000xi32, #tpu.memory_space<hbm>> -> memref<40xi32, #tpu.memory_space<hbm>>
    tpu.enqueue_dma source(%dma_start3A_468 : memref<40xi32, #tpu.memory_space<hbm>>) target(%dma_start3A_467 : memref<40xi32, #tpu.memory_space<vmem>>) target_semaphore(%dma_start3A_464 : memref<!tpu.dma_semaphore, #tpu.memory_space<semaphore_mem>>)
    %rem3A_469 = arith.constant 0 : i32
    %rem3A_470 = arith.constant 12 : i32
    %rem3A_471 = arith.remsi %rem3A_469, %rem3A_470 : i32
    %add3A_472 = arith.constant 0 : i32
    %add3A_473 = arith.addi %mul3A_253, %add3A_472 : i32
    %dma_wait3A_474 = arith.constant 0 : i32
    %dma_wait3A_475 = tpu.memref_slice %arg10[%rem3A_471, %dma_wait3A_474] : memref<12x40xi32, #tpu.memory_space<vmem>> -> memref<1x40xi32, #tpu.memory_space<vmem>>
    %dma_wait3A_476 = tpu.memref_squeeze %dma_wait3A_475 : memref<1x40xi32, #tpu.memory_space<vmem>> -> memref<40xi32, #tpu.memory_space<vmem>>
    %dma_wait3A_477 = tpu.memref_slice %arg3[%add3A_473] : memref<640000xi32, #tpu.memory_space<hbm>> -> memref<40xi32, #tpu.memory_space<hbm>>
    %dma_wait3A_478 = tpu.memref_slice %arg17[%rem3A_471] : memref<12x!tpu.dma_semaphore, #tpu.memory_space<semaphore_mem>> -> memref<1x!tpu.dma_semaphore, #tpu.memory_space<semaphore_mem>>
    %dma_wait3A_479 = tpu.memref_squeeze %dma_wait3A_478 : memref<1x!tpu.dma_semaphore, #tpu.memory_space<semaphore_mem>> -> memref<!tpu.dma_semaphore, #tpu.memory_space<semaphore_mem>>
    %dma_wait3A_480 = arith.constant 0 : i32
    %dma_wait3A_481 = tpu.memref_slice %arg10[%rem3A_471, %dma_wait3A_480] : memref<12x40xi32, #tpu.memory_space<vmem>> -> memref<1x40xi32, #tpu.memory_space<vmem>>
    %dma_wait3A_482 = tpu.memref_squeeze %dma_wait3A_481 : memref<1x40xi32, #tpu.memory_space<vmem>> -> memref<40xi32, #tpu.memory_space<vmem>>
    %dma_wait3A_483 = tpu.memref_slice %arg3[%add3A_473] : memref<640000xi32, #tpu.memory_space<hbm>> -> memref<40xi32, #tpu.memory_space<hbm>>
    tpu.wait_dma2 semaphore(%dma_wait3A_479 : memref<!tpu.dma_semaphore, #tpu.memory_space<semaphore_mem>>) src(%dma_wait3A_483 : memref<40xi32, #tpu.memory_space<hbm>>) dst(%dma_wait3A_482 : memref<40xi32, #tpu.memory_space<vmem>>)
    %add3A_484 = arith.constant 320000 : i32
    %add3A_485 = arith.addi %add3A_484, %add3A_473 : i32
    %dma_wait3A_486 = arith.constant 0 : i32
    %dma_wait3A_487 = tpu.memref_slice %arg11[%rem3A_471, %dma_wait3A_486] : memref<12x40xi32, #tpu.memory_space<vmem>> -> memref<1x40xi32, #tpu.memory_space<vmem>>
    %dma_wait3A_488 = tpu.memref_squeeze %dma_wait3A_487 : memref<1x40xi32, #tpu.memory_space<vmem>> -> memref<40xi32, #tpu.memory_space<vmem>>
    %dma_wait3A_489 = tpu.memref_slice %arg3[%add3A_485] : memref<640000xi32, #tpu.memory_space<hbm>> -> memref<40xi32, #tpu.memory_space<hbm>>
    %dma_wait3A_490 = tpu.memref_slice %arg17[%rem3A_471] : memref<12x!tpu.dma_semaphore, #tpu.memory_space<semaphore_mem>> -> memref<1x!tpu.dma_semaphore, #tpu.memory_space<semaphore_mem>>
    %dma_wait3A_491 = tpu.memref_squeeze %dma_wait3A_490 : memref<1x!tpu.dma_semaphore, #tpu.memory_space<semaphore_mem>> -> memref<!tpu.dma_semaphore, #tpu.memory_space<semaphore_mem>>
    %dma_wait3A_492 = arith.constant 0 : i32
    %dma_wait3A_493 = tpu.memref_slice %arg11[%rem3A_471, %dma_wait3A_492] : memref<12x40xi32, #tpu.memory_space<vmem>> -> memref<1x40xi32, #tpu.memory_space<vmem>>
    %dma_wait3A_494 = tpu.memref_squeeze %dma_wait3A_493 : memref<1x40xi32, #tpu.memory_space<vmem>> -> memref<40xi32, #tpu.memory_space<vmem>>
    %dma_wait3A_495 = tpu.memref_slice %arg3[%add3A_485] : memref<640000xi32, #tpu.memory_space<hbm>> -> memref<40xi32, #tpu.memory_space<hbm>>
    tpu.wait_dma2 semaphore(%dma_wait3A_491 : memref<!tpu.dma_semaphore, #tpu.memory_space<semaphore_mem>>) src(%dma_wait3A_495 : memref<40xi32, #tpu.memory_space<hbm>>) dst(%dma_wait3A_494 : memref<40xi32, #tpu.memory_space<vmem>>)
    %rem3A_496 = arith.constant 0 : i32
    %rem3A_497 = arith.constant 12 : i32
    %rem3A_498 = arith.remsi %rem3A_496, %rem3A_497 : i32
    %rem3A_499 = arith.constant 0 : i32
    %rem3A_500 = arith.constant 8 : i32
    %rem3A_501 = arith.remsi %rem3A_499, %rem3A_500 : i32
    %dma_start3A_502 = arith.constant 0 : i32
    %dma_start3A_503 = arith.constant 0 : i32
    %dma_start3A_504 = tpu.memref_slice %arg12[%rem3A_501, %dma_start3A_502, %dma_start3A_503] : memref<8x40x128xf32, #tpu.memory_space<vmem>> -> memref<1x40x128xf32, #tpu.memory_space<vmem>>
    %dma_start3A_505 = tpu.memref_squeeze %dma_start3A_504 : memref<1x40x128xf32, #tpu.memory_space<vmem>> -> memref<40x128xf32, #tpu.memory_space<vmem>>
    %dma_start3A_506 = arith.constant 0 : i32
    %dma_start3A_507 = tpu.memref_slice %arg10[%rem3A_498, %dma_start3A_506] : memref<12x40xi32, #tpu.memory_space<vmem>> -> memref<1x40xi32, #tpu.memory_space<vmem>>
    %dma_start3A_508 = tpu.memref_squeeze %dma_start3A_507 : memref<1x40xi32, #tpu.memory_space<vmem>> -> memref<40xi32, #tpu.memory_space<vmem>>
    %dma_start3A_509 = arith.constant 0 : i32
    %dma_start3A_510 = arith.constant 0 : i32
    %dma_start3A_511 = tpu.memref_slice %arg2[%dma_start3A_509, %dma_start3A_510] : memref<10000x128xf32, #tpu.memory_space<hbm>> -> memref<10000x128xf32, #tpu.memory_space<hbm>>
    %dma_start3A_512 = tpu.memref_slice %arg18[%rem3A_501] : memref<8x!tpu.dma_semaphore, #tpu.memory_space<semaphore_mem>> -> memref<1x!tpu.dma_semaphore, #tpu.memory_space<semaphore_mem>>
    %dma_start3A_513 = tpu.memref_squeeze %dma_start3A_512 : memref<1x!tpu.dma_semaphore, #tpu.memory_space<semaphore_mem>> -> memref<!tpu.dma_semaphore, #tpu.memory_space<semaphore_mem>>
    tpu.enqueue_indirect_dma source(%dma_start3A_511 : memref<10000x128xf32, #tpu.memory_space<hbm>>) target(%dma_start3A_505 : memref<40x128xf32, #tpu.memory_space<vmem>>) offsets(%dma_start3A_508 : memref<40xi32, #tpu.memory_space<vmem>>) semaphore(%dma_start3A_513 : memref<!tpu.dma_semaphore, #tpu.memory_space<semaphore_mem>>)
    %rem3A_514 = arith.constant 1 : i32
    %rem3A_515 = arith.constant 12 : i32
    %rem3A_516 = arith.remsi %rem3A_514, %rem3A_515 : i32
    %add3A_517 = arith.constant 40 : i32
    %add3A_518 = arith.addi %mul3A_253, %add3A_517 : i32
    %dma_wait3A_519 = arith.constant 0 : i32
    %dma_wait3A_520 = tpu.memref_slice %arg10[%rem3A_516, %dma_wait3A_519] : memref<12x40xi32, #tpu.memory_space<vmem>> -> memref<1x40xi32, #tpu.memory_space<vmem>>
    %dma_wait3A_521 = tpu.memref_squeeze %dma_wait3A_520 : memref<1x40xi32, #tpu.memory_space<vmem>> -> memref<40xi32, #tpu.memory_space<vmem>>
    %dma_wait3A_522 = tpu.memref_slice %arg3[%add3A_518] : memref<640000xi32, #tpu.memory_space<hbm>> -> memref<40xi32, #tpu.memory_space<hbm>>
    %dma_wait3A_523 = tpu.memref_slice %arg17[%rem3A_516] : memref<12x!tpu.dma_semaphore, #tpu.memory_space<semaphore_mem>> -> memref<1x!tpu.dma_semaphore, #tpu.memory_space<semaphore_mem>>
    %dma_wait3A_524 = tpu.memref_squeeze %dma_wait3A_523 : memref<1x!tpu.dma_semaphore, #tpu.memory_space<semaphore_mem>> -> memref<!tpu.dma_semaphore, #tpu.memory_space<semaphore_mem>>
    %dma_wait3A_525 = arith.constant 0 : i32
    %dma_wait3A_526 = tpu.memref_slice %arg10[%rem3A_516, %dma_wait3A_525] : memref<12x40xi32, #tpu.memory_space<vmem>> -> memref<1x40xi32, #tpu.memory_space<vmem>>
    %dma_wait3A_527 = tpu.memref_squeeze %dma_wait3A_526 : memref<1x40xi32, #tpu.memory_space<vmem>> -> memref<40xi32, #tpu.memory_space<vmem>>
    %dma_wait3A_528 = tpu.memref_slice %arg3[%add3A_518] : memref<640000xi32, #tpu.memory_space<hbm>> -> memref<40xi32, #tpu.memory_space<hbm>>
    tpu.wait_dma2 semaphore(%dma_wait3A_524 : memref<!tpu.dma_semaphore, #tpu.memory_space<semaphore_mem>>) src(%dma_wait3A_528 : memref<40xi32, #tpu.memory_space<hbm>>) dst(%dma_wait3A_527 : memref<40xi32, #tpu.memory_space<vmem>>)
    %add3A_529 = arith.constant 320000 : i32
    %add3A_530 = arith.addi %add3A_529, %add3A_518 : i32
    %dma_wait3A_531 = arith.constant 0 : i32
    %dma_wait3A_532 = tpu.memref_slice %arg11[%rem3A_516, %dma_wait3A_531] : memref<12x40xi32, #tpu.memory_space<vmem>> -> memref<1x40xi32, #tpu.memory_space<vmem>>
    %dma_wait3A_533 = tpu.memref_squeeze %dma_wait3A_532 : memref<1x40xi32, #tpu.memory_space<vmem>> -> memref<40xi32, #tpu.memory_space<vmem>>
    %dma_wait3A_534 = tpu.memref_slice %arg3[%add3A_530] : memref<640000xi32, #tpu.memory_space<hbm>> -> memref<40xi32, #tpu.memory_space<hbm>>
    %dma_wait3A_535 = tpu.memref_slice %arg17[%rem3A_516] : memref<12x!tpu.dma_semaphore, #tpu.memory_space<semaphore_mem>> -> memref<1x!tpu.dma_semaphore, #tpu.memory_space<semaphore_mem>>
    %dma_wait3A_536 = tpu.memref_squeeze %dma_wait3A_535 : memref<1x!tpu.dma_semaphore, #tpu.memory_space<semaphore_mem>> -> memref<!tpu.dma_semaphore, #tpu.memory_space<semaphore_mem>>
    %dma_wait3A_537 = arith.constant 0 : i32
    %dma_wait3A_538 = tpu.memref_slice %arg11[%rem3A_516, %dma_wait3A_537] : memref<12x40xi32, #tpu.memory_space<vmem>> -> memref<1x40xi32, #tpu.memory_space<vmem>>
    %dma_wait3A_539 = tpu.memref_squeeze %dma_wait3A_538 : memref<1x40xi32, #tpu.memory_space<vmem>> -> memref<40xi32, #tpu.memory_space<vmem>>
    %dma_wait3A_540 = tpu.memref_slice %arg3[%add3A_530] : memref<640000xi32, #tpu.memory_space<hbm>> -> memref<40xi32, #tpu.memory_space<hbm>>
    tpu.wait_dma2 semaphore(%dma_wait3A_536 : memref<!tpu.dma_semaphore, #tpu.memory_space<semaphore_mem>>) src(%dma_wait3A_540 : memref<40xi32, #tpu.memory_space<hbm>>) dst(%dma_wait3A_539 : memref<40xi32, #tpu.memory_space<vmem>>)
    %rem3A_541 = arith.constant 1 : i32
    %rem3A_542 = arith.constant 12 : i32
    %rem3A_543 = arith.remsi %rem3A_541, %rem3A_542 : i32
    %rem3A_544 = arith.constant 1 : i32
    %rem3A_545 = arith.constant 8 : i32
    %rem3A_546 = arith.remsi %rem3A_544, %rem3A_545 : i32
    %dma_start3A_547 = arith.constant 0 : i32
    %dma_start3A_548 = arith.constant 0 : i32
    %dma_start3A_549 = tpu.memref_slice %arg12[%rem3A_546, %dma_start3A_547, %dma_start3A_548] : memref<8x40x128xf32, #tpu.memory_space<vmem>> -> memref<1x40x128xf32, #tpu.memory_space<vmem>>
    %dma_start3A_550 = tpu.memref_squeeze %dma_start3A_549 : memref<1x40x128xf32, #tpu.memory_space<vmem>> -> memref<40x128xf32, #tpu.memory_space<vmem>>
    %dma_start3A_551 = arith.constant 0 : i32
    %dma_start3A_552 = tpu.memref_slice %arg10[%rem3A_543, %dma_start3A_551] : memref<12x40xi32, #tpu.memory_space<vmem>> -> memref<1x40xi32, #tpu.memory_space<vmem>>
    %dma_start3A_553 = tpu.memref_squeeze %dma_start3A_552 : memref<1x40xi32, #tpu.memory_space<vmem>> -> memref<40xi32, #tpu.memory_space<vmem>>
    %dma_start3A_554 = arith.constant 0 : i32
    %dma_start3A_555 = arith.constant 0 : i32
    %dma_start3A_556 = tpu.memref_slice %arg2[%dma_start3A_554, %dma_start3A_555] : memref<10000x128xf32, #tpu.memory_space<hbm>> -> memref<10000x128xf32, #tpu.memory_space<hbm>>
    %dma_start3A_557 = tpu.memref_slice %arg18[%rem3A_546] : memref<8x!tpu.dma_semaphore, #tpu.memory_space<semaphore_mem>> -> memref<1x!tpu.dma_semaphore, #tpu.memory_space<semaphore_mem>>
    %dma_start3A_558 = tpu.memref_squeeze %dma_start3A_557 : memref<1x!tpu.dma_semaphore, #tpu.memory_space<semaphore_mem>> -> memref<!tpu.dma_semaphore, #tpu.memory_space<semaphore_mem>>
    tpu.enqueue_indirect_dma source(%dma_start3A_556 : memref<10000x128xf32, #tpu.memory_space<hbm>>) target(%dma_start3A_550 : memref<40x128xf32, #tpu.memory_space<vmem>>) offsets(%dma_start3A_553 : memref<40xi32, #tpu.memory_space<vmem>>) semaphore(%dma_start3A_558 : memref<!tpu.dma_semaphore, #tpu.memory_space<semaphore_mem>>)
    %rem3A_559 = arith.constant 2 : i32
    %rem3A_560 = arith.constant 12 : i32
    %rem3A_561 = arith.remsi %rem3A_559, %rem3A_560 : i32
    %add3A_562 = arith.constant 80 : i32
    %add3A_563 = arith.addi %mul3A_253, %add3A_562 : i32
    %dma_wait3A_564 = arith.constant 0 : i32
    %dma_wait3A_565 = tpu.memref_slice %arg10[%rem3A_561, %dma_wait3A_564] : memref<12x40xi32, #tpu.memory_space<vmem>> -> memref<1x40xi32, #tpu.memory_space<vmem>>
    %dma_wait3A_566 = tpu.memref_squeeze %dma_wait3A_565 : memref<1x40xi32, #tpu.memory_space<vmem>> -> memref<40xi32, #tpu.memory_space<vmem>>
    %dma_wait3A_567 = tpu.memref_slice %arg3[%add3A_563] : memref<640000xi32, #tpu.memory_space<hbm>> -> memref<40xi32, #tpu.memory_space<hbm>>
    %dma_wait3A_568 = tpu.memref_slice %arg17[%rem3A_561] : memref<12x!tpu.dma_semaphore, #tpu.memory_space<semaphore_mem>> -> memref<1x!tpu.dma_semaphore, #tpu.memory_space<semaphore_mem>>
    %dma_wait3A_569 = tpu.memref_squeeze %dma_wait3A_568 : memref<1x!tpu.dma_semaphore, #tpu.memory_space<semaphore_mem>> -> memref<!tpu.dma_semaphore, #tpu.memory_space<semaphore_mem>>
    %dma_wait3A_570 = arith.constant 0 : i32
    %dma_wait3A_571 = tpu.memref_slice %arg10[%rem3A_561, %dma_wait3A_570] : memref<12x40xi32, #tpu.memory_space<vmem>> -> memref<1x40xi32, #tpu.memory_space<vmem>>
    %dma_wait3A_572 = tpu.memref_squeeze %dma_wait3A_571 : memref<1x40xi32, #tpu.memory_space<vmem>> -> memref<40xi32, #tpu.memory_space<vmem>>
    %dma_wait3A_573 = tpu.memref_slice %arg3[%add3A_563] : memref<640000xi32, #tpu.memory_space<hbm>> -> memref<40xi32, #tpu.memory_space<hbm>>
    tpu.wait_dma2 semaphore(%dma_wait3A_569 : memref<!tpu.dma_semaphore, #tpu.memory_space<semaphore_mem>>) src(%dma_wait3A_573 : memref<40xi32, #tpu.memory_space<hbm>>) dst(%dma_wait3A_572 : memref<40xi32, #tpu.memory_space<vmem>>)
    %add3A_574 = arith.constant 320000 : i32
    %add3A_575 = arith.addi %add3A_574, %add3A_563 : i32
    %dma_wait3A_576 = arith.constant 0 : i32
    %dma_wait3A_577 = tpu.memref_slice %arg11[%rem3A_561, %dma_wait3A_576] : memref<12x40xi32, #tpu.memory_space<vmem>> -> memref<1x40xi32, #tpu.memory_space<vmem>>
    %dma_wait3A_578 = tpu.memref_squeeze %dma_wait3A_577 : memref<1x40xi32, #tpu.memory_space<vmem>> -> memref<40xi32, #tpu.memory_space<vmem>>
    %dma_wait3A_579 = tpu.memref_slice %arg3[%add3A_575] : memref<640000xi32, #tpu.memory_space<hbm>> -> memref<40xi32, #tpu.memory_space<hbm>>
    %dma_wait3A_580 = tpu.memref_slice %arg17[%rem3A_561] : memref<12x!tpu.dma_semaphore, #tpu.memory_space<semaphore_mem>> -> memref<1x!tpu.dma_semaphore, #tpu.memory_space<semaphore_mem>>
    %dma_wait3A_581 = tpu.memref_squeeze %dma_wait3A_580 : memref<1x!tpu.dma_semaphore, #tpu.memory_space<semaphore_mem>> -> memref<!tpu.dma_semaphore, #tpu.memory_space<semaphore_mem>>
    %dma_wait3A_582 = arith.constant 0 : i32
    %dma_wait3A_583 = tpu.memref_slice %arg11[%rem3A_561, %dma_wait3A_582] : memref<12x40xi32, #tpu.memory_space<vmem>> -> memref<1x40xi32, #tpu.memory_space<vmem>>
    %dma_wait3A_584 = tpu.memref_squeeze %dma_wait3A_583 : memref<1x40xi32, #tpu.memory_space<vmem>> -> memref<40xi32, #tpu.memory_space<vmem>>
    %dma_wait3A_585 = tpu.memref_slice %arg3[%add3A_575] : memref<640000xi32, #tpu.memory_space<hbm>> -> memref<40xi32, #tpu.memory_space<hbm>>
    tpu.wait_dma2 semaphore(%dma_wait3A_581 : memref<!tpu.dma_semaphore, #tpu.memory_space<semaphore_mem>>) src(%dma_wait3A_585 : memref<40xi32, #tpu.memory_space<hbm>>) dst(%dma_wait3A_584 : memref<40xi32, #tpu.memory_space<vmem>>)
    %rem3A_586 = arith.constant 2 : i32
    %rem3A_587 = arith.constant 12 : i32
    %rem3A_588 = arith.remsi %rem3A_586, %rem3A_587 : i32
    %rem3A_589 = arith.constant 2 : i32
    %rem3A_590 = arith.constant 8 : i32
    %rem3A_591 = arith.remsi %rem3A_589, %rem3A_590 : i32
    %dma_start3A_592 = arith.constant 0 : i32
    %dma_start3A_593 = arith.constant 0 : i32
    %dma_start3A_594 = tpu.memref_slice %arg12[%rem3A_591, %dma_start3A_592, %dma_start3A_593] : memref<8x40x128xf32, #tpu.memory_space<vmem>> -> memref<1x40x128xf32, #tpu.memory_space<vmem>>
    %dma_start3A_595 = tpu.memref_squeeze %dma_start3A_594 : memref<1x40x128xf32, #tpu.memory_space<vmem>> -> memref<40x128xf32, #tpu.memory_space<vmem>>
    %dma_start3A_596 = arith.constant 0 : i32
    %dma_start3A_597 = tpu.memref_slice %arg10[%rem3A_588, %dma_start3A_596] : memref<12x40xi32, #tpu.memory_space<vmem>> -> memref<1x40xi32, #tpu.memory_space<vmem>>
    %dma_start3A_598 = tpu.memref_squeeze %dma_start3A_597 : memref<1x40xi32, #tpu.memory_space<vmem>> -> memref<40xi32, #tpu.memory_space<vmem>>
    %dma_start3A_599 = arith.constant 0 : i32
    %dma_start3A_600 = arith.constant 0 : i32
    %dma_start3A_601 = tpu.memref_slice %arg2[%dma_start3A_599, %dma_start3A_600] : memref<10000x128xf32, #tpu.memory_space<hbm>> -> memref<10000x128xf32, #tpu.memory_space<hbm>>
    %dma_start3A_602 = tpu.memref_slice %arg18[%rem3A_591] : memref<8x!tpu.dma_semaphore, #tpu.memory_space<semaphore_mem>> -> memref<1x!tpu.dma_semaphore, #tpu.memory_space<semaphore_mem>>
    %dma_start3A_603 = tpu.memref_squeeze %dma_start3A_602 : memref<1x!tpu.dma_semaphore, #tpu.memory_space<semaphore_mem>> -> memref<!tpu.dma_semaphore, #tpu.memory_space<semaphore_mem>>
    tpu.enqueue_indirect_dma source(%dma_start3A_601 : memref<10000x128xf32, #tpu.memory_space<hbm>>) target(%dma_start3A_595 : memref<40x128xf32, #tpu.memory_space<vmem>>) offsets(%dma_start3A_598 : memref<40xi32, #tpu.memory_space<vmem>>) semaphore(%dma_start3A_603 : memref<!tpu.dma_semaphore, #tpu.memory_space<semaphore_mem>>)
    %rem3A_604 = arith.constant 3 : i32
    %rem3A_605 = arith.constant 12 : i32
    %rem3A_606 = arith.remsi %rem3A_604, %rem3A_605 : i32
    %add3A_607 = arith.constant 120 : i32
    %add3A_608 = arith.addi %mul3A_253, %add3A_607 : i32
    %dma_wait3A_609 = arith.constant 0 : i32
    %dma_wait3A_610 = tpu.memref_slice %arg10[%rem3A_606, %dma_wait3A_609] : memref<12x40xi32, #tpu.memory_space<vmem>> -> memref<1x40xi32, #tpu.memory_space<vmem>>
    %dma_wait3A_611 = tpu.memref_squeeze %dma_wait3A_610 : memref<1x40xi32, #tpu.memory_space<vmem>> -> memref<40xi32, #tpu.memory_space<vmem>>
    %dma_wait3A_612 = tpu.memref_slice %arg3[%add3A_608] : memref<640000xi32, #tpu.memory_space<hbm>> -> memref<40xi32, #tpu.memory_space<hbm>>
    %dma_wait3A_613 = tpu.memref_slice %arg17[%rem3A_606] : memref<12x!tpu.dma_semaphore, #tpu.memory_space<semaphore_mem>> -> memref<1x!tpu.dma_semaphore, #tpu.memory_space<semaphore_mem>>
    %dma_wait3A_614 = tpu.memref_squeeze %dma_wait3A_613 : memref<1x!tpu.dma_semaphore, #tpu.memory_space<semaphore_mem>> -> memref<!tpu.dma_semaphore, #tpu.memory_space<semaphore_mem>>
    %dma_wait3A_615 = arith.constant 0 : i32
    %dma_wait3A_616 = tpu.memref_slice %arg10[%rem3A_606, %dma_wait3A_615] : memref<12x40xi32, #tpu.memory_space<vmem>> -> memref<1x40xi32, #tpu.memory_space<vmem>>
    %dma_wait3A_617 = tpu.memref_squeeze %dma_wait3A_616 : memref<1x40xi32, #tpu.memory_space<vmem>> -> memref<40xi32, #tpu.memory_space<vmem>>
    %dma_wait3A_618 = tpu.memref_slice %arg3[%add3A_608] : memref<640000xi32, #tpu.memory_space<hbm>> -> memref<40xi32, #tpu.memory_space<hbm>>
    tpu.wait_dma2 semaphore(%dma_wait3A_614 : memref<!tpu.dma_semaphore, #tpu.memory_space<semaphore_mem>>) src(%dma_wait3A_618 : memref<40xi32, #tpu.memory_space<hbm>>) dst(%dma_wait3A_617 : memref<40xi32, #tpu.memory_space<vmem>>)
    %add3A_619 = arith.constant 320000 : i32
    %add3A_620 = arith.addi %add3A_619, %add3A_608 : i32
    %dma_wait3A_621 = arith.constant 0 : i32
    %dma_wait3A_622 = tpu.memref_slice %arg11[%rem3A_606, %dma_wait3A_621] : memref<12x40xi32, #tpu.memory_space<vmem>> -> memref<1x40xi32, #tpu.memory_space<vmem>>
    %dma_wait3A_623 = tpu.memref_squeeze %dma_wait3A_622 : memref<1x40xi32, #tpu.memory_space<vmem>> -> memref<40xi32, #tpu.memory_space<vmem>>
    %dma_wait3A_624 = tpu.memref_slice %arg3[%add3A_620] : memref<640000xi32, #tpu.memory_space<hbm>> -> memref<40xi32, #tpu.memory_space<hbm>>
    %dma_wait3A_625 = tpu.memref_slice %arg17[%rem3A_606] : memref<12x!tpu.dma_semaphore, #tpu.memory_space<semaphore_mem>> -> memref<1x!tpu.dma_semaphore, #tpu.memory_space<semaphore_mem>>
    %dma_wait3A_626 = tpu.memref_squeeze %dma_wait3A_625 : memref<1x!tpu.dma_semaphore, #tpu.memory_space<semaphore_mem>> -> memref<!tpu.dma_semaphore, #tpu.memory_space<semaphore_mem>>
    %dma_wait3A_627 = arith.constant 0 : i32
    %dma_wait3A_628 = tpu.memref_slice %arg11[%rem3A_606, %dma_wait3A_627] : memref<12x40xi32, #tpu.memory_space<vmem>> -> memref<1x40xi32, #tpu.memory_space<vmem>>
    %dma_wait3A_629 = tpu.memref_squeeze %dma_wait3A_628 : memref<1x40xi32, #tpu.memory_space<vmem>> -> memref<40xi32, #tpu.memory_space<vmem>>
    %dma_wait3A_630 = tpu.memref_slice %arg3[%add3A_620] : memref<640000xi32, #tpu.memory_space<hbm>> -> memref<40xi32, #tpu.memory_space<hbm>>
    tpu.wait_dma2 semaphore(%dma_wait3A_626 : memref<!tpu.dma_semaphore, #tpu.memory_space<semaphore_mem>>) src(%dma_wait3A_630 : memref<40xi32, #tpu.memory_space<hbm>>) dst(%dma_wait3A_629 : memref<40xi32, #tpu.memory_space<vmem>>)
    %rem3A_631 = arith.constant 3 : i32
    %rem3A_632 = arith.constant 12 : i32
    %rem3A_633 = arith.remsi %rem3A_631, %rem3A_632 : i32
    %rem3A_634 = arith.constant 3 : i32
    %rem3A_635 = arith.constant 8 : i32
    %rem3A_636 = arith.remsi %rem3A_634, %rem3A_635 : i32
    %dma_start3A_637 = arith.constant 0 : i32
    %dma_start3A_638 = arith.constant 0 : i32
    %dma_start3A_639 = tpu.memref_slice %arg12[%rem3A_636, %dma_start3A_637, %dma_start3A_638] : memref<8x40x128xf32, #tpu.memory_space<vmem>> -> memref<1x40x128xf32, #tpu.memory_space<vmem>>
    %dma_start3A_640 = tpu.memref_squeeze %dma_start3A_639 : memref<1x40x128xf32, #tpu.memory_space<vmem>> -> memref<40x128xf32, #tpu.memory_space<vmem>>
    %dma_start3A_641 = arith.constant 0 : i32
    %dma_start3A_642 = tpu.memref_slice %arg10[%rem3A_633, %dma_start3A_641] : memref<12x40xi32, #tpu.memory_space<vmem>> -> memref<1x40xi32, #tpu.memory_space<vmem>>
    %dma_start3A_643 = tpu.memref_squeeze %dma_start3A_642 : memref<1x40xi32, #tpu.memory_space<vmem>> -> memref<40xi32, #tpu.memory_space<vmem>>
    %dma_start3A_644 = arith.constant 0 : i32
    %dma_start3A_645 = arith.constant 0 : i32
    %dma_start3A_646 = tpu.memref_slice %arg2[%dma_start3A_644, %dma_start3A_645] : memref<10000x128xf32, #tpu.memory_space<hbm>> -> memref<10000x128xf32, #tpu.memory_space<hbm>>
    %dma_start3A_647 = tpu.memref_slice %arg18[%rem3A_636] : memref<8x!tpu.dma_semaphore, #tpu.memory_space<semaphore_mem>> -> memref<1x!tpu.dma_semaphore, #tpu.memory_space<semaphore_mem>>
    %dma_start3A_648 = tpu.memref_squeeze %dma_start3A_647 : memref<1x!tpu.dma_semaphore, #tpu.memory_space<semaphore_mem>> -> memref<!tpu.dma_semaphore, #tpu.memory_space<semaphore_mem>>
    tpu.enqueue_indirect_dma source(%dma_start3A_646 : memref<10000x128xf32, #tpu.memory_space<hbm>>) target(%dma_start3A_640 : memref<40x128xf32, #tpu.memory_space<vmem>>) offsets(%dma_start3A_643 : memref<40xi32, #tpu.memory_space<vmem>>) semaphore(%dma_start3A_648 : memref<!tpu.dma_semaphore, #tpu.memory_space<semaphore_mem>>)
    %scan3A = arith.constant 0 : i32
    %scan3A_649 = arith.constant 0 : i32
    %scan3A_650 = arith.constant 250 : i32
    %scan3A_651 = arith.addi %scan3A_649, %scan3A_650 : i32
    %scan3A_652 = arith.constant 1 : i32
    scf.for %scan3A_1103 = %scan3A_649 to %scan3A_651 step %scan3A_652  : i32 {
      %ge3A = arith.constant 4 : i32
      %ge3A_1104 = arith.cmpi sge, %scan3A_1103, %ge3A : i32
      %convert_element_type3A_1105 = arith.extui %ge3A_1104 : i1 to i32
      %cond3A_1106 = arith.constant 0 : i32
      %cond3A_1107 = arith.cmpi ne, %convert_element_type3A_1105, %cond3A_1106 : i32
      scf.if %cond3A_1107 {
        %sub3A = arith.constant 4 : i32
        %sub3A_1163 = arith.subi %scan3A_1103, %sub3A : i32
        %rem3A_1164 = arith.constant 12 : i32
        %rem3A_1165 = arith.remsi %sub3A_1163, %rem3A_1164 : i32
        %rem3A_1166 = arith.constant 8 : i32
        %rem3A_1167 = arith.remsi %sub3A_1163, %rem3A_1166 : i32
        %rem3A_1168 = arith.constant 4 : i32
        %rem3A_1169 = arith.remsi %sub3A_1163, %rem3A_1168 : i32
        %dma_wait3A_1170 = arith.constant 0 : i32
        %dma_wait3A_1171 = arith.constant 0 : i32
        %dma_wait3A_1172 = tpu.memref_slice %arg12[%rem3A_1167, %dma_wait3A_1170, %dma_wait3A_1171] : memref<8x40x128xf32, #tpu.memory_space<vmem>> -> memref<1x40x128xf32, #tpu.memory_space<vmem>>
        %dma_wait3A_1173 = tpu.memref_squeeze %dma_wait3A_1172 : memref<1x40x128xf32, #tpu.memory_space<vmem>> -> memref<40x128xf32, #tpu.memory_space<vmem>>
        %dma_wait3A_1174 = arith.constant 0 : i32
        %dma_wait3A_1175 = tpu.memref_slice %arg11[%rem3A_1165, %dma_wait3A_1174] : memref<12x40xi32, #tpu.memory_space<vmem>> -> memref<1x40xi32, #tpu.memory_space<vmem>>
        %dma_wait3A_1176 = tpu.memref_squeeze %dma_wait3A_1175 : memref<1x40xi32, #tpu.memory_space<vmem>> -> memref<40xi32, #tpu.memory_space<vmem>>
        %dma_wait3A_1177 = arith.constant 0 : i32
        %dma_wait3A_1178 = arith.constant 0 : i32
        %dma_wait3A_1179 = tpu.memref_slice %arg15[%dma_wait3A_1177, %dma_wait3A_1178] : memref<10000x128xf32, #tpu.memory_space<vmem_shared>> -> memref<10000x128xf32, #tpu.memory_space<vmem_shared>>
        %dma_wait3A_1180 = tpu.memref_slice %arg19[%rem3A_1169] : memref<4x!tpu.dma_semaphore, #tpu.memory_space<semaphore_mem>> -> memref<1x!tpu.dma_semaphore, #tpu.memory_space<semaphore_mem>>
        %dma_wait3A_1181 = tpu.memref_squeeze %dma_wait3A_1180 : memref<1x!tpu.dma_semaphore, #tpu.memory_space<semaphore_mem>> -> memref<!tpu.dma_semaphore, #tpu.memory_space<semaphore_mem>>
        tpu.wait_indirect_dma semaphore(%dma_wait3A_1181 : memref<!tpu.dma_semaphore, #tpu.memory_space<semaphore_mem>>) src(%dma_wait3A_1173 : memref<40x128xf32, #tpu.memory_space<vmem>>) dst(%dma_wait3A_1179 : memref<10000x128xf32, #tpu.memory_space<vmem_shared>>)
        %dma_wait3A_1182 = arith.constant 0 : i32
        %dma_wait3A_1183 = tpu.memref_slice %arg11[%rem3A_1165, %dma_wait3A_1182] : memref<12x40xi32, #tpu.memory_space<vmem>> -> memref<1x40xi32, #tpu.memory_space<vmem>>
        %dma_wait3A_1184 = tpu.memref_squeeze %dma_wait3A_1183 : memref<1x40xi32, #tpu.memory_space<vmem>> -> memref<40xi32, #tpu.memory_space<vmem>>
        %dma_wait3A_1185 = arith.constant 0 : i32
        %dma_wait3A_1186 = tpu.memref_slice %arg16[%dma_wait3A_1185] : memref<10000xf32, #tpu.memory_space<vmem_shared>> -> memref<10000xf32, #tpu.memory_space<vmem_shared>>
        %dma_wait3A_1187 = tpu.memref_slice %arg19[%rem3A_1169] : memref<4x!tpu.dma_semaphore, #tpu.memory_space<semaphore_mem>> -> memref<1x!tpu.dma_semaphore, #tpu.memory_space<semaphore_mem>>
        %dma_wait3A_1188 = tpu.memref_squeeze %dma_wait3A_1187 : memref<1x!tpu.dma_semaphore, #tpu.memory_space<semaphore_mem>> -> memref<!tpu.dma_semaphore, #tpu.memory_space<semaphore_mem>>
        tpu.wait_indirect_dma semaphore(%dma_wait3A_1188 : memref<!tpu.dma_semaphore, #tpu.memory_space<semaphore_mem>>) src(%arg14 : memref<40xf32, #tpu.memory_space<vmem>>) dst(%dma_wait3A_1186 : memref<10000xf32, #tpu.memory_space<vmem_shared>>)
      } else {
      }
      %add3A_1108 = arith.constant 8 : i32
      %add3A_1109 = arith.addi %scan3A_1103, %add3A_1108 : i32
      %lt3A_1110 = arith.constant 250 : i32
      %lt3A_1111 = arith.cmpi slt, %add3A_1109, %lt3A_1110 : i32
      %convert_element_type3A_1112 = arith.extui %lt3A_1111 : i1 to i32
      %cond3A_1113 = arith.constant 0 : i32
      %cond3A_1114 = arith.cmpi ne, %convert_element_type3A_1112, %cond3A_1113 : i32
      scf.if %cond3A_1114 {
        %add3A_1163 = arith.constant 8 : i32
        %add3A_1164 = arith.addi %scan3A_1103, %add3A_1163 : i32
        %rem3A_1165 = arith.constant 12 : i32
        %rem3A_1166 = arith.remsi %add3A_1164, %rem3A_1165 : i32
        %mul3A_1167 = arith.constant 40 : i32
        %mul3A_1168 = arith.muli %add3A_1164, %mul3A_1167 : i32
        %add3A_1169 = arith.addi %mul3A_253, %mul3A_1168 : i32
        %dma_start3A_1170 = arith.constant 0 : i32
        %dma_start3A_1171 = tpu.memref_slice %arg10[%rem3A_1166, %dma_start3A_1170] : memref<12x40xi32, #tpu.memory_space<vmem>> -> memref<1x40xi32, #tpu.memory_space<vmem>>
        %dma_start3A_1172 = tpu.memref_squeeze %dma_start3A_1171 : memref<1x40xi32, #tpu.memory_space<vmem>> -> memref<40xi32, #tpu.memory_space<vmem>>
        %dma_start3A_1173 = tpu.memref_slice %arg3[%add3A_1169] : memref<640000xi32, #tpu.memory_space<hbm>> -> memref<40xi32, #tpu.memory_space<hbm>>
        %dma_start3A_1174 = tpu.memref_slice %arg17[%rem3A_1166] : memref<12x!tpu.dma_semaphore, #tpu.memory_space<semaphore_mem>> -> memref<1x!tpu.dma_semaphore, #tpu.memory_space<semaphore_mem>>
        %dma_start3A_1175 = tpu.memref_squeeze %dma_start3A_1174 : memref<1x!tpu.dma_semaphore, #tpu.memory_space<semaphore_mem>> -> memref<!tpu.dma_semaphore, #tpu.memory_space<semaphore_mem>>
        %dma_start3A_1176 = arith.constant 0 : i32
        %dma_start3A_1177 = tpu.memref_slice %arg10[%rem3A_1166, %dma_start3A_1176] : memref<12x40xi32, #tpu.memory_space<vmem>> -> memref<1x40xi32, #tpu.memory_space<vmem>>
        %dma_start3A_1178 = tpu.memref_squeeze %dma_start3A_1177 : memref<1x40xi32, #tpu.memory_space<vmem>> -> memref<40xi32, #tpu.memory_space<vmem>>
        %dma_start3A_1179 = tpu.memref_slice %arg3[%add3A_1169] : memref<640000xi32, #tpu.memory_space<hbm>> -> memref<40xi32, #tpu.memory_space<hbm>>
        tpu.enqueue_dma source(%dma_start3A_1179 : memref<40xi32, #tpu.memory_space<hbm>>) target(%dma_start3A_1178 : memref<40xi32, #tpu.memory_space<vmem>>) target_semaphore(%dma_start3A_1175 : memref<!tpu.dma_semaphore, #tpu.memory_space<semaphore_mem>>)
        %add3A_1180 = arith.constant 320000 : i32
        %add3A_1181 = arith.addi %add3A_1180, %add3A_1169 : i32
        %dma_start3A_1182 = arith.constant 0 : i32
        %dma_start3A_1183 = tpu.memref_slice %arg11[%rem3A_1166, %dma_start3A_1182] : memref<12x40xi32, #tpu.memory_space<vmem>> -> memref<1x40xi32, #tpu.memory_space<vmem>>
        %dma_start3A_1184 = tpu.memref_squeeze %dma_start3A_1183 : memref<1x40xi32, #tpu.memory_space<vmem>> -> memref<40xi32, #tpu.memory_space<vmem>>
        %dma_start3A_1185 = tpu.memref_slice %arg3[%add3A_1181] : memref<640000xi32, #tpu.memory_space<hbm>> -> memref<40xi32, #tpu.memory_space<hbm>>
        %dma_start3A_1186 = tpu.memref_slice %arg17[%rem3A_1166] : memref<12x!tpu.dma_semaphore, #tpu.memory_space<semaphore_mem>> -> memref<1x!tpu.dma_semaphore, #tpu.memory_space<semaphore_mem>>
        %dma_start3A_1187 = tpu.memref_squeeze %dma_start3A_1186 : memref<1x!tpu.dma_semaphore, #tpu.memory_space<semaphore_mem>> -> memref<!tpu.dma_semaphore, #tpu.memory_space<semaphore_mem>>
        %dma_start3A_1188 = arith.constant 0 : i32
        %dma_start3A_1189 = tpu.memref_slice %arg11[%rem3A_1166, %dma_start3A_1188] : memref<12x40xi32, #tpu.memory_space<vmem>> -> memref<1x40xi32, #tpu.memory_space<vmem>>
        %dma_start3A_1190 = tpu.memref_squeeze %dma_start3A_1189 : memref<1x40xi32, #tpu.memory_space<vmem>> -> memref<40xi32, #tpu.memory_space<vmem>>
        %dma_start3A_1191 = tpu.memref_slice %arg3[%add3A_1181] : memref<640000xi32, #tpu.memory_space<hbm>> -> memref<40xi32, #tpu.memory_space<hbm>>
        tpu.enqueue_dma source(%dma_start3A_1191 : memref<40xi32, #tpu.memory_space<hbm>>) target(%dma_start3A_1190 : memref<40xi32, #tpu.memory_space<vmem>>) target_semaphore(%dma_start3A_1187 : memref<!tpu.dma_semaphore, #tpu.memory_space<semaphore_mem>>)
      } else {
      }
      %add3A_1115 = arith.constant 4 : i32
      %add3A_1116 = arith.addi %scan3A_1103, %add3A_1115 : i32
      %lt3A_1117 = arith.constant 250 : i32
      %lt3A_1118 = arith.cmpi slt, %add3A_1116, %lt3A_1117 : i32
      %convert_element_type3A_1119 = arith.extui %lt3A_1118 : i1 to i32
      %cond3A_1120 = arith.constant 0 : i32
      %cond3A_1121 = arith.cmpi ne, %convert_element_type3A_1119, %cond3A_1120 : i32
      scf.if %cond3A_1121 {
        %add3A_1163 = arith.constant 4 : i32
        %add3A_1164 = arith.addi %scan3A_1103, %add3A_1163 : i32
        %rem3A_1165 = arith.constant 12 : i32
        %rem3A_1166 = arith.remsi %add3A_1164, %rem3A_1165 : i32
        %mul3A_1167 = arith.constant 40 : i32
        %mul3A_1168 = arith.muli %add3A_1164, %mul3A_1167 : i32
        %add3A_1169 = arith.addi %mul3A_253, %mul3A_1168 : i32
        %dma_wait3A_1170 = arith.constant 0 : i32
        %dma_wait3A_1171 = tpu.memref_slice %arg10[%rem3A_1166, %dma_wait3A_1170] : memref<12x40xi32, #tpu.memory_space<vmem>> -> memref<1x40xi32, #tpu.memory_space<vmem>>
        %dma_wait3A_1172 = tpu.memref_squeeze %dma_wait3A_1171 : memref<1x40xi32, #tpu.memory_space<vmem>> -> memref<40xi32, #tpu.memory_space<vmem>>
        %dma_wait3A_1173 = tpu.memref_slice %arg3[%add3A_1169] : memref<640000xi32, #tpu.memory_space<hbm>> -> memref<40xi32, #tpu.memory_space<hbm>>
        %dma_wait3A_1174 = tpu.memref_slice %arg17[%rem3A_1166] : memref<12x!tpu.dma_semaphore, #tpu.memory_space<semaphore_mem>> -> memref<1x!tpu.dma_semaphore, #tpu.memory_space<semaphore_mem>>
        %dma_wait3A_1175 = tpu.memref_squeeze %dma_wait3A_1174 : memref<1x!tpu.dma_semaphore, #tpu.memory_space<semaphore_mem>> -> memref<!tpu.dma_semaphore, #tpu.memory_space<semaphore_mem>>
        %dma_wait3A_1176 = arith.constant 0 : i32
        %dma_wait3A_1177 = tpu.memref_slice %arg10[%rem3A_1166, %dma_wait3A_1176] : memref<12x40xi32, #tpu.memory_space<vmem>> -> memref<1x40xi32, #tpu.memory_space<vmem>>
        %dma_wait3A_1178 = tpu.memref_squeeze %dma_wait3A_1177 : memref<1x40xi32, #tpu.memory_space<vmem>> -> memref<40xi32, #tpu.memory_space<vmem>>
        %dma_wait3A_1179 = tpu.memref_slice %arg3[%add3A_1169] : memref<640000xi32, #tpu.memory_space<hbm>> -> memref<40xi32, #tpu.memory_space<hbm>>
        tpu.wait_dma2 semaphore(%dma_wait3A_1175 : memref<!tpu.dma_semaphore, #tpu.memory_space<semaphore_mem>>) src(%dma_wait3A_1179 : memref<40xi32, #tpu.memory_space<hbm>>) dst(%dma_wait3A_1178 : memref<40xi32, #tpu.memory_space<vmem>>)
        %add3A_1180 = arith.constant 320000 : i32
        %add3A_1181 = arith.addi %add3A_1180, %add3A_1169 : i32
        %dma_wait3A_1182 = arith.constant 0 : i32
        %dma_wait3A_1183 = tpu.memref_slice %arg11[%rem3A_1166, %dma_wait3A_1182] : memref<12x40xi32, #tpu.memory_space<vmem>> -> memref<1x40xi32, #tpu.memory_space<vmem>>
        %dma_wait3A_1184 = tpu.memref_squeeze %dma_wait3A_1183 : memref<1x40xi32, #tpu.memory_space<vmem>> -> memref<40xi32, #tpu.memory_space<vmem>>
        %dma_wait3A_1185 = tpu.memref_slice %arg3[%add3A_1181] : memref<640000xi32, #tpu.memory_space<hbm>> -> memref<40xi32, #tpu.memory_space<hbm>>
        %dma_wait3A_1186 = tpu.memref_slice %arg17[%rem3A_1166] : memref<12x!tpu.dma_semaphore, #tpu.memory_space<semaphore_mem>> -> memref<1x!tpu.dma_semaphore, #tpu.memory_space<semaphore_mem>>
        %dma_wait3A_1187 = tpu.memref_squeeze %dma_wait3A_1186 : memref<1x!tpu.dma_semaphore, #tpu.memory_space<semaphore_mem>> -> memref<!tpu.dma_semaphore, #tpu.memory_space<semaphore_mem>>
        %dma_wait3A_1188 = arith.constant 0 : i32
        %dma_wait3A_1189 = tpu.memref_slice %arg11[%rem3A_1166, %dma_wait3A_1188] : memref<12x40xi32, #tpu.memory_space<vmem>> -> memref<1x40xi32, #tpu.memory_space<vmem>>
        %dma_wait3A_1190 = tpu.memref_squeeze %dma_wait3A_1189 : memref<1x40xi32, #tpu.memory_space<vmem>> -> memref<40xi32, #tpu.memory_space<vmem>>
        %dma_wait3A_1191 = tpu.memref_slice %arg3[%add3A_1181] : memref<640000xi32, #tpu.memory_space<hbm>> -> memref<40xi32, #tpu.memory_space<hbm>>
        tpu.wait_dma2 semaphore(%dma_wait3A_1187 : memref<!tpu.dma_semaphore, #tpu.memory_space<semaphore_mem>>) src(%dma_wait3A_1191 : memref<40xi32, #tpu.memory_space<hbm>>) dst(%dma_wait3A_1190 : memref<40xi32, #tpu.memory_space<vmem>>)
        %add3A_1192 = arith.constant 4 : i32
        %add3A_1193 = arith.addi %scan3A_1103, %add3A_1192 : i32
        %rem3A_1194 = arith.constant 12 : i32
        %rem3A_1195 = arith.remsi %add3A_1193, %rem3A_1194 : i32
        %rem3A_1196 = arith.constant 8 : i32
        %rem3A_1197 = arith.remsi %add3A_1193, %rem3A_1196 : i32
        %dma_start3A_1198 = arith.constant 0 : i32
        %dma_start3A_1199 = arith.constant 0 : i32
        %dma_start3A_1200 = tpu.memref_slice %arg12[%rem3A_1197, %dma_start3A_1198, %dma_start3A_1199] : memref<8x40x128xf32, #tpu.memory_space<vmem>> -> memref<1x40x128xf32, #tpu.memory_space<vmem>>
        %dma_start3A_1201 = tpu.memref_squeeze %dma_start3A_1200 : memref<1x40x128xf32, #tpu.memory_space<vmem>> -> memref<40x128xf32, #tpu.memory_space<vmem>>
        %dma_start3A_1202 = arith.constant 0 : i32
        %dma_start3A_1203 = tpu.memref_slice %arg10[%rem3A_1195, %dma_start3A_1202] : memref<12x40xi32, #tpu.memory_space<vmem>> -> memref<1x40xi32, #tpu.memory_space<vmem>>
        %dma_start3A_1204 = tpu.memref_squeeze %dma_start3A_1203 : memref<1x40xi32, #tpu.memory_space<vmem>> -> memref<40xi32, #tpu.memory_space<vmem>>
        %dma_start3A_1205 = arith.constant 0 : i32
        %dma_start3A_1206 = arith.constant 0 : i32
        %dma_start3A_1207 = tpu.memref_slice %arg2[%dma_start3A_1205, %dma_start3A_1206] : memref<10000x128xf32, #tpu.memory_space<hbm>> -> memref<10000x128xf32, #tpu.memory_space<hbm>>
        %dma_start3A_1208 = tpu.memref_slice %arg18[%rem3A_1197] : memref<8x!tpu.dma_semaphore, #tpu.memory_space<semaphore_mem>> -> memref<1x!tpu.dma_semaphore, #tpu.memory_space<semaphore_mem>>
        %dma_start3A_1209 = tpu.memref_squeeze %dma_start3A_1208 : memref<1x!tpu.dma_semaphore, #tpu.memory_space<semaphore_mem>> -> memref<!tpu.dma_semaphore, #tpu.memory_space<semaphore_mem>>
        tpu.enqueue_indirect_dma source(%dma_start3A_1207 : memref<10000x128xf32, #tpu.memory_space<hbm>>) target(%dma_start3A_1201 : memref<40x128xf32, #tpu.memory_space<vmem>>) offsets(%dma_start3A_1204 : memref<40xi32, #tpu.memory_space<vmem>>) semaphore(%dma_start3A_1209 : memref<!tpu.dma_semaphore, #tpu.memory_space<semaphore_mem>>)
      } else {
      }
      %rem3A_1122 = arith.constant 12 : i32
      %rem3A_1123 = arith.remsi %scan3A_1103, %rem3A_1122 : i32
      %rem3A_1124 = arith.constant 8 : i32
      %rem3A_1125 = arith.remsi %scan3A_1103, %rem3A_1124 : i32
      %dma_wait3A_1126 = arith.constant 0 : i32
      %dma_wait3A_1127 = arith.constant 0 : i32
      %dma_wait3A_1128 = tpu.memref_slice %arg12[%rem3A_1125, %dma_wait3A_1126, %dma_wait3A_1127] : memref<8x40x128xf32, #tpu.memory_space<vmem>> -> memref<1x40x128xf32, #tpu.memory_space<vmem>>
      %dma_wait3A_1129 = tpu.memref_squeeze %dma_wait3A_1128 : memref<1x40x128xf32, #tpu.memory_space<vmem>> -> memref<40x128xf32, #tpu.memory_space<vmem>>
      %dma_wait3A_1130 = arith.constant 0 : i32
      %dma_wait3A_1131 = tpu.memref_slice %arg10[%rem3A_1123, %dma_wait3A_1130] : memref<12x40xi32, #tpu.memory_space<vmem>> -> memref<1x40xi32, #tpu.memory_space<vmem>>
      %dma_wait3A_1132 = tpu.memref_squeeze %dma_wait3A_1131 : memref<1x40xi32, #tpu.memory_space<vmem>> -> memref<40xi32, #tpu.memory_space<vmem>>
      %dma_wait3A_1133 = arith.constant 0 : i32
      %dma_wait3A_1134 = arith.constant 0 : i32
      %dma_wait3A_1135 = tpu.memref_slice %arg2[%dma_wait3A_1133, %dma_wait3A_1134] : memref<10000x128xf32, #tpu.memory_space<hbm>> -> memref<10000x128xf32, #tpu.memory_space<hbm>>
      %dma_wait3A_1136 = tpu.memref_slice %arg18[%rem3A_1125] : memref<8x!tpu.dma_semaphore, #tpu.memory_space<semaphore_mem>> -> memref<1x!tpu.dma_semaphore, #tpu.memory_space<semaphore_mem>>
      %dma_wait3A_1137 = tpu.memref_squeeze %dma_wait3A_1136 : memref<1x!tpu.dma_semaphore, #tpu.memory_space<semaphore_mem>> -> memref<!tpu.dma_semaphore, #tpu.memory_space<semaphore_mem>>
      tpu.wait_indirect_dma semaphore(%dma_wait3A_1137 : memref<!tpu.dma_semaphore, #tpu.memory_space<semaphore_mem>>) src(%dma_wait3A_1135 : memref<10000x128xf32, #tpu.memory_space<hbm>>) dst(%dma_wait3A_1129 : memref<40x128xf32, #tpu.memory_space<vmem>>)
      %rem3A_1138 = arith.constant 12 : i32
      %rem3A_1139 = arith.remsi %scan3A_1103, %rem3A_1138 : i32
      %rem3A_1140 = arith.constant 8 : i32
      %rem3A_1141 = arith.remsi %scan3A_1103, %rem3A_1140 : i32
      %rem3A_1142 = arith.constant 4 : i32
      %rem3A_1143 = arith.remsi %scan3A_1103, %rem3A_1142 : i32
      %dma_start3A_1144 = arith.constant 0 : i32
      %dma_start3A_1145 = arith.constant 0 : i32
      %dma_start3A_1146 = tpu.memref_slice %arg12[%rem3A_1141, %dma_start3A_1144, %dma_start3A_1145] : memref<8x40x128xf32, #tpu.memory_space<vmem>> -> memref<1x40x128xf32, #tpu.memory_space<vmem>>
      %dma_start3A_1147 = tpu.memref_squeeze %dma_start3A_1146 : memref<1x40x128xf32, #tpu.memory_space<vmem>> -> memref<40x128xf32, #tpu.memory_space<vmem>>
      %dma_start3A_1148 = arith.constant 0 : i32
      %dma_start3A_1149 = tpu.memref_slice %arg11[%rem3A_1139, %dma_start3A_1148] : memref<12x40xi32, #tpu.memory_space<vmem>> -> memref<1x40xi32, #tpu.memory_space<vmem>>
      %dma_start3A_1150 = tpu.memref_squeeze %dma_start3A_1149 : memref<1x40xi32, #tpu.memory_space<vmem>> -> memref<40xi32, #tpu.memory_space<vmem>>
      %dma_start3A_1151 = arith.constant 0 : i32
      %dma_start3A_1152 = arith.constant 0 : i32
      %dma_start3A_1153 = tpu.memref_slice %arg15[%dma_start3A_1151, %dma_start3A_1152] : memref<10000x128xf32, #tpu.memory_space<vmem_shared>> -> memref<10000x128xf32, #tpu.memory_space<vmem_shared>>
      %dma_start3A_1154 = tpu.memref_slice %arg19[%rem3A_1143] : memref<4x!tpu.dma_semaphore, #tpu.memory_space<semaphore_mem>> -> memref<1x!tpu.dma_semaphore, #tpu.memory_space<semaphore_mem>>
      %dma_start3A_1155 = tpu.memref_squeeze %dma_start3A_1154 : memref<1x!tpu.dma_semaphore, #tpu.memory_space<semaphore_mem>> -> memref<!tpu.dma_semaphore, #tpu.memory_space<semaphore_mem>>
      tpu.enqueue_indirect_dma source(%dma_start3A_1147 : memref<40x128xf32, #tpu.memory_space<vmem>>) target(%dma_start3A_1153 : memref<10000x128xf32, #tpu.memory_space<vmem_shared>>) offsets(%dma_start3A_1150 : memref<40xi32, #tpu.memory_space<vmem>>) semaphore(%dma_start3A_1155 : memref<!tpu.dma_semaphore, #tpu.memory_space<semaphore_mem>>) {add = true}
      %dma_start3A_1156 = arith.constant 0 : i32
      %dma_start3A_1157 = tpu.memref_slice %arg11[%rem3A_1139, %dma_start3A_1156] : memref<12x40xi32, #tpu.memory_space<vmem>> -> memref<1x40xi32, #tpu.memory_space<vmem>>
      %dma_start3A_1158 = tpu.memref_squeeze %dma_start3A_1157 : memref<1x40xi32, #tpu.memory_space<vmem>> -> memref<40xi32, #tpu.memory_space<vmem>>
      %dma_start3A_1159 = arith.constant 0 : i32
      %dma_start3A_1160 = tpu.memref_slice %arg16[%dma_start3A_1159] : memref<10000xf32, #tpu.memory_space<vmem_shared>> -> memref<10000xf32, #tpu.memory_space<vmem_shared>>
      %dma_start3A_1161 = tpu.memref_slice %arg19[%rem3A_1143] : memref<4x!tpu.dma_semaphore, #tpu.memory_space<semaphore_mem>> -> memref<1x!tpu.dma_semaphore, #tpu.memory_space<semaphore_mem>>
      %dma_start3A_1162 = tpu.memref_squeeze %dma_start3A_1161 : memref<1x!tpu.dma_semaphore, #tpu.memory_space<semaphore_mem>> -> memref<!tpu.dma_semaphore, #tpu.memory_space<semaphore_mem>>
      tpu.enqueue_indirect_dma source(%arg14 : memref<40xf32, #tpu.memory_space<vmem>>) target(%dma_start3A_1160 : memref<10000xf32, #tpu.memory_space<vmem_shared>>) offsets(%dma_start3A_1158 : memref<40xi32, #tpu.memory_space<vmem>>) semaphore(%dma_start3A_1162 : memref<!tpu.dma_semaphore, #tpu.memory_space<semaphore_mem>>) {add = true}
    }
    %scan3A_653 = arith.constant 250 : i32
    %rem3A_654 = arith.constant 246 : i32
    %rem3A_655 = arith.constant 12 : i32
    %rem3A_656 = arith.remsi %rem3A_654, %rem3A_655 : i32
    %rem3A_657 = arith.constant 246 : i32
    %rem3A_658 = arith.constant 8 : i32
    %rem3A_659 = arith.remsi %rem3A_657, %rem3A_658 : i32
    %rem3A_660 = arith.constant 246 : i32
    %rem3A_661 = arith.constant 4 : i32
    %rem3A_662 = arith.remsi %rem3A_660, %rem3A_661 : i32
    %dma_wait3A_663 = arith.constant 0 : i32
    %dma_wait3A_664 = arith.constant 0 : i32
    %dma_wait3A_665 = tpu.memref_slice %arg12[%rem3A_659, %dma_wait3A_663, %dma_wait3A_664] : memref<8x40x128xf32, #tpu.memory_space<vmem>> -> memref<1x40x128xf32, #tpu.memory_space<vmem>>
    %dma_wait3A_666 = tpu.memref_squeeze %dma_wait3A_665 : memref<1x40x128xf32, #tpu.memory_space<vmem>> -> memref<40x128xf32, #tpu.memory_space<vmem>>
    %dma_wait3A_667 = arith.constant 0 : i32
    %dma_wait3A_668 = tpu.memref_slice %arg11[%rem3A_656, %dma_wait3A_667] : memref<12x40xi32, #tpu.memory_space<vmem>> -> memref<1x40xi32, #tpu.memory_space<vmem>>
    %dma_wait3A_669 = tpu.memref_squeeze %dma_wait3A_668 : memref<1x40xi32, #tpu.memory_space<vmem>> -> memref<40xi32, #tpu.memory_space<vmem>>
    %dma_wait3A_670 = arith.constant 0 : i32
    %dma_wait3A_671 = arith.constant 0 : i32
    %dma_wait3A_672 = tpu.memref_slice %arg15[%dma_wait3A_670, %dma_wait3A_671] : memref<10000x128xf32, #tpu.memory_space<vmem_shared>> -> memref<10000x128xf32, #tpu.memory_space<vmem_shared>>
    %dma_wait3A_673 = tpu.memref_slice %arg19[%rem3A_662] : memref<4x!tpu.dma_semaphore, #tpu.memory_space<semaphore_mem>> -> memref<1x!tpu.dma_semaphore, #tpu.memory_space<semaphore_mem>>
    %dma_wait3A_674 = tpu.memref_squeeze %dma_wait3A_673 : memref<1x!tpu.dma_semaphore, #tpu.memory_space<semaphore_mem>> -> memref<!tpu.dma_semaphore, #tpu.memory_space<semaphore_mem>>
    tpu.wait_indirect_dma semaphore(%dma_wait3A_674 : memref<!tpu.dma_semaphore, #tpu.memory_space<semaphore_mem>>) src(%dma_wait3A_666 : memref<40x128xf32, #tpu.memory_space<vmem>>) dst(%dma_wait3A_672 : memref<10000x128xf32, #tpu.memory_space<vmem_shared>>)
    %dma_wait3A_675 = arith.constant 0 : i32
    %dma_wait3A_676 = tpu.memref_slice %arg11[%rem3A_656, %dma_wait3A_675] : memref<12x40xi32, #tpu.memory_space<vmem>> -> memref<1x40xi32, #tpu.memory_space<vmem>>
    %dma_wait3A_677 = tpu.memref_squeeze %dma_wait3A_676 : memref<1x40xi32, #tpu.memory_space<vmem>> -> memref<40xi32, #tpu.memory_space<vmem>>
    %dma_wait3A_678 = arith.constant 0 : i32
    %dma_wait3A_679 = tpu.memref_slice %arg16[%dma_wait3A_678] : memref<10000xf32, #tpu.memory_space<vmem_shared>> -> memref<10000xf32, #tpu.memory_space<vmem_shared>>
    %dma_wait3A_680 = tpu.memref_slice %arg19[%rem3A_662] : memref<4x!tpu.dma_semaphore, #tpu.memory_space<semaphore_mem>> -> memref<1x!tpu.dma_semaphore, #tpu.memory_space<semaphore_mem>>
    %dma_wait3A_681 = tpu.memref_squeeze %dma_wait3A_680 : memref<1x!tpu.dma_semaphore, #tpu.memory_space<semaphore_mem>> -> memref<!tpu.dma_semaphore, #tpu.memory_space<semaphore_mem>>
    tpu.wait_indirect_dma semaphore(%dma_wait3A_681 : memref<!tpu.dma_semaphore, #tpu.memory_space<semaphore_mem>>) src(%arg14 : memref<40xf32, #tpu.memory_space<vmem>>) dst(%dma_wait3A_679 : memref<10000xf32, #tpu.memory_space<vmem_shared>>)
    %rem3A_682 = arith.constant 247 : i32
    %rem3A_683 = arith.constant 12 : i32
    %rem3A_684 = arith.remsi %rem3A_682, %rem3A_683 : i32
    %rem3A_685 = arith.constant 247 : i32
    %rem3A_686 = arith.constant 8 : i32
    %rem3A_687 = arith.remsi %rem3A_685, %rem3A_686 : i32
    %rem3A_688 = arith.constant 247 : i32
    %rem3A_689 = arith.constant 4 : i32
    %rem3A_690 = arith.remsi %rem3A_688, %rem3A_689 : i32
    %dma_wait3A_691 = arith.constant 0 : i32
    %dma_wait3A_692 = arith.constant 0 : i32
    %dma_wait3A_693 = tpu.memref_slice %arg12[%rem3A_687, %dma_wait3A_691, %dma_wait3A_692] : memref<8x40x128xf32, #tpu.memory_space<vmem>> -> memref<1x40x128xf32, #tpu.memory_space<vmem>>
    %dma_wait3A_694 = tpu.memref_squeeze %dma_wait3A_693 : memref<1x40x128xf32, #tpu.memory_space<vmem>> -> memref<40x128xf32, #tpu.memory_space<vmem>>
    %dma_wait3A_695 = arith.constant 0 : i32
    %dma_wait3A_696 = tpu.memref_slice %arg11[%rem3A_684, %dma_wait3A_695] : memref<12x40xi32, #tpu.memory_space<vmem>> -> memref<1x40xi32, #tpu.memory_space<vmem>>
    %dma_wait3A_697 = tpu.memref_squeeze %dma_wait3A_696 : memref<1x40xi32, #tpu.memory_space<vmem>> -> memref<40xi32, #tpu.memory_space<vmem>>
    %dma_wait3A_698 = arith.constant 0 : i32
    %dma_wait3A_699 = arith.constant 0 : i32
    %dma_wait3A_700 = tpu.memref_slice %arg15[%dma_wait3A_698, %dma_wait3A_699] : memref<10000x128xf32, #tpu.memory_space<vmem_shared>> -> memref<10000x128xf32, #tpu.memory_space<vmem_shared>>
    %dma_wait3A_701 = tpu.memref_slice %arg19[%rem3A_690] : memref<4x!tpu.dma_semaphore, #tpu.memory_space<semaphore_mem>> -> memref<1x!tpu.dma_semaphore, #tpu.memory_space<semaphore_mem>>
    %dma_wait3A_702 = tpu.memref_squeeze %dma_wait3A_701 : memref<1x!tpu.dma_semaphore, #tpu.memory_space<semaphore_mem>> -> memref<!tpu.dma_semaphore, #tpu.memory_space<semaphore_mem>>
    tpu.wait_indirect_dma semaphore(%dma_wait3A_702 : memref<!tpu.dma_semaphore, #tpu.memory_space<semaphore_mem>>) src(%dma_wait3A_694 : memref<40x128xf32, #tpu.memory_space<vmem>>) dst(%dma_wait3A_700 : memref<10000x128xf32, #tpu.memory_space<vmem_shared>>)
    %dma_wait3A_703 = arith.constant 0 : i32
    %dma_wait3A_704 = tpu.memref_slice %arg11[%rem3A_684, %dma_wait3A_703] : memref<12x40xi32, #tpu.memory_space<vmem>> -> memref<1x40xi32, #tpu.memory_space<vmem>>
    %dma_wait3A_705 = tpu.memref_squeeze %dma_wait3A_704 : memref<1x40xi32, #tpu.memory_space<vmem>> -> memref<40xi32, #tpu.memory_space<vmem>>
    %dma_wait3A_706 = arith.constant 0 : i32
    %dma_wait3A_707 = tpu.memref_slice %arg16[%dma_wait3A_706] : memref<10000xf32, #tpu.memory_space<vmem_shared>> -> memref<10000xf32, #tpu.memory_space<vmem_shared>>
    %dma_wait3A_708 = tpu.memref_slice %arg19[%rem3A_690] : memref<4x!tpu.dma_semaphore, #tpu.memory_space<semaphore_mem>> -> memref<1x!tpu.dma_semaphore, #tpu.memory_space<semaphore_mem>>
    %dma_wait3A_709 = tpu.memref_squeeze %dma_wait3A_708 : memref<1x!tpu.dma_semaphore, #tpu.memory_space<semaphore_mem>> -> memref<!tpu.dma_semaphore, #tpu.memory_space<semaphore_mem>>
    tpu.wait_indirect_dma semaphore(%dma_wait3A_709 : memref<!tpu.dma_semaphore, #tpu.memory_space<semaphore_mem>>) src(%arg14 : memref<40xf32, #tpu.memory_space<vmem>>) dst(%dma_wait3A_707 : memref<10000xf32, #tpu.memory_space<vmem_shared>>)
    %rem3A_710 = arith.constant 248 : i32
    %rem3A_711 = arith.constant 12 : i32
    %rem3A_712 = arith.remsi %rem3A_710, %rem3A_711 : i32
    %rem3A_713 = arith.constant 248 : i32
    %rem3A_714 = arith.constant 8 : i32
    %rem3A_715 = arith.remsi %rem3A_713, %rem3A_714 : i32
    %rem3A_716 = arith.constant 248 : i32
    %rem3A_717 = arith.constant 4 : i32
    %rem3A_718 = arith.remsi %rem3A_716, %rem3A_717 : i32
    %dma_wait3A_719 = arith.constant 0 : i32
    %dma_wait3A_720 = arith.constant 0 : i32
    %dma_wait3A_721 = tpu.memref_slice %arg12[%rem3A_715, %dma_wait3A_719, %dma_wait3A_720] : memref<8x40x128xf32, #tpu.memory_space<vmem>> -> memref<1x40x128xf32, #tpu.memory_space<vmem>>
    %dma_wait3A_722 = tpu.memref_squeeze %dma_wait3A_721 : memref<1x40x128xf32, #tpu.memory_space<vmem>> -> memref<40x128xf32, #tpu.memory_space<vmem>>
    %dma_wait3A_723 = arith.constant 0 : i32
    %dma_wait3A_724 = tpu.memref_slice %arg11[%rem3A_712, %dma_wait3A_723] : memref<12x40xi32, #tpu.memory_space<vmem>> -> memref<1x40xi32, #tpu.memory_space<vmem>>
    %dma_wait3A_725 = tpu.memref_squeeze %dma_wait3A_724 : memref<1x40xi32, #tpu.memory_space<vmem>> -> memref<40xi32, #tpu.memory_space<vmem>>
    %dma_wait3A_726 = arith.constant 0 : i32
    %dma_wait3A_727 = arith.constant 0 : i32
    %dma_wait3A_728 = tpu.memref_slice %arg15[%dma_wait3A_726, %dma_wait3A_727] : memref<10000x128xf32, #tpu.memory_space<vmem_shared>> -> memref<10000x128xf32, #tpu.memory_space<vmem_shared>>
    %dma_wait3A_729 = tpu.memref_slice %arg19[%rem3A_718] : memref<4x!tpu.dma_semaphore, #tpu.memory_space<semaphore_mem>> -> memref<1x!tpu.dma_semaphore, #tpu.memory_space<semaphore_mem>>
    %dma_wait3A_730 = tpu.memref_squeeze %dma_wait3A_729 : memref<1x!tpu.dma_semaphore, #tpu.memory_space<semaphore_mem>> -> memref<!tpu.dma_semaphore, #tpu.memory_space<semaphore_mem>>
    tpu.wait_indirect_dma semaphore(%dma_wait3A_730 : memref<!tpu.dma_semaphore, #tpu.memory_space<semaphore_mem>>) src(%dma_wait3A_722 : memref<40x128xf32, #tpu.memory_space<vmem>>) dst(%dma_wait3A_728 : memref<10000x128xf32, #tpu.memory_space<vmem_shared>>)
    %dma_wait3A_731 = arith.constant 0 : i32
    %dma_wait3A_732 = tpu.memref_slice %arg11[%rem3A_712, %dma_wait3A_731] : memref<12x40xi32, #tpu.memory_space<vmem>> -> memref<1x40xi32, #tpu.memory_space<vmem>>
    %dma_wait3A_733 = tpu.memref_squeeze %dma_wait3A_732 : memref<1x40xi32, #tpu.memory_space<vmem>> -> memref<40xi32, #tpu.memory_space<vmem>>
    %dma_wait3A_734 = arith.constant 0 : i32
    %dma_wait3A_735 = tpu.memref_slice %arg16[%dma_wait3A_734] : memref<10000xf32, #tpu.memory_space<vmem_shared>> -> memref<10000xf32, #tpu.memory_space<vmem_shared>>
    %dma_wait3A_736 = tpu.memref_slice %arg19[%rem3A_718] : memref<4x!tpu.dma_semaphore, #tpu.memory_space<semaphore_mem>> -> memref<1x!tpu.dma_semaphore, #tpu.memory_space<semaphore_mem>>
    %dma_wait3A_737 = tpu.memref_squeeze %dma_wait3A_736 : memref<1x!tpu.dma_semaphore, #tpu.memory_space<semaphore_mem>> -> memref<!tpu.dma_semaphore, #tpu.memory_space<semaphore_mem>>
    tpu.wait_indirect_dma semaphore(%dma_wait3A_737 : memref<!tpu.dma_semaphore, #tpu.memory_space<semaphore_mem>>) src(%arg14 : memref<40xf32, #tpu.memory_space<vmem>>) dst(%dma_wait3A_735 : memref<10000xf32, #tpu.memory_space<vmem_shared>>)
    %rem3A_738 = arith.constant 249 : i32
    %rem3A_739 = arith.constant 12 : i32
    %rem3A_740 = arith.remsi %rem3A_738, %rem3A_739 : i32
    %rem3A_741 = arith.constant 249 : i32
    %rem3A_742 = arith.constant 8 : i32
    %rem3A_743 = arith.remsi %rem3A_741, %rem3A_742 : i32
    %rem3A_744 = arith.constant 249 : i32
    %rem3A_745 = arith.constant 4 : i32
    %rem3A_746 = arith.remsi %rem3A_744, %rem3A_745 : i32
    %dma_wait3A_747 = arith.constant 0 : i32
    %dma_wait3A_748 = arith.constant 0 : i32
    %dma_wait3A_749 = tpu.memref_slice %arg12[%rem3A_743, %dma_wait3A_747, %dma_wait3A_748] : memref<8x40x128xf32, #tpu.memory_space<vmem>> -> memref<1x40x128xf32, #tpu.memory_space<vmem>>
    %dma_wait3A_750 = tpu.memref_squeeze %dma_wait3A_749 : memref<1x40x128xf32, #tpu.memory_space<vmem>> -> memref<40x128xf32, #tpu.memory_space<vmem>>
    %dma_wait3A_751 = arith.constant 0 : i32
    %dma_wait3A_752 = tpu.memref_slice %arg11[%rem3A_740, %dma_wait3A_751] : memref<12x40xi32, #tpu.memory_space<vmem>> -> memref<1x40xi32, #tpu.memory_space<vmem>>
    %dma_wait3A_753 = tpu.memref_squeeze %dma_wait3A_752 : memref<1x40xi32, #tpu.memory_space<vmem>> -> memref<40xi32, #tpu.memory_space<vmem>>
    %dma_wait3A_754 = arith.constant 0 : i32
    %dma_wait3A_755 = arith.constant 0 : i32
    %dma_wait3A_756 = tpu.memref_slice %arg15[%dma_wait3A_754, %dma_wait3A_755] : memref<10000x128xf32, #tpu.memory_space<vmem_shared>> -> memref<10000x128xf32, #tpu.memory_space<vmem_shared>>
    %dma_wait3A_757 = tpu.memref_slice %arg19[%rem3A_746] : memref<4x!tpu.dma_semaphore, #tpu.memory_space<semaphore_mem>> -> memref<1x!tpu.dma_semaphore, #tpu.memory_space<semaphore_mem>>
    %dma_wait3A_758 = tpu.memref_squeeze %dma_wait3A_757 : memref<1x!tpu.dma_semaphore, #tpu.memory_space<semaphore_mem>> -> memref<!tpu.dma_semaphore, #tpu.memory_space<semaphore_mem>>
    tpu.wait_indirect_dma semaphore(%dma_wait3A_758 : memref<!tpu.dma_semaphore, #tpu.memory_space<semaphore_mem>>) src(%dma_wait3A_750 : memref<40x128xf32, #tpu.memory_space<vmem>>) dst(%dma_wait3A_756 : memref<10000x128xf32, #tpu.memory_space<vmem_shared>>)
    %dma_wait3A_759 = arith.constant 0 : i32
    %dma_wait3A_760 = tpu.memref_slice %arg11[%rem3A_740, %dma_wait3A_759] : memref<12x40xi32, #tpu.memory_space<vmem>> -> memref<1x40xi32, #tpu.memory_space<vmem>>
    %dma_wait3A_761 = tpu.memref_squeeze %dma_wait3A_760 : memref<1x40xi32, #tpu.memory_space<vmem>> -> memref<40xi32, #tpu.memory_space<vmem>>
    %dma_wait3A_762 = arith.constant 0 : i32
    %dma_wait3A_763 = tpu.memref_slice %arg16[%dma_wait3A_762] : memref<10000xf32, #tpu.memory_space<vmem_shared>> -> memref<10000xf32, #tpu.memory_space<vmem_shared>>
    %dma_wait3A_764 = tpu.memref_slice %arg19[%rem3A_746] : memref<4x!tpu.dma_semaphore, #tpu.memory_space<semaphore_mem>> -> memref<1x!tpu.dma_semaphore, #tpu.memory_space<semaphore_mem>>
    %dma_wait3A_765 = tpu.memref_squeeze %dma_wait3A_764 : memref<1x!tpu.dma_semaphore, #tpu.memory_space<semaphore_mem>> -> memref<!tpu.dma_semaphore, #tpu.memory_space<semaphore_mem>>
    tpu.wait_indirect_dma semaphore(%dma_wait3A_765 : memref<!tpu.dma_semaphore, #tpu.memory_space<semaphore_mem>>) src(%arg14 : memref<40xf32, #tpu.memory_space<vmem>>) dst(%dma_wait3A_763 : memref<10000xf32, #tpu.memory_space<vmem_shared>>)
    %barrier3A_766 = arith.constant 0 : index
    tpu.barrier barrier_id(%barrier3A_766)
    %add3A_767 = arith.constant 0 : i32
    %add3A_768 = arith.addi %arg1, %add3A_767 : i32
    %lt3A_769 = arith.constant 250 : i32
    %lt3A_770 = arith.cmpi slt, %add3A_768, %lt3A_769 : i32
    %convert_element_type3A_771 = arith.extui %lt3A_770 : i1 to i32
    %cond3A_772 = arith.constant 0 : i32
    %cond3A_773 = arith.cmpi ne, %convert_element_type3A_771, %cond3A_772 : i32
    scf.if %cond3A_773 {
      %mul3A_1103 = arith.constant 40 : i32
      %mul3A_1104 = arith.muli %add3A_768, %mul3A_1103 : i32
      %dma_start3A_1105 = arith.constant 0 : i32
      %dma_start3A_1106 = tpu.memref_slice %arg7[%arg0, %mul3A_1104, %dma_start3A_1105] : memref<2x10000x128xf32, #tpu.memory_space<hbm>> -> memref<1x40x128xf32, #tpu.memory_space<hbm>>
      %dma_start3A_1107 = tpu.memref_squeeze %dma_start3A_1106 : memref<1x40x128xf32, #tpu.memory_space<hbm>> -> memref<40x128xf32, #tpu.memory_space<hbm>>
      %dma_start3A_1108 = arith.constant 0 : i32
      %dma_start3A_1109 = tpu.memref_slice %arg15[%mul3A_1104, %dma_start3A_1108] : memref<10000x128xf32, #tpu.memory_space<vmem_shared>> -> memref<40x128xf32, #tpu.memory_space<vmem_shared>>
      tpu.enqueue_dma source(%dma_start3A_1109 : memref<40x128xf32, #tpu.memory_space<vmem_shared>>) target(%dma_start3A_1107 : memref<40x128xf32, #tpu.memory_space<hbm>>) target_semaphore(%arg20 : memref<!tpu.dma_semaphore, #tpu.memory_space<semaphore_mem>>)
      %dma_start3A_1110 = arith.constant 0 : i32
      %dma_start3A_1111 = arith.constant 0 : i32
      %dma_start3A_1112 = tpu.memref_slice %arg13[%dma_start3A_1110, %dma_start3A_1111] : memref<16x40xf32, #tpu.memory_space<vmem>> -> memref<1x40xf32, #tpu.memory_space<vmem>>
      %dma_start3A_1113 = tpu.memref_squeeze %dma_start3A_1112 : memref<1x40xf32, #tpu.memory_space<vmem>> -> memref<40xf32, #tpu.memory_space<vmem>>
      %dma_start3A_1114 = tpu.memref_slice %arg16[%mul3A_1104] : memref<10000xf32, #tpu.memory_space<vmem_shared>> -> memref<40xf32, #tpu.memory_space<vmem_shared>>
      %dma_start3A_1115 = arith.constant 0 : i32
      %dma_start3A_1116 = tpu.memref_slice %arg13[%dma_start3A_1110, %dma_start3A_1115] : memref<16x40xf32, #tpu.memory_space<vmem>> -> memref<1x40xf32, #tpu.memory_space<vmem>>
      %dma_start3A_1117 = tpu.memref_squeeze %dma_start3A_1116 : memref<1x40xf32, #tpu.memory_space<vmem>> -> memref<40xf32, #tpu.memory_space<vmem>>
      %dma_start3A_1118 = tpu.memref_slice %arg16[%mul3A_1104] : memref<10000xf32, #tpu.memory_space<vmem_shared>> -> memref<40xf32, #tpu.memory_space<vmem_shared>>
      tpu.enqueue_dma source(%dma_start3A_1118 : memref<40xf32, #tpu.memory_space<vmem_shared>>) target(%dma_start3A_1117 : memref<40xf32, #tpu.memory_space<vmem>>) target_semaphore(%arg20 : memref<!tpu.dma_semaphore, #tpu.memory_space<semaphore_mem>>)
    } else {
    }
    %add3A_774 = arith.constant 16 : i32
    %add3A_775 = arith.addi %arg1, %add3A_774 : i32
    %lt3A_776 = arith.constant 250 : i32
    %lt3A_777 = arith.cmpi slt, %add3A_775, %lt3A_776 : i32
    %convert_element_type3A_778 = arith.extui %lt3A_777 : i1 to i32
    %cond3A_779 = arith.constant 0 : i32
    %cond3A_780 = arith.cmpi ne, %convert_element_type3A_778, %cond3A_779 : i32
    scf.if %cond3A_780 {
      %mul3A_1103 = arith.constant 40 : i32
      %mul3A_1104 = arith.muli %add3A_775, %mul3A_1103 : i32
      %dma_start3A_1105 = arith.constant 0 : i32
      %dma_start3A_1106 = tpu.memref_slice %arg7[%arg0, %mul3A_1104, %dma_start3A_1105] : memref<2x10000x128xf32, #tpu.memory_space<hbm>> -> memref<1x40x128xf32, #tpu.memory_space<hbm>>
      %dma_start3A_1107 = tpu.memref_squeeze %dma_start3A_1106 : memref<1x40x128xf32, #tpu.memory_space<hbm>> -> memref<40x128xf32, #tpu.memory_space<hbm>>
      %dma_start3A_1108 = arith.constant 0 : i32
      %dma_start3A_1109 = tpu.memref_slice %arg15[%mul3A_1104, %dma_start3A_1108] : memref<10000x128xf32, #tpu.memory_space<vmem_shared>> -> memref<40x128xf32, #tpu.memory_space<vmem_shared>>
      tpu.enqueue_dma source(%dma_start3A_1109 : memref<40x128xf32, #tpu.memory_space<vmem_shared>>) target(%dma_start3A_1107 : memref<40x128xf32, #tpu.memory_space<hbm>>) target_semaphore(%arg20 : memref<!tpu.dma_semaphore, #tpu.memory_space<semaphore_mem>>)
      %dma_start3A_1110 = arith.constant 1 : i32
      %dma_start3A_1111 = arith.constant 0 : i32
      %dma_start3A_1112 = tpu.memref_slice %arg13[%dma_start3A_1110, %dma_start3A_1111] : memref<16x40xf32, #tpu.memory_space<vmem>> -> memref<1x40xf32, #tpu.memory_space<vmem>>
      %dma_start3A_1113 = tpu.memref_squeeze %dma_start3A_1112 : memref<1x40xf32, #tpu.memory_space<vmem>> -> memref<40xf32, #tpu.memory_space<vmem>>
      %dma_start3A_1114 = tpu.memref_slice %arg16[%mul3A_1104] : memref<10000xf32, #tpu.memory_space<vmem_shared>> -> memref<40xf32, #tpu.memory_space<vmem_shared>>
      %dma_start3A_1115 = arith.constant 0 : i32
      %dma_start3A_1116 = tpu.memref_slice %arg13[%dma_start3A_1110, %dma_start3A_1115] : memref<16x40xf32, #tpu.memory_space<vmem>> -> memref<1x40xf32, #tpu.memory_space<vmem>>
      %dma_start3A_1117 = tpu.memref_squeeze %dma_start3A_1116 : memref<1x40xf32, #tpu.memory_space<vmem>> -> memref<40xf32, #tpu.memory_space<vmem>>
      %dma_start3A_1118 = tpu.memref_slice %arg16[%mul3A_1104] : memref<10000xf32, #tpu.memory_space<vmem_shared>> -> memref<40xf32, #tpu.memory_space<vmem_shared>>
      tpu.enqueue_dma source(%dma_start3A_1118 : memref<40xf32, #tpu.memory_space<vmem_shared>>) target(%dma_start3A_1117 : memref<40xf32, #tpu.memory_space<vmem>>) target_semaphore(%arg20 : memref<!tpu.dma_semaphore, #tpu.memory_space<semaphore_mem>>)
    } else {
    }
    %add3A_781 = arith.constant 32 : i32
    %add3A_782 = arith.addi %arg1, %add3A_781 : i32
    %lt3A_783 = arith.constant 250 : i32
    %lt3A_784 = arith.cmpi slt, %add3A_782, %lt3A_783 : i32
    %convert_element_type3A_785 = arith.extui %lt3A_784 : i1 to i32
    %cond3A_786 = arith.constant 0 : i32
    %cond3A_787 = arith.cmpi ne, %convert_element_type3A_785, %cond3A_786 : i32
    scf.if %cond3A_787 {
      %mul3A_1103 = arith.constant 40 : i32
      %mul3A_1104 = arith.muli %add3A_782, %mul3A_1103 : i32
      %dma_start3A_1105 = arith.constant 0 : i32
      %dma_start3A_1106 = tpu.memref_slice %arg7[%arg0, %mul3A_1104, %dma_start3A_1105] : memref<2x10000x128xf32, #tpu.memory_space<hbm>> -> memref<1x40x128xf32, #tpu.memory_space<hbm>>
      %dma_start3A_1107 = tpu.memref_squeeze %dma_start3A_1106 : memref<1x40x128xf32, #tpu.memory_space<hbm>> -> memref<40x128xf32, #tpu.memory_space<hbm>>
      %dma_start3A_1108 = arith.constant 0 : i32
      %dma_start3A_1109 = tpu.memref_slice %arg15[%mul3A_1104, %dma_start3A_1108] : memref<10000x128xf32, #tpu.memory_space<vmem_shared>> -> memref<40x128xf32, #tpu.memory_space<vmem_shared>>
      tpu.enqueue_dma source(%dma_start3A_1109 : memref<40x128xf32, #tpu.memory_space<vmem_shared>>) target(%dma_start3A_1107 : memref<40x128xf32, #tpu.memory_space<hbm>>) target_semaphore(%arg20 : memref<!tpu.dma_semaphore, #tpu.memory_space<semaphore_mem>>)
      %dma_start3A_1110 = arith.constant 2 : i32
      %dma_start3A_1111 = arith.constant 0 : i32
      %dma_start3A_1112 = tpu.memref_slice %arg13[%dma_start3A_1110, %dma_start3A_1111] : memref<16x40xf32, #tpu.memory_space<vmem>> -> memref<1x40xf32, #tpu.memory_space<vmem>>
      %dma_start3A_1113 = tpu.memref_squeeze %dma_start3A_1112 : memref<1x40xf32, #tpu.memory_space<vmem>> -> memref<40xf32, #tpu.memory_space<vmem>>
      %dma_start3A_1114 = tpu.memref_slice %arg16[%mul3A_1104] : memref<10000xf32, #tpu.memory_space<vmem_shared>> -> memref<40xf32, #tpu.memory_space<vmem_shared>>
      %dma_start3A_1115 = arith.constant 0 : i32
      %dma_start3A_1116 = tpu.memref_slice %arg13[%dma_start3A_1110, %dma_start3A_1115] : memref<16x40xf32, #tpu.memory_space<vmem>> -> memref<1x40xf32, #tpu.memory_space<vmem>>
      %dma_start3A_1117 = tpu.memref_squeeze %dma_start3A_1116 : memref<1x40xf32, #tpu.memory_space<vmem>> -> memref<40xf32, #tpu.memory_space<vmem>>
      %dma_start3A_1118 = tpu.memref_slice %arg16[%mul3A_1104] : memref<10000xf32, #tpu.memory_space<vmem_shared>> -> memref<40xf32, #tpu.memory_space<vmem_shared>>
      tpu.enqueue_dma source(%dma_start3A_1118 : memref<40xf32, #tpu.memory_space<vmem_shared>>) target(%dma_start3A_1117 : memref<40xf32, #tpu.memory_space<vmem>>) target_semaphore(%arg20 : memref<!tpu.dma_semaphore, #tpu.memory_space<semaphore_mem>>)
    } else {
    }
    %add3A_788 = arith.constant 48 : i32
    %add3A_789 = arith.addi %arg1, %add3A_788 : i32
    %lt3A_790 = arith.constant 250 : i32
    %lt3A_791 = arith.cmpi slt, %add3A_789, %lt3A_790 : i32
    %convert_element_type3A_792 = arith.extui %lt3A_791 : i1 to i32
    %cond3A_793 = arith.constant 0 : i32
    %cond3A_794 = arith.cmpi ne, %convert_element_type3A_792, %cond3A_793 : i32
    scf.if %cond3A_794 {
      %mul3A_1103 = arith.constant 40 : i32
      %mul3A_1104 = arith.muli %add3A_789, %mul3A_1103 : i32
      %dma_start3A_1105 = arith.constant 0 : i32
      %dma_start3A_1106 = tpu.memref_slice %arg7[%arg0, %mul3A_1104, %dma_start3A_1105] : memref<2x10000x128xf32, #tpu.memory_space<hbm>> -> memref<1x40x128xf32, #tpu.memory_space<hbm>>
      %dma_start3A_1107 = tpu.memref_squeeze %dma_start3A_1106 : memref<1x40x128xf32, #tpu.memory_space<hbm>> -> memref<40x128xf32, #tpu.memory_space<hbm>>
      %dma_start3A_1108 = arith.constant 0 : i32
      %dma_start3A_1109 = tpu.memref_slice %arg15[%mul3A_1104, %dma_start3A_1108] : memref<10000x128xf32, #tpu.memory_space<vmem_shared>> -> memref<40x128xf32, #tpu.memory_space<vmem_shared>>
      tpu.enqueue_dma source(%dma_start3A_1109 : memref<40x128xf32, #tpu.memory_space<vmem_shared>>) target(%dma_start3A_1107 : memref<40x128xf32, #tpu.memory_space<hbm>>) target_semaphore(%arg20 : memref<!tpu.dma_semaphore, #tpu.memory_space<semaphore_mem>>)
      %dma_start3A_1110 = arith.constant 3 : i32
      %dma_start3A_1111 = arith.constant 0 : i32
      %dma_start3A_1112 = tpu.memref_slice %arg13[%dma_start3A_1110, %dma_start3A_1111] : memref<16x40xf32, #tpu.memory_space<vmem>> -> memref<1x40xf32, #tpu.memory_space<vmem>>
      %dma_start3A_1113 = tpu.memref_squeeze %dma_start3A_1112 : memref<1x40xf32, #tpu.memory_space<vmem>> -> memref<40xf32, #tpu.memory_space<vmem>>
      %dma_start3A_1114 = tpu.memref_slice %arg16[%mul3A_1104] : memref<10000xf32, #tpu.memory_space<vmem_shared>> -> memref<40xf32, #tpu.memory_space<vmem_shared>>
      %dma_start3A_1115 = arith.constant 0 : i32
      %dma_start3A_1116 = tpu.memref_slice %arg13[%dma_start3A_1110, %dma_start3A_1115] : memref<16x40xf32, #tpu.memory_space<vmem>> -> memref<1x40xf32, #tpu.memory_space<vmem>>
      %dma_start3A_1117 = tpu.memref_squeeze %dma_start3A_1116 : memref<1x40xf32, #tpu.memory_space<vmem>> -> memref<40xf32, #tpu.memory_space<vmem>>
      %dma_start3A_1118 = tpu.memref_slice %arg16[%mul3A_1104] : memref<10000xf32, #tpu.memory_space<vmem_shared>> -> memref<40xf32, #tpu.memory_space<vmem_shared>>
      tpu.enqueue_dma source(%dma_start3A_1118 : memref<40xf32, #tpu.memory_space<vmem_shared>>) target(%dma_start3A_1117 : memref<40xf32, #tpu.memory_space<vmem>>) target_semaphore(%arg20 : memref<!tpu.dma_semaphore, #tpu.memory_space<semaphore_mem>>)
    } else {
    }
    %add3A_795 = arith.constant 64 : i32
    %add3A_796 = arith.addi %arg1, %add3A_795 : i32
    %lt3A_797 = arith.constant 250 : i32
    %lt3A_798 = arith.cmpi slt, %add3A_796, %lt3A_797 : i32
    %convert_element_type3A_799 = arith.extui %lt3A_798 : i1 to i32
    %cond3A_800 = arith.constant 0 : i32
    %cond3A_801 = arith.cmpi ne, %convert_element_type3A_799, %cond3A_800 : i32
    scf.if %cond3A_801 {
      %mul3A_1103 = arith.constant 40 : i32
      %mul3A_1104 = arith.muli %add3A_796, %mul3A_1103 : i32
      %dma_start3A_1105 = arith.constant 0 : i32
      %dma_start3A_1106 = tpu.memref_slice %arg7[%arg0, %mul3A_1104, %dma_start3A_1105] : memref<2x10000x128xf32, #tpu.memory_space<hbm>> -> memref<1x40x128xf32, #tpu.memory_space<hbm>>
      %dma_start3A_1107 = tpu.memref_squeeze %dma_start3A_1106 : memref<1x40x128xf32, #tpu.memory_space<hbm>> -> memref<40x128xf32, #tpu.memory_space<hbm>>
      %dma_start3A_1108 = arith.constant 0 : i32
      %dma_start3A_1109 = tpu.memref_slice %arg15[%mul3A_1104, %dma_start3A_1108] : memref<10000x128xf32, #tpu.memory_space<vmem_shared>> -> memref<40x128xf32, #tpu.memory_space<vmem_shared>>
      tpu.enqueue_dma source(%dma_start3A_1109 : memref<40x128xf32, #tpu.memory_space<vmem_shared>>) target(%dma_start3A_1107 : memref<40x128xf32, #tpu.memory_space<hbm>>) target_semaphore(%arg20 : memref<!tpu.dma_semaphore, #tpu.memory_space<semaphore_mem>>)
      %dma_start3A_1110 = arith.constant 4 : i32
      %dma_start3A_1111 = arith.constant 0 : i32
      %dma_start3A_1112 = tpu.memref_slice %arg13[%dma_start3A_1110, %dma_start3A_1111] : memref<16x40xf32, #tpu.memory_space<vmem>> -> memref<1x40xf32, #tpu.memory_space<vmem>>
      %dma_start3A_1113 = tpu.memref_squeeze %dma_start3A_1112 : memref<1x40xf32, #tpu.memory_space<vmem>> -> memref<40xf32, #tpu.memory_space<vmem>>
      %dma_start3A_1114 = tpu.memref_slice %arg16[%mul3A_1104] : memref<10000xf32, #tpu.memory_space<vmem_shared>> -> memref<40xf32, #tpu.memory_space<vmem_shared>>
      %dma_start3A_1115 = arith.constant 0 : i32
      %dma_start3A_1116 = tpu.memref_slice %arg13[%dma_start3A_1110, %dma_start3A_1115] : memref<16x40xf32, #tpu.memory_space<vmem>> -> memref<1x40xf32, #tpu.memory_space<vmem>>
      %dma_start3A_1117 = tpu.memref_squeeze %dma_start3A_1116 : memref<1x40xf32, #tpu.memory_space<vmem>> -> memref<40xf32, #tpu.memory_space<vmem>>
      %dma_start3A_1118 = tpu.memref_slice %arg16[%mul3A_1104] : memref<10000xf32, #tpu.memory_space<vmem_shared>> -> memref<40xf32, #tpu.memory_space<vmem_shared>>
      tpu.enqueue_dma source(%dma_start3A_1118 : memref<40xf32, #tpu.memory_space<vmem_shared>>) target(%dma_start3A_1117 : memref<40xf32, #tpu.memory_space<vmem>>) target_semaphore(%arg20 : memref<!tpu.dma_semaphore, #tpu.memory_space<semaphore_mem>>)
    } else {
    }
    %add3A_802 = arith.constant 80 : i32
    %add3A_803 = arith.addi %arg1, %add3A_802 : i32
    %lt3A_804 = arith.constant 250 : i32
    %lt3A_805 = arith.cmpi slt, %add3A_803, %lt3A_804 : i32
    %convert_element_type3A_806 = arith.extui %lt3A_805 : i1 to i32
    %cond3A_807 = arith.constant 0 : i32
    %cond3A_808 = arith.cmpi ne, %convert_element_type3A_806, %cond3A_807 : i32
    scf.if %cond3A_808 {
      %mul3A_1103 = arith.constant 40 : i32
      %mul3A_1104 = arith.muli %add3A_803, %mul3A_1103 : i32
      %dma_start3A_1105 = arith.constant 0 : i32
      %dma_start3A_1106 = tpu.memref_slice %arg7[%arg0, %mul3A_1104, %dma_start3A_1105] : memref<2x10000x128xf32, #tpu.memory_space<hbm>> -> memref<1x40x128xf32, #tpu.memory_space<hbm>>
      %dma_start3A_1107 = tpu.memref_squeeze %dma_start3A_1106 : memref<1x40x128xf32, #tpu.memory_space<hbm>> -> memref<40x128xf32, #tpu.memory_space<hbm>>
      %dma_start3A_1108 = arith.constant 0 : i32
      %dma_start3A_1109 = tpu.memref_slice %arg15[%mul3A_1104, %dma_start3A_1108] : memref<10000x128xf32, #tpu.memory_space<vmem_shared>> -> memref<40x128xf32, #tpu.memory_space<vmem_shared>>
      tpu.enqueue_dma source(%dma_start3A_1109 : memref<40x128xf32, #tpu.memory_space<vmem_shared>>) target(%dma_start3A_1107 : memref<40x128xf32, #tpu.memory_space<hbm>>) target_semaphore(%arg20 : memref<!tpu.dma_semaphore, #tpu.memory_space<semaphore_mem>>)
      %dma_start3A_1110 = arith.constant 5 : i32
      %dma_start3A_1111 = arith.constant 0 : i32
      %dma_start3A_1112 = tpu.memref_slice %arg13[%dma_start3A_1110, %dma_start3A_1111] : memref<16x40xf32, #tpu.memory_space<vmem>> -> memref<1x40xf32, #tpu.memory_space<vmem>>
      %dma_start3A_1113 = tpu.memref_squeeze %dma_start3A_1112 : memref<1x40xf32, #tpu.memory_space<vmem>> -> memref<40xf32, #tpu.memory_space<vmem>>
      %dma_start3A_1114 = tpu.memref_slice %arg16[%mul3A_1104] : memref<10000xf32, #tpu.memory_space<vmem_shared>> -> memref<40xf32, #tpu.memory_space<vmem_shared>>
      %dma_start3A_1115 = arith.constant 0 : i32
      %dma_start3A_1116 = tpu.memref_slice %arg13[%dma_start3A_1110, %dma_start3A_1115] : memref<16x40xf32, #tpu.memory_space<vmem>> -> memref<1x40xf32, #tpu.memory_space<vmem>>
      %dma_start3A_1117 = tpu.memref_squeeze %dma_start3A_1116 : memref<1x40xf32, #tpu.memory_space<vmem>> -> memref<40xf32, #tpu.memory_space<vmem>>
      %dma_start3A_1118 = tpu.memref_slice %arg16[%mul3A_1104] : memref<10000xf32, #tpu.memory_space<vmem_shared>> -> memref<40xf32, #tpu.memory_space<vmem_shared>>
      tpu.enqueue_dma source(%dma_start3A_1118 : memref<40xf32, #tpu.memory_space<vmem_shared>>) target(%dma_start3A_1117 : memref<40xf32, #tpu.memory_space<vmem>>) target_semaphore(%arg20 : memref<!tpu.dma_semaphore, #tpu.memory_space<semaphore_mem>>)
    } else {
    }
    %add3A_809 = arith.constant 96 : i32
    %add3A_810 = arith.addi %arg1, %add3A_809 : i32
    %lt3A_811 = arith.constant 250 : i32
    %lt3A_812 = arith.cmpi slt, %add3A_810, %lt3A_811 : i32
    %convert_element_type3A_813 = arith.extui %lt3A_812 : i1 to i32
    %cond3A_814 = arith.constant 0 : i32
    %cond3A_815 = arith.cmpi ne, %convert_element_type3A_813, %cond3A_814 : i32
    scf.if %cond3A_815 {
      %mul3A_1103 = arith.constant 40 : i32
      %mul3A_1104 = arith.muli %add3A_810, %mul3A_1103 : i32
      %dma_start3A_1105 = arith.constant 0 : i32
      %dma_start3A_1106 = tpu.memref_slice %arg7[%arg0, %mul3A_1104, %dma_start3A_1105] : memref<2x10000x128xf32, #tpu.memory_space<hbm>> -> memref<1x40x128xf32, #tpu.memory_space<hbm>>
      %dma_start3A_1107 = tpu.memref_squeeze %dma_start3A_1106 : memref<1x40x128xf32, #tpu.memory_space<hbm>> -> memref<40x128xf32, #tpu.memory_space<hbm>>
      %dma_start3A_1108 = arith.constant 0 : i32
      %dma_start3A_1109 = tpu.memref_slice %arg15[%mul3A_1104, %dma_start3A_1108] : memref<10000x128xf32, #tpu.memory_space<vmem_shared>> -> memref<40x128xf32, #tpu.memory_space<vmem_shared>>
      tpu.enqueue_dma source(%dma_start3A_1109 : memref<40x128xf32, #tpu.memory_space<vmem_shared>>) target(%dma_start3A_1107 : memref<40x128xf32, #tpu.memory_space<hbm>>) target_semaphore(%arg20 : memref<!tpu.dma_semaphore, #tpu.memory_space<semaphore_mem>>)
      %dma_start3A_1110 = arith.constant 6 : i32
      %dma_start3A_1111 = arith.constant 0 : i32
      %dma_start3A_1112 = tpu.memref_slice %arg13[%dma_start3A_1110, %dma_start3A_1111] : memref<16x40xf32, #tpu.memory_space<vmem>> -> memref<1x40xf32, #tpu.memory_space<vmem>>
      %dma_start3A_1113 = tpu.memref_squeeze %dma_start3A_1112 : memref<1x40xf32, #tpu.memory_space<vmem>> -> memref<40xf32, #tpu.memory_space<vmem>>
      %dma_start3A_1114 = tpu.memref_slice %arg16[%mul3A_1104] : memref<10000xf32, #tpu.memory_space<vmem_shared>> -> memref<40xf32, #tpu.memory_space<vmem_shared>>
      %dma_start3A_1115 = arith.constant 0 : i32
      %dma_start3A_1116 = tpu.memref_slice %arg13[%dma_start3A_1110, %dma_start3A_1115] : memref<16x40xf32, #tpu.memory_space<vmem>> -> memref<1x40xf32, #tpu.memory_space<vmem>>
      %dma_start3A_1117 = tpu.memref_squeeze %dma_start3A_1116 : memref<1x40xf32, #tpu.memory_space<vmem>> -> memref<40xf32, #tpu.memory_space<vmem>>
      %dma_start3A_1118 = tpu.memref_slice %arg16[%mul3A_1104] : memref<10000xf32, #tpu.memory_space<vmem_shared>> -> memref<40xf32, #tpu.memory_space<vmem_shared>>
      tpu.enqueue_dma source(%dma_start3A_1118 : memref<40xf32, #tpu.memory_space<vmem_shared>>) target(%dma_start3A_1117 : memref<40xf32, #tpu.memory_space<vmem>>) target_semaphore(%arg20 : memref<!tpu.dma_semaphore, #tpu.memory_space<semaphore_mem>>)
    } else {
    }
    %add3A_816 = arith.constant 112 : i32
    %add3A_817 = arith.addi %arg1, %add3A_816 : i32
    %lt3A_818 = arith.constant 250 : i32
    %lt3A_819 = arith.cmpi slt, %add3A_817, %lt3A_818 : i32
    %convert_element_type3A_820 = arith.extui %lt3A_819 : i1 to i32
    %cond3A_821 = arith.constant 0 : i32
    %cond3A_822 = arith.cmpi ne, %convert_element_type3A_820, %cond3A_821 : i32
    scf.if %cond3A_822 {
      %mul3A_1103 = arith.constant 40 : i32
      %mul3A_1104 = arith.muli %add3A_817, %mul3A_1103 : i32
      %dma_start3A_1105 = arith.constant 0 : i32
      %dma_start3A_1106 = tpu.memref_slice %arg7[%arg0, %mul3A_1104, %dma_start3A_1105] : memref<2x10000x128xf32, #tpu.memory_space<hbm>> -> memref<1x40x128xf32, #tpu.memory_space<hbm>>
      %dma_start3A_1107 = tpu.memref_squeeze %dma_start3A_1106 : memref<1x40x128xf32, #tpu.memory_space<hbm>> -> memref<40x128xf32, #tpu.memory_space<hbm>>
      %dma_start3A_1108 = arith.constant 0 : i32
      %dma_start3A_1109 = tpu.memref_slice %arg15[%mul3A_1104, %dma_start3A_1108] : memref<10000x128xf32, #tpu.memory_space<vmem_shared>> -> memref<40x128xf32, #tpu.memory_space<vmem_shared>>
      tpu.enqueue_dma source(%dma_start3A_1109 : memref<40x128xf32, #tpu.memory_space<vmem_shared>>) target(%dma_start3A_1107 : memref<40x128xf32, #tpu.memory_space<hbm>>) target_semaphore(%arg20 : memref<!tpu.dma_semaphore, #tpu.memory_space<semaphore_mem>>)
      %dma_start3A_1110 = arith.constant 7 : i32
      %dma_start3A_1111 = arith.constant 0 : i32
      %dma_start3A_1112 = tpu.memref_slice %arg13[%dma_start3A_1110, %dma_start3A_1111] : memref<16x40xf32, #tpu.memory_space<vmem>> -> memref<1x40xf32, #tpu.memory_space<vmem>>
      %dma_start3A_1113 = tpu.memref_squeeze %dma_start3A_1112 : memref<1x40xf32, #tpu.memory_space<vmem>> -> memref<40xf32, #tpu.memory_space<vmem>>
      %dma_start3A_1114 = tpu.memref_slice %arg16[%mul3A_1104] : memref<10000xf32, #tpu.memory_space<vmem_shared>> -> memref<40xf32, #tpu.memory_space<vmem_shared>>
      %dma_start3A_1115 = arith.constant 0 : i32
      %dma_start3A_1116 = tpu.memref_slice %arg13[%dma_start3A_1110, %dma_start3A_1115] : memref<16x40xf32, #tpu.memory_space<vmem>> -> memref<1x40xf32, #tpu.memory_space<vmem>>
      %dma_start3A_1117 = tpu.memref_squeeze %dma_start3A_1116 : memref<1x40xf32, #tpu.memory_space<vmem>> -> memref<40xf32, #tpu.memory_space<vmem>>
      %dma_start3A_1118 = tpu.memref_slice %arg16[%mul3A_1104] : memref<10000xf32, #tpu.memory_space<vmem_shared>> -> memref<40xf32, #tpu.memory_space<vmem_shared>>
      tpu.enqueue_dma source(%dma_start3A_1118 : memref<40xf32, #tpu.memory_space<vmem_shared>>) target(%dma_start3A_1117 : memref<40xf32, #tpu.memory_space<vmem>>) target_semaphore(%arg20 : memref<!tpu.dma_semaphore, #tpu.memory_space<semaphore_mem>>)
    } else {
    }
    %add3A_823 = arith.constant 128 : i32
    %add3A_824 = arith.addi %arg1, %add3A_823 : i32
    %lt3A_825 = arith.constant 250 : i32
    %lt3A_826 = arith.cmpi slt, %add3A_824, %lt3A_825 : i32
    %convert_element_type3A_827 = arith.extui %lt3A_826 : i1 to i32
    %cond3A_828 = arith.constant 0 : i32
    %cond3A_829 = arith.cmpi ne, %convert_element_type3A_827, %cond3A_828 : i32
    scf.if %cond3A_829 {
      %mul3A_1103 = arith.constant 40 : i32
      %mul3A_1104 = arith.muli %add3A_824, %mul3A_1103 : i32
      %dma_start3A_1105 = arith.constant 0 : i32
      %dma_start3A_1106 = tpu.memref_slice %arg7[%arg0, %mul3A_1104, %dma_start3A_1105] : memref<2x10000x128xf32, #tpu.memory_space<hbm>> -> memref<1x40x128xf32, #tpu.memory_space<hbm>>
      %dma_start3A_1107 = tpu.memref_squeeze %dma_start3A_1106 : memref<1x40x128xf32, #tpu.memory_space<hbm>> -> memref<40x128xf32, #tpu.memory_space<hbm>>
      %dma_start3A_1108 = arith.constant 0 : i32
      %dma_start3A_1109 = tpu.memref_slice %arg15[%mul3A_1104, %dma_start3A_1108] : memref<10000x128xf32, #tpu.memory_space<vmem_shared>> -> memref<40x128xf32, #tpu.memory_space<vmem_shared>>
      tpu.enqueue_dma source(%dma_start3A_1109 : memref<40x128xf32, #tpu.memory_space<vmem_shared>>) target(%dma_start3A_1107 : memref<40x128xf32, #tpu.memory_space<hbm>>) target_semaphore(%arg20 : memref<!tpu.dma_semaphore, #tpu.memory_space<semaphore_mem>>)
      %dma_start3A_1110 = arith.constant 8 : i32
      %dma_start3A_1111 = arith.constant 0 : i32
      %dma_start3A_1112 = tpu.memref_slice %arg13[%dma_start3A_1110, %dma_start3A_1111] : memref<16x40xf32, #tpu.memory_space<vmem>> -> memref<1x40xf32, #tpu.memory_space<vmem>>
      %dma_start3A_1113 = tpu.memref_squeeze %dma_start3A_1112 : memref<1x40xf32, #tpu.memory_space<vmem>> -> memref<40xf32, #tpu.memory_space<vmem>>
      %dma_start3A_1114 = tpu.memref_slice %arg16[%mul3A_1104] : memref<10000xf32, #tpu.memory_space<vmem_shared>> -> memref<40xf32, #tpu.memory_space<vmem_shared>>
      %dma_start3A_1115 = arith.constant 0 : i32
      %dma_start3A_1116 = tpu.memref_slice %arg13[%dma_start3A_1110, %dma_start3A_1115] : memref<16x40xf32, #tpu.memory_space<vmem>> -> memref<1x40xf32, #tpu.memory_space<vmem>>
      %dma_start3A_1117 = tpu.memref_squeeze %dma_start3A_1116 : memref<1x40xf32, #tpu.memory_space<vmem>> -> memref<40xf32, #tpu.memory_space<vmem>>
      %dma_start3A_1118 = tpu.memref_slice %arg16[%mul3A_1104] : memref<10000xf32, #tpu.memory_space<vmem_shared>> -> memref<40xf32, #tpu.memory_space<vmem_shared>>
      tpu.enqueue_dma source(%dma_start3A_1118 : memref<40xf32, #tpu.memory_space<vmem_shared>>) target(%dma_start3A_1117 : memref<40xf32, #tpu.memory_space<vmem>>) target_semaphore(%arg20 : memref<!tpu.dma_semaphore, #tpu.memory_space<semaphore_mem>>)
    } else {
    }
    %add3A_830 = arith.constant 144 : i32
    %add3A_831 = arith.addi %arg1, %add3A_830 : i32
    %lt3A_832 = arith.constant 250 : i32
    %lt3A_833 = arith.cmpi slt, %add3A_831, %lt3A_832 : i32
    %convert_element_type3A_834 = arith.extui %lt3A_833 : i1 to i32
    %cond3A_835 = arith.constant 0 : i32
    %cond3A_836 = arith.cmpi ne, %convert_element_type3A_834, %cond3A_835 : i32
    scf.if %cond3A_836 {
      %mul3A_1103 = arith.constant 40 : i32
      %mul3A_1104 = arith.muli %add3A_831, %mul3A_1103 : i32
      %dma_start3A_1105 = arith.constant 0 : i32
      %dma_start3A_1106 = tpu.memref_slice %arg7[%arg0, %mul3A_1104, %dma_start3A_1105] : memref<2x10000x128xf32, #tpu.memory_space<hbm>> -> memref<1x40x128xf32, #tpu.memory_space<hbm>>
      %dma_start3A_1107 = tpu.memref_squeeze %dma_start3A_1106 : memref<1x40x128xf32, #tpu.memory_space<hbm>> -> memref<40x128xf32, #tpu.memory_space<hbm>>
      %dma_start3A_1108 = arith.constant 0 : i32
      %dma_start3A_1109 = tpu.memref_slice %arg15[%mul3A_1104, %dma_start3A_1108] : memref<10000x128xf32, #tpu.memory_space<vmem_shared>> -> memref<40x128xf32, #tpu.memory_space<vmem_shared>>
      tpu.enqueue_dma source(%dma_start3A_1109 : memref<40x128xf32, #tpu.memory_space<vmem_shared>>) target(%dma_start3A_1107 : memref<40x128xf32, #tpu.memory_space<hbm>>) target_semaphore(%arg20 : memref<!tpu.dma_semaphore, #tpu.memory_space<semaphore_mem>>)
      %dma_start3A_1110 = arith.constant 9 : i32
      %dma_start3A_1111 = arith.constant 0 : i32
      %dma_start3A_1112 = tpu.memref_slice %arg13[%dma_start3A_1110, %dma_start3A_1111] : memref<16x40xf32, #tpu.memory_space<vmem>> -> memref<1x40xf32, #tpu.memory_space<vmem>>
      %dma_start3A_1113 = tpu.memref_squeeze %dma_start3A_1112 : memref<1x40xf32, #tpu.memory_space<vmem>> -> memref<40xf32, #tpu.memory_space<vmem>>
      %dma_start3A_1114 = tpu.memref_slice %arg16[%mul3A_1104] : memref<10000xf32, #tpu.memory_space<vmem_shared>> -> memref<40xf32, #tpu.memory_space<vmem_shared>>
      %dma_start3A_1115 = arith.constant 0 : i32
      %dma_start3A_1116 = tpu.memref_slice %arg13[%dma_start3A_1110, %dma_start3A_1115] : memref<16x40xf32, #tpu.memory_space<vmem>> -> memref<1x40xf32, #tpu.memory_space<vmem>>
      %dma_start3A_1117 = tpu.memref_squeeze %dma_start3A_1116 : memref<1x40xf32, #tpu.memory_space<vmem>> -> memref<40xf32, #tpu.memory_space<vmem>>
      %dma_start3A_1118 = tpu.memref_slice %arg16[%mul3A_1104] : memref<10000xf32, #tpu.memory_space<vmem_shared>> -> memref<40xf32, #tpu.memory_space<vmem_shared>>
      tpu.enqueue_dma source(%dma_start3A_1118 : memref<40xf32, #tpu.memory_space<vmem_shared>>) target(%dma_start3A_1117 : memref<40xf32, #tpu.memory_space<vmem>>) target_semaphore(%arg20 : memref<!tpu.dma_semaphore, #tpu.memory_space<semaphore_mem>>)
    } else {
    }
    %add3A_837 = arith.constant 160 : i32
    %add3A_838 = arith.addi %arg1, %add3A_837 : i32
    %lt3A_839 = arith.constant 250 : i32
    %lt3A_840 = arith.cmpi slt, %add3A_838, %lt3A_839 : i32
    %convert_element_type3A_841 = arith.extui %lt3A_840 : i1 to i32
    %cond3A_842 = arith.constant 0 : i32
    %cond3A_843 = arith.cmpi ne, %convert_element_type3A_841, %cond3A_842 : i32
    scf.if %cond3A_843 {
      %mul3A_1103 = arith.constant 40 : i32
      %mul3A_1104 = arith.muli %add3A_838, %mul3A_1103 : i32
      %dma_start3A_1105 = arith.constant 0 : i32
      %dma_start3A_1106 = tpu.memref_slice %arg7[%arg0, %mul3A_1104, %dma_start3A_1105] : memref<2x10000x128xf32, #tpu.memory_space<hbm>> -> memref<1x40x128xf32, #tpu.memory_space<hbm>>
      %dma_start3A_1107 = tpu.memref_squeeze %dma_start3A_1106 : memref<1x40x128xf32, #tpu.memory_space<hbm>> -> memref<40x128xf32, #tpu.memory_space<hbm>>
      %dma_start3A_1108 = arith.constant 0 : i32
      %dma_start3A_1109 = tpu.memref_slice %arg15[%mul3A_1104, %dma_start3A_1108] : memref<10000x128xf32, #tpu.memory_space<vmem_shared>> -> memref<40x128xf32, #tpu.memory_space<vmem_shared>>
      tpu.enqueue_dma source(%dma_start3A_1109 : memref<40x128xf32, #tpu.memory_space<vmem_shared>>) target(%dma_start3A_1107 : memref<40x128xf32, #tpu.memory_space<hbm>>) target_semaphore(%arg20 : memref<!tpu.dma_semaphore, #tpu.memory_space<semaphore_mem>>)
      %dma_start3A_1110 = arith.constant 10 : i32
      %dma_start3A_1111 = arith.constant 0 : i32
      %dma_start3A_1112 = tpu.memref_slice %arg13[%dma_start3A_1110, %dma_start3A_1111] : memref<16x40xf32, #tpu.memory_space<vmem>> -> memref<1x40xf32, #tpu.memory_space<vmem>>
      %dma_start3A_1113 = tpu.memref_squeeze %dma_start3A_1112 : memref<1x40xf32, #tpu.memory_space<vmem>> -> memref<40xf32, #tpu.memory_space<vmem>>
      %dma_start3A_1114 = tpu.memref_slice %arg16[%mul3A_1104] : memref<10000xf32, #tpu.memory_space<vmem_shared>> -> memref<40xf32, #tpu.memory_space<vmem_shared>>
      %dma_start3A_1115 = arith.constant 0 : i32
      %dma_start3A_1116 = tpu.memref_slice %arg13[%dma_start3A_1110, %dma_start3A_1115] : memref<16x40xf32, #tpu.memory_space<vmem>> -> memref<1x40xf32, #tpu.memory_space<vmem>>
      %dma_start3A_1117 = tpu.memref_squeeze %dma_start3A_1116 : memref<1x40xf32, #tpu.memory_space<vmem>> -> memref<40xf32, #tpu.memory_space<vmem>>
      %dma_start3A_1118 = tpu.memref_slice %arg16[%mul3A_1104] : memref<10000xf32, #tpu.memory_space<vmem_shared>> -> memref<40xf32, #tpu.memory_space<vmem_shared>>
      tpu.enqueue_dma source(%dma_start3A_1118 : memref<40xf32, #tpu.memory_space<vmem_shared>>) target(%dma_start3A_1117 : memref<40xf32, #tpu.memory_space<vmem>>) target_semaphore(%arg20 : memref<!tpu.dma_semaphore, #tpu.memory_space<semaphore_mem>>)
    } else {
    }
    %add3A_844 = arith.constant 176 : i32
    %add3A_845 = arith.addi %arg1, %add3A_844 : i32
    %lt3A_846 = arith.constant 250 : i32
    %lt3A_847 = arith.cmpi slt, %add3A_845, %lt3A_846 : i32
    %convert_element_type3A_848 = arith.extui %lt3A_847 : i1 to i32
    %cond3A_849 = arith.constant 0 : i32
    %cond3A_850 = arith.cmpi ne, %convert_element_type3A_848, %cond3A_849 : i32
    scf.if %cond3A_850 {
      %mul3A_1103 = arith.constant 40 : i32
      %mul3A_1104 = arith.muli %add3A_845, %mul3A_1103 : i32
      %dma_start3A_1105 = arith.constant 0 : i32
      %dma_start3A_1106 = tpu.memref_slice %arg7[%arg0, %mul3A_1104, %dma_start3A_1105] : memref<2x10000x128xf32, #tpu.memory_space<hbm>> -> memref<1x40x128xf32, #tpu.memory_space<hbm>>
      %dma_start3A_1107 = tpu.memref_squeeze %dma_start3A_1106 : memref<1x40x128xf32, #tpu.memory_space<hbm>> -> memref<40x128xf32, #tpu.memory_space<hbm>>
      %dma_start3A_1108 = arith.constant 0 : i32
      %dma_start3A_1109 = tpu.memref_slice %arg15[%mul3A_1104, %dma_start3A_1108] : memref<10000x128xf32, #tpu.memory_space<vmem_shared>> -> memref<40x128xf32, #tpu.memory_space<vmem_shared>>
      tpu.enqueue_dma source(%dma_start3A_1109 : memref<40x128xf32, #tpu.memory_space<vmem_shared>>) target(%dma_start3A_1107 : memref<40x128xf32, #tpu.memory_space<hbm>>) target_semaphore(%arg20 : memref<!tpu.dma_semaphore, #tpu.memory_space<semaphore_mem>>)
      %dma_start3A_1110 = arith.constant 11 : i32
      %dma_start3A_1111 = arith.constant 0 : i32
      %dma_start3A_1112 = tpu.memref_slice %arg13[%dma_start3A_1110, %dma_start3A_1111] : memref<16x40xf32, #tpu.memory_space<vmem>> -> memref<1x40xf32, #tpu.memory_space<vmem>>
      %dma_start3A_1113 = tpu.memref_squeeze %dma_start3A_1112 : memref<1x40xf32, #tpu.memory_space<vmem>> -> memref<40xf32, #tpu.memory_space<vmem>>
      %dma_start3A_1114 = tpu.memref_slice %arg16[%mul3A_1104] : memref<10000xf32, #tpu.memory_space<vmem_shared>> -> memref<40xf32, #tpu.memory_space<vmem_shared>>
      %dma_start3A_1115 = arith.constant 0 : i32
      %dma_start3A_1116 = tpu.memref_slice %arg13[%dma_start3A_1110, %dma_start3A_1115] : memref<16x40xf32, #tpu.memory_space<vmem>> -> memref<1x40xf32, #tpu.memory_space<vmem>>
      %dma_start3A_1117 = tpu.memref_squeeze %dma_start3A_1116 : memref<1x40xf32, #tpu.memory_space<vmem>> -> memref<40xf32, #tpu.memory_space<vmem>>
      %dma_start3A_1118 = tpu.memref_slice %arg16[%mul3A_1104] : memref<10000xf32, #tpu.memory_space<vmem_shared>> -> memref<40xf32, #tpu.memory_space<vmem_shared>>
      tpu.enqueue_dma source(%dma_start3A_1118 : memref<40xf32, #tpu.memory_space<vmem_shared>>) target(%dma_start3A_1117 : memref<40xf32, #tpu.memory_space<vmem>>) target_semaphore(%arg20 : memref<!tpu.dma_semaphore, #tpu.memory_space<semaphore_mem>>)
    } else {
    }
    %add3A_851 = arith.constant 192 : i32
    %add3A_852 = arith.addi %arg1, %add3A_851 : i32
    %lt3A_853 = arith.constant 250 : i32
    %lt3A_854 = arith.cmpi slt, %add3A_852, %lt3A_853 : i32
    %convert_element_type3A_855 = arith.extui %lt3A_854 : i1 to i32
    %cond3A_856 = arith.constant 0 : i32
    %cond3A_857 = arith.cmpi ne, %convert_element_type3A_855, %cond3A_856 : i32
    scf.if %cond3A_857 {
      %mul3A_1103 = arith.constant 40 : i32
      %mul3A_1104 = arith.muli %add3A_852, %mul3A_1103 : i32
      %dma_start3A_1105 = arith.constant 0 : i32
      %dma_start3A_1106 = tpu.memref_slice %arg7[%arg0, %mul3A_1104, %dma_start3A_1105] : memref<2x10000x128xf32, #tpu.memory_space<hbm>> -> memref<1x40x128xf32, #tpu.memory_space<hbm>>
      %dma_start3A_1107 = tpu.memref_squeeze %dma_start3A_1106 : memref<1x40x128xf32, #tpu.memory_space<hbm>> -> memref<40x128xf32, #tpu.memory_space<hbm>>
      %dma_start3A_1108 = arith.constant 0 : i32
      %dma_start3A_1109 = tpu.memref_slice %arg15[%mul3A_1104, %dma_start3A_1108] : memref<10000x128xf32, #tpu.memory_space<vmem_shared>> -> memref<40x128xf32, #tpu.memory_space<vmem_shared>>
      tpu.enqueue_dma source(%dma_start3A_1109 : memref<40x128xf32, #tpu.memory_space<vmem_shared>>) target(%dma_start3A_1107 : memref<40x128xf32, #tpu.memory_space<hbm>>) target_semaphore(%arg20 : memref<!tpu.dma_semaphore, #tpu.memory_space<semaphore_mem>>)
      %dma_start3A_1110 = arith.constant 12 : i32
      %dma_start3A_1111 = arith.constant 0 : i32
      %dma_start3A_1112 = tpu.memref_slice %arg13[%dma_start3A_1110, %dma_start3A_1111] : memref<16x40xf32, #tpu.memory_space<vmem>> -> memref<1x40xf32, #tpu.memory_space<vmem>>
      %dma_start3A_1113 = tpu.memref_squeeze %dma_start3A_1112 : memref<1x40xf32, #tpu.memory_space<vmem>> -> memref<40xf32, #tpu.memory_space<vmem>>
      %dma_start3A_1114 = tpu.memref_slice %arg16[%mul3A_1104] : memref<10000xf32, #tpu.memory_space<vmem_shared>> -> memref<40xf32, #tpu.memory_space<vmem_shared>>
      %dma_start3A_1115 = arith.constant 0 : i32
      %dma_start3A_1116 = tpu.memref_slice %arg13[%dma_start3A_1110, %dma_start3A_1115] : memref<16x40xf32, #tpu.memory_space<vmem>> -> memref<1x40xf32, #tpu.memory_space<vmem>>
      %dma_start3A_1117 = tpu.memref_squeeze %dma_start3A_1116 : memref<1x40xf32, #tpu.memory_space<vmem>> -> memref<40xf32, #tpu.memory_space<vmem>>
      %dma_start3A_1118 = tpu.memref_slice %arg16[%mul3A_1104] : memref<10000xf32, #tpu.memory_space<vmem_shared>> -> memref<40xf32, #tpu.memory_space<vmem_shared>>
      tpu.enqueue_dma source(%dma_start3A_1118 : memref<40xf32, #tpu.memory_space<vmem_shared>>) target(%dma_start3A_1117 : memref<40xf32, #tpu.memory_space<vmem>>) target_semaphore(%arg20 : memref<!tpu.dma_semaphore, #tpu.memory_space<semaphore_mem>>)
    } else {
    }
    %add3A_858 = arith.constant 208 : i32
    %add3A_859 = arith.addi %arg1, %add3A_858 : i32
    %lt3A_860 = arith.constant 250 : i32
    %lt3A_861 = arith.cmpi slt, %add3A_859, %lt3A_860 : i32
    %convert_element_type3A_862 = arith.extui %lt3A_861 : i1 to i32
    %cond3A_863 = arith.constant 0 : i32
    %cond3A_864 = arith.cmpi ne, %convert_element_type3A_862, %cond3A_863 : i32
    scf.if %cond3A_864 {
      %mul3A_1103 = arith.constant 40 : i32
      %mul3A_1104 = arith.muli %add3A_859, %mul3A_1103 : i32
      %dma_start3A_1105 = arith.constant 0 : i32
      %dma_start3A_1106 = tpu.memref_slice %arg7[%arg0, %mul3A_1104, %dma_start3A_1105] : memref<2x10000x128xf32, #tpu.memory_space<hbm>> -> memref<1x40x128xf32, #tpu.memory_space<hbm>>
      %dma_start3A_1107 = tpu.memref_squeeze %dma_start3A_1106 : memref<1x40x128xf32, #tpu.memory_space<hbm>> -> memref<40x128xf32, #tpu.memory_space<hbm>>
      %dma_start3A_1108 = arith.constant 0 : i32
      %dma_start3A_1109 = tpu.memref_slice %arg15[%mul3A_1104, %dma_start3A_1108] : memref<10000x128xf32, #tpu.memory_space<vmem_shared>> -> memref<40x128xf32, #tpu.memory_space<vmem_shared>>
      tpu.enqueue_dma source(%dma_start3A_1109 : memref<40x128xf32, #tpu.memory_space<vmem_shared>>) target(%dma_start3A_1107 : memref<40x128xf32, #tpu.memory_space<hbm>>) target_semaphore(%arg20 : memref<!tpu.dma_semaphore, #tpu.memory_space<semaphore_mem>>)
      %dma_start3A_1110 = arith.constant 13 : i32
      %dma_start3A_1111 = arith.constant 0 : i32
      %dma_start3A_1112 = tpu.memref_slice %arg13[%dma_start3A_1110, %dma_start3A_1111] : memref<16x40xf32, #tpu.memory_space<vmem>> -> memref<1x40xf32, #tpu.memory_space<vmem>>
      %dma_start3A_1113 = tpu.memref_squeeze %dma_start3A_1112 : memref<1x40xf32, #tpu.memory_space<vmem>> -> memref<40xf32, #tpu.memory_space<vmem>>
      %dma_start3A_1114 = tpu.memref_slice %arg16[%mul3A_1104] : memref<10000xf32, #tpu.memory_space<vmem_shared>> -> memref<40xf32, #tpu.memory_space<vmem_shared>>
      %dma_start3A_1115 = arith.constant 0 : i32
      %dma_start3A_1116 = tpu.memref_slice %arg13[%dma_start3A_1110, %dma_start3A_1115] : memref<16x40xf32, #tpu.memory_space<vmem>> -> memref<1x40xf32, #tpu.memory_space<vmem>>
      %dma_start3A_1117 = tpu.memref_squeeze %dma_start3A_1116 : memref<1x40xf32, #tpu.memory_space<vmem>> -> memref<40xf32, #tpu.memory_space<vmem>>
      %dma_start3A_1118 = tpu.memref_slice %arg16[%mul3A_1104] : memref<10000xf32, #tpu.memory_space<vmem_shared>> -> memref<40xf32, #tpu.memory_space<vmem_shared>>
      tpu.enqueue_dma source(%dma_start3A_1118 : memref<40xf32, #tpu.memory_space<vmem_shared>>) target(%dma_start3A_1117 : memref<40xf32, #tpu.memory_space<vmem>>) target_semaphore(%arg20 : memref<!tpu.dma_semaphore, #tpu.memory_space<semaphore_mem>>)
    } else {
    }
    %add3A_865 = arith.constant 224 : i32
    %add3A_866 = arith.addi %arg1, %add3A_865 : i32
    %lt3A_867 = arith.constant 250 : i32
    %lt3A_868 = arith.cmpi slt, %add3A_866, %lt3A_867 : i32
    %convert_element_type3A_869 = arith.extui %lt3A_868 : i1 to i32
    %cond3A_870 = arith.constant 0 : i32
    %cond3A_871 = arith.cmpi ne, %convert_element_type3A_869, %cond3A_870 : i32
    scf.if %cond3A_871 {
      %mul3A_1103 = arith.constant 40 : i32
      %mul3A_1104 = arith.muli %add3A_866, %mul3A_1103 : i32
      %dma_start3A_1105 = arith.constant 0 : i32
      %dma_start3A_1106 = tpu.memref_slice %arg7[%arg0, %mul3A_1104, %dma_start3A_1105] : memref<2x10000x128xf32, #tpu.memory_space<hbm>> -> memref<1x40x128xf32, #tpu.memory_space<hbm>>
      %dma_start3A_1107 = tpu.memref_squeeze %dma_start3A_1106 : memref<1x40x128xf32, #tpu.memory_space<hbm>> -> memref<40x128xf32, #tpu.memory_space<hbm>>
      %dma_start3A_1108 = arith.constant 0 : i32
      %dma_start3A_1109 = tpu.memref_slice %arg15[%mul3A_1104, %dma_start3A_1108] : memref<10000x128xf32, #tpu.memory_space<vmem_shared>> -> memref<40x128xf32, #tpu.memory_space<vmem_shared>>
      tpu.enqueue_dma source(%dma_start3A_1109 : memref<40x128xf32, #tpu.memory_space<vmem_shared>>) target(%dma_start3A_1107 : memref<40x128xf32, #tpu.memory_space<hbm>>) target_semaphore(%arg20 : memref<!tpu.dma_semaphore, #tpu.memory_space<semaphore_mem>>)
      %dma_start3A_1110 = arith.constant 14 : i32
      %dma_start3A_1111 = arith.constant 0 : i32
      %dma_start3A_1112 = tpu.memref_slice %arg13[%dma_start3A_1110, %dma_start3A_1111] : memref<16x40xf32, #tpu.memory_space<vmem>> -> memref<1x40xf32, #tpu.memory_space<vmem>>
      %dma_start3A_1113 = tpu.memref_squeeze %dma_start3A_1112 : memref<1x40xf32, #tpu.memory_space<vmem>> -> memref<40xf32, #tpu.memory_space<vmem>>
      %dma_start3A_1114 = tpu.memref_slice %arg16[%mul3A_1104] : memref<10000xf32, #tpu.memory_space<vmem_shared>> -> memref<40xf32, #tpu.memory_space<vmem_shared>>
      %dma_start3A_1115 = arith.constant 0 : i32
      %dma_start3A_1116 = tpu.memref_slice %arg13[%dma_start3A_1110, %dma_start3A_1115] : memref<16x40xf32, #tpu.memory_space<vmem>> -> memref<1x40xf32, #tpu.memory_space<vmem>>
      %dma_start3A_1117 = tpu.memref_squeeze %dma_start3A_1116 : memref<1x40xf32, #tpu.memory_space<vmem>> -> memref<40xf32, #tpu.memory_space<vmem>>
      %dma_start3A_1118 = tpu.memref_slice %arg16[%mul3A_1104] : memref<10000xf32, #tpu.memory_space<vmem_shared>> -> memref<40xf32, #tpu.memory_space<vmem_shared>>
      tpu.enqueue_dma source(%dma_start3A_1118 : memref<40xf32, #tpu.memory_space<vmem_shared>>) target(%dma_start3A_1117 : memref<40xf32, #tpu.memory_space<vmem>>) target_semaphore(%arg20 : memref<!tpu.dma_semaphore, #tpu.memory_space<semaphore_mem>>)
    } else {
    }
    %add3A_872 = arith.constant 240 : i32
    %add3A_873 = arith.addi %arg1, %add3A_872 : i32
    %lt3A_874 = arith.constant 250 : i32
    %lt3A_875 = arith.cmpi slt, %add3A_873, %lt3A_874 : i32
    %convert_element_type3A_876 = arith.extui %lt3A_875 : i1 to i32
    %cond3A_877 = arith.constant 0 : i32
    %cond3A_878 = arith.cmpi ne, %convert_element_type3A_876, %cond3A_877 : i32
    scf.if %cond3A_878 {
      %mul3A_1103 = arith.constant 40 : i32
      %mul3A_1104 = arith.muli %add3A_873, %mul3A_1103 : i32
      %dma_start3A_1105 = arith.constant 0 : i32
      %dma_start3A_1106 = tpu.memref_slice %arg7[%arg0, %mul3A_1104, %dma_start3A_1105] : memref<2x10000x128xf32, #tpu.memory_space<hbm>> -> memref<1x40x128xf32, #tpu.memory_space<hbm>>
      %dma_start3A_1107 = tpu.memref_squeeze %dma_start3A_1106 : memref<1x40x128xf32, #tpu.memory_space<hbm>> -> memref<40x128xf32, #tpu.memory_space<hbm>>
      %dma_start3A_1108 = arith.constant 0 : i32
      %dma_start3A_1109 = tpu.memref_slice %arg15[%mul3A_1104, %dma_start3A_1108] : memref<10000x128xf32, #tpu.memory_space<vmem_shared>> -> memref<40x128xf32, #tpu.memory_space<vmem_shared>>
      tpu.enqueue_dma source(%dma_start3A_1109 : memref<40x128xf32, #tpu.memory_space<vmem_shared>>) target(%dma_start3A_1107 : memref<40x128xf32, #tpu.memory_space<hbm>>) target_semaphore(%arg20 : memref<!tpu.dma_semaphore, #tpu.memory_space<semaphore_mem>>)
      %dma_start3A_1110 = arith.constant 15 : i32
      %dma_start3A_1111 = arith.constant 0 : i32
      %dma_start3A_1112 = tpu.memref_slice %arg13[%dma_start3A_1110, %dma_start3A_1111] : memref<16x40xf32, #tpu.memory_space<vmem>> -> memref<1x40xf32, #tpu.memory_space<vmem>>
      %dma_start3A_1113 = tpu.memref_squeeze %dma_start3A_1112 : memref<1x40xf32, #tpu.memory_space<vmem>> -> memref<40xf32, #tpu.memory_space<vmem>>
      %dma_start3A_1114 = tpu.memref_slice %arg16[%mul3A_1104] : memref<10000xf32, #tpu.memory_space<vmem_shared>> -> memref<40xf32, #tpu.memory_space<vmem_shared>>
      %dma_start3A_1115 = arith.constant 0 : i32
      %dma_start3A_1116 = tpu.memref_slice %arg13[%dma_start3A_1110, %dma_start3A_1115] : memref<16x40xf32, #tpu.memory_space<vmem>> -> memref<1x40xf32, #tpu.memory_space<vmem>>
      %dma_start3A_1117 = tpu.memref_squeeze %dma_start3A_1116 : memref<1x40xf32, #tpu.memory_space<vmem>> -> memref<40xf32, #tpu.memory_space<vmem>>
      %dma_start3A_1118 = tpu.memref_slice %arg16[%mul3A_1104] : memref<10000xf32, #tpu.memory_space<vmem_shared>> -> memref<40xf32, #tpu.memory_space<vmem_shared>>
      tpu.enqueue_dma source(%dma_start3A_1118 : memref<40xf32, #tpu.memory_space<vmem_shared>>) target(%dma_start3A_1117 : memref<40xf32, #tpu.memory_space<vmem>>) target_semaphore(%arg20 : memref<!tpu.dma_semaphore, #tpu.memory_space<semaphore_mem>>)
    } else {
    }
    %add3A_879 = arith.constant 0 : i32
    %add3A_880 = arith.addi %arg1, %add3A_879 : i32
    %lt3A_881 = arith.constant 250 : i32
    %lt3A_882 = arith.cmpi slt, %add3A_880, %lt3A_881 : i32
    %convert_element_type3A_883 = arith.extui %lt3A_882 : i1 to i32
    %cond3A_884 = arith.constant 0 : i32
    %cond3A_885 = arith.cmpi ne, %convert_element_type3A_883, %cond3A_884 : i32
    scf.if %cond3A_885 {
      %mul3A_1103 = arith.constant 40 : i32
      %mul3A_1104 = arith.muli %add3A_880, %mul3A_1103 : i32
      %dma_wait3A_1105 = arith.constant 0 : i32
      %dma_wait3A_1106 = tpu.memref_slice %arg7[%arg0, %mul3A_1104, %dma_wait3A_1105] : memref<2x10000x128xf32, #tpu.memory_space<hbm>> -> memref<1x40x128xf32, #tpu.memory_space<hbm>>
      %dma_wait3A_1107 = tpu.memref_squeeze %dma_wait3A_1106 : memref<1x40x128xf32, #tpu.memory_space<hbm>> -> memref<40x128xf32, #tpu.memory_space<hbm>>
      %dma_wait3A_1108 = arith.constant 0 : i32
      %dma_wait3A_1109 = tpu.memref_slice %arg15[%mul3A_1104, %dma_wait3A_1108] : memref<10000x128xf32, #tpu.memory_space<vmem_shared>> -> memref<40x128xf32, #tpu.memory_space<vmem_shared>>
      tpu.wait_dma2 semaphore(%arg20 : memref<!tpu.dma_semaphore, #tpu.memory_space<semaphore_mem>>) src(%dma_wait3A_1109 : memref<40x128xf32, #tpu.memory_space<vmem_shared>>) dst(%dma_wait3A_1107 : memref<40x128xf32, #tpu.memory_space<hbm>>)
      %dma_wait3A_1110 = arith.constant 0 : i32
      %dma_wait3A_1111 = arith.constant 0 : i32
      %dma_wait3A_1112 = tpu.memref_slice %arg13[%dma_wait3A_1110, %dma_wait3A_1111] : memref<16x40xf32, #tpu.memory_space<vmem>> -> memref<1x40xf32, #tpu.memory_space<vmem>>
      %dma_wait3A_1113 = tpu.memref_squeeze %dma_wait3A_1112 : memref<1x40xf32, #tpu.memory_space<vmem>> -> memref<40xf32, #tpu.memory_space<vmem>>
      %dma_wait3A_1114 = tpu.memref_slice %arg16[%mul3A_1104] : memref<10000xf32, #tpu.memory_space<vmem_shared>> -> memref<40xf32, #tpu.memory_space<vmem_shared>>
      %dma_wait3A_1115 = arith.constant 0 : i32
      %dma_wait3A_1116 = tpu.memref_slice %arg13[%dma_wait3A_1110, %dma_wait3A_1115] : memref<16x40xf32, #tpu.memory_space<vmem>> -> memref<1x40xf32, #tpu.memory_space<vmem>>
      %dma_wait3A_1117 = tpu.memref_squeeze %dma_wait3A_1116 : memref<1x40xf32, #tpu.memory_space<vmem>> -> memref<40xf32, #tpu.memory_space<vmem>>
      %dma_wait3A_1118 = tpu.memref_slice %arg16[%mul3A_1104] : memref<10000xf32, #tpu.memory_space<vmem_shared>> -> memref<40xf32, #tpu.memory_space<vmem_shared>>
      tpu.wait_dma2 semaphore(%arg20 : memref<!tpu.dma_semaphore, #tpu.memory_space<semaphore_mem>>) src(%dma_wait3A_1118 : memref<40xf32, #tpu.memory_space<vmem_shared>>) dst(%dma_wait3A_1117 : memref<40xf32, #tpu.memory_space<vmem>>)
      %eq3A = arith.constant 0 : i32
      %eq3A_1119 = arith.cmpi eq, %arg0, %eq3A : i32
      %convert_element_type3A_1120 = arith.extui %eq3A_1119 : i1 to i32
      %cond3A_1121 = arith.constant 0 : i32
      %cond3A_1122 = arith.cmpi ne, %convert_element_type3A_1120, %cond3A_1121 : i32
      scf.if %cond3A_1122 {
        %dma_start3A_1128 = arith.constant 0 : i32
        %dma_start3A_1129 = arith.constant 0 : i32
        %dma_start3A_1130 = tpu.memref_slice %arg13[%dma_start3A_1128, %dma_start3A_1129] : memref<16x40xf32, #tpu.memory_space<vmem>> -> memref<1x40xf32, #tpu.memory_space<vmem>>
        %dma_start3A_1131 = tpu.memref_squeeze %dma_start3A_1130 : memref<1x40xf32, #tpu.memory_space<vmem>> -> memref<40xf32, #tpu.memory_space<vmem>>
        %dma_start3A_1132 = tpu.memref_slice %arg8[%mul3A_1104] : memref<10000xf32, #tpu.memory_space<hbm>> -> memref<40xf32, #tpu.memory_space<hbm>>
        %dma_start3A_1133 = tpu.memref_slice %arg8[%mul3A_1104] : memref<10000xf32, #tpu.memory_space<hbm>> -> memref<40xf32, #tpu.memory_space<hbm>>
        %dma_start3A_1134 = arith.constant 0 : i32
        %dma_start3A_1135 = tpu.memref_slice %arg13[%dma_start3A_1128, %dma_start3A_1134] : memref<16x40xf32, #tpu.memory_space<vmem>> -> memref<1x40xf32, #tpu.memory_space<vmem>>
        %dma_start3A_1136 = tpu.memref_squeeze %dma_start3A_1135 : memref<1x40xf32, #tpu.memory_space<vmem>> -> memref<40xf32, #tpu.memory_space<vmem>>
        tpu.enqueue_dma source(%dma_start3A_1136 : memref<40xf32, #tpu.memory_space<vmem>>) target(%dma_start3A_1133 : memref<40xf32, #tpu.memory_space<hbm>>) target_semaphore(%arg20 : memref<!tpu.dma_semaphore, #tpu.memory_space<semaphore_mem>>)
      } else {
      }
      %eq3A_1123 = arith.constant 1 : i32
      %eq3A_1124 = arith.cmpi eq, %arg0, %eq3A_1123 : i32
      %convert_element_type3A_1125 = arith.extui %eq3A_1124 : i1 to i32
      %cond3A_1126 = arith.constant 0 : i32
      %cond3A_1127 = arith.cmpi ne, %convert_element_type3A_1125, %cond3A_1126 : i32
      scf.if %cond3A_1127 {
        %dma_start3A_1128 = arith.constant 0 : i32
        %dma_start3A_1129 = arith.constant 0 : i32
        %dma_start3A_1130 = tpu.memref_slice %arg13[%dma_start3A_1128, %dma_start3A_1129] : memref<16x40xf32, #tpu.memory_space<vmem>> -> memref<1x40xf32, #tpu.memory_space<vmem>>
        %dma_start3A_1131 = tpu.memref_squeeze %dma_start3A_1130 : memref<1x40xf32, #tpu.memory_space<vmem>> -> memref<40xf32, #tpu.memory_space<vmem>>
        %dma_start3A_1132 = tpu.memref_slice %arg9[%mul3A_1104] : memref<10000xf32, #tpu.memory_space<hbm>> -> memref<40xf32, #tpu.memory_space<hbm>>
        %dma_start3A_1133 = tpu.memref_slice %arg9[%mul3A_1104] : memref<10000xf32, #tpu.memory_space<hbm>> -> memref<40xf32, #tpu.memory_space<hbm>>
        %dma_start3A_1134 = arith.constant 0 : i32
        %dma_start3A_1135 = tpu.memref_slice %arg13[%dma_start3A_1128, %dma_start3A_1134] : memref<16x40xf32, #tpu.memory_space<vmem>> -> memref<1x40xf32, #tpu.memory_space<vmem>>
        %dma_start3A_1136 = tpu.memref_squeeze %dma_start3A_1135 : memref<1x40xf32, #tpu.memory_space<vmem>> -> memref<40xf32, #tpu.memory_space<vmem>>
        tpu.enqueue_dma source(%dma_start3A_1136 : memref<40xf32, #tpu.memory_space<vmem>>) target(%dma_start3A_1133 : memref<40xf32, #tpu.memory_space<hbm>>) target_semaphore(%arg20 : memref<!tpu.dma_semaphore, #tpu.memory_space<semaphore_mem>>)
      } else {
      }
    } else {
    }
    %add3A_886 = arith.constant 16 : i32
    %add3A_887 = arith.addi %arg1, %add3A_886 : i32
    %lt3A_888 = arith.constant 250 : i32
    %lt3A_889 = arith.cmpi slt, %add3A_887, %lt3A_888 : i32
    %convert_element_type3A_890 = arith.extui %lt3A_889 : i1 to i32
    %cond3A_891 = arith.constant 0 : i32
    %cond3A_892 = arith.cmpi ne, %convert_element_type3A_890, %cond3A_891 : i32
    scf.if %cond3A_892 {
      %mul3A_1103 = arith.constant 40 : i32
      %mul3A_1104 = arith.muli %add3A_887, %mul3A_1103 : i32
      %dma_wait3A_1105 = arith.constant 0 : i32
      %dma_wait3A_1106 = tpu.memref_slice %arg7[%arg0, %mul3A_1104, %dma_wait3A_1105] : memref<2x10000x128xf32, #tpu.memory_space<hbm>> -> memref<1x40x128xf32, #tpu.memory_space<hbm>>
      %dma_wait3A_1107 = tpu.memref_squeeze %dma_wait3A_1106 : memref<1x40x128xf32, #tpu.memory_space<hbm>> -> memref<40x128xf32, #tpu.memory_space<hbm>>
      %dma_wait3A_1108 = arith.constant 0 : i32
      %dma_wait3A_1109 = tpu.memref_slice %arg15[%mul3A_1104, %dma_wait3A_1108] : memref<10000x128xf32, #tpu.memory_space<vmem_shared>> -> memref<40x128xf32, #tpu.memory_space<vmem_shared>>
      tpu.wait_dma2 semaphore(%arg20 : memref<!tpu.dma_semaphore, #tpu.memory_space<semaphore_mem>>) src(%dma_wait3A_1109 : memref<40x128xf32, #tpu.memory_space<vmem_shared>>) dst(%dma_wait3A_1107 : memref<40x128xf32, #tpu.memory_space<hbm>>)
      %dma_wait3A_1110 = arith.constant 1 : i32
      %dma_wait3A_1111 = arith.constant 0 : i32
      %dma_wait3A_1112 = tpu.memref_slice %arg13[%dma_wait3A_1110, %dma_wait3A_1111] : memref<16x40xf32, #tpu.memory_space<vmem>> -> memref<1x40xf32, #tpu.memory_space<vmem>>
      %dma_wait3A_1113 = tpu.memref_squeeze %dma_wait3A_1112 : memref<1x40xf32, #tpu.memory_space<vmem>> -> memref<40xf32, #tpu.memory_space<vmem>>
      %dma_wait3A_1114 = tpu.memref_slice %arg16[%mul3A_1104] : memref<10000xf32, #tpu.memory_space<vmem_shared>> -> memref<40xf32, #tpu.memory_space<vmem_shared>>
      %dma_wait3A_1115 = arith.constant 0 : i32
      %dma_wait3A_1116 = tpu.memref_slice %arg13[%dma_wait3A_1110, %dma_wait3A_1115] : memref<16x40xf32, #tpu.memory_space<vmem>> -> memref<1x40xf32, #tpu.memory_space<vmem>>
      %dma_wait3A_1117 = tpu.memref_squeeze %dma_wait3A_1116 : memref<1x40xf32, #tpu.memory_space<vmem>> -> memref<40xf32, #tpu.memory_space<vmem>>
      %dma_wait3A_1118 = tpu.memref_slice %arg16[%mul3A_1104] : memref<10000xf32, #tpu.memory_space<vmem_shared>> -> memref<40xf32, #tpu.memory_space<vmem_shared>>
      tpu.wait_dma2 semaphore(%arg20 : memref<!tpu.dma_semaphore, #tpu.memory_space<semaphore_mem>>) src(%dma_wait3A_1118 : memref<40xf32, #tpu.memory_space<vmem_shared>>) dst(%dma_wait3A_1117 : memref<40xf32, #tpu.memory_space<vmem>>)
      %eq3A = arith.constant 0 : i32
      %eq3A_1119 = arith.cmpi eq, %arg0, %eq3A : i32
      %convert_element_type3A_1120 = arith.extui %eq3A_1119 : i1 to i32
      %cond3A_1121 = arith.constant 0 : i32
      %cond3A_1122 = arith.cmpi ne, %convert_element_type3A_1120, %cond3A_1121 : i32
      scf.if %cond3A_1122 {
        %dma_start3A_1128 = arith.constant 1 : i32
        %dma_start3A_1129 = arith.constant 0 : i32
        %dma_start3A_1130 = tpu.memref_slice %arg13[%dma_start3A_1128, %dma_start3A_1129] : memref<16x40xf32, #tpu.memory_space<vmem>> -> memref<1x40xf32, #tpu.memory_space<vmem>>
        %dma_start3A_1131 = tpu.memref_squeeze %dma_start3A_1130 : memref<1x40xf32, #tpu.memory_space<vmem>> -> memref<40xf32, #tpu.memory_space<vmem>>
        %dma_start3A_1132 = tpu.memref_slice %arg8[%mul3A_1104] : memref<10000xf32, #tpu.memory_space<hbm>> -> memref<40xf32, #tpu.memory_space<hbm>>
        %dma_start3A_1133 = tpu.memref_slice %arg8[%mul3A_1104] : memref<10000xf32, #tpu.memory_space<hbm>> -> memref<40xf32, #tpu.memory_space<hbm>>
        %dma_start3A_1134 = arith.constant 0 : i32
        %dma_start3A_1135 = tpu.memref_slice %arg13[%dma_start3A_1128, %dma_start3A_1134] : memref<16x40xf32, #tpu.memory_space<vmem>> -> memref<1x40xf32, #tpu.memory_space<vmem>>
        %dma_start3A_1136 = tpu.memref_squeeze %dma_start3A_1135 : memref<1x40xf32, #tpu.memory_space<vmem>> -> memref<40xf32, #tpu.memory_space<vmem>>
        tpu.enqueue_dma source(%dma_start3A_1136 : memref<40xf32, #tpu.memory_space<vmem>>) target(%dma_start3A_1133 : memref<40xf32, #tpu.memory_space<hbm>>) target_semaphore(%arg20 : memref<!tpu.dma_semaphore, #tpu.memory_space<semaphore_mem>>)
      } else {
      }
      %eq3A_1123 = arith.constant 1 : i32
      %eq3A_1124 = arith.cmpi eq, %arg0, %eq3A_1123 : i32
      %convert_element_type3A_1125 = arith.extui %eq3A_1124 : i1 to i32
      %cond3A_1126 = arith.constant 0 : i32
      %cond3A_1127 = arith.cmpi ne, %convert_element_type3A_1125, %cond3A_1126 : i32
      scf.if %cond3A_1127 {
        %dma_start3A_1128 = arith.constant 1 : i32
        %dma_start3A_1129 = arith.constant 0 : i32
        %dma_start3A_1130 = tpu.memref_slice %arg13[%dma_start3A_1128, %dma_start3A_1129] : memref<16x40xf32, #tpu.memory_space<vmem>> -> memref<1x40xf32, #tpu.memory_space<vmem>>
        %dma_start3A_1131 = tpu.memref_squeeze %dma_start3A_1130 : memref<1x40xf32, #tpu.memory_space<vmem>> -> memref<40xf32, #tpu.memory_space<vmem>>
        %dma_start3A_1132 = tpu.memref_slice %arg9[%mul3A_1104] : memref<10000xf32, #tpu.memory_space<hbm>> -> memref<40xf32, #tpu.memory_space<hbm>>
        %dma_start3A_1133 = tpu.memref_slice %arg9[%mul3A_1104] : memref<10000xf32, #tpu.memory_space<hbm>> -> memref<40xf32, #tpu.memory_space<hbm>>
        %dma_start3A_1134 = arith.constant 0 : i32
        %dma_start3A_1135 = tpu.memref_slice %arg13[%dma_start3A_1128, %dma_start3A_1134] : memref<16x40xf32, #tpu.memory_space<vmem>> -> memref<1x40xf32, #tpu.memory_space<vmem>>
        %dma_start3A_1136 = tpu.memref_squeeze %dma_start3A_1135 : memref<1x40xf32, #tpu.memory_space<vmem>> -> memref<40xf32, #tpu.memory_space<vmem>>
        tpu.enqueue_dma source(%dma_start3A_1136 : memref<40xf32, #tpu.memory_space<vmem>>) target(%dma_start3A_1133 : memref<40xf32, #tpu.memory_space<hbm>>) target_semaphore(%arg20 : memref<!tpu.dma_semaphore, #tpu.memory_space<semaphore_mem>>)
      } else {
      }
    } else {
    }
    %add3A_893 = arith.constant 32 : i32
    %add3A_894 = arith.addi %arg1, %add3A_893 : i32
    %lt3A_895 = arith.constant 250 : i32
    %lt3A_896 = arith.cmpi slt, %add3A_894, %lt3A_895 : i32
    %convert_element_type3A_897 = arith.extui %lt3A_896 : i1 to i32
    %cond3A_898 = arith.constant 0 : i32
    %cond3A_899 = arith.cmpi ne, %convert_element_type3A_897, %cond3A_898 : i32
    scf.if %cond3A_899 {
      %mul3A_1103 = arith.constant 40 : i32
      %mul3A_1104 = arith.muli %add3A_894, %mul3A_1103 : i32
      %dma_wait3A_1105 = arith.constant 0 : i32
      %dma_wait3A_1106 = tpu.memref_slice %arg7[%arg0, %mul3A_1104, %dma_wait3A_1105] : memref<2x10000x128xf32, #tpu.memory_space<hbm>> -> memref<1x40x128xf32, #tpu.memory_space<hbm>>
      %dma_wait3A_1107 = tpu.memref_squeeze %dma_wait3A_1106 : memref<1x40x128xf32, #tpu.memory_space<hbm>> -> memref<40x128xf32, #tpu.memory_space<hbm>>
      %dma_wait3A_1108 = arith.constant 0 : i32
      %dma_wait3A_1109 = tpu.memref_slice %arg15[%mul3A_1104, %dma_wait3A_1108] : memref<10000x128xf32, #tpu.memory_space<vmem_shared>> -> memref<40x128xf32, #tpu.memory_space<vmem_shared>>
      tpu.wait_dma2 semaphore(%arg20 : memref<!tpu.dma_semaphore, #tpu.memory_space<semaphore_mem>>) src(%dma_wait3A_1109 : memref<40x128xf32, #tpu.memory_space<vmem_shared>>) dst(%dma_wait3A_1107 : memref<40x128xf32, #tpu.memory_space<hbm>>)
      %dma_wait3A_1110 = arith.constant 2 : i32
      %dma_wait3A_1111 = arith.constant 0 : i32
      %dma_wait3A_1112 = tpu.memref_slice %arg13[%dma_wait3A_1110, %dma_wait3A_1111] : memref<16x40xf32, #tpu.memory_space<vmem>> -> memref<1x40xf32, #tpu.memory_space<vmem>>
      %dma_wait3A_1113 = tpu.memref_squeeze %dma_wait3A_1112 : memref<1x40xf32, #tpu.memory_space<vmem>> -> memref<40xf32, #tpu.memory_space<vmem>>
      %dma_wait3A_1114 = tpu.memref_slice %arg16[%mul3A_1104] : memref<10000xf32, #tpu.memory_space<vmem_shared>> -> memref<40xf32, #tpu.memory_space<vmem_shared>>
      %dma_wait3A_1115 = arith.constant 0 : i32
      %dma_wait3A_1116 = tpu.memref_slice %arg13[%dma_wait3A_1110, %dma_wait3A_1115] : memref<16x40xf32, #tpu.memory_space<vmem>> -> memref<1x40xf32, #tpu.memory_space<vmem>>
      %dma_wait3A_1117 = tpu.memref_squeeze %dma_wait3A_1116 : memref<1x40xf32, #tpu.memory_space<vmem>> -> memref<40xf32, #tpu.memory_space<vmem>>
      %dma_wait3A_1118 = tpu.memref_slice %arg16[%mul3A_1104] : memref<10000xf32, #tpu.memory_space<vmem_shared>> -> memref<40xf32, #tpu.memory_space<vmem_shared>>
      tpu.wait_dma2 semaphore(%arg20 : memref<!tpu.dma_semaphore, #tpu.memory_space<semaphore_mem>>) src(%dma_wait3A_1118 : memref<40xf32, #tpu.memory_space<vmem_shared>>) dst(%dma_wait3A_1117 : memref<40xf32, #tpu.memory_space<vmem>>)
      %eq3A = arith.constant 0 : i32
      %eq3A_1119 = arith.cmpi eq, %arg0, %eq3A : i32
      %convert_element_type3A_1120 = arith.extui %eq3A_1119 : i1 to i32
      %cond3A_1121 = arith.constant 0 : i32
      %cond3A_1122 = arith.cmpi ne, %convert_element_type3A_1120, %cond3A_1121 : i32
      scf.if %cond3A_1122 {
        %dma_start3A_1128 = arith.constant 2 : i32
        %dma_start3A_1129 = arith.constant 0 : i32
        %dma_start3A_1130 = tpu.memref_slice %arg13[%dma_start3A_1128, %dma_start3A_1129] : memref<16x40xf32, #tpu.memory_space<vmem>> -> memref<1x40xf32, #tpu.memory_space<vmem>>
        %dma_start3A_1131 = tpu.memref_squeeze %dma_start3A_1130 : memref<1x40xf32, #tpu.memory_space<vmem>> -> memref<40xf32, #tpu.memory_space<vmem>>
        %dma_start3A_1132 = tpu.memref_slice %arg8[%mul3A_1104] : memref<10000xf32, #tpu.memory_space<hbm>> -> memref<40xf32, #tpu.memory_space<hbm>>
        %dma_start3A_1133 = tpu.memref_slice %arg8[%mul3A_1104] : memref<10000xf32, #tpu.memory_space<hbm>> -> memref<40xf32, #tpu.memory_space<hbm>>
        %dma_start3A_1134 = arith.constant 0 : i32
        %dma_start3A_1135 = tpu.memref_slice %arg13[%dma_start3A_1128, %dma_start3A_1134] : memref<16x40xf32, #tpu.memory_space<vmem>> -> memref<1x40xf32, #tpu.memory_space<vmem>>
        %dma_start3A_1136 = tpu.memref_squeeze %dma_start3A_1135 : memref<1x40xf32, #tpu.memory_space<vmem>> -> memref<40xf32, #tpu.memory_space<vmem>>
        tpu.enqueue_dma source(%dma_start3A_1136 : memref<40xf32, #tpu.memory_space<vmem>>) target(%dma_start3A_1133 : memref<40xf32, #tpu.memory_space<hbm>>) target_semaphore(%arg20 : memref<!tpu.dma_semaphore, #tpu.memory_space<semaphore_mem>>)
      } else {
      }
      %eq3A_1123 = arith.constant 1 : i32
      %eq3A_1124 = arith.cmpi eq, %arg0, %eq3A_1123 : i32
      %convert_element_type3A_1125 = arith.extui %eq3A_1124 : i1 to i32
      %cond3A_1126 = arith.constant 0 : i32
      %cond3A_1127 = arith.cmpi ne, %convert_element_type3A_1125, %cond3A_1126 : i32
      scf.if %cond3A_1127 {
        %dma_start3A_1128 = arith.constant 2 : i32
        %dma_start3A_1129 = arith.constant 0 : i32
        %dma_start3A_1130 = tpu.memref_slice %arg13[%dma_start3A_1128, %dma_start3A_1129] : memref<16x40xf32, #tpu.memory_space<vmem>> -> memref<1x40xf32, #tpu.memory_space<vmem>>
        %dma_start3A_1131 = tpu.memref_squeeze %dma_start3A_1130 : memref<1x40xf32, #tpu.memory_space<vmem>> -> memref<40xf32, #tpu.memory_space<vmem>>
        %dma_start3A_1132 = tpu.memref_slice %arg9[%mul3A_1104] : memref<10000xf32, #tpu.memory_space<hbm>> -> memref<40xf32, #tpu.memory_space<hbm>>
        %dma_start3A_1133 = tpu.memref_slice %arg9[%mul3A_1104] : memref<10000xf32, #tpu.memory_space<hbm>> -> memref<40xf32, #tpu.memory_space<hbm>>
        %dma_start3A_1134 = arith.constant 0 : i32
        %dma_start3A_1135 = tpu.memref_slice %arg13[%dma_start3A_1128, %dma_start3A_1134] : memref<16x40xf32, #tpu.memory_space<vmem>> -> memref<1x40xf32, #tpu.memory_space<vmem>>
        %dma_start3A_1136 = tpu.memref_squeeze %dma_start3A_1135 : memref<1x40xf32, #tpu.memory_space<vmem>> -> memref<40xf32, #tpu.memory_space<vmem>>
        tpu.enqueue_dma source(%dma_start3A_1136 : memref<40xf32, #tpu.memory_space<vmem>>) target(%dma_start3A_1133 : memref<40xf32, #tpu.memory_space<hbm>>) target_semaphore(%arg20 : memref<!tpu.dma_semaphore, #tpu.memory_space<semaphore_mem>>)
      } else {
      }
    } else {
    }
    %add3A_900 = arith.constant 48 : i32
    %add3A_901 = arith.addi %arg1, %add3A_900 : i32
    %lt3A_902 = arith.constant 250 : i32
    %lt3A_903 = arith.cmpi slt, %add3A_901, %lt3A_902 : i32
    %convert_element_type3A_904 = arith.extui %lt3A_903 : i1 to i32
    %cond3A_905 = arith.constant 0 : i32
    %cond3A_906 = arith.cmpi ne, %convert_element_type3A_904, %cond3A_905 : i32
    scf.if %cond3A_906 {
      %mul3A_1103 = arith.constant 40 : i32
      %mul3A_1104 = arith.muli %add3A_901, %mul3A_1103 : i32
      %dma_wait3A_1105 = arith.constant 0 : i32
      %dma_wait3A_1106 = tpu.memref_slice %arg7[%arg0, %mul3A_1104, %dma_wait3A_1105] : memref<2x10000x128xf32, #tpu.memory_space<hbm>> -> memref<1x40x128xf32, #tpu.memory_space<hbm>>
      %dma_wait3A_1107 = tpu.memref_squeeze %dma_wait3A_1106 : memref<1x40x128xf32, #tpu.memory_space<hbm>> -> memref<40x128xf32, #tpu.memory_space<hbm>>
      %dma_wait3A_1108 = arith.constant 0 : i32
      %dma_wait3A_1109 = tpu.memref_slice %arg15[%mul3A_1104, %dma_wait3A_1108] : memref<10000x128xf32, #tpu.memory_space<vmem_shared>> -> memref<40x128xf32, #tpu.memory_space<vmem_shared>>
      tpu.wait_dma2 semaphore(%arg20 : memref<!tpu.dma_semaphore, #tpu.memory_space<semaphore_mem>>) src(%dma_wait3A_1109 : memref<40x128xf32, #tpu.memory_space<vmem_shared>>) dst(%dma_wait3A_1107 : memref<40x128xf32, #tpu.memory_space<hbm>>)
      %dma_wait3A_1110 = arith.constant 3 : i32
      %dma_wait3A_1111 = arith.constant 0 : i32
      %dma_wait3A_1112 = tpu.memref_slice %arg13[%dma_wait3A_1110, %dma_wait3A_1111] : memref<16x40xf32, #tpu.memory_space<vmem>> -> memref<1x40xf32, #tpu.memory_space<vmem>>
      %dma_wait3A_1113 = tpu.memref_squeeze %dma_wait3A_1112 : memref<1x40xf32, #tpu.memory_space<vmem>> -> memref<40xf32, #tpu.memory_space<vmem>>
      %dma_wait3A_1114 = tpu.memref_slice %arg16[%mul3A_1104] : memref<10000xf32, #tpu.memory_space<vmem_shared>> -> memref<40xf32, #tpu.memory_space<vmem_shared>>
      %dma_wait3A_1115 = arith.constant 0 : i32
      %dma_wait3A_1116 = tpu.memref_slice %arg13[%dma_wait3A_1110, %dma_wait3A_1115] : memref<16x40xf32, #tpu.memory_space<vmem>> -> memref<1x40xf32, #tpu.memory_space<vmem>>
      %dma_wait3A_1117 = tpu.memref_squeeze %dma_wait3A_1116 : memref<1x40xf32, #tpu.memory_space<vmem>> -> memref<40xf32, #tpu.memory_space<vmem>>
      %dma_wait3A_1118 = tpu.memref_slice %arg16[%mul3A_1104] : memref<10000xf32, #tpu.memory_space<vmem_shared>> -> memref<40xf32, #tpu.memory_space<vmem_shared>>
      tpu.wait_dma2 semaphore(%arg20 : memref<!tpu.dma_semaphore, #tpu.memory_space<semaphore_mem>>) src(%dma_wait3A_1118 : memref<40xf32, #tpu.memory_space<vmem_shared>>) dst(%dma_wait3A_1117 : memref<40xf32, #tpu.memory_space<vmem>>)
      %eq3A = arith.constant 0 : i32
      %eq3A_1119 = arith.cmpi eq, %arg0, %eq3A : i32
      %convert_element_type3A_1120 = arith.extui %eq3A_1119 : i1 to i32
      %cond3A_1121 = arith.constant 0 : i32
      %cond3A_1122 = arith.cmpi ne, %convert_element_type3A_1120, %cond3A_1121 : i32
      scf.if %cond3A_1122 {
        %dma_start3A_1128 = arith.constant 3 : i32
        %dma_start3A_1129 = arith.constant 0 : i32
        %dma_start3A_1130 = tpu.memref_slice %arg13[%dma_start3A_1128, %dma_start3A_1129] : memref<16x40xf32, #tpu.memory_space<vmem>> -> memref<1x40xf32, #tpu.memory_space<vmem>>
        %dma_start3A_1131 = tpu.memref_squeeze %dma_start3A_1130 : memref<1x40xf32, #tpu.memory_space<vmem>> -> memref<40xf32, #tpu.memory_space<vmem>>
        %dma_start3A_1132 = tpu.memref_slice %arg8[%mul3A_1104] : memref<10000xf32, #tpu.memory_space<hbm>> -> memref<40xf32, #tpu.memory_space<hbm>>
        %dma_start3A_1133 = tpu.memref_slice %arg8[%mul3A_1104] : memref<10000xf32, #tpu.memory_space<hbm>> -> memref<40xf32, #tpu.memory_space<hbm>>
        %dma_start3A_1134 = arith.constant 0 : i32
        %dma_start3A_1135 = tpu.memref_slice %arg13[%dma_start3A_1128, %dma_start3A_1134] : memref<16x40xf32, #tpu.memory_space<vmem>> -> memref<1x40xf32, #tpu.memory_space<vmem>>
        %dma_start3A_1136 = tpu.memref_squeeze %dma_start3A_1135 : memref<1x40xf32, #tpu.memory_space<vmem>> -> memref<40xf32, #tpu.memory_space<vmem>>
        tpu.enqueue_dma source(%dma_start3A_1136 : memref<40xf32, #tpu.memory_space<vmem>>) target(%dma_start3A_1133 : memref<40xf32, #tpu.memory_space<hbm>>) target_semaphore(%arg20 : memref<!tpu.dma_semaphore, #tpu.memory_space<semaphore_mem>>)
      } else {
      }
      %eq3A_1123 = arith.constant 1 : i32
      %eq3A_1124 = arith.cmpi eq, %arg0, %eq3A_1123 : i32
      %convert_element_type3A_1125 = arith.extui %eq3A_1124 : i1 to i32
      %cond3A_1126 = arith.constant 0 : i32
      %cond3A_1127 = arith.cmpi ne, %convert_element_type3A_1125, %cond3A_1126 : i32
      scf.if %cond3A_1127 {
        %dma_start3A_1128 = arith.constant 3 : i32
        %dma_start3A_1129 = arith.constant 0 : i32
        %dma_start3A_1130 = tpu.memref_slice %arg13[%dma_start3A_1128, %dma_start3A_1129] : memref<16x40xf32, #tpu.memory_space<vmem>> -> memref<1x40xf32, #tpu.memory_space<vmem>>
        %dma_start3A_1131 = tpu.memref_squeeze %dma_start3A_1130 : memref<1x40xf32, #tpu.memory_space<vmem>> -> memref<40xf32, #tpu.memory_space<vmem>>
        %dma_start3A_1132 = tpu.memref_slice %arg9[%mul3A_1104] : memref<10000xf32, #tpu.memory_space<hbm>> -> memref<40xf32, #tpu.memory_space<hbm>>
        %dma_start3A_1133 = tpu.memref_slice %arg9[%mul3A_1104] : memref<10000xf32, #tpu.memory_space<hbm>> -> memref<40xf32, #tpu.memory_space<hbm>>
        %dma_start3A_1134 = arith.constant 0 : i32
        %dma_start3A_1135 = tpu.memref_slice %arg13[%dma_start3A_1128, %dma_start3A_1134] : memref<16x40xf32, #tpu.memory_space<vmem>> -> memref<1x40xf32, #tpu.memory_space<vmem>>
        %dma_start3A_1136 = tpu.memref_squeeze %dma_start3A_1135 : memref<1x40xf32, #tpu.memory_space<vmem>> -> memref<40xf32, #tpu.memory_space<vmem>>
        tpu.enqueue_dma source(%dma_start3A_1136 : memref<40xf32, #tpu.memory_space<vmem>>) target(%dma_start3A_1133 : memref<40xf32, #tpu.memory_space<hbm>>) target_semaphore(%arg20 : memref<!tpu.dma_semaphore, #tpu.memory_space<semaphore_mem>>)
      } else {
      }
    } else {
    }
    %add3A_907 = arith.constant 64 : i32
    %add3A_908 = arith.addi %arg1, %add3A_907 : i32
    %lt3A_909 = arith.constant 250 : i32
    %lt3A_910 = arith.cmpi slt, %add3A_908, %lt3A_909 : i32
    %convert_element_type3A_911 = arith.extui %lt3A_910 : i1 to i32
    %cond3A_912 = arith.constant 0 : i32
    %cond3A_913 = arith.cmpi ne, %convert_element_type3A_911, %cond3A_912 : i32
    scf.if %cond3A_913 {
      %mul3A_1103 = arith.constant 40 : i32
      %mul3A_1104 = arith.muli %add3A_908, %mul3A_1103 : i32
      %dma_wait3A_1105 = arith.constant 0 : i32
      %dma_wait3A_1106 = tpu.memref_slice %arg7[%arg0, %mul3A_1104, %dma_wait3A_1105] : memref<2x10000x128xf32, #tpu.memory_space<hbm>> -> memref<1x40x128xf32, #tpu.memory_space<hbm>>
      %dma_wait3A_1107 = tpu.memref_squeeze %dma_wait3A_1106 : memref<1x40x128xf32, #tpu.memory_space<hbm>> -> memref<40x128xf32, #tpu.memory_space<hbm>>
      %dma_wait3A_1108 = arith.constant 0 : i32
      %dma_wait3A_1109 = tpu.memref_slice %arg15[%mul3A_1104, %dma_wait3A_1108] : memref<10000x128xf32, #tpu.memory_space<vmem_shared>> -> memref<40x128xf32, #tpu.memory_space<vmem_shared>>
      tpu.wait_dma2 semaphore(%arg20 : memref<!tpu.dma_semaphore, #tpu.memory_space<semaphore_mem>>) src(%dma_wait3A_1109 : memref<40x128xf32, #tpu.memory_space<vmem_shared>>) dst(%dma_wait3A_1107 : memref<40x128xf32, #tpu.memory_space<hbm>>)
      %dma_wait3A_1110 = arith.constant 4 : i32
      %dma_wait3A_1111 = arith.constant 0 : i32
      %dma_wait3A_1112 = tpu.memref_slice %arg13[%dma_wait3A_1110, %dma_wait3A_1111] : memref<16x40xf32, #tpu.memory_space<vmem>> -> memref<1x40xf32, #tpu.memory_space<vmem>>
      %dma_wait3A_1113 = tpu.memref_squeeze %dma_wait3A_1112 : memref<1x40xf32, #tpu.memory_space<vmem>> -> memref<40xf32, #tpu.memory_space<vmem>>
      %dma_wait3A_1114 = tpu.memref_slice %arg16[%mul3A_1104] : memref<10000xf32, #tpu.memory_space<vmem_shared>> -> memref<40xf32, #tpu.memory_space<vmem_shared>>
      %dma_wait3A_1115 = arith.constant 0 : i32
      %dma_wait3A_1116 = tpu.memref_slice %arg13[%dma_wait3A_1110, %dma_wait3A_1115] : memref<16x40xf32, #tpu.memory_space<vmem>> -> memref<1x40xf32, #tpu.memory_space<vmem>>
      %dma_wait3A_1117 = tpu.memref_squeeze %dma_wait3A_1116 : memref<1x40xf32, #tpu.memory_space<vmem>> -> memref<40xf32, #tpu.memory_space<vmem>>
      %dma_wait3A_1118 = tpu.memref_slice %arg16[%mul3A_1104] : memref<10000xf32, #tpu.memory_space<vmem_shared>> -> memref<40xf32, #tpu.memory_space<vmem_shared>>
      tpu.wait_dma2 semaphore(%arg20 : memref<!tpu.dma_semaphore, #tpu.memory_space<semaphore_mem>>) src(%dma_wait3A_1118 : memref<40xf32, #tpu.memory_space<vmem_shared>>) dst(%dma_wait3A_1117 : memref<40xf32, #tpu.memory_space<vmem>>)
      %eq3A = arith.constant 0 : i32
      %eq3A_1119 = arith.cmpi eq, %arg0, %eq3A : i32
      %convert_element_type3A_1120 = arith.extui %eq3A_1119 : i1 to i32
      %cond3A_1121 = arith.constant 0 : i32
      %cond3A_1122 = arith.cmpi ne, %convert_element_type3A_1120, %cond3A_1121 : i32
      scf.if %cond3A_1122 {
        %dma_start3A_1128 = arith.constant 4 : i32
        %dma_start3A_1129 = arith.constant 0 : i32
        %dma_start3A_1130 = tpu.memref_slice %arg13[%dma_start3A_1128, %dma_start3A_1129] : memref<16x40xf32, #tpu.memory_space<vmem>> -> memref<1x40xf32, #tpu.memory_space<vmem>>
        %dma_start3A_1131 = tpu.memref_squeeze %dma_start3A_1130 : memref<1x40xf32, #tpu.memory_space<vmem>> -> memref<40xf32, #tpu.memory_space<vmem>>
        %dma_start3A_1132 = tpu.memref_slice %arg8[%mul3A_1104] : memref<10000xf32, #tpu.memory_space<hbm>> -> memref<40xf32, #tpu.memory_space<hbm>>
        %dma_start3A_1133 = tpu.memref_slice %arg8[%mul3A_1104] : memref<10000xf32, #tpu.memory_space<hbm>> -> memref<40xf32, #tpu.memory_space<hbm>>
        %dma_start3A_1134 = arith.constant 0 : i32
        %dma_start3A_1135 = tpu.memref_slice %arg13[%dma_start3A_1128, %dma_start3A_1134] : memref<16x40xf32, #tpu.memory_space<vmem>> -> memref<1x40xf32, #tpu.memory_space<vmem>>
        %dma_start3A_1136 = tpu.memref_squeeze %dma_start3A_1135 : memref<1x40xf32, #tpu.memory_space<vmem>> -> memref<40xf32, #tpu.memory_space<vmem>>
        tpu.enqueue_dma source(%dma_start3A_1136 : memref<40xf32, #tpu.memory_space<vmem>>) target(%dma_start3A_1133 : memref<40xf32, #tpu.memory_space<hbm>>) target_semaphore(%arg20 : memref<!tpu.dma_semaphore, #tpu.memory_space<semaphore_mem>>)
      } else {
      }
      %eq3A_1123 = arith.constant 1 : i32
      %eq3A_1124 = arith.cmpi eq, %arg0, %eq3A_1123 : i32
      %convert_element_type3A_1125 = arith.extui %eq3A_1124 : i1 to i32
      %cond3A_1126 = arith.constant 0 : i32
      %cond3A_1127 = arith.cmpi ne, %convert_element_type3A_1125, %cond3A_1126 : i32
      scf.if %cond3A_1127 {
        %dma_start3A_1128 = arith.constant 4 : i32
        %dma_start3A_1129 = arith.constant 0 : i32
        %dma_start3A_1130 = tpu.memref_slice %arg13[%dma_start3A_1128, %dma_start3A_1129] : memref<16x40xf32, #tpu.memory_space<vmem>> -> memref<1x40xf32, #tpu.memory_space<vmem>>
        %dma_start3A_1131 = tpu.memref_squeeze %dma_start3A_1130 : memref<1x40xf32, #tpu.memory_space<vmem>> -> memref<40xf32, #tpu.memory_space<vmem>>
        %dma_start3A_1132 = tpu.memref_slice %arg9[%mul3A_1104] : memref<10000xf32, #tpu.memory_space<hbm>> -> memref<40xf32, #tpu.memory_space<hbm>>
        %dma_start3A_1133 = tpu.memref_slice %arg9[%mul3A_1104] : memref<10000xf32, #tpu.memory_space<hbm>> -> memref<40xf32, #tpu.memory_space<hbm>>
        %dma_start3A_1134 = arith.constant 0 : i32
        %dma_start3A_1135 = tpu.memref_slice %arg13[%dma_start3A_1128, %dma_start3A_1134] : memref<16x40xf32, #tpu.memory_space<vmem>> -> memref<1x40xf32, #tpu.memory_space<vmem>>
        %dma_start3A_1136 = tpu.memref_squeeze %dma_start3A_1135 : memref<1x40xf32, #tpu.memory_space<vmem>> -> memref<40xf32, #tpu.memory_space<vmem>>
        tpu.enqueue_dma source(%dma_start3A_1136 : memref<40xf32, #tpu.memory_space<vmem>>) target(%dma_start3A_1133 : memref<40xf32, #tpu.memory_space<hbm>>) target_semaphore(%arg20 : memref<!tpu.dma_semaphore, #tpu.memory_space<semaphore_mem>>)
      } else {
      }
    } else {
    }
    %add3A_914 = arith.constant 80 : i32
    %add3A_915 = arith.addi %arg1, %add3A_914 : i32
    %lt3A_916 = arith.constant 250 : i32
    %lt3A_917 = arith.cmpi slt, %add3A_915, %lt3A_916 : i32
    %convert_element_type3A_918 = arith.extui %lt3A_917 : i1 to i32
    %cond3A_919 = arith.constant 0 : i32
    %cond3A_920 = arith.cmpi ne, %convert_element_type3A_918, %cond3A_919 : i32
    scf.if %cond3A_920 {
      %mul3A_1103 = arith.constant 40 : i32
      %mul3A_1104 = arith.muli %add3A_915, %mul3A_1103 : i32
      %dma_wait3A_1105 = arith.constant 0 : i32
      %dma_wait3A_1106 = tpu.memref_slice %arg7[%arg0, %mul3A_1104, %dma_wait3A_1105] : memref<2x10000x128xf32, #tpu.memory_space<hbm>> -> memref<1x40x128xf32, #tpu.memory_space<hbm>>
      %dma_wait3A_1107 = tpu.memref_squeeze %dma_wait3A_1106 : memref<1x40x128xf32, #tpu.memory_space<hbm>> -> memref<40x128xf32, #tpu.memory_space<hbm>>
      %dma_wait3A_1108 = arith.constant 0 : i32
      %dma_wait3A_1109 = tpu.memref_slice %arg15[%mul3A_1104, %dma_wait3A_1108] : memref<10000x128xf32, #tpu.memory_space<vmem_shared>> -> memref<40x128xf32, #tpu.memory_space<vmem_shared>>
      tpu.wait_dma2 semaphore(%arg20 : memref<!tpu.dma_semaphore, #tpu.memory_space<semaphore_mem>>) src(%dma_wait3A_1109 : memref<40x128xf32, #tpu.memory_space<vmem_shared>>) dst(%dma_wait3A_1107 : memref<40x128xf32, #tpu.memory_space<hbm>>)
      %dma_wait3A_1110 = arith.constant 5 : i32
      %dma_wait3A_1111 = arith.constant 0 : i32
      %dma_wait3A_1112 = tpu.memref_slice %arg13[%dma_wait3A_1110, %dma_wait3A_1111] : memref<16x40xf32, #tpu.memory_space<vmem>> -> memref<1x40xf32, #tpu.memory_space<vmem>>
      %dma_wait3A_1113 = tpu.memref_squeeze %dma_wait3A_1112 : memref<1x40xf32, #tpu.memory_space<vmem>> -> memref<40xf32, #tpu.memory_space<vmem>>
      %dma_wait3A_1114 = tpu.memref_slice %arg16[%mul3A_1104] : memref<10000xf32, #tpu.memory_space<vmem_shared>> -> memref<40xf32, #tpu.memory_space<vmem_shared>>
      %dma_wait3A_1115 = arith.constant 0 : i32
      %dma_wait3A_1116 = tpu.memref_slice %arg13[%dma_wait3A_1110, %dma_wait3A_1115] : memref<16x40xf32, #tpu.memory_space<vmem>> -> memref<1x40xf32, #tpu.memory_space<vmem>>
      %dma_wait3A_1117 = tpu.memref_squeeze %dma_wait3A_1116 : memref<1x40xf32, #tpu.memory_space<vmem>> -> memref<40xf32, #tpu.memory_space<vmem>>
      %dma_wait3A_1118 = tpu.memref_slice %arg16[%mul3A_1104] : memref<10000xf32, #tpu.memory_space<vmem_shared>> -> memref<40xf32, #tpu.memory_space<vmem_shared>>
      tpu.wait_dma2 semaphore(%arg20 : memref<!tpu.dma_semaphore, #tpu.memory_space<semaphore_mem>>) src(%dma_wait3A_1118 : memref<40xf32, #tpu.memory_space<vmem_shared>>) dst(%dma_wait3A_1117 : memref<40xf32, #tpu.memory_space<vmem>>)
      %eq3A = arith.constant 0 : i32
      %eq3A_1119 = arith.cmpi eq, %arg0, %eq3A : i32
      %convert_element_type3A_1120 = arith.extui %eq3A_1119 : i1 to i32
      %cond3A_1121 = arith.constant 0 : i32
      %cond3A_1122 = arith.cmpi ne, %convert_element_type3A_1120, %cond3A_1121 : i32
      scf.if %cond3A_1122 {
        %dma_start3A_1128 = arith.constant 5 : i32
        %dma_start3A_1129 = arith.constant 0 : i32
        %dma_start3A_1130 = tpu.memref_slice %arg13[%dma_start3A_1128, %dma_start3A_1129] : memref<16x40xf32, #tpu.memory_space<vmem>> -> memref<1x40xf32, #tpu.memory_space<vmem>>
        %dma_start3A_1131 = tpu.memref_squeeze %dma_start3A_1130 : memref<1x40xf32, #tpu.memory_space<vmem>> -> memref<40xf32, #tpu.memory_space<vmem>>
        %dma_start3A_1132 = tpu.memref_slice %arg8[%mul3A_1104] : memref<10000xf32, #tpu.memory_space<hbm>> -> memref<40xf32, #tpu.memory_space<hbm>>
        %dma_start3A_1133 = tpu.memref_slice %arg8[%mul3A_1104] : memref<10000xf32, #tpu.memory_space<hbm>> -> memref<40xf32, #tpu.memory_space<hbm>>
        %dma_start3A_1134 = arith.constant 0 : i32
        %dma_start3A_1135 = tpu.memref_slice %arg13[%dma_start3A_1128, %dma_start3A_1134] : memref<16x40xf32, #tpu.memory_space<vmem>> -> memref<1x40xf32, #tpu.memory_space<vmem>>
        %dma_start3A_1136 = tpu.memref_squeeze %dma_start3A_1135 : memref<1x40xf32, #tpu.memory_space<vmem>> -> memref<40xf32, #tpu.memory_space<vmem>>
        tpu.enqueue_dma source(%dma_start3A_1136 : memref<40xf32, #tpu.memory_space<vmem>>) target(%dma_start3A_1133 : memref<40xf32, #tpu.memory_space<hbm>>) target_semaphore(%arg20 : memref<!tpu.dma_semaphore, #tpu.memory_space<semaphore_mem>>)
      } else {
      }
      %eq3A_1123 = arith.constant 1 : i32
      %eq3A_1124 = arith.cmpi eq, %arg0, %eq3A_1123 : i32
      %convert_element_type3A_1125 = arith.extui %eq3A_1124 : i1 to i32
      %cond3A_1126 = arith.constant 0 : i32
      %cond3A_1127 = arith.cmpi ne, %convert_element_type3A_1125, %cond3A_1126 : i32
      scf.if %cond3A_1127 {
        %dma_start3A_1128 = arith.constant 5 : i32
        %dma_start3A_1129 = arith.constant 0 : i32
        %dma_start3A_1130 = tpu.memref_slice %arg13[%dma_start3A_1128, %dma_start3A_1129] : memref<16x40xf32, #tpu.memory_space<vmem>> -> memref<1x40xf32, #tpu.memory_space<vmem>>
        %dma_start3A_1131 = tpu.memref_squeeze %dma_start3A_1130 : memref<1x40xf32, #tpu.memory_space<vmem>> -> memref<40xf32, #tpu.memory_space<vmem>>
        %dma_start3A_1132 = tpu.memref_slice %arg9[%mul3A_1104] : memref<10000xf32, #tpu.memory_space<hbm>> -> memref<40xf32, #tpu.memory_space<hbm>>
        %dma_start3A_1133 = tpu.memref_slice %arg9[%mul3A_1104] : memref<10000xf32, #tpu.memory_space<hbm>> -> memref<40xf32, #tpu.memory_space<hbm>>
        %dma_start3A_1134 = arith.constant 0 : i32
        %dma_start3A_1135 = tpu.memref_slice %arg13[%dma_start3A_1128, %dma_start3A_1134] : memref<16x40xf32, #tpu.memory_space<vmem>> -> memref<1x40xf32, #tpu.memory_space<vmem>>
        %dma_start3A_1136 = tpu.memref_squeeze %dma_start3A_1135 : memref<1x40xf32, #tpu.memory_space<vmem>> -> memref<40xf32, #tpu.memory_space<vmem>>
        tpu.enqueue_dma source(%dma_start3A_1136 : memref<40xf32, #tpu.memory_space<vmem>>) target(%dma_start3A_1133 : memref<40xf32, #tpu.memory_space<hbm>>) target_semaphore(%arg20 : memref<!tpu.dma_semaphore, #tpu.memory_space<semaphore_mem>>)
      } else {
      }
    } else {
    }
    %add3A_921 = arith.constant 96 : i32
    %add3A_922 = arith.addi %arg1, %add3A_921 : i32
    %lt3A_923 = arith.constant 250 : i32
    %lt3A_924 = arith.cmpi slt, %add3A_922, %lt3A_923 : i32
    %convert_element_type3A_925 = arith.extui %lt3A_924 : i1 to i32
    %cond3A_926 = arith.constant 0 : i32
    %cond3A_927 = arith.cmpi ne, %convert_element_type3A_925, %cond3A_926 : i32
    scf.if %cond3A_927 {
      %mul3A_1103 = arith.constant 40 : i32
      %mul3A_1104 = arith.muli %add3A_922, %mul3A_1103 : i32
      %dma_wait3A_1105 = arith.constant 0 : i32
      %dma_wait3A_1106 = tpu.memref_slice %arg7[%arg0, %mul3A_1104, %dma_wait3A_1105] : memref<2x10000x128xf32, #tpu.memory_space<hbm>> -> memref<1x40x128xf32, #tpu.memory_space<hbm>>
      %dma_wait3A_1107 = tpu.memref_squeeze %dma_wait3A_1106 : memref<1x40x128xf32, #tpu.memory_space<hbm>> -> memref<40x128xf32, #tpu.memory_space<hbm>>
      %dma_wait3A_1108 = arith.constant 0 : i32
      %dma_wait3A_1109 = tpu.memref_slice %arg15[%mul3A_1104, %dma_wait3A_1108] : memref<10000x128xf32, #tpu.memory_space<vmem_shared>> -> memref<40x128xf32, #tpu.memory_space<vmem_shared>>
      tpu.wait_dma2 semaphore(%arg20 : memref<!tpu.dma_semaphore, #tpu.memory_space<semaphore_mem>>) src(%dma_wait3A_1109 : memref<40x128xf32, #tpu.memory_space<vmem_shared>>) dst(%dma_wait3A_1107 : memref<40x128xf32, #tpu.memory_space<hbm>>)
      %dma_wait3A_1110 = arith.constant 6 : i32
      %dma_wait3A_1111 = arith.constant 0 : i32
      %dma_wait3A_1112 = tpu.memref_slice %arg13[%dma_wait3A_1110, %dma_wait3A_1111] : memref<16x40xf32, #tpu.memory_space<vmem>> -> memref<1x40xf32, #tpu.memory_space<vmem>>
      %dma_wait3A_1113 = tpu.memref_squeeze %dma_wait3A_1112 : memref<1x40xf32, #tpu.memory_space<vmem>> -> memref<40xf32, #tpu.memory_space<vmem>>
      %dma_wait3A_1114 = tpu.memref_slice %arg16[%mul3A_1104] : memref<10000xf32, #tpu.memory_space<vmem_shared>> -> memref<40xf32, #tpu.memory_space<vmem_shared>>
      %dma_wait3A_1115 = arith.constant 0 : i32
      %dma_wait3A_1116 = tpu.memref_slice %arg13[%dma_wait3A_1110, %dma_wait3A_1115] : memref<16x40xf32, #tpu.memory_space<vmem>> -> memref<1x40xf32, #tpu.memory_space<vmem>>
      %dma_wait3A_1117 = tpu.memref_squeeze %dma_wait3A_1116 : memref<1x40xf32, #tpu.memory_space<vmem>> -> memref<40xf32, #tpu.memory_space<vmem>>
      %dma_wait3A_1118 = tpu.memref_slice %arg16[%mul3A_1104] : memref<10000xf32, #tpu.memory_space<vmem_shared>> -> memref<40xf32, #tpu.memory_space<vmem_shared>>
      tpu.wait_dma2 semaphore(%arg20 : memref<!tpu.dma_semaphore, #tpu.memory_space<semaphore_mem>>) src(%dma_wait3A_1118 : memref<40xf32, #tpu.memory_space<vmem_shared>>) dst(%dma_wait3A_1117 : memref<40xf32, #tpu.memory_space<vmem>>)
      %eq3A = arith.constant 0 : i32
      %eq3A_1119 = arith.cmpi eq, %arg0, %eq3A : i32
      %convert_element_type3A_1120 = arith.extui %eq3A_1119 : i1 to i32
      %cond3A_1121 = arith.constant 0 : i32
      %cond3A_1122 = arith.cmpi ne, %convert_element_type3A_1120, %cond3A_1121 : i32
      scf.if %cond3A_1122 {
        %dma_start3A_1128 = arith.constant 6 : i32
        %dma_start3A_1129 = arith.constant 0 : i32
        %dma_start3A_1130 = tpu.memref_slice %arg13[%dma_start3A_1128, %dma_start3A_1129] : memref<16x40xf32, #tpu.memory_space<vmem>> -> memref<1x40xf32, #tpu.memory_space<vmem>>
        %dma_start3A_1131 = tpu.memref_squeeze %dma_start3A_1130 : memref<1x40xf32, #tpu.memory_space<vmem>> -> memref<40xf32, #tpu.memory_space<vmem>>
        %dma_start3A_1132 = tpu.memref_slice %arg8[%mul3A_1104] : memref<10000xf32, #tpu.memory_space<hbm>> -> memref<40xf32, #tpu.memory_space<hbm>>
        %dma_start3A_1133 = tpu.memref_slice %arg8[%mul3A_1104] : memref<10000xf32, #tpu.memory_space<hbm>> -> memref<40xf32, #tpu.memory_space<hbm>>
        %dma_start3A_1134 = arith.constant 0 : i32
        %dma_start3A_1135 = tpu.memref_slice %arg13[%dma_start3A_1128, %dma_start3A_1134] : memref<16x40xf32, #tpu.memory_space<vmem>> -> memref<1x40xf32, #tpu.memory_space<vmem>>
        %dma_start3A_1136 = tpu.memref_squeeze %dma_start3A_1135 : memref<1x40xf32, #tpu.memory_space<vmem>> -> memref<40xf32, #tpu.memory_space<vmem>>
        tpu.enqueue_dma source(%dma_start3A_1136 : memref<40xf32, #tpu.memory_space<vmem>>) target(%dma_start3A_1133 : memref<40xf32, #tpu.memory_space<hbm>>) target_semaphore(%arg20 : memref<!tpu.dma_semaphore, #tpu.memory_space<semaphore_mem>>)
      } else {
      }
      %eq3A_1123 = arith.constant 1 : i32
      %eq3A_1124 = arith.cmpi eq, %arg0, %eq3A_1123 : i32
      %convert_element_type3A_1125 = arith.extui %eq3A_1124 : i1 to i32
      %cond3A_1126 = arith.constant 0 : i32
      %cond3A_1127 = arith.cmpi ne, %convert_element_type3A_1125, %cond3A_1126 : i32
      scf.if %cond3A_1127 {
        %dma_start3A_1128 = arith.constant 6 : i32
        %dma_start3A_1129 = arith.constant 0 : i32
        %dma_start3A_1130 = tpu.memref_slice %arg13[%dma_start3A_1128, %dma_start3A_1129] : memref<16x40xf32, #tpu.memory_space<vmem>> -> memref<1x40xf32, #tpu.memory_space<vmem>>
        %dma_start3A_1131 = tpu.memref_squeeze %dma_start3A_1130 : memref<1x40xf32, #tpu.memory_space<vmem>> -> memref<40xf32, #tpu.memory_space<vmem>>
        %dma_start3A_1132 = tpu.memref_slice %arg9[%mul3A_1104] : memref<10000xf32, #tpu.memory_space<hbm>> -> memref<40xf32, #tpu.memory_space<hbm>>
        %dma_start3A_1133 = tpu.memref_slice %arg9[%mul3A_1104] : memref<10000xf32, #tpu.memory_space<hbm>> -> memref<40xf32, #tpu.memory_space<hbm>>
        %dma_start3A_1134 = arith.constant 0 : i32
        %dma_start3A_1135 = tpu.memref_slice %arg13[%dma_start3A_1128, %dma_start3A_1134] : memref<16x40xf32, #tpu.memory_space<vmem>> -> memref<1x40xf32, #tpu.memory_space<vmem>>
        %dma_start3A_1136 = tpu.memref_squeeze %dma_start3A_1135 : memref<1x40xf32, #tpu.memory_space<vmem>> -> memref<40xf32, #tpu.memory_space<vmem>>
        tpu.enqueue_dma source(%dma_start3A_1136 : memref<40xf32, #tpu.memory_space<vmem>>) target(%dma_start3A_1133 : memref<40xf32, #tpu.memory_space<hbm>>) target_semaphore(%arg20 : memref<!tpu.dma_semaphore, #tpu.memory_space<semaphore_mem>>)
      } else {
      }
    } else {
    }
    %add3A_928 = arith.constant 112 : i32
    %add3A_929 = arith.addi %arg1, %add3A_928 : i32
    %lt3A_930 = arith.constant 250 : i32
    %lt3A_931 = arith.cmpi slt, %add3A_929, %lt3A_930 : i32
    %convert_element_type3A_932 = arith.extui %lt3A_931 : i1 to i32
    %cond3A_933 = arith.constant 0 : i32
    %cond3A_934 = arith.cmpi ne, %convert_element_type3A_932, %cond3A_933 : i32
    scf.if %cond3A_934 {
      %mul3A_1103 = arith.constant 40 : i32
      %mul3A_1104 = arith.muli %add3A_929, %mul3A_1103 : i32
      %dma_wait3A_1105 = arith.constant 0 : i32
      %dma_wait3A_1106 = tpu.memref_slice %arg7[%arg0, %mul3A_1104, %dma_wait3A_1105] : memref<2x10000x128xf32, #tpu.memory_space<hbm>> -> memref<1x40x128xf32, #tpu.memory_space<hbm>>
      %dma_wait3A_1107 = tpu.memref_squeeze %dma_wait3A_1106 : memref<1x40x128xf32, #tpu.memory_space<hbm>> -> memref<40x128xf32, #tpu.memory_space<hbm>>
      %dma_wait3A_1108 = arith.constant 0 : i32
      %dma_wait3A_1109 = tpu.memref_slice %arg15[%mul3A_1104, %dma_wait3A_1108] : memref<10000x128xf32, #tpu.memory_space<vmem_shared>> -> memref<40x128xf32, #tpu.memory_space<vmem_shared>>
      tpu.wait_dma2 semaphore(%arg20 : memref<!tpu.dma_semaphore, #tpu.memory_space<semaphore_mem>>) src(%dma_wait3A_1109 : memref<40x128xf32, #tpu.memory_space<vmem_shared>>) dst(%dma_wait3A_1107 : memref<40x128xf32, #tpu.memory_space<hbm>>)
      %dma_wait3A_1110 = arith.constant 7 : i32
      %dma_wait3A_1111 = arith.constant 0 : i32
      %dma_wait3A_1112 = tpu.memref_slice %arg13[%dma_wait3A_1110, %dma_wait3A_1111] : memref<16x40xf32, #tpu.memory_space<vmem>> -> memref<1x40xf32, #tpu.memory_space<vmem>>
      %dma_wait3A_1113 = tpu.memref_squeeze %dma_wait3A_1112 : memref<1x40xf32, #tpu.memory_space<vmem>> -> memref<40xf32, #tpu.memory_space<vmem>>
      %dma_wait3A_1114 = tpu.memref_slice %arg16[%mul3A_1104] : memref<10000xf32, #tpu.memory_space<vmem_shared>> -> memref<40xf32, #tpu.memory_space<vmem_shared>>
      %dma_wait3A_1115 = arith.constant 0 : i32
      %dma_wait3A_1116 = tpu.memref_slice %arg13[%dma_wait3A_1110, %dma_wait3A_1115] : memref<16x40xf32, #tpu.memory_space<vmem>> -> memref<1x40xf32, #tpu.memory_space<vmem>>
      %dma_wait3A_1117 = tpu.memref_squeeze %dma_wait3A_1116 : memref<1x40xf32, #tpu.memory_space<vmem>> -> memref<40xf32, #tpu.memory_space<vmem>>
      %dma_wait3A_1118 = tpu.memref_slice %arg16[%mul3A_1104] : memref<10000xf32, #tpu.memory_space<vmem_shared>> -> memref<40xf32, #tpu.memory_space<vmem_shared>>
      tpu.wait_dma2 semaphore(%arg20 : memref<!tpu.dma_semaphore, #tpu.memory_space<semaphore_mem>>) src(%dma_wait3A_1118 : memref<40xf32, #tpu.memory_space<vmem_shared>>) dst(%dma_wait3A_1117 : memref<40xf32, #tpu.memory_space<vmem>>)
      %eq3A = arith.constant 0 : i32
      %eq3A_1119 = arith.cmpi eq, %arg0, %eq3A : i32
      %convert_element_type3A_1120 = arith.extui %eq3A_1119 : i1 to i32
      %cond3A_1121 = arith.constant 0 : i32
      %cond3A_1122 = arith.cmpi ne, %convert_element_type3A_1120, %cond3A_1121 : i32
      scf.if %cond3A_1122 {
        %dma_start3A_1128 = arith.constant 7 : i32
        %dma_start3A_1129 = arith.constant 0 : i32
        %dma_start3A_1130 = tpu.memref_slice %arg13[%dma_start3A_1128, %dma_start3A_1129] : memref<16x40xf32, #tpu.memory_space<vmem>> -> memref<1x40xf32, #tpu.memory_space<vmem>>
        %dma_start3A_1131 = tpu.memref_squeeze %dma_start3A_1130 : memref<1x40xf32, #tpu.memory_space<vmem>> -> memref<40xf32, #tpu.memory_space<vmem>>
        %dma_start3A_1132 = tpu.memref_slice %arg8[%mul3A_1104] : memref<10000xf32, #tpu.memory_space<hbm>> -> memref<40xf32, #tpu.memory_space<hbm>>
        %dma_start3A_1133 = tpu.memref_slice %arg8[%mul3A_1104] : memref<10000xf32, #tpu.memory_space<hbm>> -> memref<40xf32, #tpu.memory_space<hbm>>
        %dma_start3A_1134 = arith.constant 0 : i32
        %dma_start3A_1135 = tpu.memref_slice %arg13[%dma_start3A_1128, %dma_start3A_1134] : memref<16x40xf32, #tpu.memory_space<vmem>> -> memref<1x40xf32, #tpu.memory_space<vmem>>
        %dma_start3A_1136 = tpu.memref_squeeze %dma_start3A_1135 : memref<1x40xf32, #tpu.memory_space<vmem>> -> memref<40xf32, #tpu.memory_space<vmem>>
        tpu.enqueue_dma source(%dma_start3A_1136 : memref<40xf32, #tpu.memory_space<vmem>>) target(%dma_start3A_1133 : memref<40xf32, #tpu.memory_space<hbm>>) target_semaphore(%arg20 : memref<!tpu.dma_semaphore, #tpu.memory_space<semaphore_mem>>)
      } else {
      }
      %eq3A_1123 = arith.constant 1 : i32
      %eq3A_1124 = arith.cmpi eq, %arg0, %eq3A_1123 : i32
      %convert_element_type3A_1125 = arith.extui %eq3A_1124 : i1 to i32
      %cond3A_1126 = arith.constant 0 : i32
      %cond3A_1127 = arith.cmpi ne, %convert_element_type3A_1125, %cond3A_1126 : i32
      scf.if %cond3A_1127 {
        %dma_start3A_1128 = arith.constant 7 : i32
        %dma_start3A_1129 = arith.constant 0 : i32
        %dma_start3A_1130 = tpu.memref_slice %arg13[%dma_start3A_1128, %dma_start3A_1129] : memref<16x40xf32, #tpu.memory_space<vmem>> -> memref<1x40xf32, #tpu.memory_space<vmem>>
        %dma_start3A_1131 = tpu.memref_squeeze %dma_start3A_1130 : memref<1x40xf32, #tpu.memory_space<vmem>> -> memref<40xf32, #tpu.memory_space<vmem>>
        %dma_start3A_1132 = tpu.memref_slice %arg9[%mul3A_1104] : memref<10000xf32, #tpu.memory_space<hbm>> -> memref<40xf32, #tpu.memory_space<hbm>>
        %dma_start3A_1133 = tpu.memref_slice %arg9[%mul3A_1104] : memref<10000xf32, #tpu.memory_space<hbm>> -> memref<40xf32, #tpu.memory_space<hbm>>
        %dma_start3A_1134 = arith.constant 0 : i32
        %dma_start3A_1135 = tpu.memref_slice %arg13[%dma_start3A_1128, %dma_start3A_1134] : memref<16x40xf32, #tpu.memory_space<vmem>> -> memref<1x40xf32, #tpu.memory_space<vmem>>
        %dma_start3A_1136 = tpu.memref_squeeze %dma_start3A_1135 : memref<1x40xf32, #tpu.memory_space<vmem>> -> memref<40xf32, #tpu.memory_space<vmem>>
        tpu.enqueue_dma source(%dma_start3A_1136 : memref<40xf32, #tpu.memory_space<vmem>>) target(%dma_start3A_1133 : memref<40xf32, #tpu.memory_space<hbm>>) target_semaphore(%arg20 : memref<!tpu.dma_semaphore, #tpu.memory_space<semaphore_mem>>)
      } else {
      }
    } else {
    }
    %add3A_935 = arith.constant 128 : i32
    %add3A_936 = arith.addi %arg1, %add3A_935 : i32
    %lt3A_937 = arith.constant 250 : i32
    %lt3A_938 = arith.cmpi slt, %add3A_936, %lt3A_937 : i32
    %convert_element_type3A_939 = arith.extui %lt3A_938 : i1 to i32
    %cond3A_940 = arith.constant 0 : i32
    %cond3A_941 = arith.cmpi ne, %convert_element_type3A_939, %cond3A_940 : i32
    scf.if %cond3A_941 {
      %mul3A_1103 = arith.constant 40 : i32
      %mul3A_1104 = arith.muli %add3A_936, %mul3A_1103 : i32
      %dma_wait3A_1105 = arith.constant 0 : i32
      %dma_wait3A_1106 = tpu.memref_slice %arg7[%arg0, %mul3A_1104, %dma_wait3A_1105] : memref<2x10000x128xf32, #tpu.memory_space<hbm>> -> memref<1x40x128xf32, #tpu.memory_space<hbm>>
      %dma_wait3A_1107 = tpu.memref_squeeze %dma_wait3A_1106 : memref<1x40x128xf32, #tpu.memory_space<hbm>> -> memref<40x128xf32, #tpu.memory_space<hbm>>
      %dma_wait3A_1108 = arith.constant 0 : i32
      %dma_wait3A_1109 = tpu.memref_slice %arg15[%mul3A_1104, %dma_wait3A_1108] : memref<10000x128xf32, #tpu.memory_space<vmem_shared>> -> memref<40x128xf32, #tpu.memory_space<vmem_shared>>
      tpu.wait_dma2 semaphore(%arg20 : memref<!tpu.dma_semaphore, #tpu.memory_space<semaphore_mem>>) src(%dma_wait3A_1109 : memref<40x128xf32, #tpu.memory_space<vmem_shared>>) dst(%dma_wait3A_1107 : memref<40x128xf32, #tpu.memory_space<hbm>>)
      %dma_wait3A_1110 = arith.constant 8 : i32
      %dma_wait3A_1111 = arith.constant 0 : i32
      %dma_wait3A_1112 = tpu.memref_slice %arg13[%dma_wait3A_1110, %dma_wait3A_1111] : memref<16x40xf32, #tpu.memory_space<vmem>> -> memref<1x40xf32, #tpu.memory_space<vmem>>
      %dma_wait3A_1113 = tpu.memref_squeeze %dma_wait3A_1112 : memref<1x40xf32, #tpu.memory_space<vmem>> -> memref<40xf32, #tpu.memory_space<vmem>>
      %dma_wait3A_1114 = tpu.memref_slice %arg16[%mul3A_1104] : memref<10000xf32, #tpu.memory_space<vmem_shared>> -> memref<40xf32, #tpu.memory_space<vmem_shared>>
      %dma_wait3A_1115 = arith.constant 0 : i32
      %dma_wait3A_1116 = tpu.memref_slice %arg13[%dma_wait3A_1110, %dma_wait3A_1115] : memref<16x40xf32, #tpu.memory_space<vmem>> -> memref<1x40xf32, #tpu.memory_space<vmem>>
      %dma_wait3A_1117 = tpu.memref_squeeze %dma_wait3A_1116 : memref<1x40xf32, #tpu.memory_space<vmem>> -> memref<40xf32, #tpu.memory_space<vmem>>
      %dma_wait3A_1118 = tpu.memref_slice %arg16[%mul3A_1104] : memref<10000xf32, #tpu.memory_space<vmem_shared>> -> memref<40xf32, #tpu.memory_space<vmem_shared>>
      tpu.wait_dma2 semaphore(%arg20 : memref<!tpu.dma_semaphore, #tpu.memory_space<semaphore_mem>>) src(%dma_wait3A_1118 : memref<40xf32, #tpu.memory_space<vmem_shared>>) dst(%dma_wait3A_1117 : memref<40xf32, #tpu.memory_space<vmem>>)
      %eq3A = arith.constant 0 : i32
      %eq3A_1119 = arith.cmpi eq, %arg0, %eq3A : i32
      %convert_element_type3A_1120 = arith.extui %eq3A_1119 : i1 to i32
      %cond3A_1121 = arith.constant 0 : i32
      %cond3A_1122 = arith.cmpi ne, %convert_element_type3A_1120, %cond3A_1121 : i32
      scf.if %cond3A_1122 {
        %dma_start3A_1128 = arith.constant 8 : i32
        %dma_start3A_1129 = arith.constant 0 : i32
        %dma_start3A_1130 = tpu.memref_slice %arg13[%dma_start3A_1128, %dma_start3A_1129] : memref<16x40xf32, #tpu.memory_space<vmem>> -> memref<1x40xf32, #tpu.memory_space<vmem>>
        %dma_start3A_1131 = tpu.memref_squeeze %dma_start3A_1130 : memref<1x40xf32, #tpu.memory_space<vmem>> -> memref<40xf32, #tpu.memory_space<vmem>>
        %dma_start3A_1132 = tpu.memref_slice %arg8[%mul3A_1104] : memref<10000xf32, #tpu.memory_space<hbm>> -> memref<40xf32, #tpu.memory_space<hbm>>
        %dma_start3A_1133 = tpu.memref_slice %arg8[%mul3A_1104] : memref<10000xf32, #tpu.memory_space<hbm>> -> memref<40xf32, #tpu.memory_space<hbm>>
        %dma_start3A_1134 = arith.constant 0 : i32
        %dma_start3A_1135 = tpu.memref_slice %arg13[%dma_start3A_1128, %dma_start3A_1134] : memref<16x40xf32, #tpu.memory_space<vmem>> -> memref<1x40xf32, #tpu.memory_space<vmem>>
        %dma_start3A_1136 = tpu.memref_squeeze %dma_start3A_1135 : memref<1x40xf32, #tpu.memory_space<vmem>> -> memref<40xf32, #tpu.memory_space<vmem>>
        tpu.enqueue_dma source(%dma_start3A_1136 : memref<40xf32, #tpu.memory_space<vmem>>) target(%dma_start3A_1133 : memref<40xf32, #tpu.memory_space<hbm>>) target_semaphore(%arg20 : memref<!tpu.dma_semaphore, #tpu.memory_space<semaphore_mem>>)
      } else {
      }
      %eq3A_1123 = arith.constant 1 : i32
      %eq3A_1124 = arith.cmpi eq, %arg0, %eq3A_1123 : i32
      %convert_element_type3A_1125 = arith.extui %eq3A_1124 : i1 to i32
      %cond3A_1126 = arith.constant 0 : i32
      %cond3A_1127 = arith.cmpi ne, %convert_element_type3A_1125, %cond3A_1126 : i32
      scf.if %cond3A_1127 {
        %dma_start3A_1128 = arith.constant 8 : i32
        %dma_start3A_1129 = arith.constant 0 : i32
        %dma_start3A_1130 = tpu.memref_slice %arg13[%dma_start3A_1128, %dma_start3A_1129] : memref<16x40xf32, #tpu.memory_space<vmem>> -> memref<1x40xf32, #tpu.memory_space<vmem>>
        %dma_start3A_1131 = tpu.memref_squeeze %dma_start3A_1130 : memref<1x40xf32, #tpu.memory_space<vmem>> -> memref<40xf32, #tpu.memory_space<vmem>>
        %dma_start3A_1132 = tpu.memref_slice %arg9[%mul3A_1104] : memref<10000xf32, #tpu.memory_space<hbm>> -> memref<40xf32, #tpu.memory_space<hbm>>
        %dma_start3A_1133 = tpu.memref_slice %arg9[%mul3A_1104] : memref<10000xf32, #tpu.memory_space<hbm>> -> memref<40xf32, #tpu.memory_space<hbm>>
        %dma_start3A_1134 = arith.constant 0 : i32
        %dma_start3A_1135 = tpu.memref_slice %arg13[%dma_start3A_1128, %dma_start3A_1134] : memref<16x40xf32, #tpu.memory_space<vmem>> -> memref<1x40xf32, #tpu.memory_space<vmem>>
        %dma_start3A_1136 = tpu.memref_squeeze %dma_start3A_1135 : memref<1x40xf32, #tpu.memory_space<vmem>> -> memref<40xf32, #tpu.memory_space<vmem>>
        tpu.enqueue_dma source(%dma_start3A_1136 : memref<40xf32, #tpu.memory_space<vmem>>) target(%dma_start3A_1133 : memref<40xf32, #tpu.memory_space<hbm>>) target_semaphore(%arg20 : memref<!tpu.dma_semaphore, #tpu.memory_space<semaphore_mem>>)
      } else {
      }
    } else {
    }
    %add3A_942 = arith.constant 144 : i32
    %add3A_943 = arith.addi %arg1, %add3A_942 : i32
    %lt3A_944 = arith.constant 250 : i32
    %lt3A_945 = arith.cmpi slt, %add3A_943, %lt3A_944 : i32
    %convert_element_type3A_946 = arith.extui %lt3A_945 : i1 to i32
    %cond3A_947 = arith.constant 0 : i32
    %cond3A_948 = arith.cmpi ne, %convert_element_type3A_946, %cond3A_947 : i32
    scf.if %cond3A_948 {
      %mul3A_1103 = arith.constant 40 : i32
      %mul3A_1104 = arith.muli %add3A_943, %mul3A_1103 : i32
      %dma_wait3A_1105 = arith.constant 0 : i32
      %dma_wait3A_1106 = tpu.memref_slice %arg7[%arg0, %mul3A_1104, %dma_wait3A_1105] : memref<2x10000x128xf32, #tpu.memory_space<hbm>> -> memref<1x40x128xf32, #tpu.memory_space<hbm>>
      %dma_wait3A_1107 = tpu.memref_squeeze %dma_wait3A_1106 : memref<1x40x128xf32, #tpu.memory_space<hbm>> -> memref<40x128xf32, #tpu.memory_space<hbm>>
      %dma_wait3A_1108 = arith.constant 0 : i32
      %dma_wait3A_1109 = tpu.memref_slice %arg15[%mul3A_1104, %dma_wait3A_1108] : memref<10000x128xf32, #tpu.memory_space<vmem_shared>> -> memref<40x128xf32, #tpu.memory_space<vmem_shared>>
      tpu.wait_dma2 semaphore(%arg20 : memref<!tpu.dma_semaphore, #tpu.memory_space<semaphore_mem>>) src(%dma_wait3A_1109 : memref<40x128xf32, #tpu.memory_space<vmem_shared>>) dst(%dma_wait3A_1107 : memref<40x128xf32, #tpu.memory_space<hbm>>)
      %dma_wait3A_1110 = arith.constant 9 : i32
      %dma_wait3A_1111 = arith.constant 0 : i32
      %dma_wait3A_1112 = tpu.memref_slice %arg13[%dma_wait3A_1110, %dma_wait3A_1111] : memref<16x40xf32, #tpu.memory_space<vmem>> -> memref<1x40xf32, #tpu.memory_space<vmem>>
      %dma_wait3A_1113 = tpu.memref_squeeze %dma_wait3A_1112 : memref<1x40xf32, #tpu.memory_space<vmem>> -> memref<40xf32, #tpu.memory_space<vmem>>
      %dma_wait3A_1114 = tpu.memref_slice %arg16[%mul3A_1104] : memref<10000xf32, #tpu.memory_space<vmem_shared>> -> memref<40xf32, #tpu.memory_space<vmem_shared>>
      %dma_wait3A_1115 = arith.constant 0 : i32
      %dma_wait3A_1116 = tpu.memref_slice %arg13[%dma_wait3A_1110, %dma_wait3A_1115] : memref<16x40xf32, #tpu.memory_space<vmem>> -> memref<1x40xf32, #tpu.memory_space<vmem>>
      %dma_wait3A_1117 = tpu.memref_squeeze %dma_wait3A_1116 : memref<1x40xf32, #tpu.memory_space<vmem>> -> memref<40xf32, #tpu.memory_space<vmem>>
      %dma_wait3A_1118 = tpu.memref_slice %arg16[%mul3A_1104] : memref<10000xf32, #tpu.memory_space<vmem_shared>> -> memref<40xf32, #tpu.memory_space<vmem_shared>>
      tpu.wait_dma2 semaphore(%arg20 : memref<!tpu.dma_semaphore, #tpu.memory_space<semaphore_mem>>) src(%dma_wait3A_1118 : memref<40xf32, #tpu.memory_space<vmem_shared>>) dst(%dma_wait3A_1117 : memref<40xf32, #tpu.memory_space<vmem>>)
      %eq3A = arith.constant 0 : i32
      %eq3A_1119 = arith.cmpi eq, %arg0, %eq3A : i32
      %convert_element_type3A_1120 = arith.extui %eq3A_1119 : i1 to i32
      %cond3A_1121 = arith.constant 0 : i32
      %cond3A_1122 = arith.cmpi ne, %convert_element_type3A_1120, %cond3A_1121 : i32
      scf.if %cond3A_1122 {
        %dma_start3A_1128 = arith.constant 9 : i32
        %dma_start3A_1129 = arith.constant 0 : i32
        %dma_start3A_1130 = tpu.memref_slice %arg13[%dma_start3A_1128, %dma_start3A_1129] : memref<16x40xf32, #tpu.memory_space<vmem>> -> memref<1x40xf32, #tpu.memory_space<vmem>>
        %dma_start3A_1131 = tpu.memref_squeeze %dma_start3A_1130 : memref<1x40xf32, #tpu.memory_space<vmem>> -> memref<40xf32, #tpu.memory_space<vmem>>
        %dma_start3A_1132 = tpu.memref_slice %arg8[%mul3A_1104] : memref<10000xf32, #tpu.memory_space<hbm>> -> memref<40xf32, #tpu.memory_space<hbm>>
        %dma_start3A_1133 = tpu.memref_slice %arg8[%mul3A_1104] : memref<10000xf32, #tpu.memory_space<hbm>> -> memref<40xf32, #tpu.memory_space<hbm>>
        %dma_start3A_1134 = arith.constant 0 : i32
        %dma_start3A_1135 = tpu.memref_slice %arg13[%dma_start3A_1128, %dma_start3A_1134] : memref<16x40xf32, #tpu.memory_space<vmem>> -> memref<1x40xf32, #tpu.memory_space<vmem>>
        %dma_start3A_1136 = tpu.memref_squeeze %dma_start3A_1135 : memref<1x40xf32, #tpu.memory_space<vmem>> -> memref<40xf32, #tpu.memory_space<vmem>>
        tpu.enqueue_dma source(%dma_start3A_1136 : memref<40xf32, #tpu.memory_space<vmem>>) target(%dma_start3A_1133 : memref<40xf32, #tpu.memory_space<hbm>>) target_semaphore(%arg20 : memref<!tpu.dma_semaphore, #tpu.memory_space<semaphore_mem>>)
      } else {
      }
      %eq3A_1123 = arith.constant 1 : i32
      %eq3A_1124 = arith.cmpi eq, %arg0, %eq3A_1123 : i32
      %convert_element_type3A_1125 = arith.extui %eq3A_1124 : i1 to i32
      %cond3A_1126 = arith.constant 0 : i32
      %cond3A_1127 = arith.cmpi ne, %convert_element_type3A_1125, %cond3A_1126 : i32
      scf.if %cond3A_1127 {
        %dma_start3A_1128 = arith.constant 9 : i32
        %dma_start3A_1129 = arith.constant 0 : i32
        %dma_start3A_1130 = tpu.memref_slice %arg13[%dma_start3A_1128, %dma_start3A_1129] : memref<16x40xf32, #tpu.memory_space<vmem>> -> memref<1x40xf32, #tpu.memory_space<vmem>>
        %dma_start3A_1131 = tpu.memref_squeeze %dma_start3A_1130 : memref<1x40xf32, #tpu.memory_space<vmem>> -> memref<40xf32, #tpu.memory_space<vmem>>
        %dma_start3A_1132 = tpu.memref_slice %arg9[%mul3A_1104] : memref<10000xf32, #tpu.memory_space<hbm>> -> memref<40xf32, #tpu.memory_space<hbm>>
        %dma_start3A_1133 = tpu.memref_slice %arg9[%mul3A_1104] : memref<10000xf32, #tpu.memory_space<hbm>> -> memref<40xf32, #tpu.memory_space<hbm>>
        %dma_start3A_1134 = arith.constant 0 : i32
        %dma_start3A_1135 = tpu.memref_slice %arg13[%dma_start3A_1128, %dma_start3A_1134] : memref<16x40xf32, #tpu.memory_space<vmem>> -> memref<1x40xf32, #tpu.memory_space<vmem>>
        %dma_start3A_1136 = tpu.memref_squeeze %dma_start3A_1135 : memref<1x40xf32, #tpu.memory_space<vmem>> -> memref<40xf32, #tpu.memory_space<vmem>>
        tpu.enqueue_dma source(%dma_start3A_1136 : memref<40xf32, #tpu.memory_space<vmem>>) target(%dma_start3A_1133 : memref<40xf32, #tpu.memory_space<hbm>>) target_semaphore(%arg20 : memref<!tpu.dma_semaphore, #tpu.memory_space<semaphore_mem>>)
      } else {
      }
    } else {
    }
    %add3A_949 = arith.constant 160 : i32
    %add3A_950 = arith.addi %arg1, %add3A_949 : i32
    %lt3A_951 = arith.constant 250 : i32
    %lt3A_952 = arith.cmpi slt, %add3A_950, %lt3A_951 : i32
    %convert_element_type3A_953 = arith.extui %lt3A_952 : i1 to i32
    %cond3A_954 = arith.constant 0 : i32
    %cond3A_955 = arith.cmpi ne, %convert_element_type3A_953, %cond3A_954 : i32
    scf.if %cond3A_955 {
      %mul3A_1103 = arith.constant 40 : i32
      %mul3A_1104 = arith.muli %add3A_950, %mul3A_1103 : i32
      %dma_wait3A_1105 = arith.constant 0 : i32
      %dma_wait3A_1106 = tpu.memref_slice %arg7[%arg0, %mul3A_1104, %dma_wait3A_1105] : memref<2x10000x128xf32, #tpu.memory_space<hbm>> -> memref<1x40x128xf32, #tpu.memory_space<hbm>>
      %dma_wait3A_1107 = tpu.memref_squeeze %dma_wait3A_1106 : memref<1x40x128xf32, #tpu.memory_space<hbm>> -> memref<40x128xf32, #tpu.memory_space<hbm>>
      %dma_wait3A_1108 = arith.constant 0 : i32
      %dma_wait3A_1109 = tpu.memref_slice %arg15[%mul3A_1104, %dma_wait3A_1108] : memref<10000x128xf32, #tpu.memory_space<vmem_shared>> -> memref<40x128xf32, #tpu.memory_space<vmem_shared>>
      tpu.wait_dma2 semaphore(%arg20 : memref<!tpu.dma_semaphore, #tpu.memory_space<semaphore_mem>>) src(%dma_wait3A_1109 : memref<40x128xf32, #tpu.memory_space<vmem_shared>>) dst(%dma_wait3A_1107 : memref<40x128xf32, #tpu.memory_space<hbm>>)
      %dma_wait3A_1110 = arith.constant 10 : i32
      %dma_wait3A_1111 = arith.constant 0 : i32
      %dma_wait3A_1112 = tpu.memref_slice %arg13[%dma_wait3A_1110, %dma_wait3A_1111] : memref<16x40xf32, #tpu.memory_space<vmem>> -> memref<1x40xf32, #tpu.memory_space<vmem>>
      %dma_wait3A_1113 = tpu.memref_squeeze %dma_wait3A_1112 : memref<1x40xf32, #tpu.memory_space<vmem>> -> memref<40xf32, #tpu.memory_space<vmem>>
      %dma_wait3A_1114 = tpu.memref_slice %arg16[%mul3A_1104] : memref<10000xf32, #tpu.memory_space<vmem_shared>> -> memref<40xf32, #tpu.memory_space<vmem_shared>>
      %dma_wait3A_1115 = arith.constant 0 : i32
      %dma_wait3A_1116 = tpu.memref_slice %arg13[%dma_wait3A_1110, %dma_wait3A_1115] : memref<16x40xf32, #tpu.memory_space<vmem>> -> memref<1x40xf32, #tpu.memory_space<vmem>>
      %dma_wait3A_1117 = tpu.memref_squeeze %dma_wait3A_1116 : memref<1x40xf32, #tpu.memory_space<vmem>> -> memref<40xf32, #tpu.memory_space<vmem>>
      %dma_wait3A_1118 = tpu.memref_slice %arg16[%mul3A_1104] : memref<10000xf32, #tpu.memory_space<vmem_shared>> -> memref<40xf32, #tpu.memory_space<vmem_shared>>
      tpu.wait_dma2 semaphore(%arg20 : memref<!tpu.dma_semaphore, #tpu.memory_space<semaphore_mem>>) src(%dma_wait3A_1118 : memref<40xf32, #tpu.memory_space<vmem_shared>>) dst(%dma_wait3A_1117 : memref<40xf32, #tpu.memory_space<vmem>>)
      %eq3A = arith.constant 0 : i32
      %eq3A_1119 = arith.cmpi eq, %arg0, %eq3A : i32
      %convert_element_type3A_1120 = arith.extui %eq3A_1119 : i1 to i32
      %cond3A_1121 = arith.constant 0 : i32
      %cond3A_1122 = arith.cmpi ne, %convert_element_type3A_1120, %cond3A_1121 : i32
      scf.if %cond3A_1122 {
        %dma_start3A_1128 = arith.constant 10 : i32
        %dma_start3A_1129 = arith.constant 0 : i32
        %dma_start3A_1130 = tpu.memref_slice %arg13[%dma_start3A_1128, %dma_start3A_1129] : memref<16x40xf32, #tpu.memory_space<vmem>> -> memref<1x40xf32, #tpu.memory_space<vmem>>
        %dma_start3A_1131 = tpu.memref_squeeze %dma_start3A_1130 : memref<1x40xf32, #tpu.memory_space<vmem>> -> memref<40xf32, #tpu.memory_space<vmem>>
        %dma_start3A_1132 = tpu.memref_slice %arg8[%mul3A_1104] : memref<10000xf32, #tpu.memory_space<hbm>> -> memref<40xf32, #tpu.memory_space<hbm>>
        %dma_start3A_1133 = tpu.memref_slice %arg8[%mul3A_1104] : memref<10000xf32, #tpu.memory_space<hbm>> -> memref<40xf32, #tpu.memory_space<hbm>>
        %dma_start3A_1134 = arith.constant 0 : i32
        %dma_start3A_1135 = tpu.memref_slice %arg13[%dma_start3A_1128, %dma_start3A_1134] : memref<16x40xf32, #tpu.memory_space<vmem>> -> memref<1x40xf32, #tpu.memory_space<vmem>>
        %dma_start3A_1136 = tpu.memref_squeeze %dma_start3A_1135 : memref<1x40xf32, #tpu.memory_space<vmem>> -> memref<40xf32, #tpu.memory_space<vmem>>
        tpu.enqueue_dma source(%dma_start3A_1136 : memref<40xf32, #tpu.memory_space<vmem>>) target(%dma_start3A_1133 : memref<40xf32, #tpu.memory_space<hbm>>) target_semaphore(%arg20 : memref<!tpu.dma_semaphore, #tpu.memory_space<semaphore_mem>>)
      } else {
      }
      %eq3A_1123 = arith.constant 1 : i32
      %eq3A_1124 = arith.cmpi eq, %arg0, %eq3A_1123 : i32
      %convert_element_type3A_1125 = arith.extui %eq3A_1124 : i1 to i32
      %cond3A_1126 = arith.constant 0 : i32
      %cond3A_1127 = arith.cmpi ne, %convert_element_type3A_1125, %cond3A_1126 : i32
      scf.if %cond3A_1127 {
        %dma_start3A_1128 = arith.constant 10 : i32
        %dma_start3A_1129 = arith.constant 0 : i32
        %dma_start3A_1130 = tpu.memref_slice %arg13[%dma_start3A_1128, %dma_start3A_1129] : memref<16x40xf32, #tpu.memory_space<vmem>> -> memref<1x40xf32, #tpu.memory_space<vmem>>
        %dma_start3A_1131 = tpu.memref_squeeze %dma_start3A_1130 : memref<1x40xf32, #tpu.memory_space<vmem>> -> memref<40xf32, #tpu.memory_space<vmem>>
        %dma_start3A_1132 = tpu.memref_slice %arg9[%mul3A_1104] : memref<10000xf32, #tpu.memory_space<hbm>> -> memref<40xf32, #tpu.memory_space<hbm>>
        %dma_start3A_1133 = tpu.memref_slice %arg9[%mul3A_1104] : memref<10000xf32, #tpu.memory_space<hbm>> -> memref<40xf32, #tpu.memory_space<hbm>>
        %dma_start3A_1134 = arith.constant 0 : i32
        %dma_start3A_1135 = tpu.memref_slice %arg13[%dma_start3A_1128, %dma_start3A_1134] : memref<16x40xf32, #tpu.memory_space<vmem>> -> memref<1x40xf32, #tpu.memory_space<vmem>>
        %dma_start3A_1136 = tpu.memref_squeeze %dma_start3A_1135 : memref<1x40xf32, #tpu.memory_space<vmem>> -> memref<40xf32, #tpu.memory_space<vmem>>
        tpu.enqueue_dma source(%dma_start3A_1136 : memref<40xf32, #tpu.memory_space<vmem>>) target(%dma_start3A_1133 : memref<40xf32, #tpu.memory_space<hbm>>) target_semaphore(%arg20 : memref<!tpu.dma_semaphore, #tpu.memory_space<semaphore_mem>>)
      } else {
      }
    } else {
    }
    %add3A_956 = arith.constant 176 : i32
    %add3A_957 = arith.addi %arg1, %add3A_956 : i32
    %lt3A_958 = arith.constant 250 : i32
    %lt3A_959 = arith.cmpi slt, %add3A_957, %lt3A_958 : i32
    %convert_element_type3A_960 = arith.extui %lt3A_959 : i1 to i32
    %cond3A_961 = arith.constant 0 : i32
    %cond3A_962 = arith.cmpi ne, %convert_element_type3A_960, %cond3A_961 : i32
    scf.if %cond3A_962 {
      %mul3A_1103 = arith.constant 40 : i32
      %mul3A_1104 = arith.muli %add3A_957, %mul3A_1103 : i32
      %dma_wait3A_1105 = arith.constant 0 : i32
      %dma_wait3A_1106 = tpu.memref_slice %arg7[%arg0, %mul3A_1104, %dma_wait3A_1105] : memref<2x10000x128xf32, #tpu.memory_space<hbm>> -> memref<1x40x128xf32, #tpu.memory_space<hbm>>
      %dma_wait3A_1107 = tpu.memref_squeeze %dma_wait3A_1106 : memref<1x40x128xf32, #tpu.memory_space<hbm>> -> memref<40x128xf32, #tpu.memory_space<hbm>>
      %dma_wait3A_1108 = arith.constant 0 : i32
      %dma_wait3A_1109 = tpu.memref_slice %arg15[%mul3A_1104, %dma_wait3A_1108] : memref<10000x128xf32, #tpu.memory_space<vmem_shared>> -> memref<40x128xf32, #tpu.memory_space<vmem_shared>>
      tpu.wait_dma2 semaphore(%arg20 : memref<!tpu.dma_semaphore, #tpu.memory_space<semaphore_mem>>) src(%dma_wait3A_1109 : memref<40x128xf32, #tpu.memory_space<vmem_shared>>) dst(%dma_wait3A_1107 : memref<40x128xf32, #tpu.memory_space<hbm>>)
      %dma_wait3A_1110 = arith.constant 11 : i32
      %dma_wait3A_1111 = arith.constant 0 : i32
      %dma_wait3A_1112 = tpu.memref_slice %arg13[%dma_wait3A_1110, %dma_wait3A_1111] : memref<16x40xf32, #tpu.memory_space<vmem>> -> memref<1x40xf32, #tpu.memory_space<vmem>>
      %dma_wait3A_1113 = tpu.memref_squeeze %dma_wait3A_1112 : memref<1x40xf32, #tpu.memory_space<vmem>> -> memref<40xf32, #tpu.memory_space<vmem>>
      %dma_wait3A_1114 = tpu.memref_slice %arg16[%mul3A_1104] : memref<10000xf32, #tpu.memory_space<vmem_shared>> -> memref<40xf32, #tpu.memory_space<vmem_shared>>
      %dma_wait3A_1115 = arith.constant 0 : i32
      %dma_wait3A_1116 = tpu.memref_slice %arg13[%dma_wait3A_1110, %dma_wait3A_1115] : memref<16x40xf32, #tpu.memory_space<vmem>> -> memref<1x40xf32, #tpu.memory_space<vmem>>
      %dma_wait3A_1117 = tpu.memref_squeeze %dma_wait3A_1116 : memref<1x40xf32, #tpu.memory_space<vmem>> -> memref<40xf32, #tpu.memory_space<vmem>>
      %dma_wait3A_1118 = tpu.memref_slice %arg16[%mul3A_1104] : memref<10000xf32, #tpu.memory_space<vmem_shared>> -> memref<40xf32, #tpu.memory_space<vmem_shared>>
      tpu.wait_dma2 semaphore(%arg20 : memref<!tpu.dma_semaphore, #tpu.memory_space<semaphore_mem>>) src(%dma_wait3A_1118 : memref<40xf32, #tpu.memory_space<vmem_shared>>) dst(%dma_wait3A_1117 : memref<40xf32, #tpu.memory_space<vmem>>)
      %eq3A = arith.constant 0 : i32
      %eq3A_1119 = arith.cmpi eq, %arg0, %eq3A : i32
      %convert_element_type3A_1120 = arith.extui %eq3A_1119 : i1 to i32
      %cond3A_1121 = arith.constant 0 : i32
      %cond3A_1122 = arith.cmpi ne, %convert_element_type3A_1120, %cond3A_1121 : i32
      scf.if %cond3A_1122 {
        %dma_start3A_1128 = arith.constant 11 : i32
        %dma_start3A_1129 = arith.constant 0 : i32
        %dma_start3A_1130 = tpu.memref_slice %arg13[%dma_start3A_1128, %dma_start3A_1129] : memref<16x40xf32, #tpu.memory_space<vmem>> -> memref<1x40xf32, #tpu.memory_space<vmem>>
        %dma_start3A_1131 = tpu.memref_squeeze %dma_start3A_1130 : memref<1x40xf32, #tpu.memory_space<vmem>> -> memref<40xf32, #tpu.memory_space<vmem>>
        %dma_start3A_1132 = tpu.memref_slice %arg8[%mul3A_1104] : memref<10000xf32, #tpu.memory_space<hbm>> -> memref<40xf32, #tpu.memory_space<hbm>>
        %dma_start3A_1133 = tpu.memref_slice %arg8[%mul3A_1104] : memref<10000xf32, #tpu.memory_space<hbm>> -> memref<40xf32, #tpu.memory_space<hbm>>
        %dma_start3A_1134 = arith.constant 0 : i32
        %dma_start3A_1135 = tpu.memref_slice %arg13[%dma_start3A_1128, %dma_start3A_1134] : memref<16x40xf32, #tpu.memory_space<vmem>> -> memref<1x40xf32, #tpu.memory_space<vmem>>
        %dma_start3A_1136 = tpu.memref_squeeze %dma_start3A_1135 : memref<1x40xf32, #tpu.memory_space<vmem>> -> memref<40xf32, #tpu.memory_space<vmem>>
        tpu.enqueue_dma source(%dma_start3A_1136 : memref<40xf32, #tpu.memory_space<vmem>>) target(%dma_start3A_1133 : memref<40xf32, #tpu.memory_space<hbm>>) target_semaphore(%arg20 : memref<!tpu.dma_semaphore, #tpu.memory_space<semaphore_mem>>)
      } else {
      }
      %eq3A_1123 = arith.constant 1 : i32
      %eq3A_1124 = arith.cmpi eq, %arg0, %eq3A_1123 : i32
      %convert_element_type3A_1125 = arith.extui %eq3A_1124 : i1 to i32
      %cond3A_1126 = arith.constant 0 : i32
      %cond3A_1127 = arith.cmpi ne, %convert_element_type3A_1125, %cond3A_1126 : i32
      scf.if %cond3A_1127 {
        %dma_start3A_1128 = arith.constant 11 : i32
        %dma_start3A_1129 = arith.constant 0 : i32
        %dma_start3A_1130 = tpu.memref_slice %arg13[%dma_start3A_1128, %dma_start3A_1129] : memref<16x40xf32, #tpu.memory_space<vmem>> -> memref<1x40xf32, #tpu.memory_space<vmem>>
        %dma_start3A_1131 = tpu.memref_squeeze %dma_start3A_1130 : memref<1x40xf32, #tpu.memory_space<vmem>> -> memref<40xf32, #tpu.memory_space<vmem>>
        %dma_start3A_1132 = tpu.memref_slice %arg9[%mul3A_1104] : memref<10000xf32, #tpu.memory_space<hbm>> -> memref<40xf32, #tpu.memory_space<hbm>>
        %dma_start3A_1133 = tpu.memref_slice %arg9[%mul3A_1104] : memref<10000xf32, #tpu.memory_space<hbm>> -> memref<40xf32, #tpu.memory_space<hbm>>
        %dma_start3A_1134 = arith.constant 0 : i32
        %dma_start3A_1135 = tpu.memref_slice %arg13[%dma_start3A_1128, %dma_start3A_1134] : memref<16x40xf32, #tpu.memory_space<vmem>> -> memref<1x40xf32, #tpu.memory_space<vmem>>
        %dma_start3A_1136 = tpu.memref_squeeze %dma_start3A_1135 : memref<1x40xf32, #tpu.memory_space<vmem>> -> memref<40xf32, #tpu.memory_space<vmem>>
        tpu.enqueue_dma source(%dma_start3A_1136 : memref<40xf32, #tpu.memory_space<vmem>>) target(%dma_start3A_1133 : memref<40xf32, #tpu.memory_space<hbm>>) target_semaphore(%arg20 : memref<!tpu.dma_semaphore, #tpu.memory_space<semaphore_mem>>)
      } else {
      }
    } else {
    }
    %add3A_963 = arith.constant 192 : i32
    %add3A_964 = arith.addi %arg1, %add3A_963 : i32
    %lt3A_965 = arith.constant 250 : i32
    %lt3A_966 = arith.cmpi slt, %add3A_964, %lt3A_965 : i32
    %convert_element_type3A_967 = arith.extui %lt3A_966 : i1 to i32
    %cond3A_968 = arith.constant 0 : i32
    %cond3A_969 = arith.cmpi ne, %convert_element_type3A_967, %cond3A_968 : i32
    scf.if %cond3A_969 {
      %mul3A_1103 = arith.constant 40 : i32
      %mul3A_1104 = arith.muli %add3A_964, %mul3A_1103 : i32
      %dma_wait3A_1105 = arith.constant 0 : i32
      %dma_wait3A_1106 = tpu.memref_slice %arg7[%arg0, %mul3A_1104, %dma_wait3A_1105] : memref<2x10000x128xf32, #tpu.memory_space<hbm>> -> memref<1x40x128xf32, #tpu.memory_space<hbm>>
      %dma_wait3A_1107 = tpu.memref_squeeze %dma_wait3A_1106 : memref<1x40x128xf32, #tpu.memory_space<hbm>> -> memref<40x128xf32, #tpu.memory_space<hbm>>
      %dma_wait3A_1108 = arith.constant 0 : i32
      %dma_wait3A_1109 = tpu.memref_slice %arg15[%mul3A_1104, %dma_wait3A_1108] : memref<10000x128xf32, #tpu.memory_space<vmem_shared>> -> memref<40x128xf32, #tpu.memory_space<vmem_shared>>
      tpu.wait_dma2 semaphore(%arg20 : memref<!tpu.dma_semaphore, #tpu.memory_space<semaphore_mem>>) src(%dma_wait3A_1109 : memref<40x128xf32, #tpu.memory_space<vmem_shared>>) dst(%dma_wait3A_1107 : memref<40x128xf32, #tpu.memory_space<hbm>>)
      %dma_wait3A_1110 = arith.constant 12 : i32
      %dma_wait3A_1111 = arith.constant 0 : i32
      %dma_wait3A_1112 = tpu.memref_slice %arg13[%dma_wait3A_1110, %dma_wait3A_1111] : memref<16x40xf32, #tpu.memory_space<vmem>> -> memref<1x40xf32, #tpu.memory_space<vmem>>
      %dma_wait3A_1113 = tpu.memref_squeeze %dma_wait3A_1112 : memref<1x40xf32, #tpu.memory_space<vmem>> -> memref<40xf32, #tpu.memory_space<vmem>>
      %dma_wait3A_1114 = tpu.memref_slice %arg16[%mul3A_1104] : memref<10000xf32, #tpu.memory_space<vmem_shared>> -> memref<40xf32, #tpu.memory_space<vmem_shared>>
      %dma_wait3A_1115 = arith.constant 0 : i32
      %dma_wait3A_1116 = tpu.memref_slice %arg13[%dma_wait3A_1110, %dma_wait3A_1115] : memref<16x40xf32, #tpu.memory_space<vmem>> -> memref<1x40xf32, #tpu.memory_space<vmem>>
      %dma_wait3A_1117 = tpu.memref_squeeze %dma_wait3A_1116 : memref<1x40xf32, #tpu.memory_space<vmem>> -> memref<40xf32, #tpu.memory_space<vmem>>
      %dma_wait3A_1118 = tpu.memref_slice %arg16[%mul3A_1104] : memref<10000xf32, #tpu.memory_space<vmem_shared>> -> memref<40xf32, #tpu.memory_space<vmem_shared>>
      tpu.wait_dma2 semaphore(%arg20 : memref<!tpu.dma_semaphore, #tpu.memory_space<semaphore_mem>>) src(%dma_wait3A_1118 : memref<40xf32, #tpu.memory_space<vmem_shared>>) dst(%dma_wait3A_1117 : memref<40xf32, #tpu.memory_space<vmem>>)
      %eq3A = arith.constant 0 : i32
      %eq3A_1119 = arith.cmpi eq, %arg0, %eq3A : i32
      %convert_element_type3A_1120 = arith.extui %eq3A_1119 : i1 to i32
      %cond3A_1121 = arith.constant 0 : i32
      %cond3A_1122 = arith.cmpi ne, %convert_element_type3A_1120, %cond3A_1121 : i32
      scf.if %cond3A_1122 {
        %dma_start3A_1128 = arith.constant 12 : i32
        %dma_start3A_1129 = arith.constant 0 : i32
        %dma_start3A_1130 = tpu.memref_slice %arg13[%dma_start3A_1128, %dma_start3A_1129] : memref<16x40xf32, #tpu.memory_space<vmem>> -> memref<1x40xf32, #tpu.memory_space<vmem>>
        %dma_start3A_1131 = tpu.memref_squeeze %dma_start3A_1130 : memref<1x40xf32, #tpu.memory_space<vmem>> -> memref<40xf32, #tpu.memory_space<vmem>>
        %dma_start3A_1132 = tpu.memref_slice %arg8[%mul3A_1104] : memref<10000xf32, #tpu.memory_space<hbm>> -> memref<40xf32, #tpu.memory_space<hbm>>
        %dma_start3A_1133 = tpu.memref_slice %arg8[%mul3A_1104] : memref<10000xf32, #tpu.memory_space<hbm>> -> memref<40xf32, #tpu.memory_space<hbm>>
        %dma_start3A_1134 = arith.constant 0 : i32
        %dma_start3A_1135 = tpu.memref_slice %arg13[%dma_start3A_1128, %dma_start3A_1134] : memref<16x40xf32, #tpu.memory_space<vmem>> -> memref<1x40xf32, #tpu.memory_space<vmem>>
        %dma_start3A_1136 = tpu.memref_squeeze %dma_start3A_1135 : memref<1x40xf32, #tpu.memory_space<vmem>> -> memref<40xf32, #tpu.memory_space<vmem>>
        tpu.enqueue_dma source(%dma_start3A_1136 : memref<40xf32, #tpu.memory_space<vmem>>) target(%dma_start3A_1133 : memref<40xf32, #tpu.memory_space<hbm>>) target_semaphore(%arg20 : memref<!tpu.dma_semaphore, #tpu.memory_space<semaphore_mem>>)
      } else {
      }
      %eq3A_1123 = arith.constant 1 : i32
      %eq3A_1124 = arith.cmpi eq, %arg0, %eq3A_1123 : i32
      %convert_element_type3A_1125 = arith.extui %eq3A_1124 : i1 to i32
      %cond3A_1126 = arith.constant 0 : i32
      %cond3A_1127 = arith.cmpi ne, %convert_element_type3A_1125, %cond3A_1126 : i32
      scf.if %cond3A_1127 {
        %dma_start3A_1128 = arith.constant 12 : i32
        %dma_start3A_1129 = arith.constant 0 : i32
        %dma_start3A_1130 = tpu.memref_slice %arg13[%dma_start3A_1128, %dma_start3A_1129] : memref<16x40xf32, #tpu.memory_space<vmem>> -> memref<1x40xf32, #tpu.memory_space<vmem>>
        %dma_start3A_1131 = tpu.memref_squeeze %dma_start3A_1130 : memref<1x40xf32, #tpu.memory_space<vmem>> -> memref<40xf32, #tpu.memory_space<vmem>>
        %dma_start3A_1132 = tpu.memref_slice %arg9[%mul3A_1104] : memref<10000xf32, #tpu.memory_space<hbm>> -> memref<40xf32, #tpu.memory_space<hbm>>
        %dma_start3A_1133 = tpu.memref_slice %arg9[%mul3A_1104] : memref<10000xf32, #tpu.memory_space<hbm>> -> memref<40xf32, #tpu.memory_space<hbm>>
        %dma_start3A_1134 = arith.constant 0 : i32
        %dma_start3A_1135 = tpu.memref_slice %arg13[%dma_start3A_1128, %dma_start3A_1134] : memref<16x40xf32, #tpu.memory_space<vmem>> -> memref<1x40xf32, #tpu.memory_space<vmem>>
        %dma_start3A_1136 = tpu.memref_squeeze %dma_start3A_1135 : memref<1x40xf32, #tpu.memory_space<vmem>> -> memref<40xf32, #tpu.memory_space<vmem>>
        tpu.enqueue_dma source(%dma_start3A_1136 : memref<40xf32, #tpu.memory_space<vmem>>) target(%dma_start3A_1133 : memref<40xf32, #tpu.memory_space<hbm>>) target_semaphore(%arg20 : memref<!tpu.dma_semaphore, #tpu.memory_space<semaphore_mem>>)
      } else {
      }
    } else {
    }
    %add3A_970 = arith.constant 208 : i32
    %add3A_971 = arith.addi %arg1, %add3A_970 : i32
    %lt3A_972 = arith.constant 250 : i32
    %lt3A_973 = arith.cmpi slt, %add3A_971, %lt3A_972 : i32
    %convert_element_type3A_974 = arith.extui %lt3A_973 : i1 to i32
    %cond3A_975 = arith.constant 0 : i32
    %cond3A_976 = arith.cmpi ne, %convert_element_type3A_974, %cond3A_975 : i32
    scf.if %cond3A_976 {
      %mul3A_1103 = arith.constant 40 : i32
      %mul3A_1104 = arith.muli %add3A_971, %mul3A_1103 : i32
      %dma_wait3A_1105 = arith.constant 0 : i32
      %dma_wait3A_1106 = tpu.memref_slice %arg7[%arg0, %mul3A_1104, %dma_wait3A_1105] : memref<2x10000x128xf32, #tpu.memory_space<hbm>> -> memref<1x40x128xf32, #tpu.memory_space<hbm>>
      %dma_wait3A_1107 = tpu.memref_squeeze %dma_wait3A_1106 : memref<1x40x128xf32, #tpu.memory_space<hbm>> -> memref<40x128xf32, #tpu.memory_space<hbm>>
      %dma_wait3A_1108 = arith.constant 0 : i32
      %dma_wait3A_1109 = tpu.memref_slice %arg15[%mul3A_1104, %dma_wait3A_1108] : memref<10000x128xf32, #tpu.memory_space<vmem_shared>> -> memref<40x128xf32, #tpu.memory_space<vmem_shared>>
      tpu.wait_dma2 semaphore(%arg20 : memref<!tpu.dma_semaphore, #tpu.memory_space<semaphore_mem>>) src(%dma_wait3A_1109 : memref<40x128xf32, #tpu.memory_space<vmem_shared>>) dst(%dma_wait3A_1107 : memref<40x128xf32, #tpu.memory_space<hbm>>)
      %dma_wait3A_1110 = arith.constant 13 : i32
      %dma_wait3A_1111 = arith.constant 0 : i32
      %dma_wait3A_1112 = tpu.memref_slice %arg13[%dma_wait3A_1110, %dma_wait3A_1111] : memref<16x40xf32, #tpu.memory_space<vmem>> -> memref<1x40xf32, #tpu.memory_space<vmem>>
      %dma_wait3A_1113 = tpu.memref_squeeze %dma_wait3A_1112 : memref<1x40xf32, #tpu.memory_space<vmem>> -> memref<40xf32, #tpu.memory_space<vmem>>
      %dma_wait3A_1114 = tpu.memref_slice %arg16[%mul3A_1104] : memref<10000xf32, #tpu.memory_space<vmem_shared>> -> memref<40xf32, #tpu.memory_space<vmem_shared>>
      %dma_wait3A_1115 = arith.constant 0 : i32
      %dma_wait3A_1116 = tpu.memref_slice %arg13[%dma_wait3A_1110, %dma_wait3A_1115] : memref<16x40xf32, #tpu.memory_space<vmem>> -> memref<1x40xf32, #tpu.memory_space<vmem>>
      %dma_wait3A_1117 = tpu.memref_squeeze %dma_wait3A_1116 : memref<1x40xf32, #tpu.memory_space<vmem>> -> memref<40xf32, #tpu.memory_space<vmem>>
      %dma_wait3A_1118 = tpu.memref_slice %arg16[%mul3A_1104] : memref<10000xf32, #tpu.memory_space<vmem_shared>> -> memref<40xf32, #tpu.memory_space<vmem_shared>>
      tpu.wait_dma2 semaphore(%arg20 : memref<!tpu.dma_semaphore, #tpu.memory_space<semaphore_mem>>) src(%dma_wait3A_1118 : memref<40xf32, #tpu.memory_space<vmem_shared>>) dst(%dma_wait3A_1117 : memref<40xf32, #tpu.memory_space<vmem>>)
      %eq3A = arith.constant 0 : i32
      %eq3A_1119 = arith.cmpi eq, %arg0, %eq3A : i32
      %convert_element_type3A_1120 = arith.extui %eq3A_1119 : i1 to i32
      %cond3A_1121 = arith.constant 0 : i32
      %cond3A_1122 = arith.cmpi ne, %convert_element_type3A_1120, %cond3A_1121 : i32
      scf.if %cond3A_1122 {
        %dma_start3A_1128 = arith.constant 13 : i32
        %dma_start3A_1129 = arith.constant 0 : i32
        %dma_start3A_1130 = tpu.memref_slice %arg13[%dma_start3A_1128, %dma_start3A_1129] : memref<16x40xf32, #tpu.memory_space<vmem>> -> memref<1x40xf32, #tpu.memory_space<vmem>>
        %dma_start3A_1131 = tpu.memref_squeeze %dma_start3A_1130 : memref<1x40xf32, #tpu.memory_space<vmem>> -> memref<40xf32, #tpu.memory_space<vmem>>
        %dma_start3A_1132 = tpu.memref_slice %arg8[%mul3A_1104] : memref<10000xf32, #tpu.memory_space<hbm>> -> memref<40xf32, #tpu.memory_space<hbm>>
        %dma_start3A_1133 = tpu.memref_slice %arg8[%mul3A_1104] : memref<10000xf32, #tpu.memory_space<hbm>> -> memref<40xf32, #tpu.memory_space<hbm>>
        %dma_start3A_1134 = arith.constant 0 : i32
        %dma_start3A_1135 = tpu.memref_slice %arg13[%dma_start3A_1128, %dma_start3A_1134] : memref<16x40xf32, #tpu.memory_space<vmem>> -> memref<1x40xf32, #tpu.memory_space<vmem>>
        %dma_start3A_1136 = tpu.memref_squeeze %dma_start3A_1135 : memref<1x40xf32, #tpu.memory_space<vmem>> -> memref<40xf32, #tpu.memory_space<vmem>>
        tpu.enqueue_dma source(%dma_start3A_1136 : memref<40xf32, #tpu.memory_space<vmem>>) target(%dma_start3A_1133 : memref<40xf32, #tpu.memory_space<hbm>>) target_semaphore(%arg20 : memref<!tpu.dma_semaphore, #tpu.memory_space<semaphore_mem>>)
      } else {
      }
      %eq3A_1123 = arith.constant 1 : i32
      %eq3A_1124 = arith.cmpi eq, %arg0, %eq3A_1123 : i32
      %convert_element_type3A_1125 = arith.extui %eq3A_1124 : i1 to i32
      %cond3A_1126 = arith.constant 0 : i32
      %cond3A_1127 = arith.cmpi ne, %convert_element_type3A_1125, %cond3A_1126 : i32
      scf.if %cond3A_1127 {
        %dma_start3A_1128 = arith.constant 13 : i32
        %dma_start3A_1129 = arith.constant 0 : i32
        %dma_start3A_1130 = tpu.memref_slice %arg13[%dma_start3A_1128, %dma_start3A_1129] : memref<16x40xf32, #tpu.memory_space<vmem>> -> memref<1x40xf32, #tpu.memory_space<vmem>>
        %dma_start3A_1131 = tpu.memref_squeeze %dma_start3A_1130 : memref<1x40xf32, #tpu.memory_space<vmem>> -> memref<40xf32, #tpu.memory_space<vmem>>
        %dma_start3A_1132 = tpu.memref_slice %arg9[%mul3A_1104] : memref<10000xf32, #tpu.memory_space<hbm>> -> memref<40xf32, #tpu.memory_space<hbm>>
        %dma_start3A_1133 = tpu.memref_slice %arg9[%mul3A_1104] : memref<10000xf32, #tpu.memory_space<hbm>> -> memref<40xf32, #tpu.memory_space<hbm>>
        %dma_start3A_1134 = arith.constant 0 : i32
        %dma_start3A_1135 = tpu.memref_slice %arg13[%dma_start3A_1128, %dma_start3A_1134] : memref<16x40xf32, #tpu.memory_space<vmem>> -> memref<1x40xf32, #tpu.memory_space<vmem>>
        %dma_start3A_1136 = tpu.memref_squeeze %dma_start3A_1135 : memref<1x40xf32, #tpu.memory_space<vmem>> -> memref<40xf32, #tpu.memory_space<vmem>>
        tpu.enqueue_dma source(%dma_start3A_1136 : memref<40xf32, #tpu.memory_space<vmem>>) target(%dma_start3A_1133 : memref<40xf32, #tpu.memory_space<hbm>>) target_semaphore(%arg20 : memref<!tpu.dma_semaphore, #tpu.memory_space<semaphore_mem>>)
      } else {
      }
    } else {
    }
    %add3A_977 = arith.constant 224 : i32
    %add3A_978 = arith.addi %arg1, %add3A_977 : i32
    %lt3A_979 = arith.constant 250 : i32
    %lt3A_980 = arith.cmpi slt, %add3A_978, %lt3A_979 : i32
    %convert_element_type3A_981 = arith.extui %lt3A_980 : i1 to i32
    %cond3A_982 = arith.constant 0 : i32
    %cond3A_983 = arith.cmpi ne, %convert_element_type3A_981, %cond3A_982 : i32
    scf.if %cond3A_983 {
      %mul3A_1103 = arith.constant 40 : i32
      %mul3A_1104 = arith.muli %add3A_978, %mul3A_1103 : i32
      %dma_wait3A_1105 = arith.constant 0 : i32
      %dma_wait3A_1106 = tpu.memref_slice %arg7[%arg0, %mul3A_1104, %dma_wait3A_1105] : memref<2x10000x128xf32, #tpu.memory_space<hbm>> -> memref<1x40x128xf32, #tpu.memory_space<hbm>>
      %dma_wait3A_1107 = tpu.memref_squeeze %dma_wait3A_1106 : memref<1x40x128xf32, #tpu.memory_space<hbm>> -> memref<40x128xf32, #tpu.memory_space<hbm>>
      %dma_wait3A_1108 = arith.constant 0 : i32
      %dma_wait3A_1109 = tpu.memref_slice %arg15[%mul3A_1104, %dma_wait3A_1108] : memref<10000x128xf32, #tpu.memory_space<vmem_shared>> -> memref<40x128xf32, #tpu.memory_space<vmem_shared>>
      tpu.wait_dma2 semaphore(%arg20 : memref<!tpu.dma_semaphore, #tpu.memory_space<semaphore_mem>>) src(%dma_wait3A_1109 : memref<40x128xf32, #tpu.memory_space<vmem_shared>>) dst(%dma_wait3A_1107 : memref<40x128xf32, #tpu.memory_space<hbm>>)
      %dma_wait3A_1110 = arith.constant 14 : i32
      %dma_wait3A_1111 = arith.constant 0 : i32
      %dma_wait3A_1112 = tpu.memref_slice %arg13[%dma_wait3A_1110, %dma_wait3A_1111] : memref<16x40xf32, #tpu.memory_space<vmem>> -> memref<1x40xf32, #tpu.memory_space<vmem>>
      %dma_wait3A_1113 = tpu.memref_squeeze %dma_wait3A_1112 : memref<1x40xf32, #tpu.memory_space<vmem>> -> memref<40xf32, #tpu.memory_space<vmem>>
      %dma_wait3A_1114 = tpu.memref_slice %arg16[%mul3A_1104] : memref<10000xf32, #tpu.memory_space<vmem_shared>> -> memref<40xf32, #tpu.memory_space<vmem_shared>>
      %dma_wait3A_1115 = arith.constant 0 : i32
      %dma_wait3A_1116 = tpu.memref_slice %arg13[%dma_wait3A_1110, %dma_wait3A_1115] : memref<16x40xf32, #tpu.memory_space<vmem>> -> memref<1x40xf32, #tpu.memory_space<vmem>>
      %dma_wait3A_1117 = tpu.memref_squeeze %dma_wait3A_1116 : memref<1x40xf32, #tpu.memory_space<vmem>> -> memref<40xf32, #tpu.memory_space<vmem>>
      %dma_wait3A_1118 = tpu.memref_slice %arg16[%mul3A_1104] : memref<10000xf32, #tpu.memory_space<vmem_shared>> -> memref<40xf32, #tpu.memory_space<vmem_shared>>
      tpu.wait_dma2 semaphore(%arg20 : memref<!tpu.dma_semaphore, #tpu.memory_space<semaphore_mem>>) src(%dma_wait3A_1118 : memref<40xf32, #tpu.memory_space<vmem_shared>>) dst(%dma_wait3A_1117 : memref<40xf32, #tpu.memory_space<vmem>>)
      %eq3A = arith.constant 0 : i32
      %eq3A_1119 = arith.cmpi eq, %arg0, %eq3A : i32
      %convert_element_type3A_1120 = arith.extui %eq3A_1119 : i1 to i32
      %cond3A_1121 = arith.constant 0 : i32
      %cond3A_1122 = arith.cmpi ne, %convert_element_type3A_1120, %cond3A_1121 : i32
      scf.if %cond3A_1122 {
        %dma_start3A_1128 = arith.constant 14 : i32
        %dma_start3A_1129 = arith.constant 0 : i32
        %dma_start3A_1130 = tpu.memref_slice %arg13[%dma_start3A_1128, %dma_start3A_1129] : memref<16x40xf32, #tpu.memory_space<vmem>> -> memref<1x40xf32, #tpu.memory_space<vmem>>
        %dma_start3A_1131 = tpu.memref_squeeze %dma_start3A_1130 : memref<1x40xf32, #tpu.memory_space<vmem>> -> memref<40xf32, #tpu.memory_space<vmem>>
        %dma_start3A_1132 = tpu.memref_slice %arg8[%mul3A_1104] : memref<10000xf32, #tpu.memory_space<hbm>> -> memref<40xf32, #tpu.memory_space<hbm>>
        %dma_start3A_1133 = tpu.memref_slice %arg8[%mul3A_1104] : memref<10000xf32, #tpu.memory_space<hbm>> -> memref<40xf32, #tpu.memory_space<hbm>>
        %dma_start3A_1134 = arith.constant 0 : i32
        %dma_start3A_1135 = tpu.memref_slice %arg13[%dma_start3A_1128, %dma_start3A_1134] : memref<16x40xf32, #tpu.memory_space<vmem>> -> memref<1x40xf32, #tpu.memory_space<vmem>>
        %dma_start3A_1136 = tpu.memref_squeeze %dma_start3A_1135 : memref<1x40xf32, #tpu.memory_space<vmem>> -> memref<40xf32, #tpu.memory_space<vmem>>
        tpu.enqueue_dma source(%dma_start3A_1136 : memref<40xf32, #tpu.memory_space<vmem>>) target(%dma_start3A_1133 : memref<40xf32, #tpu.memory_space<hbm>>) target_semaphore(%arg20 : memref<!tpu.dma_semaphore, #tpu.memory_space<semaphore_mem>>)
      } else {
      }
      %eq3A_1123 = arith.constant 1 : i32
      %eq3A_1124 = arith.cmpi eq, %arg0, %eq3A_1123 : i32
      %convert_element_type3A_1125 = arith.extui %eq3A_1124 : i1 to i32
      %cond3A_1126 = arith.constant 0 : i32
      %cond3A_1127 = arith.cmpi ne, %convert_element_type3A_1125, %cond3A_1126 : i32
      scf.if %cond3A_1127 {
        %dma_start3A_1128 = arith.constant 14 : i32
        %dma_start3A_1129 = arith.constant 0 : i32
        %dma_start3A_1130 = tpu.memref_slice %arg13[%dma_start3A_1128, %dma_start3A_1129] : memref<16x40xf32, #tpu.memory_space<vmem>> -> memref<1x40xf32, #tpu.memory_space<vmem>>
        %dma_start3A_1131 = tpu.memref_squeeze %dma_start3A_1130 : memref<1x40xf32, #tpu.memory_space<vmem>> -> memref<40xf32, #tpu.memory_space<vmem>>
        %dma_start3A_1132 = tpu.memref_slice %arg9[%mul3A_1104] : memref<10000xf32, #tpu.memory_space<hbm>> -> memref<40xf32, #tpu.memory_space<hbm>>
        %dma_start3A_1133 = tpu.memref_slice %arg9[%mul3A_1104] : memref<10000xf32, #tpu.memory_space<hbm>> -> memref<40xf32, #tpu.memory_space<hbm>>
        %dma_start3A_1134 = arith.constant 0 : i32
        %dma_start3A_1135 = tpu.memref_slice %arg13[%dma_start3A_1128, %dma_start3A_1134] : memref<16x40xf32, #tpu.memory_space<vmem>> -> memref<1x40xf32, #tpu.memory_space<vmem>>
        %dma_start3A_1136 = tpu.memref_squeeze %dma_start3A_1135 : memref<1x40xf32, #tpu.memory_space<vmem>> -> memref<40xf32, #tpu.memory_space<vmem>>
        tpu.enqueue_dma source(%dma_start3A_1136 : memref<40xf32, #tpu.memory_space<vmem>>) target(%dma_start3A_1133 : memref<40xf32, #tpu.memory_space<hbm>>) target_semaphore(%arg20 : memref<!tpu.dma_semaphore, #tpu.memory_space<semaphore_mem>>)
      } else {
      }
    } else {
    }
    %add3A_984 = arith.constant 240 : i32
    %add3A_985 = arith.addi %arg1, %add3A_984 : i32
    %lt3A_986 = arith.constant 250 : i32
    %lt3A_987 = arith.cmpi slt, %add3A_985, %lt3A_986 : i32
    %convert_element_type3A_988 = arith.extui %lt3A_987 : i1 to i32
    %cond3A_989 = arith.constant 0 : i32
    %cond3A_990 = arith.cmpi ne, %convert_element_type3A_988, %cond3A_989 : i32
    scf.if %cond3A_990 {
      %mul3A_1103 = arith.constant 40 : i32
      %mul3A_1104 = arith.muli %add3A_985, %mul3A_1103 : i32
      %dma_wait3A_1105 = arith.constant 0 : i32
      %dma_wait3A_1106 = tpu.memref_slice %arg7[%arg0, %mul3A_1104, %dma_wait3A_1105] : memref<2x10000x128xf32, #tpu.memory_space<hbm>> -> memref<1x40x128xf32, #tpu.memory_space<hbm>>
      %dma_wait3A_1107 = tpu.memref_squeeze %dma_wait3A_1106 : memref<1x40x128xf32, #tpu.memory_space<hbm>> -> memref<40x128xf32, #tpu.memory_space<hbm>>
      %dma_wait3A_1108 = arith.constant 0 : i32
      %dma_wait3A_1109 = tpu.memref_slice %arg15[%mul3A_1104, %dma_wait3A_1108] : memref<10000x128xf32, #tpu.memory_space<vmem_shared>> -> memref<40x128xf32, #tpu.memory_space<vmem_shared>>
      tpu.wait_dma2 semaphore(%arg20 : memref<!tpu.dma_semaphore, #tpu.memory_space<semaphore_mem>>) src(%dma_wait3A_1109 : memref<40x128xf32, #tpu.memory_space<vmem_shared>>) dst(%dma_wait3A_1107 : memref<40x128xf32, #tpu.memory_space<hbm>>)
      %dma_wait3A_1110 = arith.constant 15 : i32
      %dma_wait3A_1111 = arith.constant 0 : i32
      %dma_wait3A_1112 = tpu.memref_slice %arg13[%dma_wait3A_1110, %dma_wait3A_1111] : memref<16x40xf32, #tpu.memory_space<vmem>> -> memref<1x40xf32, #tpu.memory_space<vmem>>
      %dma_wait3A_1113 = tpu.memref_squeeze %dma_wait3A_1112 : memref<1x40xf32, #tpu.memory_space<vmem>> -> memref<40xf32, #tpu.memory_space<vmem>>
      %dma_wait3A_1114 = tpu.memref_slice %arg16[%mul3A_1104] : memref<10000xf32, #tpu.memory_space<vmem_shared>> -> memref<40xf32, #tpu.memory_space<vmem_shared>>
      %dma_wait3A_1115 = arith.constant 0 : i32
      %dma_wait3A_1116 = tpu.memref_slice %arg13[%dma_wait3A_1110, %dma_wait3A_1115] : memref<16x40xf32, #tpu.memory_space<vmem>> -> memref<1x40xf32, #tpu.memory_space<vmem>>
      %dma_wait3A_1117 = tpu.memref_squeeze %dma_wait3A_1116 : memref<1x40xf32, #tpu.memory_space<vmem>> -> memref<40xf32, #tpu.memory_space<vmem>>
      %dma_wait3A_1118 = tpu.memref_slice %arg16[%mul3A_1104] : memref<10000xf32, #tpu.memory_space<vmem_shared>> -> memref<40xf32, #tpu.memory_space<vmem_shared>>
      tpu.wait_dma2 semaphore(%arg20 : memref<!tpu.dma_semaphore, #tpu.memory_space<semaphore_mem>>) src(%dma_wait3A_1118 : memref<40xf32, #tpu.memory_space<vmem_shared>>) dst(%dma_wait3A_1117 : memref<40xf32, #tpu.memory_space<vmem>>)
      %eq3A = arith.constant 0 : i32
      %eq3A_1119 = arith.cmpi eq, %arg0, %eq3A : i32
      %convert_element_type3A_1120 = arith.extui %eq3A_1119 : i1 to i32
      %cond3A_1121 = arith.constant 0 : i32
      %cond3A_1122 = arith.cmpi ne, %convert_element_type3A_1120, %cond3A_1121 : i32
      scf.if %cond3A_1122 {
        %dma_start3A_1128 = arith.constant 15 : i32
        %dma_start3A_1129 = arith.constant 0 : i32
        %dma_start3A_1130 = tpu.memref_slice %arg13[%dma_start3A_1128, %dma_start3A_1129] : memref<16x40xf32, #tpu.memory_space<vmem>> -> memref<1x40xf32, #tpu.memory_space<vmem>>
        %dma_start3A_1131 = tpu.memref_squeeze %dma_start3A_1130 : memref<1x40xf32, #tpu.memory_space<vmem>> -> memref<40xf32, #tpu.memory_space<vmem>>
        %dma_start3A_1132 = tpu.memref_slice %arg8[%mul3A_1104] : memref<10000xf32, #tpu.memory_space<hbm>> -> memref<40xf32, #tpu.memory_space<hbm>>
        %dma_start3A_1133 = tpu.memref_slice %arg8[%mul3A_1104] : memref<10000xf32, #tpu.memory_space<hbm>> -> memref<40xf32, #tpu.memory_space<hbm>>
        %dma_start3A_1134 = arith.constant 0 : i32
        %dma_start3A_1135 = tpu.memref_slice %arg13[%dma_start3A_1128, %dma_start3A_1134] : memref<16x40xf32, #tpu.memory_space<vmem>> -> memref<1x40xf32, #tpu.memory_space<vmem>>
        %dma_start3A_1136 = tpu.memref_squeeze %dma_start3A_1135 : memref<1x40xf32, #tpu.memory_space<vmem>> -> memref<40xf32, #tpu.memory_space<vmem>>
        tpu.enqueue_dma source(%dma_start3A_1136 : memref<40xf32, #tpu.memory_space<vmem>>) target(%dma_start3A_1133 : memref<40xf32, #tpu.memory_space<hbm>>) target_semaphore(%arg20 : memref<!tpu.dma_semaphore, #tpu.memory_space<semaphore_mem>>)
      } else {
      }
      %eq3A_1123 = arith.constant 1 : i32
      %eq3A_1124 = arith.cmpi eq, %arg0, %eq3A_1123 : i32
      %convert_element_type3A_1125 = arith.extui %eq3A_1124 : i1 to i32
      %cond3A_1126 = arith.constant 0 : i32
      %cond3A_1127 = arith.cmpi ne, %convert_element_type3A_1125, %cond3A_1126 : i32
      scf.if %cond3A_1127 {
        %dma_start3A_1128 = arith.constant 15 : i32
        %dma_start3A_1129 = arith.constant 0 : i32
        %dma_start3A_1130 = tpu.memref_slice %arg13[%dma_start3A_1128, %dma_start3A_1129] : memref<16x40xf32, #tpu.memory_space<vmem>> -> memref<1x40xf32, #tpu.memory_space<vmem>>
        %dma_start3A_1131 = tpu.memref_squeeze %dma_start3A_1130 : memref<1x40xf32, #tpu.memory_space<vmem>> -> memref<40xf32, #tpu.memory_space<vmem>>
        %dma_start3A_1132 = tpu.memref_slice %arg9[%mul3A_1104] : memref<10000xf32, #tpu.memory_space<hbm>> -> memref<40xf32, #tpu.memory_space<hbm>>
        %dma_start3A_1133 = tpu.memref_slice %arg9[%mul3A_1104] : memref<10000xf32, #tpu.memory_space<hbm>> -> memref<40xf32, #tpu.memory_space<hbm>>
        %dma_start3A_1134 = arith.constant 0 : i32
        %dma_start3A_1135 = tpu.memref_slice %arg13[%dma_start3A_1128, %dma_start3A_1134] : memref<16x40xf32, #tpu.memory_space<vmem>> -> memref<1x40xf32, #tpu.memory_space<vmem>>
        %dma_start3A_1136 = tpu.memref_squeeze %dma_start3A_1135 : memref<1x40xf32, #tpu.memory_space<vmem>> -> memref<40xf32, #tpu.memory_space<vmem>>
        tpu.enqueue_dma source(%dma_start3A_1136 : memref<40xf32, #tpu.memory_space<vmem>>) target(%dma_start3A_1133 : memref<40xf32, #tpu.memory_space<hbm>>) target_semaphore(%arg20 : memref<!tpu.dma_semaphore, #tpu.memory_space<semaphore_mem>>)
      } else {
      }
    } else {
    }
    %add3A_991 = arith.constant 0 : i32
    %add3A_992 = arith.addi %arg1, %add3A_991 : i32
    %lt3A_993 = arith.constant 250 : i32
    %lt3A_994 = arith.cmpi slt, %add3A_992, %lt3A_993 : i32
    %convert_element_type3A_995 = arith.extui %lt3A_994 : i1 to i32
    %cond3A_996 = arith.constant 0 : i32
    %cond3A_997 = arith.cmpi ne, %convert_element_type3A_995, %cond3A_996 : i32
    scf.if %cond3A_997 {
      %mul3A_1103 = arith.constant 40 : i32
      %mul3A_1104 = arith.muli %add3A_992, %mul3A_1103 : i32
      %eq3A = arith.constant 0 : i32
      %eq3A_1105 = arith.cmpi eq, %arg0, %eq3A : i32
      %convert_element_type3A_1106 = arith.extui %eq3A_1105 : i1 to i32
      %cond3A_1107 = arith.constant 0 : i32
      %cond3A_1108 = arith.cmpi ne, %convert_element_type3A_1106, %cond3A_1107 : i32
      scf.if %cond3A_1108 {
        %dma_wait3A_1114 = arith.constant 0 : i32
        %dma_wait3A_1115 = arith.constant 0 : i32
        %dma_wait3A_1116 = tpu.memref_slice %arg13[%dma_wait3A_1114, %dma_wait3A_1115] : memref<16x40xf32, #tpu.memory_space<vmem>> -> memref<1x40xf32, #tpu.memory_space<vmem>>
        %dma_wait3A_1117 = tpu.memref_squeeze %dma_wait3A_1116 : memref<1x40xf32, #tpu.memory_space<vmem>> -> memref<40xf32, #tpu.memory_space<vmem>>
        %dma_wait3A_1118 = tpu.memref_slice %arg8[%mul3A_1104] : memref<10000xf32, #tpu.memory_space<hbm>> -> memref<40xf32, #tpu.memory_space<hbm>>
        %dma_wait3A_1119 = tpu.memref_slice %arg8[%mul3A_1104] : memref<10000xf32, #tpu.memory_space<hbm>> -> memref<40xf32, #tpu.memory_space<hbm>>
        %dma_wait3A_1120 = arith.constant 0 : i32
        %dma_wait3A_1121 = tpu.memref_slice %arg13[%dma_wait3A_1114, %dma_wait3A_1120] : memref<16x40xf32, #tpu.memory_space<vmem>> -> memref<1x40xf32, #tpu.memory_space<vmem>>
        %dma_wait3A_1122 = tpu.memref_squeeze %dma_wait3A_1121 : memref<1x40xf32, #tpu.memory_space<vmem>> -> memref<40xf32, #tpu.memory_space<vmem>>
        tpu.wait_dma2 semaphore(%arg20 : memref<!tpu.dma_semaphore, #tpu.memory_space<semaphore_mem>>) src(%dma_wait3A_1122 : memref<40xf32, #tpu.memory_space<vmem>>) dst(%dma_wait3A_1119 : memref<40xf32, #tpu.memory_space<hbm>>)
      } else {
      }
      %eq3A_1109 = arith.constant 1 : i32
      %eq3A_1110 = arith.cmpi eq, %arg0, %eq3A_1109 : i32
      %convert_element_type3A_1111 = arith.extui %eq3A_1110 : i1 to i32
      %cond3A_1112 = arith.constant 0 : i32
      %cond3A_1113 = arith.cmpi ne, %convert_element_type3A_1111, %cond3A_1112 : i32
      scf.if %cond3A_1113 {
        %dma_wait3A_1114 = arith.constant 0 : i32
        %dma_wait3A_1115 = arith.constant 0 : i32
        %dma_wait3A_1116 = tpu.memref_slice %arg13[%dma_wait3A_1114, %dma_wait3A_1115] : memref<16x40xf32, #tpu.memory_space<vmem>> -> memref<1x40xf32, #tpu.memory_space<vmem>>
        %dma_wait3A_1117 = tpu.memref_squeeze %dma_wait3A_1116 : memref<1x40xf32, #tpu.memory_space<vmem>> -> memref<40xf32, #tpu.memory_space<vmem>>
        %dma_wait3A_1118 = tpu.memref_slice %arg9[%mul3A_1104] : memref<10000xf32, #tpu.memory_space<hbm>> -> memref<40xf32, #tpu.memory_space<hbm>>
        %dma_wait3A_1119 = tpu.memref_slice %arg9[%mul3A_1104] : memref<10000xf32, #tpu.memory_space<hbm>> -> memref<40xf32, #tpu.memory_space<hbm>>
        %dma_wait3A_1120 = arith.constant 0 : i32
        %dma_wait3A_1121 = tpu.memref_slice %arg13[%dma_wait3A_1114, %dma_wait3A_1120] : memref<16x40xf32, #tpu.memory_space<vmem>> -> memref<1x40xf32, #tpu.memory_space<vmem>>
        %dma_wait3A_1122 = tpu.memref_squeeze %dma_wait3A_1121 : memref<1x40xf32, #tpu.memory_space<vmem>> -> memref<40xf32, #tpu.memory_space<vmem>>
        tpu.wait_dma2 semaphore(%arg20 : memref<!tpu.dma_semaphore, #tpu.memory_space<semaphore_mem>>) src(%dma_wait3A_1122 : memref<40xf32, #tpu.memory_space<vmem>>) dst(%dma_wait3A_1119 : memref<40xf32, #tpu.memory_space<hbm>>)
      } else {
      }
    } else {
    }
    %add3A_998 = arith.constant 16 : i32
    %add3A_999 = arith.addi %arg1, %add3A_998 : i32
    %lt3A_1000 = arith.constant 250 : i32
    %lt3A_1001 = arith.cmpi slt, %add3A_999, %lt3A_1000 : i32
    %convert_element_type3A_1002 = arith.extui %lt3A_1001 : i1 to i32
    %cond3A_1003 = arith.constant 0 : i32
    %cond3A_1004 = arith.cmpi ne, %convert_element_type3A_1002, %cond3A_1003 : i32
    scf.if %cond3A_1004 {
      %mul3A_1103 = arith.constant 40 : i32
      %mul3A_1104 = arith.muli %add3A_999, %mul3A_1103 : i32
      %eq3A = arith.constant 0 : i32
      %eq3A_1105 = arith.cmpi eq, %arg0, %eq3A : i32
      %convert_element_type3A_1106 = arith.extui %eq3A_1105 : i1 to i32
      %cond3A_1107 = arith.constant 0 : i32
      %cond3A_1108 = arith.cmpi ne, %convert_element_type3A_1106, %cond3A_1107 : i32
      scf.if %cond3A_1108 {
        %dma_wait3A_1114 = arith.constant 1 : i32
        %dma_wait3A_1115 = arith.constant 0 : i32
        %dma_wait3A_1116 = tpu.memref_slice %arg13[%dma_wait3A_1114, %dma_wait3A_1115] : memref<16x40xf32, #tpu.memory_space<vmem>> -> memref<1x40xf32, #tpu.memory_space<vmem>>
        %dma_wait3A_1117 = tpu.memref_squeeze %dma_wait3A_1116 : memref<1x40xf32, #tpu.memory_space<vmem>> -> memref<40xf32, #tpu.memory_space<vmem>>
        %dma_wait3A_1118 = tpu.memref_slice %arg8[%mul3A_1104] : memref<10000xf32, #tpu.memory_space<hbm>> -> memref<40xf32, #tpu.memory_space<hbm>>
        %dma_wait3A_1119 = tpu.memref_slice %arg8[%mul3A_1104] : memref<10000xf32, #tpu.memory_space<hbm>> -> memref<40xf32, #tpu.memory_space<hbm>>
        %dma_wait3A_1120 = arith.constant 0 : i32
        %dma_wait3A_1121 = tpu.memref_slice %arg13[%dma_wait3A_1114, %dma_wait3A_1120] : memref<16x40xf32, #tpu.memory_space<vmem>> -> memref<1x40xf32, #tpu.memory_space<vmem>>
        %dma_wait3A_1122 = tpu.memref_squeeze %dma_wait3A_1121 : memref<1x40xf32, #tpu.memory_space<vmem>> -> memref<40xf32, #tpu.memory_space<vmem>>
        tpu.wait_dma2 semaphore(%arg20 : memref<!tpu.dma_semaphore, #tpu.memory_space<semaphore_mem>>) src(%dma_wait3A_1122 : memref<40xf32, #tpu.memory_space<vmem>>) dst(%dma_wait3A_1119 : memref<40xf32, #tpu.memory_space<hbm>>)
      } else {
      }
      %eq3A_1109 = arith.constant 1 : i32
      %eq3A_1110 = arith.cmpi eq, %arg0, %eq3A_1109 : i32
      %convert_element_type3A_1111 = arith.extui %eq3A_1110 : i1 to i32
      %cond3A_1112 = arith.constant 0 : i32
      %cond3A_1113 = arith.cmpi ne, %convert_element_type3A_1111, %cond3A_1112 : i32
      scf.if %cond3A_1113 {
        %dma_wait3A_1114 = arith.constant 1 : i32
        %dma_wait3A_1115 = arith.constant 0 : i32
        %dma_wait3A_1116 = tpu.memref_slice %arg13[%dma_wait3A_1114, %dma_wait3A_1115] : memref<16x40xf32, #tpu.memory_space<vmem>> -> memref<1x40xf32, #tpu.memory_space<vmem>>
        %dma_wait3A_1117 = tpu.memref_squeeze %dma_wait3A_1116 : memref<1x40xf32, #tpu.memory_space<vmem>> -> memref<40xf32, #tpu.memory_space<vmem>>
        %dma_wait3A_1118 = tpu.memref_slice %arg9[%mul3A_1104] : memref<10000xf32, #tpu.memory_space<hbm>> -> memref<40xf32, #tpu.memory_space<hbm>>
        %dma_wait3A_1119 = tpu.memref_slice %arg9[%mul3A_1104] : memref<10000xf32, #tpu.memory_space<hbm>> -> memref<40xf32, #tpu.memory_space<hbm>>
        %dma_wait3A_1120 = arith.constant 0 : i32
        %dma_wait3A_1121 = tpu.memref_slice %arg13[%dma_wait3A_1114, %dma_wait3A_1120] : memref<16x40xf32, #tpu.memory_space<vmem>> -> memref<1x40xf32, #tpu.memory_space<vmem>>
        %dma_wait3A_1122 = tpu.memref_squeeze %dma_wait3A_1121 : memref<1x40xf32, #tpu.memory_space<vmem>> -> memref<40xf32, #tpu.memory_space<vmem>>
        tpu.wait_dma2 semaphore(%arg20 : memref<!tpu.dma_semaphore, #tpu.memory_space<semaphore_mem>>) src(%dma_wait3A_1122 : memref<40xf32, #tpu.memory_space<vmem>>) dst(%dma_wait3A_1119 : memref<40xf32, #tpu.memory_space<hbm>>)
      } else {
      }
    } else {
    }
    %add3A_1005 = arith.constant 32 : i32
    %add3A_1006 = arith.addi %arg1, %add3A_1005 : i32
    %lt3A_1007 = arith.constant 250 : i32
    %lt3A_1008 = arith.cmpi slt, %add3A_1006, %lt3A_1007 : i32
    %convert_element_type3A_1009 = arith.extui %lt3A_1008 : i1 to i32
    %cond3A_1010 = arith.constant 0 : i32
    %cond3A_1011 = arith.cmpi ne, %convert_element_type3A_1009, %cond3A_1010 : i32
    scf.if %cond3A_1011 {
      %mul3A_1103 = arith.constant 40 : i32
      %mul3A_1104 = arith.muli %add3A_1006, %mul3A_1103 : i32
      %eq3A = arith.constant 0 : i32
      %eq3A_1105 = arith.cmpi eq, %arg0, %eq3A : i32
      %convert_element_type3A_1106 = arith.extui %eq3A_1105 : i1 to i32
      %cond3A_1107 = arith.constant 0 : i32
      %cond3A_1108 = arith.cmpi ne, %convert_element_type3A_1106, %cond3A_1107 : i32
      scf.if %cond3A_1108 {
        %dma_wait3A_1114 = arith.constant 2 : i32
        %dma_wait3A_1115 = arith.constant 0 : i32
        %dma_wait3A_1116 = tpu.memref_slice %arg13[%dma_wait3A_1114, %dma_wait3A_1115] : memref<16x40xf32, #tpu.memory_space<vmem>> -> memref<1x40xf32, #tpu.memory_space<vmem>>
        %dma_wait3A_1117 = tpu.memref_squeeze %dma_wait3A_1116 : memref<1x40xf32, #tpu.memory_space<vmem>> -> memref<40xf32, #tpu.memory_space<vmem>>
        %dma_wait3A_1118 = tpu.memref_slice %arg8[%mul3A_1104] : memref<10000xf32, #tpu.memory_space<hbm>> -> memref<40xf32, #tpu.memory_space<hbm>>
        %dma_wait3A_1119 = tpu.memref_slice %arg8[%mul3A_1104] : memref<10000xf32, #tpu.memory_space<hbm>> -> memref<40xf32, #tpu.memory_space<hbm>>
        %dma_wait3A_1120 = arith.constant 0 : i32
        %dma_wait3A_1121 = tpu.memref_slice %arg13[%dma_wait3A_1114, %dma_wait3A_1120] : memref<16x40xf32, #tpu.memory_space<vmem>> -> memref<1x40xf32, #tpu.memory_space<vmem>>
        %dma_wait3A_1122 = tpu.memref_squeeze %dma_wait3A_1121 : memref<1x40xf32, #tpu.memory_space<vmem>> -> memref<40xf32, #tpu.memory_space<vmem>>
        tpu.wait_dma2 semaphore(%arg20 : memref<!tpu.dma_semaphore, #tpu.memory_space<semaphore_mem>>) src(%dma_wait3A_1122 : memref<40xf32, #tpu.memory_space<vmem>>) dst(%dma_wait3A_1119 : memref<40xf32, #tpu.memory_space<hbm>>)
      } else {
      }
      %eq3A_1109 = arith.constant 1 : i32
      %eq3A_1110 = arith.cmpi eq, %arg0, %eq3A_1109 : i32
      %convert_element_type3A_1111 = arith.extui %eq3A_1110 : i1 to i32
      %cond3A_1112 = arith.constant 0 : i32
      %cond3A_1113 = arith.cmpi ne, %convert_element_type3A_1111, %cond3A_1112 : i32
      scf.if %cond3A_1113 {
        %dma_wait3A_1114 = arith.constant 2 : i32
        %dma_wait3A_1115 = arith.constant 0 : i32
        %dma_wait3A_1116 = tpu.memref_slice %arg13[%dma_wait3A_1114, %dma_wait3A_1115] : memref<16x40xf32, #tpu.memory_space<vmem>> -> memref<1x40xf32, #tpu.memory_space<vmem>>
        %dma_wait3A_1117 = tpu.memref_squeeze %dma_wait3A_1116 : memref<1x40xf32, #tpu.memory_space<vmem>> -> memref<40xf32, #tpu.memory_space<vmem>>
        %dma_wait3A_1118 = tpu.memref_slice %arg9[%mul3A_1104] : memref<10000xf32, #tpu.memory_space<hbm>> -> memref<40xf32, #tpu.memory_space<hbm>>
        %dma_wait3A_1119 = tpu.memref_slice %arg9[%mul3A_1104] : memref<10000xf32, #tpu.memory_space<hbm>> -> memref<40xf32, #tpu.memory_space<hbm>>
        %dma_wait3A_1120 = arith.constant 0 : i32
        %dma_wait3A_1121 = tpu.memref_slice %arg13[%dma_wait3A_1114, %dma_wait3A_1120] : memref<16x40xf32, #tpu.memory_space<vmem>> -> memref<1x40xf32, #tpu.memory_space<vmem>>
        %dma_wait3A_1122 = tpu.memref_squeeze %dma_wait3A_1121 : memref<1x40xf32, #tpu.memory_space<vmem>> -> memref<40xf32, #tpu.memory_space<vmem>>
        tpu.wait_dma2 semaphore(%arg20 : memref<!tpu.dma_semaphore, #tpu.memory_space<semaphore_mem>>) src(%dma_wait3A_1122 : memref<40xf32, #tpu.memory_space<vmem>>) dst(%dma_wait3A_1119 : memref<40xf32, #tpu.memory_space<hbm>>)
      } else {
      }
    } else {
    }
    %add3A_1012 = arith.constant 48 : i32
    %add3A_1013 = arith.addi %arg1, %add3A_1012 : i32
    %lt3A_1014 = arith.constant 250 : i32
    %lt3A_1015 = arith.cmpi slt, %add3A_1013, %lt3A_1014 : i32
    %convert_element_type3A_1016 = arith.extui %lt3A_1015 : i1 to i32
    %cond3A_1017 = arith.constant 0 : i32
    %cond3A_1018 = arith.cmpi ne, %convert_element_type3A_1016, %cond3A_1017 : i32
    scf.if %cond3A_1018 {
      %mul3A_1103 = arith.constant 40 : i32
      %mul3A_1104 = arith.muli %add3A_1013, %mul3A_1103 : i32
      %eq3A = arith.constant 0 : i32
      %eq3A_1105 = arith.cmpi eq, %arg0, %eq3A : i32
      %convert_element_type3A_1106 = arith.extui %eq3A_1105 : i1 to i32
      %cond3A_1107 = arith.constant 0 : i32
      %cond3A_1108 = arith.cmpi ne, %convert_element_type3A_1106, %cond3A_1107 : i32
      scf.if %cond3A_1108 {
        %dma_wait3A_1114 = arith.constant 3 : i32
        %dma_wait3A_1115 = arith.constant 0 : i32
        %dma_wait3A_1116 = tpu.memref_slice %arg13[%dma_wait3A_1114, %dma_wait3A_1115] : memref<16x40xf32, #tpu.memory_space<vmem>> -> memref<1x40xf32, #tpu.memory_space<vmem>>
        %dma_wait3A_1117 = tpu.memref_squeeze %dma_wait3A_1116 : memref<1x40xf32, #tpu.memory_space<vmem>> -> memref<40xf32, #tpu.memory_space<vmem>>
        %dma_wait3A_1118 = tpu.memref_slice %arg8[%mul3A_1104] : memref<10000xf32, #tpu.memory_space<hbm>> -> memref<40xf32, #tpu.memory_space<hbm>>
        %dma_wait3A_1119 = tpu.memref_slice %arg8[%mul3A_1104] : memref<10000xf32, #tpu.memory_space<hbm>> -> memref<40xf32, #tpu.memory_space<hbm>>
        %dma_wait3A_1120 = arith.constant 0 : i32
        %dma_wait3A_1121 = tpu.memref_slice %arg13[%dma_wait3A_1114, %dma_wait3A_1120] : memref<16x40xf32, #tpu.memory_space<vmem>> -> memref<1x40xf32, #tpu.memory_space<vmem>>
        %dma_wait3A_1122 = tpu.memref_squeeze %dma_wait3A_1121 : memref<1x40xf32, #tpu.memory_space<vmem>> -> memref<40xf32, #tpu.memory_space<vmem>>
        tpu.wait_dma2 semaphore(%arg20 : memref<!tpu.dma_semaphore, #tpu.memory_space<semaphore_mem>>) src(%dma_wait3A_1122 : memref<40xf32, #tpu.memory_space<vmem>>) dst(%dma_wait3A_1119 : memref<40xf32, #tpu.memory_space<hbm>>)
      } else {
      }
      %eq3A_1109 = arith.constant 1 : i32
      %eq3A_1110 = arith.cmpi eq, %arg0, %eq3A_1109 : i32
      %convert_element_type3A_1111 = arith.extui %eq3A_1110 : i1 to i32
      %cond3A_1112 = arith.constant 0 : i32
      %cond3A_1113 = arith.cmpi ne, %convert_element_type3A_1111, %cond3A_1112 : i32
      scf.if %cond3A_1113 {
        %dma_wait3A_1114 = arith.constant 3 : i32
        %dma_wait3A_1115 = arith.constant 0 : i32
        %dma_wait3A_1116 = tpu.memref_slice %arg13[%dma_wait3A_1114, %dma_wait3A_1115] : memref<16x40xf32, #tpu.memory_space<vmem>> -> memref<1x40xf32, #tpu.memory_space<vmem>>
        %dma_wait3A_1117 = tpu.memref_squeeze %dma_wait3A_1116 : memref<1x40xf32, #tpu.memory_space<vmem>> -> memref<40xf32, #tpu.memory_space<vmem>>
        %dma_wait3A_1118 = tpu.memref_slice %arg9[%mul3A_1104] : memref<10000xf32, #tpu.memory_space<hbm>> -> memref<40xf32, #tpu.memory_space<hbm>>
        %dma_wait3A_1119 = tpu.memref_slice %arg9[%mul3A_1104] : memref<10000xf32, #tpu.memory_space<hbm>> -> memref<40xf32, #tpu.memory_space<hbm>>
        %dma_wait3A_1120 = arith.constant 0 : i32
        %dma_wait3A_1121 = tpu.memref_slice %arg13[%dma_wait3A_1114, %dma_wait3A_1120] : memref<16x40xf32, #tpu.memory_space<vmem>> -> memref<1x40xf32, #tpu.memory_space<vmem>>
        %dma_wait3A_1122 = tpu.memref_squeeze %dma_wait3A_1121 : memref<1x40xf32, #tpu.memory_space<vmem>> -> memref<40xf32, #tpu.memory_space<vmem>>
        tpu.wait_dma2 semaphore(%arg20 : memref<!tpu.dma_semaphore, #tpu.memory_space<semaphore_mem>>) src(%dma_wait3A_1122 : memref<40xf32, #tpu.memory_space<vmem>>) dst(%dma_wait3A_1119 : memref<40xf32, #tpu.memory_space<hbm>>)
      } else {
      }
    } else {
    }
    %add3A_1019 = arith.constant 64 : i32
    %add3A_1020 = arith.addi %arg1, %add3A_1019 : i32
    %lt3A_1021 = arith.constant 250 : i32
    %lt3A_1022 = arith.cmpi slt, %add3A_1020, %lt3A_1021 : i32
    %convert_element_type3A_1023 = arith.extui %lt3A_1022 : i1 to i32
    %cond3A_1024 = arith.constant 0 : i32
    %cond3A_1025 = arith.cmpi ne, %convert_element_type3A_1023, %cond3A_1024 : i32
    scf.if %cond3A_1025 {
      %mul3A_1103 = arith.constant 40 : i32
      %mul3A_1104 = arith.muli %add3A_1020, %mul3A_1103 : i32
      %eq3A = arith.constant 0 : i32
      %eq3A_1105 = arith.cmpi eq, %arg0, %eq3A : i32
      %convert_element_type3A_1106 = arith.extui %eq3A_1105 : i1 to i32
      %cond3A_1107 = arith.constant 0 : i32
      %cond3A_1108 = arith.cmpi ne, %convert_element_type3A_1106, %cond3A_1107 : i32
      scf.if %cond3A_1108 {
        %dma_wait3A_1114 = arith.constant 4 : i32
        %dma_wait3A_1115 = arith.constant 0 : i32
        %dma_wait3A_1116 = tpu.memref_slice %arg13[%dma_wait3A_1114, %dma_wait3A_1115] : memref<16x40xf32, #tpu.memory_space<vmem>> -> memref<1x40xf32, #tpu.memory_space<vmem>>
        %dma_wait3A_1117 = tpu.memref_squeeze %dma_wait3A_1116 : memref<1x40xf32, #tpu.memory_space<vmem>> -> memref<40xf32, #tpu.memory_space<vmem>>
        %dma_wait3A_1118 = tpu.memref_slice %arg8[%mul3A_1104] : memref<10000xf32, #tpu.memory_space<hbm>> -> memref<40xf32, #tpu.memory_space<hbm>>
        %dma_wait3A_1119 = tpu.memref_slice %arg8[%mul3A_1104] : memref<10000xf32, #tpu.memory_space<hbm>> -> memref<40xf32, #tpu.memory_space<hbm>>
        %dma_wait3A_1120 = arith.constant 0 : i32
        %dma_wait3A_1121 = tpu.memref_slice %arg13[%dma_wait3A_1114, %dma_wait3A_1120] : memref<16x40xf32, #tpu.memory_space<vmem>> -> memref<1x40xf32, #tpu.memory_space<vmem>>
        %dma_wait3A_1122 = tpu.memref_squeeze %dma_wait3A_1121 : memref<1x40xf32, #tpu.memory_space<vmem>> -> memref<40xf32, #tpu.memory_space<vmem>>
        tpu.wait_dma2 semaphore(%arg20 : memref<!tpu.dma_semaphore, #tpu.memory_space<semaphore_mem>>) src(%dma_wait3A_1122 : memref<40xf32, #tpu.memory_space<vmem>>) dst(%dma_wait3A_1119 : memref<40xf32, #tpu.memory_space<hbm>>)
      } else {
      }
      %eq3A_1109 = arith.constant 1 : i32
      %eq3A_1110 = arith.cmpi eq, %arg0, %eq3A_1109 : i32
      %convert_element_type3A_1111 = arith.extui %eq3A_1110 : i1 to i32
      %cond3A_1112 = arith.constant 0 : i32
      %cond3A_1113 = arith.cmpi ne, %convert_element_type3A_1111, %cond3A_1112 : i32
      scf.if %cond3A_1113 {
        %dma_wait3A_1114 = arith.constant 4 : i32
        %dma_wait3A_1115 = arith.constant 0 : i32
        %dma_wait3A_1116 = tpu.memref_slice %arg13[%dma_wait3A_1114, %dma_wait3A_1115] : memref<16x40xf32, #tpu.memory_space<vmem>> -> memref<1x40xf32, #tpu.memory_space<vmem>>
        %dma_wait3A_1117 = tpu.memref_squeeze %dma_wait3A_1116 : memref<1x40xf32, #tpu.memory_space<vmem>> -> memref<40xf32, #tpu.memory_space<vmem>>
        %dma_wait3A_1118 = tpu.memref_slice %arg9[%mul3A_1104] : memref<10000xf32, #tpu.memory_space<hbm>> -> memref<40xf32, #tpu.memory_space<hbm>>
        %dma_wait3A_1119 = tpu.memref_slice %arg9[%mul3A_1104] : memref<10000xf32, #tpu.memory_space<hbm>> -> memref<40xf32, #tpu.memory_space<hbm>>
        %dma_wait3A_1120 = arith.constant 0 : i32
        %dma_wait3A_1121 = tpu.memref_slice %arg13[%dma_wait3A_1114, %dma_wait3A_1120] : memref<16x40xf32, #tpu.memory_space<vmem>> -> memref<1x40xf32, #tpu.memory_space<vmem>>
        %dma_wait3A_1122 = tpu.memref_squeeze %dma_wait3A_1121 : memref<1x40xf32, #tpu.memory_space<vmem>> -> memref<40xf32, #tpu.memory_space<vmem>>
        tpu.wait_dma2 semaphore(%arg20 : memref<!tpu.dma_semaphore, #tpu.memory_space<semaphore_mem>>) src(%dma_wait3A_1122 : memref<40xf32, #tpu.memory_space<vmem>>) dst(%dma_wait3A_1119 : memref<40xf32, #tpu.memory_space<hbm>>)
      } else {
      }
    } else {
    }
    %add3A_1026 = arith.constant 80 : i32
    %add3A_1027 = arith.addi %arg1, %add3A_1026 : i32
    %lt3A_1028 = arith.constant 250 : i32
    %lt3A_1029 = arith.cmpi slt, %add3A_1027, %lt3A_1028 : i32
    %convert_element_type3A_1030 = arith.extui %lt3A_1029 : i1 to i32
    %cond3A_1031 = arith.constant 0 : i32
    %cond3A_1032 = arith.cmpi ne, %convert_element_type3A_1030, %cond3A_1031 : i32
    scf.if %cond3A_1032 {
      %mul3A_1103 = arith.constant 40 : i32
      %mul3A_1104 = arith.muli %add3A_1027, %mul3A_1103 : i32
      %eq3A = arith.constant 0 : i32
      %eq3A_1105 = arith.cmpi eq, %arg0, %eq3A : i32
      %convert_element_type3A_1106 = arith.extui %eq3A_1105 : i1 to i32
      %cond3A_1107 = arith.constant 0 : i32
      %cond3A_1108 = arith.cmpi ne, %convert_element_type3A_1106, %cond3A_1107 : i32
      scf.if %cond3A_1108 {
        %dma_wait3A_1114 = arith.constant 5 : i32
        %dma_wait3A_1115 = arith.constant 0 : i32
        %dma_wait3A_1116 = tpu.memref_slice %arg13[%dma_wait3A_1114, %dma_wait3A_1115] : memref<16x40xf32, #tpu.memory_space<vmem>> -> memref<1x40xf32, #tpu.memory_space<vmem>>
        %dma_wait3A_1117 = tpu.memref_squeeze %dma_wait3A_1116 : memref<1x40xf32, #tpu.memory_space<vmem>> -> memref<40xf32, #tpu.memory_space<vmem>>
        %dma_wait3A_1118 = tpu.memref_slice %arg8[%mul3A_1104] : memref<10000xf32, #tpu.memory_space<hbm>> -> memref<40xf32, #tpu.memory_space<hbm>>
        %dma_wait3A_1119 = tpu.memref_slice %arg8[%mul3A_1104] : memref<10000xf32, #tpu.memory_space<hbm>> -> memref<40xf32, #tpu.memory_space<hbm>>
        %dma_wait3A_1120 = arith.constant 0 : i32
        %dma_wait3A_1121 = tpu.memref_slice %arg13[%dma_wait3A_1114, %dma_wait3A_1120] : memref<16x40xf32, #tpu.memory_space<vmem>> -> memref<1x40xf32, #tpu.memory_space<vmem>>
        %dma_wait3A_1122 = tpu.memref_squeeze %dma_wait3A_1121 : memref<1x40xf32, #tpu.memory_space<vmem>> -> memref<40xf32, #tpu.memory_space<vmem>>
        tpu.wait_dma2 semaphore(%arg20 : memref<!tpu.dma_semaphore, #tpu.memory_space<semaphore_mem>>) src(%dma_wait3A_1122 : memref<40xf32, #tpu.memory_space<vmem>>) dst(%dma_wait3A_1119 : memref<40xf32, #tpu.memory_space<hbm>>)
      } else {
      }
      %eq3A_1109 = arith.constant 1 : i32
      %eq3A_1110 = arith.cmpi eq, %arg0, %eq3A_1109 : i32
      %convert_element_type3A_1111 = arith.extui %eq3A_1110 : i1 to i32
      %cond3A_1112 = arith.constant 0 : i32
      %cond3A_1113 = arith.cmpi ne, %convert_element_type3A_1111, %cond3A_1112 : i32
      scf.if %cond3A_1113 {
        %dma_wait3A_1114 = arith.constant 5 : i32
        %dma_wait3A_1115 = arith.constant 0 : i32
        %dma_wait3A_1116 = tpu.memref_slice %arg13[%dma_wait3A_1114, %dma_wait3A_1115] : memref<16x40xf32, #tpu.memory_space<vmem>> -> memref<1x40xf32, #tpu.memory_space<vmem>>
        %dma_wait3A_1117 = tpu.memref_squeeze %dma_wait3A_1116 : memref<1x40xf32, #tpu.memory_space<vmem>> -> memref<40xf32, #tpu.memory_space<vmem>>
        %dma_wait3A_1118 = tpu.memref_slice %arg9[%mul3A_1104] : memref<10000xf32, #tpu.memory_space<hbm>> -> memref<40xf32, #tpu.memory_space<hbm>>
        %dma_wait3A_1119 = tpu.memref_slice %arg9[%mul3A_1104] : memref<10000xf32, #tpu.memory_space<hbm>> -> memref<40xf32, #tpu.memory_space<hbm>>
        %dma_wait3A_1120 = arith.constant 0 : i32
        %dma_wait3A_1121 = tpu.memref_slice %arg13[%dma_wait3A_1114, %dma_wait3A_1120] : memref<16x40xf32, #tpu.memory_space<vmem>> -> memref<1x40xf32, #tpu.memory_space<vmem>>
        %dma_wait3A_1122 = tpu.memref_squeeze %dma_wait3A_1121 : memref<1x40xf32, #tpu.memory_space<vmem>> -> memref<40xf32, #tpu.memory_space<vmem>>
        tpu.wait_dma2 semaphore(%arg20 : memref<!tpu.dma_semaphore, #tpu.memory_space<semaphore_mem>>) src(%dma_wait3A_1122 : memref<40xf32, #tpu.memory_space<vmem>>) dst(%dma_wait3A_1119 : memref<40xf32, #tpu.memory_space<hbm>>)
      } else {
      }
    } else {
    }
    %add3A_1033 = arith.constant 96 : i32
    %add3A_1034 = arith.addi %arg1, %add3A_1033 : i32
    %lt3A_1035 = arith.constant 250 : i32
    %lt3A_1036 = arith.cmpi slt, %add3A_1034, %lt3A_1035 : i32
    %convert_element_type3A_1037 = arith.extui %lt3A_1036 : i1 to i32
    %cond3A_1038 = arith.constant 0 : i32
    %cond3A_1039 = arith.cmpi ne, %convert_element_type3A_1037, %cond3A_1038 : i32
    scf.if %cond3A_1039 {
      %mul3A_1103 = arith.constant 40 : i32
      %mul3A_1104 = arith.muli %add3A_1034, %mul3A_1103 : i32
      %eq3A = arith.constant 0 : i32
      %eq3A_1105 = arith.cmpi eq, %arg0, %eq3A : i32
      %convert_element_type3A_1106 = arith.extui %eq3A_1105 : i1 to i32
      %cond3A_1107 = arith.constant 0 : i32
      %cond3A_1108 = arith.cmpi ne, %convert_element_type3A_1106, %cond3A_1107 : i32
      scf.if %cond3A_1108 {
        %dma_wait3A_1114 = arith.constant 6 : i32
        %dma_wait3A_1115 = arith.constant 0 : i32
        %dma_wait3A_1116 = tpu.memref_slice %arg13[%dma_wait3A_1114, %dma_wait3A_1115] : memref<16x40xf32, #tpu.memory_space<vmem>> -> memref<1x40xf32, #tpu.memory_space<vmem>>
        %dma_wait3A_1117 = tpu.memref_squeeze %dma_wait3A_1116 : memref<1x40xf32, #tpu.memory_space<vmem>> -> memref<40xf32, #tpu.memory_space<vmem>>
        %dma_wait3A_1118 = tpu.memref_slice %arg8[%mul3A_1104] : memref<10000xf32, #tpu.memory_space<hbm>> -> memref<40xf32, #tpu.memory_space<hbm>>
        %dma_wait3A_1119 = tpu.memref_slice %arg8[%mul3A_1104] : memref<10000xf32, #tpu.memory_space<hbm>> -> memref<40xf32, #tpu.memory_space<hbm>>
        %dma_wait3A_1120 = arith.constant 0 : i32
        %dma_wait3A_1121 = tpu.memref_slice %arg13[%dma_wait3A_1114, %dma_wait3A_1120] : memref<16x40xf32, #tpu.memory_space<vmem>> -> memref<1x40xf32, #tpu.memory_space<vmem>>
        %dma_wait3A_1122 = tpu.memref_squeeze %dma_wait3A_1121 : memref<1x40xf32, #tpu.memory_space<vmem>> -> memref<40xf32, #tpu.memory_space<vmem>>
        tpu.wait_dma2 semaphore(%arg20 : memref<!tpu.dma_semaphore, #tpu.memory_space<semaphore_mem>>) src(%dma_wait3A_1122 : memref<40xf32, #tpu.memory_space<vmem>>) dst(%dma_wait3A_1119 : memref<40xf32, #tpu.memory_space<hbm>>)
      } else {
      }
      %eq3A_1109 = arith.constant 1 : i32
      %eq3A_1110 = arith.cmpi eq, %arg0, %eq3A_1109 : i32
      %convert_element_type3A_1111 = arith.extui %eq3A_1110 : i1 to i32
      %cond3A_1112 = arith.constant 0 : i32
      %cond3A_1113 = arith.cmpi ne, %convert_element_type3A_1111, %cond3A_1112 : i32
      scf.if %cond3A_1113 {
        %dma_wait3A_1114 = arith.constant 6 : i32
        %dma_wait3A_1115 = arith.constant 0 : i32
        %dma_wait3A_1116 = tpu.memref_slice %arg13[%dma_wait3A_1114, %dma_wait3A_1115] : memref<16x40xf32, #tpu.memory_space<vmem>> -> memref<1x40xf32, #tpu.memory_space<vmem>>
        %dma_wait3A_1117 = tpu.memref_squeeze %dma_wait3A_1116 : memref<1x40xf32, #tpu.memory_space<vmem>> -> memref<40xf32, #tpu.memory_space<vmem>>
        %dma_wait3A_1118 = tpu.memref_slice %arg9[%mul3A_1104] : memref<10000xf32, #tpu.memory_space<hbm>> -> memref<40xf32, #tpu.memory_space<hbm>>
        %dma_wait3A_1119 = tpu.memref_slice %arg9[%mul3A_1104] : memref<10000xf32, #tpu.memory_space<hbm>> -> memref<40xf32, #tpu.memory_space<hbm>>
        %dma_wait3A_1120 = arith.constant 0 : i32
        %dma_wait3A_1121 = tpu.memref_slice %arg13[%dma_wait3A_1114, %dma_wait3A_1120] : memref<16x40xf32, #tpu.memory_space<vmem>> -> memref<1x40xf32, #tpu.memory_space<vmem>>
        %dma_wait3A_1122 = tpu.memref_squeeze %dma_wait3A_1121 : memref<1x40xf32, #tpu.memory_space<vmem>> -> memref<40xf32, #tpu.memory_space<vmem>>
        tpu.wait_dma2 semaphore(%arg20 : memref<!tpu.dma_semaphore, #tpu.memory_space<semaphore_mem>>) src(%dma_wait3A_1122 : memref<40xf32, #tpu.memory_space<vmem>>) dst(%dma_wait3A_1119 : memref<40xf32, #tpu.memory_space<hbm>>)
      } else {
      }
    } else {
    }
    %add3A_1040 = arith.constant 112 : i32
    %add3A_1041 = arith.addi %arg1, %add3A_1040 : i32
    %lt3A_1042 = arith.constant 250 : i32
    %lt3A_1043 = arith.cmpi slt, %add3A_1041, %lt3A_1042 : i32
    %convert_element_type3A_1044 = arith.extui %lt3A_1043 : i1 to i32
    %cond3A_1045 = arith.constant 0 : i32
    %cond3A_1046 = arith.cmpi ne, %convert_element_type3A_1044, %cond3A_1045 : i32
    scf.if %cond3A_1046 {
      %mul3A_1103 = arith.constant 40 : i32
      %mul3A_1104 = arith.muli %add3A_1041, %mul3A_1103 : i32
      %eq3A = arith.constant 0 : i32
      %eq3A_1105 = arith.cmpi eq, %arg0, %eq3A : i32
      %convert_element_type3A_1106 = arith.extui %eq3A_1105 : i1 to i32
      %cond3A_1107 = arith.constant 0 : i32
      %cond3A_1108 = arith.cmpi ne, %convert_element_type3A_1106, %cond3A_1107 : i32
      scf.if %cond3A_1108 {
        %dma_wait3A_1114 = arith.constant 7 : i32
        %dma_wait3A_1115 = arith.constant 0 : i32
        %dma_wait3A_1116 = tpu.memref_slice %arg13[%dma_wait3A_1114, %dma_wait3A_1115] : memref<16x40xf32, #tpu.memory_space<vmem>> -> memref<1x40xf32, #tpu.memory_space<vmem>>
        %dma_wait3A_1117 = tpu.memref_squeeze %dma_wait3A_1116 : memref<1x40xf32, #tpu.memory_space<vmem>> -> memref<40xf32, #tpu.memory_space<vmem>>
        %dma_wait3A_1118 = tpu.memref_slice %arg8[%mul3A_1104] : memref<10000xf32, #tpu.memory_space<hbm>> -> memref<40xf32, #tpu.memory_space<hbm>>
        %dma_wait3A_1119 = tpu.memref_slice %arg8[%mul3A_1104] : memref<10000xf32, #tpu.memory_space<hbm>> -> memref<40xf32, #tpu.memory_space<hbm>>
        %dma_wait3A_1120 = arith.constant 0 : i32
        %dma_wait3A_1121 = tpu.memref_slice %arg13[%dma_wait3A_1114, %dma_wait3A_1120] : memref<16x40xf32, #tpu.memory_space<vmem>> -> memref<1x40xf32, #tpu.memory_space<vmem>>
        %dma_wait3A_1122 = tpu.memref_squeeze %dma_wait3A_1121 : memref<1x40xf32, #tpu.memory_space<vmem>> -> memref<40xf32, #tpu.memory_space<vmem>>
        tpu.wait_dma2 semaphore(%arg20 : memref<!tpu.dma_semaphore, #tpu.memory_space<semaphore_mem>>) src(%dma_wait3A_1122 : memref<40xf32, #tpu.memory_space<vmem>>) dst(%dma_wait3A_1119 : memref<40xf32, #tpu.memory_space<hbm>>)
      } else {
      }
      %eq3A_1109 = arith.constant 1 : i32
      %eq3A_1110 = arith.cmpi eq, %arg0, %eq3A_1109 : i32
      %convert_element_type3A_1111 = arith.extui %eq3A_1110 : i1 to i32
      %cond3A_1112 = arith.constant 0 : i32
      %cond3A_1113 = arith.cmpi ne, %convert_element_type3A_1111, %cond3A_1112 : i32
      scf.if %cond3A_1113 {
        %dma_wait3A_1114 = arith.constant 7 : i32
        %dma_wait3A_1115 = arith.constant 0 : i32
        %dma_wait3A_1116 = tpu.memref_slice %arg13[%dma_wait3A_1114, %dma_wait3A_1115] : memref<16x40xf32, #tpu.memory_space<vmem>> -> memref<1x40xf32, #tpu.memory_space<vmem>>
        %dma_wait3A_1117 = tpu.memref_squeeze %dma_wait3A_1116 : memref<1x40xf32, #tpu.memory_space<vmem>> -> memref<40xf32, #tpu.memory_space<vmem>>
        %dma_wait3A_1118 = tpu.memref_slice %arg9[%mul3A_1104] : memref<10000xf32, #tpu.memory_space<hbm>> -> memref<40xf32, #tpu.memory_space<hbm>>
        %dma_wait3A_1119 = tpu.memref_slice %arg9[%mul3A_1104] : memref<10000xf32, #tpu.memory_space<hbm>> -> memref<40xf32, #tpu.memory_space<hbm>>
        %dma_wait3A_1120 = arith.constant 0 : i32
        %dma_wait3A_1121 = tpu.memref_slice %arg13[%dma_wait3A_1114, %dma_wait3A_1120] : memref<16x40xf32, #tpu.memory_space<vmem>> -> memref<1x40xf32, #tpu.memory_space<vmem>>
        %dma_wait3A_1122 = tpu.memref_squeeze %dma_wait3A_1121 : memref<1x40xf32, #tpu.memory_space<vmem>> -> memref<40xf32, #tpu.memory_space<vmem>>
        tpu.wait_dma2 semaphore(%arg20 : memref<!tpu.dma_semaphore, #tpu.memory_space<semaphore_mem>>) src(%dma_wait3A_1122 : memref<40xf32, #tpu.memory_space<vmem>>) dst(%dma_wait3A_1119 : memref<40xf32, #tpu.memory_space<hbm>>)
      } else {
      }
    } else {
    }
    %add3A_1047 = arith.constant 128 : i32
    %add3A_1048 = arith.addi %arg1, %add3A_1047 : i32
    %lt3A_1049 = arith.constant 250 : i32
    %lt3A_1050 = arith.cmpi slt, %add3A_1048, %lt3A_1049 : i32
    %convert_element_type3A_1051 = arith.extui %lt3A_1050 : i1 to i32
    %cond3A_1052 = arith.constant 0 : i32
    %cond3A_1053 = arith.cmpi ne, %convert_element_type3A_1051, %cond3A_1052 : i32
    scf.if %cond3A_1053 {
      %mul3A_1103 = arith.constant 40 : i32
      %mul3A_1104 = arith.muli %add3A_1048, %mul3A_1103 : i32
      %eq3A = arith.constant 0 : i32
      %eq3A_1105 = arith.cmpi eq, %arg0, %eq3A : i32
      %convert_element_type3A_1106 = arith.extui %eq3A_1105 : i1 to i32
      %cond3A_1107 = arith.constant 0 : i32
      %cond3A_1108 = arith.cmpi ne, %convert_element_type3A_1106, %cond3A_1107 : i32
      scf.if %cond3A_1108 {
        %dma_wait3A_1114 = arith.constant 8 : i32
        %dma_wait3A_1115 = arith.constant 0 : i32
        %dma_wait3A_1116 = tpu.memref_slice %arg13[%dma_wait3A_1114, %dma_wait3A_1115] : memref<16x40xf32, #tpu.memory_space<vmem>> -> memref<1x40xf32, #tpu.memory_space<vmem>>
        %dma_wait3A_1117 = tpu.memref_squeeze %dma_wait3A_1116 : memref<1x40xf32, #tpu.memory_space<vmem>> -> memref<40xf32, #tpu.memory_space<vmem>>
        %dma_wait3A_1118 = tpu.memref_slice %arg8[%mul3A_1104] : memref<10000xf32, #tpu.memory_space<hbm>> -> memref<40xf32, #tpu.memory_space<hbm>>
        %dma_wait3A_1119 = tpu.memref_slice %arg8[%mul3A_1104] : memref<10000xf32, #tpu.memory_space<hbm>> -> memref<40xf32, #tpu.memory_space<hbm>>
        %dma_wait3A_1120 = arith.constant 0 : i32
        %dma_wait3A_1121 = tpu.memref_slice %arg13[%dma_wait3A_1114, %dma_wait3A_1120] : memref<16x40xf32, #tpu.memory_space<vmem>> -> memref<1x40xf32, #tpu.memory_space<vmem>>
        %dma_wait3A_1122 = tpu.memref_squeeze %dma_wait3A_1121 : memref<1x40xf32, #tpu.memory_space<vmem>> -> memref<40xf32, #tpu.memory_space<vmem>>
        tpu.wait_dma2 semaphore(%arg20 : memref<!tpu.dma_semaphore, #tpu.memory_space<semaphore_mem>>) src(%dma_wait3A_1122 : memref<40xf32, #tpu.memory_space<vmem>>) dst(%dma_wait3A_1119 : memref<40xf32, #tpu.memory_space<hbm>>)
      } else {
      }
      %eq3A_1109 = arith.constant 1 : i32
      %eq3A_1110 = arith.cmpi eq, %arg0, %eq3A_1109 : i32
      %convert_element_type3A_1111 = arith.extui %eq3A_1110 : i1 to i32
      %cond3A_1112 = arith.constant 0 : i32
      %cond3A_1113 = arith.cmpi ne, %convert_element_type3A_1111, %cond3A_1112 : i32
      scf.if %cond3A_1113 {
        %dma_wait3A_1114 = arith.constant 8 : i32
        %dma_wait3A_1115 = arith.constant 0 : i32
        %dma_wait3A_1116 = tpu.memref_slice %arg13[%dma_wait3A_1114, %dma_wait3A_1115] : memref<16x40xf32, #tpu.memory_space<vmem>> -> memref<1x40xf32, #tpu.memory_space<vmem>>
        %dma_wait3A_1117 = tpu.memref_squeeze %dma_wait3A_1116 : memref<1x40xf32, #tpu.memory_space<vmem>> -> memref<40xf32, #tpu.memory_space<vmem>>
        %dma_wait3A_1118 = tpu.memref_slice %arg9[%mul3A_1104] : memref<10000xf32, #tpu.memory_space<hbm>> -> memref<40xf32, #tpu.memory_space<hbm>>
        %dma_wait3A_1119 = tpu.memref_slice %arg9[%mul3A_1104] : memref<10000xf32, #tpu.memory_space<hbm>> -> memref<40xf32, #tpu.memory_space<hbm>>
        %dma_wait3A_1120 = arith.constant 0 : i32
        %dma_wait3A_1121 = tpu.memref_slice %arg13[%dma_wait3A_1114, %dma_wait3A_1120] : memref<16x40xf32, #tpu.memory_space<vmem>> -> memref<1x40xf32, #tpu.memory_space<vmem>>
        %dma_wait3A_1122 = tpu.memref_squeeze %dma_wait3A_1121 : memref<1x40xf32, #tpu.memory_space<vmem>> -> memref<40xf32, #tpu.memory_space<vmem>>
        tpu.wait_dma2 semaphore(%arg20 : memref<!tpu.dma_semaphore, #tpu.memory_space<semaphore_mem>>) src(%dma_wait3A_1122 : memref<40xf32, #tpu.memory_space<vmem>>) dst(%dma_wait3A_1119 : memref<40xf32, #tpu.memory_space<hbm>>)
      } else {
      }
    } else {
    }
    %add3A_1054 = arith.constant 144 : i32
    %add3A_1055 = arith.addi %arg1, %add3A_1054 : i32
    %lt3A_1056 = arith.constant 250 : i32
    %lt3A_1057 = arith.cmpi slt, %add3A_1055, %lt3A_1056 : i32
    %convert_element_type3A_1058 = arith.extui %lt3A_1057 : i1 to i32
    %cond3A_1059 = arith.constant 0 : i32
    %cond3A_1060 = arith.cmpi ne, %convert_element_type3A_1058, %cond3A_1059 : i32
    scf.if %cond3A_1060 {
      %mul3A_1103 = arith.constant 40 : i32
      %mul3A_1104 = arith.muli %add3A_1055, %mul3A_1103 : i32
      %eq3A = arith.constant 0 : i32
      %eq3A_1105 = arith.cmpi eq, %arg0, %eq3A : i32
      %convert_element_type3A_1106 = arith.extui %eq3A_1105 : i1 to i32
      %cond3A_1107 = arith.constant 0 : i32
      %cond3A_1108 = arith.cmpi ne, %convert_element_type3A_1106, %cond3A_1107 : i32
      scf.if %cond3A_1108 {
        %dma_wait3A_1114 = arith.constant 9 : i32
        %dma_wait3A_1115 = arith.constant 0 : i32
        %dma_wait3A_1116 = tpu.memref_slice %arg13[%dma_wait3A_1114, %dma_wait3A_1115] : memref<16x40xf32, #tpu.memory_space<vmem>> -> memref<1x40xf32, #tpu.memory_space<vmem>>
        %dma_wait3A_1117 = tpu.memref_squeeze %dma_wait3A_1116 : memref<1x40xf32, #tpu.memory_space<vmem>> -> memref<40xf32, #tpu.memory_space<vmem>>
        %dma_wait3A_1118 = tpu.memref_slice %arg8[%mul3A_1104] : memref<10000xf32, #tpu.memory_space<hbm>> -> memref<40xf32, #tpu.memory_space<hbm>>
        %dma_wait3A_1119 = tpu.memref_slice %arg8[%mul3A_1104] : memref<10000xf32, #tpu.memory_space<hbm>> -> memref<40xf32, #tpu.memory_space<hbm>>
        %dma_wait3A_1120 = arith.constant 0 : i32
        %dma_wait3A_1121 = tpu.memref_slice %arg13[%dma_wait3A_1114, %dma_wait3A_1120] : memref<16x40xf32, #tpu.memory_space<vmem>> -> memref<1x40xf32, #tpu.memory_space<vmem>>
        %dma_wait3A_1122 = tpu.memref_squeeze %dma_wait3A_1121 : memref<1x40xf32, #tpu.memory_space<vmem>> -> memref<40xf32, #tpu.memory_space<vmem>>
        tpu.wait_dma2 semaphore(%arg20 : memref<!tpu.dma_semaphore, #tpu.memory_space<semaphore_mem>>) src(%dma_wait3A_1122 : memref<40xf32, #tpu.memory_space<vmem>>) dst(%dma_wait3A_1119 : memref<40xf32, #tpu.memory_space<hbm>>)
      } else {
      }
      %eq3A_1109 = arith.constant 1 : i32
      %eq3A_1110 = arith.cmpi eq, %arg0, %eq3A_1109 : i32
      %convert_element_type3A_1111 = arith.extui %eq3A_1110 : i1 to i32
      %cond3A_1112 = arith.constant 0 : i32
      %cond3A_1113 = arith.cmpi ne, %convert_element_type3A_1111, %cond3A_1112 : i32
      scf.if %cond3A_1113 {
        %dma_wait3A_1114 = arith.constant 9 : i32
        %dma_wait3A_1115 = arith.constant 0 : i32
        %dma_wait3A_1116 = tpu.memref_slice %arg13[%dma_wait3A_1114, %dma_wait3A_1115] : memref<16x40xf32, #tpu.memory_space<vmem>> -> memref<1x40xf32, #tpu.memory_space<vmem>>
        %dma_wait3A_1117 = tpu.memref_squeeze %dma_wait3A_1116 : memref<1x40xf32, #tpu.memory_space<vmem>> -> memref<40xf32, #tpu.memory_space<vmem>>
        %dma_wait3A_1118 = tpu.memref_slice %arg9[%mul3A_1104] : memref<10000xf32, #tpu.memory_space<hbm>> -> memref<40xf32, #tpu.memory_space<hbm>>
        %dma_wait3A_1119 = tpu.memref_slice %arg9[%mul3A_1104] : memref<10000xf32, #tpu.memory_space<hbm>> -> memref<40xf32, #tpu.memory_space<hbm>>
        %dma_wait3A_1120 = arith.constant 0 : i32
        %dma_wait3A_1121 = tpu.memref_slice %arg13[%dma_wait3A_1114, %dma_wait3A_1120] : memref<16x40xf32, #tpu.memory_space<vmem>> -> memref<1x40xf32, #tpu.memory_space<vmem>>
        %dma_wait3A_1122 = tpu.memref_squeeze %dma_wait3A_1121 : memref<1x40xf32, #tpu.memory_space<vmem>> -> memref<40xf32, #tpu.memory_space<vmem>>
        tpu.wait_dma2 semaphore(%arg20 : memref<!tpu.dma_semaphore, #tpu.memory_space<semaphore_mem>>) src(%dma_wait3A_1122 : memref<40xf32, #tpu.memory_space<vmem>>) dst(%dma_wait3A_1119 : memref<40xf32, #tpu.memory_space<hbm>>)
      } else {
      }
    } else {
    }
    %add3A_1061 = arith.constant 160 : i32
    %add3A_1062 = arith.addi %arg1, %add3A_1061 : i32
    %lt3A_1063 = arith.constant 250 : i32
    %lt3A_1064 = arith.cmpi slt, %add3A_1062, %lt3A_1063 : i32
    %convert_element_type3A_1065 = arith.extui %lt3A_1064 : i1 to i32
    %cond3A_1066 = arith.constant 0 : i32
    %cond3A_1067 = arith.cmpi ne, %convert_element_type3A_1065, %cond3A_1066 : i32
    scf.if %cond3A_1067 {
      %mul3A_1103 = arith.constant 40 : i32
      %mul3A_1104 = arith.muli %add3A_1062, %mul3A_1103 : i32
      %eq3A = arith.constant 0 : i32
      %eq3A_1105 = arith.cmpi eq, %arg0, %eq3A : i32
      %convert_element_type3A_1106 = arith.extui %eq3A_1105 : i1 to i32
      %cond3A_1107 = arith.constant 0 : i32
      %cond3A_1108 = arith.cmpi ne, %convert_element_type3A_1106, %cond3A_1107 : i32
      scf.if %cond3A_1108 {
        %dma_wait3A_1114 = arith.constant 10 : i32
        %dma_wait3A_1115 = arith.constant 0 : i32
        %dma_wait3A_1116 = tpu.memref_slice %arg13[%dma_wait3A_1114, %dma_wait3A_1115] : memref<16x40xf32, #tpu.memory_space<vmem>> -> memref<1x40xf32, #tpu.memory_space<vmem>>
        %dma_wait3A_1117 = tpu.memref_squeeze %dma_wait3A_1116 : memref<1x40xf32, #tpu.memory_space<vmem>> -> memref<40xf32, #tpu.memory_space<vmem>>
        %dma_wait3A_1118 = tpu.memref_slice %arg8[%mul3A_1104] : memref<10000xf32, #tpu.memory_space<hbm>> -> memref<40xf32, #tpu.memory_space<hbm>>
        %dma_wait3A_1119 = tpu.memref_slice %arg8[%mul3A_1104] : memref<10000xf32, #tpu.memory_space<hbm>> -> memref<40xf32, #tpu.memory_space<hbm>>
        %dma_wait3A_1120 = arith.constant 0 : i32
        %dma_wait3A_1121 = tpu.memref_slice %arg13[%dma_wait3A_1114, %dma_wait3A_1120] : memref<16x40xf32, #tpu.memory_space<vmem>> -> memref<1x40xf32, #tpu.memory_space<vmem>>
        %dma_wait3A_1122 = tpu.memref_squeeze %dma_wait3A_1121 : memref<1x40xf32, #tpu.memory_space<vmem>> -> memref<40xf32, #tpu.memory_space<vmem>>
        tpu.wait_dma2 semaphore(%arg20 : memref<!tpu.dma_semaphore, #tpu.memory_space<semaphore_mem>>) src(%dma_wait3A_1122 : memref<40xf32, #tpu.memory_space<vmem>>) dst(%dma_wait3A_1119 : memref<40xf32, #tpu.memory_space<hbm>>)
      } else {
      }
      %eq3A_1109 = arith.constant 1 : i32
      %eq3A_1110 = arith.cmpi eq, %arg0, %eq3A_1109 : i32
      %convert_element_type3A_1111 = arith.extui %eq3A_1110 : i1 to i32
      %cond3A_1112 = arith.constant 0 : i32
      %cond3A_1113 = arith.cmpi ne, %convert_element_type3A_1111, %cond3A_1112 : i32
      scf.if %cond3A_1113 {
        %dma_wait3A_1114 = arith.constant 10 : i32
        %dma_wait3A_1115 = arith.constant 0 : i32
        %dma_wait3A_1116 = tpu.memref_slice %arg13[%dma_wait3A_1114, %dma_wait3A_1115] : memref<16x40xf32, #tpu.memory_space<vmem>> -> memref<1x40xf32, #tpu.memory_space<vmem>>
        %dma_wait3A_1117 = tpu.memref_squeeze %dma_wait3A_1116 : memref<1x40xf32, #tpu.memory_space<vmem>> -> memref<40xf32, #tpu.memory_space<vmem>>
        %dma_wait3A_1118 = tpu.memref_slice %arg9[%mul3A_1104] : memref<10000xf32, #tpu.memory_space<hbm>> -> memref<40xf32, #tpu.memory_space<hbm>>
        %dma_wait3A_1119 = tpu.memref_slice %arg9[%mul3A_1104] : memref<10000xf32, #tpu.memory_space<hbm>> -> memref<40xf32, #tpu.memory_space<hbm>>
        %dma_wait3A_1120 = arith.constant 0 : i32
        %dma_wait3A_1121 = tpu.memref_slice %arg13[%dma_wait3A_1114, %dma_wait3A_1120] : memref<16x40xf32, #tpu.memory_space<vmem>> -> memref<1x40xf32, #tpu.memory_space<vmem>>
        %dma_wait3A_1122 = tpu.memref_squeeze %dma_wait3A_1121 : memref<1x40xf32, #tpu.memory_space<vmem>> -> memref<40xf32, #tpu.memory_space<vmem>>
        tpu.wait_dma2 semaphore(%arg20 : memref<!tpu.dma_semaphore, #tpu.memory_space<semaphore_mem>>) src(%dma_wait3A_1122 : memref<40xf32, #tpu.memory_space<vmem>>) dst(%dma_wait3A_1119 : memref<40xf32, #tpu.memory_space<hbm>>)
      } else {
      }
    } else {
    }
    %add3A_1068 = arith.constant 176 : i32
    %add3A_1069 = arith.addi %arg1, %add3A_1068 : i32
    %lt3A_1070 = arith.constant 250 : i32
    %lt3A_1071 = arith.cmpi slt, %add3A_1069, %lt3A_1070 : i32
    %convert_element_type3A_1072 = arith.extui %lt3A_1071 : i1 to i32
    %cond3A_1073 = arith.constant 0 : i32
    %cond3A_1074 = arith.cmpi ne, %convert_element_type3A_1072, %cond3A_1073 : i32
    scf.if %cond3A_1074 {
      %mul3A_1103 = arith.constant 40 : i32
      %mul3A_1104 = arith.muli %add3A_1069, %mul3A_1103 : i32
      %eq3A = arith.constant 0 : i32
      %eq3A_1105 = arith.cmpi eq, %arg0, %eq3A : i32
      %convert_element_type3A_1106 = arith.extui %eq3A_1105 : i1 to i32
      %cond3A_1107 = arith.constant 0 : i32
      %cond3A_1108 = arith.cmpi ne, %convert_element_type3A_1106, %cond3A_1107 : i32
      scf.if %cond3A_1108 {
        %dma_wait3A_1114 = arith.constant 11 : i32
        %dma_wait3A_1115 = arith.constant 0 : i32
        %dma_wait3A_1116 = tpu.memref_slice %arg13[%dma_wait3A_1114, %dma_wait3A_1115] : memref<16x40xf32, #tpu.memory_space<vmem>> -> memref<1x40xf32, #tpu.memory_space<vmem>>
        %dma_wait3A_1117 = tpu.memref_squeeze %dma_wait3A_1116 : memref<1x40xf32, #tpu.memory_space<vmem>> -> memref<40xf32, #tpu.memory_space<vmem>>
        %dma_wait3A_1118 = tpu.memref_slice %arg8[%mul3A_1104] : memref<10000xf32, #tpu.memory_space<hbm>> -> memref<40xf32, #tpu.memory_space<hbm>>
        %dma_wait3A_1119 = tpu.memref_slice %arg8[%mul3A_1104] : memref<10000xf32, #tpu.memory_space<hbm>> -> memref<40xf32, #tpu.memory_space<hbm>>
        %dma_wait3A_1120 = arith.constant 0 : i32
        %dma_wait3A_1121 = tpu.memref_slice %arg13[%dma_wait3A_1114, %dma_wait3A_1120] : memref<16x40xf32, #tpu.memory_space<vmem>> -> memref<1x40xf32, #tpu.memory_space<vmem>>
        %dma_wait3A_1122 = tpu.memref_squeeze %dma_wait3A_1121 : memref<1x40xf32, #tpu.memory_space<vmem>> -> memref<40xf32, #tpu.memory_space<vmem>>
        tpu.wait_dma2 semaphore(%arg20 : memref<!tpu.dma_semaphore, #tpu.memory_space<semaphore_mem>>) src(%dma_wait3A_1122 : memref<40xf32, #tpu.memory_space<vmem>>) dst(%dma_wait3A_1119 : memref<40xf32, #tpu.memory_space<hbm>>)
      } else {
      }
      %eq3A_1109 = arith.constant 1 : i32
      %eq3A_1110 = arith.cmpi eq, %arg0, %eq3A_1109 : i32
      %convert_element_type3A_1111 = arith.extui %eq3A_1110 : i1 to i32
      %cond3A_1112 = arith.constant 0 : i32
      %cond3A_1113 = arith.cmpi ne, %convert_element_type3A_1111, %cond3A_1112 : i32
      scf.if %cond3A_1113 {
        %dma_wait3A_1114 = arith.constant 11 : i32
        %dma_wait3A_1115 = arith.constant 0 : i32
        %dma_wait3A_1116 = tpu.memref_slice %arg13[%dma_wait3A_1114, %dma_wait3A_1115] : memref<16x40xf32, #tpu.memory_space<vmem>> -> memref<1x40xf32, #tpu.memory_space<vmem>>
        %dma_wait3A_1117 = tpu.memref_squeeze %dma_wait3A_1116 : memref<1x40xf32, #tpu.memory_space<vmem>> -> memref<40xf32, #tpu.memory_space<vmem>>
        %dma_wait3A_1118 = tpu.memref_slice %arg9[%mul3A_1104] : memref<10000xf32, #tpu.memory_space<hbm>> -> memref<40xf32, #tpu.memory_space<hbm>>
        %dma_wait3A_1119 = tpu.memref_slice %arg9[%mul3A_1104] : memref<10000xf32, #tpu.memory_space<hbm>> -> memref<40xf32, #tpu.memory_space<hbm>>
        %dma_wait3A_1120 = arith.constant 0 : i32
        %dma_wait3A_1121 = tpu.memref_slice %arg13[%dma_wait3A_1114, %dma_wait3A_1120] : memref<16x40xf32, #tpu.memory_space<vmem>> -> memref<1x40xf32, #tpu.memory_space<vmem>>
        %dma_wait3A_1122 = tpu.memref_squeeze %dma_wait3A_1121 : memref<1x40xf32, #tpu.memory_space<vmem>> -> memref<40xf32, #tpu.memory_space<vmem>>
        tpu.wait_dma2 semaphore(%arg20 : memref<!tpu.dma_semaphore, #tpu.memory_space<semaphore_mem>>) src(%dma_wait3A_1122 : memref<40xf32, #tpu.memory_space<vmem>>) dst(%dma_wait3A_1119 : memref<40xf32, #tpu.memory_space<hbm>>)
      } else {
      }
    } else {
    }
    %add3A_1075 = arith.constant 192 : i32
    %add3A_1076 = arith.addi %arg1, %add3A_1075 : i32
    %lt3A_1077 = arith.constant 250 : i32
    %lt3A_1078 = arith.cmpi slt, %add3A_1076, %lt3A_1077 : i32
    %convert_element_type3A_1079 = arith.extui %lt3A_1078 : i1 to i32
    %cond3A_1080 = arith.constant 0 : i32
    %cond3A_1081 = arith.cmpi ne, %convert_element_type3A_1079, %cond3A_1080 : i32
    scf.if %cond3A_1081 {
      %mul3A_1103 = arith.constant 40 : i32
      %mul3A_1104 = arith.muli %add3A_1076, %mul3A_1103 : i32
      %eq3A = arith.constant 0 : i32
      %eq3A_1105 = arith.cmpi eq, %arg0, %eq3A : i32
      %convert_element_type3A_1106 = arith.extui %eq3A_1105 : i1 to i32
      %cond3A_1107 = arith.constant 0 : i32
      %cond3A_1108 = arith.cmpi ne, %convert_element_type3A_1106, %cond3A_1107 : i32
      scf.if %cond3A_1108 {
        %dma_wait3A_1114 = arith.constant 12 : i32
        %dma_wait3A_1115 = arith.constant 0 : i32
        %dma_wait3A_1116 = tpu.memref_slice %arg13[%dma_wait3A_1114, %dma_wait3A_1115] : memref<16x40xf32, #tpu.memory_space<vmem>> -> memref<1x40xf32, #tpu.memory_space<vmem>>
        %dma_wait3A_1117 = tpu.memref_squeeze %dma_wait3A_1116 : memref<1x40xf32, #tpu.memory_space<vmem>> -> memref<40xf32, #tpu.memory_space<vmem>>
        %dma_wait3A_1118 = tpu.memref_slice %arg8[%mul3A_1104] : memref<10000xf32, #tpu.memory_space<hbm>> -> memref<40xf32, #tpu.memory_space<hbm>>
        %dma_wait3A_1119 = tpu.memref_slice %arg8[%mul3A_1104] : memref<10000xf32, #tpu.memory_space<hbm>> -> memref<40xf32, #tpu.memory_space<hbm>>
        %dma_wait3A_1120 = arith.constant 0 : i32
        %dma_wait3A_1121 = tpu.memref_slice %arg13[%dma_wait3A_1114, %dma_wait3A_1120] : memref<16x40xf32, #tpu.memory_space<vmem>> -> memref<1x40xf32, #tpu.memory_space<vmem>>
        %dma_wait3A_1122 = tpu.memref_squeeze %dma_wait3A_1121 : memref<1x40xf32, #tpu.memory_space<vmem>> -> memref<40xf32, #tpu.memory_space<vmem>>
        tpu.wait_dma2 semaphore(%arg20 : memref<!tpu.dma_semaphore, #tpu.memory_space<semaphore_mem>>) src(%dma_wait3A_1122 : memref<40xf32, #tpu.memory_space<vmem>>) dst(%dma_wait3A_1119 : memref<40xf32, #tpu.memory_space<hbm>>)
      } else {
      }
      %eq3A_1109 = arith.constant 1 : i32
      %eq3A_1110 = arith.cmpi eq, %arg0, %eq3A_1109 : i32
      %convert_element_type3A_1111 = arith.extui %eq3A_1110 : i1 to i32
      %cond3A_1112 = arith.constant 0 : i32
      %cond3A_1113 = arith.cmpi ne, %convert_element_type3A_1111, %cond3A_1112 : i32
      scf.if %cond3A_1113 {
        %dma_wait3A_1114 = arith.constant 12 : i32
        %dma_wait3A_1115 = arith.constant 0 : i32
        %dma_wait3A_1116 = tpu.memref_slice %arg13[%dma_wait3A_1114, %dma_wait3A_1115] : memref<16x40xf32, #tpu.memory_space<vmem>> -> memref<1x40xf32, #tpu.memory_space<vmem>>
        %dma_wait3A_1117 = tpu.memref_squeeze %dma_wait3A_1116 : memref<1x40xf32, #tpu.memory_space<vmem>> -> memref<40xf32, #tpu.memory_space<vmem>>
        %dma_wait3A_1118 = tpu.memref_slice %arg9[%mul3A_1104] : memref<10000xf32, #tpu.memory_space<hbm>> -> memref<40xf32, #tpu.memory_space<hbm>>
        %dma_wait3A_1119 = tpu.memref_slice %arg9[%mul3A_1104] : memref<10000xf32, #tpu.memory_space<hbm>> -> memref<40xf32, #tpu.memory_space<hbm>>
        %dma_wait3A_1120 = arith.constant 0 : i32
        %dma_wait3A_1121 = tpu.memref_slice %arg13[%dma_wait3A_1114, %dma_wait3A_1120] : memref<16x40xf32, #tpu.memory_space<vmem>> -> memref<1x40xf32, #tpu.memory_space<vmem>>
        %dma_wait3A_1122 = tpu.memref_squeeze %dma_wait3A_1121 : memref<1x40xf32, #tpu.memory_space<vmem>> -> memref<40xf32, #tpu.memory_space<vmem>>
        tpu.wait_dma2 semaphore(%arg20 : memref<!tpu.dma_semaphore, #tpu.memory_space<semaphore_mem>>) src(%dma_wait3A_1122 : memref<40xf32, #tpu.memory_space<vmem>>) dst(%dma_wait3A_1119 : memref<40xf32, #tpu.memory_space<hbm>>)
      } else {
      }
    } else {
    }
    %add3A_1082 = arith.constant 208 : i32
    %add3A_1083 = arith.addi %arg1, %add3A_1082 : i32
    %lt3A_1084 = arith.constant 250 : i32
    %lt3A_1085 = arith.cmpi slt, %add3A_1083, %lt3A_1084 : i32
    %convert_element_type3A_1086 = arith.extui %lt3A_1085 : i1 to i32
    %cond3A_1087 = arith.constant 0 : i32
    %cond3A_1088 = arith.cmpi ne, %convert_element_type3A_1086, %cond3A_1087 : i32
    scf.if %cond3A_1088 {
      %mul3A_1103 = arith.constant 40 : i32
      %mul3A_1104 = arith.muli %add3A_1083, %mul3A_1103 : i32
      %eq3A = arith.constant 0 : i32
      %eq3A_1105 = arith.cmpi eq, %arg0, %eq3A : i32
      %convert_element_type3A_1106 = arith.extui %eq3A_1105 : i1 to i32
      %cond3A_1107 = arith.constant 0 : i32
      %cond3A_1108 = arith.cmpi ne, %convert_element_type3A_1106, %cond3A_1107 : i32
      scf.if %cond3A_1108 {
        %dma_wait3A_1114 = arith.constant 13 : i32
        %dma_wait3A_1115 = arith.constant 0 : i32
        %dma_wait3A_1116 = tpu.memref_slice %arg13[%dma_wait3A_1114, %dma_wait3A_1115] : memref<16x40xf32, #tpu.memory_space<vmem>> -> memref<1x40xf32, #tpu.memory_space<vmem>>
        %dma_wait3A_1117 = tpu.memref_squeeze %dma_wait3A_1116 : memref<1x40xf32, #tpu.memory_space<vmem>> -> memref<40xf32, #tpu.memory_space<vmem>>
        %dma_wait3A_1118 = tpu.memref_slice %arg8[%mul3A_1104] : memref<10000xf32, #tpu.memory_space<hbm>> -> memref<40xf32, #tpu.memory_space<hbm>>
        %dma_wait3A_1119 = tpu.memref_slice %arg8[%mul3A_1104] : memref<10000xf32, #tpu.memory_space<hbm>> -> memref<40xf32, #tpu.memory_space<hbm>>
        %dma_wait3A_1120 = arith.constant 0 : i32
        %dma_wait3A_1121 = tpu.memref_slice %arg13[%dma_wait3A_1114, %dma_wait3A_1120] : memref<16x40xf32, #tpu.memory_space<vmem>> -> memref<1x40xf32, #tpu.memory_space<vmem>>
        %dma_wait3A_1122 = tpu.memref_squeeze %dma_wait3A_1121 : memref<1x40xf32, #tpu.memory_space<vmem>> -> memref<40xf32, #tpu.memory_space<vmem>>
        tpu.wait_dma2 semaphore(%arg20 : memref<!tpu.dma_semaphore, #tpu.memory_space<semaphore_mem>>) src(%dma_wait3A_1122 : memref<40xf32, #tpu.memory_space<vmem>>) dst(%dma_wait3A_1119 : memref<40xf32, #tpu.memory_space<hbm>>)
      } else {
      }
      %eq3A_1109 = arith.constant 1 : i32
      %eq3A_1110 = arith.cmpi eq, %arg0, %eq3A_1109 : i32
      %convert_element_type3A_1111 = arith.extui %eq3A_1110 : i1 to i32
      %cond3A_1112 = arith.constant 0 : i32
      %cond3A_1113 = arith.cmpi ne, %convert_element_type3A_1111, %cond3A_1112 : i32
      scf.if %cond3A_1113 {
        %dma_wait3A_1114 = arith.constant 13 : i32
        %dma_wait3A_1115 = arith.constant 0 : i32
        %dma_wait3A_1116 = tpu.memref_slice %arg13[%dma_wait3A_1114, %dma_wait3A_1115] : memref<16x40xf32, #tpu.memory_space<vmem>> -> memref<1x40xf32, #tpu.memory_space<vmem>>
        %dma_wait3A_1117 = tpu.memref_squeeze %dma_wait3A_1116 : memref<1x40xf32, #tpu.memory_space<vmem>> -> memref<40xf32, #tpu.memory_space<vmem>>
        %dma_wait3A_1118 = tpu.memref_slice %arg9[%mul3A_1104] : memref<10000xf32, #tpu.memory_space<hbm>> -> memref<40xf32, #tpu.memory_space<hbm>>
        %dma_wait3A_1119 = tpu.memref_slice %arg9[%mul3A_1104] : memref<10000xf32, #tpu.memory_space<hbm>> -> memref<40xf32, #tpu.memory_space<hbm>>
        %dma_wait3A_1120 = arith.constant 0 : i32
        %dma_wait3A_1121 = tpu.memref_slice %arg13[%dma_wait3A_1114, %dma_wait3A_1120] : memref<16x40xf32, #tpu.memory_space<vmem>> -> memref<1x40xf32, #tpu.memory_space<vmem>>
        %dma_wait3A_1122 = tpu.memref_squeeze %dma_wait3A_1121 : memref<1x40xf32, #tpu.memory_space<vmem>> -> memref<40xf32, #tpu.memory_space<vmem>>
        tpu.wait_dma2 semaphore(%arg20 : memref<!tpu.dma_semaphore, #tpu.memory_space<semaphore_mem>>) src(%dma_wait3A_1122 : memref<40xf32, #tpu.memory_space<vmem>>) dst(%dma_wait3A_1119 : memref<40xf32, #tpu.memory_space<hbm>>)
      } else {
      }
    } else {
    }
    %add3A_1089 = arith.constant 224 : i32
    %add3A_1090 = arith.addi %arg1, %add3A_1089 : i32
    %lt3A_1091 = arith.constant 250 : i32
    %lt3A_1092 = arith.cmpi slt, %add3A_1090, %lt3A_1091 : i32
    %convert_element_type3A_1093 = arith.extui %lt3A_1092 : i1 to i32
    %cond3A_1094 = arith.constant 0 : i32
    %cond3A_1095 = arith.cmpi ne, %convert_element_type3A_1093, %cond3A_1094 : i32
    scf.if %cond3A_1095 {
      %mul3A_1103 = arith.constant 40 : i32
      %mul3A_1104 = arith.muli %add3A_1090, %mul3A_1103 : i32
      %eq3A = arith.constant 0 : i32
      %eq3A_1105 = arith.cmpi eq, %arg0, %eq3A : i32
      %convert_element_type3A_1106 = arith.extui %eq3A_1105 : i1 to i32
      %cond3A_1107 = arith.constant 0 : i32
      %cond3A_1108 = arith.cmpi ne, %convert_element_type3A_1106, %cond3A_1107 : i32
      scf.if %cond3A_1108 {
        %dma_wait3A_1114 = arith.constant 14 : i32
        %dma_wait3A_1115 = arith.constant 0 : i32
        %dma_wait3A_1116 = tpu.memref_slice %arg13[%dma_wait3A_1114, %dma_wait3A_1115] : memref<16x40xf32, #tpu.memory_space<vmem>> -> memref<1x40xf32, #tpu.memory_space<vmem>>
        %dma_wait3A_1117 = tpu.memref_squeeze %dma_wait3A_1116 : memref<1x40xf32, #tpu.memory_space<vmem>> -> memref<40xf32, #tpu.memory_space<vmem>>
        %dma_wait3A_1118 = tpu.memref_slice %arg8[%mul3A_1104] : memref<10000xf32, #tpu.memory_space<hbm>> -> memref<40xf32, #tpu.memory_space<hbm>>
        %dma_wait3A_1119 = tpu.memref_slice %arg8[%mul3A_1104] : memref<10000xf32, #tpu.memory_space<hbm>> -> memref<40xf32, #tpu.memory_space<hbm>>
        %dma_wait3A_1120 = arith.constant 0 : i32
        %dma_wait3A_1121 = tpu.memref_slice %arg13[%dma_wait3A_1114, %dma_wait3A_1120] : memref<16x40xf32, #tpu.memory_space<vmem>> -> memref<1x40xf32, #tpu.memory_space<vmem>>
        %dma_wait3A_1122 = tpu.memref_squeeze %dma_wait3A_1121 : memref<1x40xf32, #tpu.memory_space<vmem>> -> memref<40xf32, #tpu.memory_space<vmem>>
        tpu.wait_dma2 semaphore(%arg20 : memref<!tpu.dma_semaphore, #tpu.memory_space<semaphore_mem>>) src(%dma_wait3A_1122 : memref<40xf32, #tpu.memory_space<vmem>>) dst(%dma_wait3A_1119 : memref<40xf32, #tpu.memory_space<hbm>>)
      } else {
      }
      %eq3A_1109 = arith.constant 1 : i32
      %eq3A_1110 = arith.cmpi eq, %arg0, %eq3A_1109 : i32
      %convert_element_type3A_1111 = arith.extui %eq3A_1110 : i1 to i32
      %cond3A_1112 = arith.constant 0 : i32
      %cond3A_1113 = arith.cmpi ne, %convert_element_type3A_1111, %cond3A_1112 : i32
      scf.if %cond3A_1113 {
        %dma_wait3A_1114 = arith.constant 14 : i32
        %dma_wait3A_1115 = arith.constant 0 : i32
        %dma_wait3A_1116 = tpu.memref_slice %arg13[%dma_wait3A_1114, %dma_wait3A_1115] : memref<16x40xf32, #tpu.memory_space<vmem>> -> memref<1x40xf32, #tpu.memory_space<vmem>>
        %dma_wait3A_1117 = tpu.memref_squeeze %dma_wait3A_1116 : memref<1x40xf32, #tpu.memory_space<vmem>> -> memref<40xf32, #tpu.memory_space<vmem>>
        %dma_wait3A_1118 = tpu.memref_slice %arg9[%mul3A_1104] : memref<10000xf32, #tpu.memory_space<hbm>> -> memref<40xf32, #tpu.memory_space<hbm>>
        %dma_wait3A_1119 = tpu.memref_slice %arg9[%mul3A_1104] : memref<10000xf32, #tpu.memory_space<hbm>> -> memref<40xf32, #tpu.memory_space<hbm>>
        %dma_wait3A_1120 = arith.constant 0 : i32
        %dma_wait3A_1121 = tpu.memref_slice %arg13[%dma_wait3A_1114, %dma_wait3A_1120] : memref<16x40xf32, #tpu.memory_space<vmem>> -> memref<1x40xf32, #tpu.memory_space<vmem>>
        %dma_wait3A_1122 = tpu.memref_squeeze %dma_wait3A_1121 : memref<1x40xf32, #tpu.memory_space<vmem>> -> memref<40xf32, #tpu.memory_space<vmem>>
        tpu.wait_dma2 semaphore(%arg20 : memref<!tpu.dma_semaphore, #tpu.memory_space<semaphore_mem>>) src(%dma_wait3A_1122 : memref<40xf32, #tpu.memory_space<vmem>>) dst(%dma_wait3A_1119 : memref<40xf32, #tpu.memory_space<hbm>>)
      } else {
      }
    } else {
    }
    %add3A_1096 = arith.constant 240 : i32
    %add3A_1097 = arith.addi %arg1, %add3A_1096 : i32
    %lt3A_1098 = arith.constant 250 : i32
    %lt3A_1099 = arith.cmpi slt, %add3A_1097, %lt3A_1098 : i32
    %convert_element_type3A_1100 = arith.extui %lt3A_1099 : i1 to i32
    %cond3A_1101 = arith.constant 0 : i32
    %cond3A_1102 = arith.cmpi ne, %convert_element_type3A_1100, %cond3A_1101 : i32
    scf.if %cond3A_1102 {
      %mul3A_1103 = arith.constant 40 : i32
      %mul3A_1104 = arith.muli %add3A_1097, %mul3A_1103 : i32
      %eq3A = arith.constant 0 : i32
      %eq3A_1105 = arith.cmpi eq, %arg0, %eq3A : i32
      %convert_element_type3A_1106 = arith.extui %eq3A_1105 : i1 to i32
      %cond3A_1107 = arith.constant 0 : i32
      %cond3A_1108 = arith.cmpi ne, %convert_element_type3A_1106, %cond3A_1107 : i32
      scf.if %cond3A_1108 {
        %dma_wait3A_1114 = arith.constant 15 : i32
        %dma_wait3A_1115 = arith.constant 0 : i32
        %dma_wait3A_1116 = tpu.memref_slice %arg13[%dma_wait3A_1114, %dma_wait3A_1115] : memref<16x40xf32, #tpu.memory_space<vmem>> -> memref<1x40xf32, #tpu.memory_space<vmem>>
        %dma_wait3A_1117 = tpu.memref_squeeze %dma_wait3A_1116 : memref<1x40xf32, #tpu.memory_space<vmem>> -> memref<40xf32, #tpu.memory_space<vmem>>
        %dma_wait3A_1118 = tpu.memref_slice %arg8[%mul3A_1104] : memref<10000xf32, #tpu.memory_space<hbm>> -> memref<40xf32, #tpu.memory_space<hbm>>
        %dma_wait3A_1119 = tpu.memref_slice %arg8[%mul3A_1104] : memref<10000xf32, #tpu.memory_space<hbm>> -> memref<40xf32, #tpu.memory_space<hbm>>
        %dma_wait3A_1120 = arith.constant 0 : i32
        %dma_wait3A_1121 = tpu.memref_slice %arg13[%dma_wait3A_1114, %dma_wait3A_1120] : memref<16x40xf32, #tpu.memory_space<vmem>> -> memref<1x40xf32, #tpu.memory_space<vmem>>
        %dma_wait3A_1122 = tpu.memref_squeeze %dma_wait3A_1121 : memref<1x40xf32, #tpu.memory_space<vmem>> -> memref<40xf32, #tpu.memory_space<vmem>>
        tpu.wait_dma2 semaphore(%arg20 : memref<!tpu.dma_semaphore, #tpu.memory_space<semaphore_mem>>) src(%dma_wait3A_1122 : memref<40xf32, #tpu.memory_space<vmem>>) dst(%dma_wait3A_1119 : memref<40xf32, #tpu.memory_space<hbm>>)
      } else {
      }
      %eq3A_1109 = arith.constant 1 : i32
      %eq3A_1110 = arith.cmpi eq, %arg0, %eq3A_1109 : i32
      %convert_element_type3A_1111 = arith.extui %eq3A_1110 : i1 to i32
      %cond3A_1112 = arith.constant 0 : i32
      %cond3A_1113 = arith.cmpi ne, %convert_element_type3A_1111, %cond3A_1112 : i32
      scf.if %cond3A_1113 {
        %dma_wait3A_1114 = arith.constant 15 : i32
        %dma_wait3A_1115 = arith.constant 0 : i32
        %dma_wait3A_1116 = tpu.memref_slice %arg13[%dma_wait3A_1114, %dma_wait3A_1115] : memref<16x40xf32, #tpu.memory_space<vmem>> -> memref<1x40xf32, #tpu.memory_space<vmem>>
        %dma_wait3A_1117 = tpu.memref_squeeze %dma_wait3A_1116 : memref<1x40xf32, #tpu.memory_space<vmem>> -> memref<40xf32, #tpu.memory_space<vmem>>
        %dma_wait3A_1118 = tpu.memref_slice %arg9[%mul3A_1104] : memref<10000xf32, #tpu.memory_space<hbm>> -> memref<40xf32, #tpu.memory_space<hbm>>
        %dma_wait3A_1119 = tpu.memref_slice %arg9[%mul3A_1104] : memref<10000xf32, #tpu.memory_space<hbm>> -> memref<40xf32, #tpu.memory_space<hbm>>
        %dma_wait3A_1120 = arith.constant 0 : i32
        %dma_wait3A_1121 = tpu.memref_slice %arg13[%dma_wait3A_1114, %dma_wait3A_1120] : memref<16x40xf32, #tpu.memory_space<vmem>> -> memref<1x40xf32, #tpu.memory_space<vmem>>
        %dma_wait3A_1122 = tpu.memref_squeeze %dma_wait3A_1121 : memref<1x40xf32, #tpu.memory_space<vmem>> -> memref<40xf32, #tpu.memory_space<vmem>>
        tpu.wait_dma2 semaphore(%arg20 : memref<!tpu.dma_semaphore, #tpu.memory_space<semaphore_mem>>) src(%dma_wait3A_1122 : memref<40xf32, #tpu.memory_space<vmem>>) dst(%dma_wait3A_1119 : memref<40xf32, #tpu.memory_space<hbm>>)
      } else {
      }
    } else {
    }
    return
  }
}

module attributes {stable_mosaic.version = 14 : i64} {
  func.func @_tc_finish_body(%arg0: i32, %arg1: memref<2000x128xf32, #tpu.memory_space<vmem>>, %arg2: memref<2x2000x128xf32, #tpu.memory_space<vmem>>, %arg3: memref<1x1x2000xf32, #tpu.memory_space<vmem>>, %arg4: memref<1x1x2000xf32, #tpu.memory_space<vmem>>, %arg5: memref<128x128xf32, #tpu.memory_space<vmem>>, %arg6: memref<1x128xf32, #tpu.memory_space<vmem>>, %arg7: memref<2000x128xf32, #tpu.memory_space<vmem>>) attributes {dimension_semantics = [#tpu.dimension_semantics<arbitrary>], iteration_bounds = array<i64: 5>, scalar_prefetch = 0 : i64, scratch_operands = 0 : i64, tpu.core_type = #tpu.core_type<tc>, window_params = [{transform_indices = @transform_0, window_bounds = array<i64: 2000, 128>}, {transform_indices = @transform_1, window_bounds = array<i64: 2, 2000, 128>}, {transform_indices = @transform_2, window_bounds = array<i64: 1, 1, 2000>}, {transform_indices = @transform_3, window_bounds = array<i64: 1, 1, 2000>}, {pipeline_mode = #tpu.pipeline_mode<synchronous>, transform_indices = @transform_4, window_bounds = array<i64: 128, 128>}, {pipeline_mode = #tpu.pipeline_mode<synchronous>, transform_indices = @transform_5, window_bounds = array<i64: 1, 128>}, {transform_indices = @transform_6, window_bounds = array<i64: 2000, 128>}]} {
    %get3A = arith.constant 0 : index
    %get3A_0 = arith.constant 0 : index
    %get3A_1 = arith.constant 0 : index
    %get3A_2 = vector.load %arg3[%get3A, %get3A_0, %get3A_1] : memref<1x1x2000xf32, #tpu.memory_space<vmem>>, vector<1x1x2000xf32>
    %get3A_3 = vector.shape_cast %get3A_2 : vector<1x1x2000xf32> to vector<1x2000xf32>
    %get3A_4 = arith.constant 0 : index
    %get3A_5 = arith.constant 0 : index
    %get3A_6 = arith.constant 0 : index
    %get3A_7 = vector.load %arg4[%get3A_4, %get3A_5, %get3A_6] : memref<1x1x2000xf32, #tpu.memory_space<vmem>>, vector<1x1x2000xf32>
    %get3A_8 = vector.shape_cast %get3A_7 : vector<1x1x2000xf32> to vector<1x2000xf32>
    %add3A = arith.addf %get3A_3, %get3A_8 : vector<1x2000xf32>
    %transpose3A = tpu.transpose %add3A, [1, 0] : vector<1x2000xf32> -> vector<2000x1xf32>
    %get3A_9 = arith.constant 0 : index
    %get3A_10 = arith.constant 0 : index
    %get3A_11 = arith.constant 0 : index
    %get3A_12 = vector.load %arg2[%get3A_9, %get3A_10, %get3A_11] : memref<2x2000x128xf32, #tpu.memory_space<vmem>>, vector<1x2000x128xf32>
    %get3A_13 = vector.shape_cast %get3A_12 : vector<1x2000x128xf32> to vector<2000x128xf32>
    %get3A_14 = arith.constant 1 : index
    %get3A_15 = arith.constant 0 : index
    %get3A_16 = arith.constant 0 : index
    %get3A_17 = vector.load %arg2[%get3A_14, %get3A_15, %get3A_16] : memref<2x2000x128xf32, #tpu.memory_space<vmem>>, vector<1x2000x128xf32>
    %get3A_18 = vector.shape_cast %get3A_17 : vector<1x2000x128xf32> to vector<2000x128xf32>
    %add3A_19 = arith.addf %get3A_13, %get3A_18 : vector<2000x128xf32>
    %max3A = arith.constant 1.000000e+00 : f32
    %max3A_20 = vector.broadcast %max3A : f32 to vector<2000x1xf32>
    %max3A_21 = arith.maximumf %transpose3A, %max3A_20 : vector<2000x1xf32>
    %div3A = vector.broadcast %max3A_21 : vector<2000x1xf32> to vector<2000x128xf32>
    %div3A_22 = arith.divf %add3A_19, %div3A : vector<2000x128xf32>
    %get3A_23 = arith.constant 0 : index
    %get3A_24 = arith.constant 0 : index
    %get3A_25 = vector.load %arg1[%get3A_23, %get3A_24] : memref<2000x128xf32, #tpu.memory_space<vmem>>, vector<2000x128xf32>
    %add3A_26 = arith.addf %get3A_25, %div3A_22 : vector<2000x128xf32>
    %get3A_27 = arith.constant 0 : index
    %get3A_28 = arith.constant 0 : index
    %get3A_29 = vector.load %arg5[%get3A_27, %get3A_28] : memref<128x128xf32, #tpu.memory_space<vmem>>, vector<128x128xf32>
    %dot_general3A = arith.constant dense<0.000000e+00> : vector<2000x128xf32>
    %dot_general3A_30 = tpu.matmul %add3A_26, %get3A_29, %dot_general3A {dimension_numbers = #tpu.dot_dimension_numbers<[1], [1], [0], [0], [0, 0, 1, 0], [], []>, transpose_lhs_hint = false} : vector<2000x128xf32>, vector<128x128xf32>, vector<2000x128xf32> -> vector<2000x128xf32>
    %get3A_31 = arith.constant 0 : index
    %get3A_32 = arith.constant 0 : index
    %get3A_33 = vector.load %arg6[%get3A_31, %get3A_32] : memref<1x128xf32, #tpu.memory_space<vmem>>, vector<1x128xf32>
    %add3A_34 = vector.broadcast %get3A_33 : vector<1x128xf32> to vector<2000x128xf32>
    %add3A_35 = arith.addf %dot_general3A_30, %add3A_34 : vector<2000x128xf32>
    %swap3A = arith.constant 0 : index
    %swap3A_36 = arith.constant 0 : index
    %swap3A_37 = vector.load %arg7[%swap3A, %swap3A_36] : memref<2000x128xf32, #tpu.memory_space<vmem>>, vector<2000x128xf32>
    tpu.vector_store %arg7[%swap3A, %swap3A_36], %add3A_35 {strides = array<i32>} : memref<2000x128xf32, #tpu.memory_space<vmem>>, vector<2000x128xf32>,
    return
  }
  func.func @transform_0(%arg0: i32) -> (i32, i32) {
    %c0_i32 = arith.constant 0 : i32
    %c0_i32_0 = arith.constant 0 : i32
    return %arg0, %c0_i32 : i32, i32
  }
  func.func @transform_1(%arg0: i32) -> (i32, i32, i32) {
    %c0_i32 = arith.constant 0 : i32
    %c0_i32_0 = arith.constant 0 : i32
    %c0_i32_1 = arith.constant 0 : i32
    return %c0_i32, %arg0, %c0_i32_0 : i32, i32, i32
  }
  func.func @transform_2(%arg0: i32) -> (i32, i32, i32) {
    %c0_i32 = arith.constant 0 : i32
    %c0_i32_0 = arith.constant 0 : i32
    %c0_i32_1 = arith.constant 0 : i32
    return %arg0, %c0_i32, %c0_i32_0 : i32, i32, i32
  }
  func.func @transform_3(%arg0: i32) -> (i32, i32, i32) {
    %c0_i32 = arith.constant 0 : i32
    %c0_i32_0 = arith.constant 0 : i32
    %c0_i32_1 = arith.constant 0 : i32
    return %arg0, %c0_i32, %c0_i32_0 : i32, i32, i32
  }
  func.func @transform_4(%arg0: i32) -> (i32, i32) {
    %c0_i32 = arith.constant 0 : i32
    %c0_i32_0 = arith.constant 0 : i32
    %c0_i32_1 = arith.constant 0 : i32
    return %c0_i32, %c0_i32_0 : i32, i32
  }
  func.func @transform_5(%arg0: i32) -> (i32, i32) {
    %c0_i32 = arith.constant 0 : i32
    %c0_i32_0 = arith.constant 0 : i32
    %c0_i32_1 = arith.constant 0 : i32
    return %c0_i32, %c0_i32_0 : i32, i32
  }
  func.func @transform_6(%arg0: i32) -> (i32, i32) {
    %c0_i32 = arith.constant 0 : i32
    %c0_i32_0 = arith.constant 0 : i32
    return %arg0, %c0_i32 : i32, i32
  }
}

</mosaic_0001>

<sc_bundles>
// kernel: kernel.4.cloned.1.call-start
scs
__scs_entry_jumppad:
0x0: {  	(pc) =	sbr.rel $0x88, $3  }
0x1: {  	(tag) =	ssettag $0x0;
	lr =	simm.s32 $0x1  }
0x2: {  	[smem:$0x3F9D] =	sst lr;
	_ =	strace $0xD0000000  }
0x3: {  	_ = 	snop  }
0x4: {  	_ = 	snop  }
0x5: {  	_ = 	snop  }
0x6: {  	_ = 	snop  }
0x7: {  	_ = 	snop  }
__scs_overlays_trampoline_lowered:
0x8: {  	[smem:$0x3FAC] =	sst s0  }
0x9: {  	[smem:$0x3FAD] =	sst s1  }
0xa: {  	[smem:$0x3FAE] =	sst s2  }
0xb: {  	[smem:$0x3FAF] =	sst s3  }
0xc: {  	[smem:$0x3FB0] =	sst s4  }
0xd: {  	[smem:$0x3FB1] =	sst s5  }
0xe: {  	[smem:$0x3FB2] =	sst s6  }
0xf: {  	[smem:$0x3FB3] =	sst s7  }
0x10: {  	[smem:$0x3FB4] =	sst s8  }
0x11: {  	[smem:$0x3FB5] =	sst s9;
	s0 =	simm.s32 @!p0 $0x0  }
0x12: {  	s1 =	sld [smem:$0x3F9B];
	s0 =	simm.s32 @p0 $0x1  }
0x13: {  	[smem:$0x3FB6] =	sst s0;
	s0 =	simm.s32 @!p1 $0x0  }
0x14: {  	s2 =	sld [smem:$0x3F9A];
	s0 =	simm.s32 @p1 $0x1  }
0x15: {  	[smem:$0x3FB7] =	sst s0;
	s0 =	simm.s32 @!p2 $0x0  }
0x16: {  	s3 =	sld [smem:$0x3FDB];
	s0 =	simm.s32 @p2 $0x1  }
0x17: {  	s4 =	simm.s32 $0x1BF5;
	[smem:$0x3FB9] =	sst s0  }
0x18: {  	s0 =	sld [smem:$0x3F9C];
	_ =	swait.ge [sflag:s4], $0x0  }
0x19: {  	s7 =	sld [smem:$0x3F9D]  }
0x1a: {  	s8 =	sadd.s32 $0xFFFFE003, lr  }
0x1b: {  	s9 =	sadd.s32 $0xFFFFFEF7, lr;
	s5 =	simm.s32 $0xFFFFFFFF;
	p2 =	slt.u32 s8, $0xFFFFF086  }
0x1c: {  	p1 =	slt.u32 s9, $0xF7A;
	s5 =	simm.s32 @!p2 $0x0  }
0x1d: {  	s5 =	simm.s32 @p1 $0x1;
	p0 =	seq.s32 s7, s2  }
0x1e: {  	s7 =	smul.u32 @!p0 $0xF7A, s2;
	p2 =	seq.s32 @!p0 s5, $0x0  }
0x1f: {  	s9 =	smul.u32 $0xF7A, s1;
	s8 =	simm.s32 @!p0 $0x1BF5;
	p2 =	por !p2, p0  }
0x20: {  	[sflag:s8] =	ssyncset.s32 @!p0 $0xFFFFF086;
	s6 =	sadd.s32 @!p0 s3, s7;
	s7 =	simm.s32 @!p0 $0x108  }
0x21: {  	s3 =	sadd.s32 s3, s9;
	s6 =	sadd.s32 @!p0 $0x88, s6;
	s7 =	simm.s32 @p2 $0x1082  }
0x22: {  	[simem:s7], [sflag:s8] =	dma.local @!p0 [hbm:s6], $0xF7A  }
0x23: {  	s9 =	sor.u32 $0xD0000000, s2;
	s6 =	simm.s32 $0x108;
	_ =	swait.ge @!p0 [sflag:s8], $0x0  }
0x24: {  	s3 =	sadd.s32 $0x88, s3;
	s6 =	simm.s32 @!p1 $0x1082;
	[sflag:s4] =	ssyncset.s32 $0xFFFFF086  }
0x25: {  	[simem:s6], [sflag:s4] =	dma.local [hbm:s3], $0xF7A  }
0x26: {  	[smem:$0x3F9D] =	sst s1;
	(tag) =	ssettag s2;
	_ =	strace s9  }
0x27: {  	s1 =	sld [smem:$0x3FAD]  }
0x28: {  	s2 =	sld [smem:$0x3FAE]  }
0x29: {  	s4 =	sld [smem:$0x3FB0]  }
0x2a: {  	p0 =	seq.s32 s5, $0x0;
	s5 =	sld [smem:$0x3FB1]  }
0x2b: {  	s6 =	sld [smem:$0x3FB2]  }
0x2c: {  	s7 =	sld [smem:$0x3FB3]  }
0x2d: {  	s3 =	simm.s32 $0x108;
	s8 =	sld [smem:$0x3FB4]  }
0x2e: {  	s3 =	simm.s32 @!p0 $0x1082;
	s9 =	sld [smem:$0x3FB5]  }
0x2f: {  	lr =	sadd.s32 s0, s3;
	s0 =	sld [smem:$0x3FAC]  }
0x30: {  	s3 =	sld [smem:$0x3FAF]  }
0x31: {  	[smem:$0x3FB8] =	sst s10  }
0x32: {  	s10 =	sld [smem:$0x3FB6];
	_ =	sdelay $0x3  }
0x33: {  	p0 =	seq.s32 s10, $0x1;
	s10 =	sld [smem:$0x3FB8];
	_ =	sdelay $0x3  }
0x34: {  	[smem:$0x3FB8] =	sst s10  }
0x35: {  	s10 =	sld [smem:$0x3FB7];
	_ =	sdelay $0x3  }
0x36: {  	p1 =	seq.s32 s10, $0x1;
	s10 =	sld [smem:$0x3FB8];
	_ =	sdelay $0x3  }
0x37: {  	[smem:$0x3FB8] =	sst s10  }
0x38: {  	s10 =	sld [smem:$0x3FB9]  }
0x39: {  	_ = 	snop;
	(pc) =	sbr.ind lr, $3  }
0x3a: {  	_ = 	snop  }
0x3b: {  	_ = 	snop  }
0x3c: {  	p2 =	seq.s32 s10, $0x1;
	s10 =	sld [smem:$0x3FB8]  }
0x3d: {  	_ =	shalt  }
0x3e: {  	_ =	shalt  }
0x3f: {  	_ =	shalt  }
0x40: {  	_ =	shalt  }
0x41: {  	_ =	shalt  }
0x42: {  	_ =	shalt  }
0x43: {  	_ =	shalt  }
0x44: {  	_ =	shalt  }
0x45: {  	_ =	shalt  }
0x46: {  	_ =	shalt  }
0x47: {  	_ =	shalt  }
0x48: {  	_ =	shalt  }
0x49: {  	_ =	shalt  }
0x4a: {  	_ =	shalt  }
0x4b: {  	_ =	shalt  }
0x4c: {  	_ =	shalt  }
0x4d: {  	_ =	shalt  }
0x4e: {  	_ =	shalt  }
0x4f: {  	_ =	shalt  }
0x50: {  	_ =	shalt  }
0x51: {  	_ =	shalt  }
0x52: {  	_ =	shalt  }
0x53: {  	_ =	shalt  }
0x54: {  	_ =	shalt  }
0x55: {  	_ =	shalt  }
0x56: {  	_ =	shalt  }
0x57: {  	_ =	shalt  }
0x58: {  	_ =	shalt  }
0x59: {  	_ =	shalt  }
0x5a: {  	_ =	shalt  }
0x5b: {  	_ =	shalt  }
0x5c: {  	_ =	shalt  }
0x5d: {  	_ =	shalt  }
0x5e: {  	_ =	shalt  }
0x5f: {  	_ =	shalt  }
0x60: {  	_ =	shalt  }
0x61: {  	_ =	shalt  }
0x62: {  	_ =	shalt  }
0x63: {  	_ =	shalt  }
0x64: {  	_ =	shalt  }
0x65: {  	_ =	shalt  }
0x66: {  	_ =	shalt  }
0x67: {  	_ =	shalt  }
0x68: {  	_ =	shalt  }
0x69: {  	_ =	shalt  }
0x6a: {  	_ =	shalt  }
0x6b: {  	_ =	shalt  }
0x6c: {  	_ =	shalt  }
0x6d: {  	_ =	shalt  }
0x6e: {  	_ =	shalt  }
0x6f: {  	_ =	shalt  }
0x70: {  	_ =	shalt  }
0x71: {  	_ =	shalt  }
0x72: {  	_ =	shalt  }
0x73: {  	_ =	shalt  }
0x74: {  	_ =	shalt  }
0x75: {  	_ =	shalt  }
0x76: {  	_ =	shalt  }
0x77: {  	_ =	shalt  }
0x78: {  	_ =	shalt  }
0x79: {  	_ =	shalt  }
0x7a: {  	_ =	shalt  }
0x7b: {  	_ =	shalt  }
0x7c: {  	_ =	shalt  }
0x7d: {  	_ =	shalt  }
0x7e: {  	_ =	shalt  }
0x7f: {  	_ =	shalt  }
0x80: {  	_ =	shalt  }
0x81: {  	_ =	shalt  }
0x82: {  	_ =	shalt  }
0x83: {  	_ =	shalt  }
0x84: {  	_ =	shalt  }
0x85: {  	_ =	shalt  }
0x86: {  	_ =	shalt  }
0x87: {  	_ =	shalt  }
.Lfunc_end0:
.L_simem_size_0:
called_computation_lowered:
.L_overlay_start_0:
0x88: {  	s2 =	sld [smem:$0x3FD9]  }
0x89: {  	s3 =	sld [smem:$0x3FFE];
	_ =	sdelay $0x1  }
0x8a: {  	s1 =	srdreg.scid  }
0x8b: {  	s0 =	sand.u32 $0x1, s1  }
0x8c: {  	s17 =	sshll.u32 s0, $0xA;
	s2 =	sadd.s32 s3, s2  }
0x8d: {  	s2 =	sadd.s32 s2, s17  }
0x8e: {  	[smem:$0x3FC4] =	sst s2  }
0x8f: {  	_ = 	snop  }
0x90: {  	s2 =	sld [smem:$0x3FC9]  }
0x91: {  	s18 =	sld [smem:$0x3FD0];
	(tm) =	ssettm $0x1  }
0x92: {  	s4 =	sld [smem:$0x3FFB];
	_ =	sdelay $0x3  }
0x93: {  	_ =	strace s4  }
0x94: {  	s4 =	sld [smem:$0x3FFC];
	_ =	sdelay $0x3  }
0x95: {  	_ =	strace s4  }
0x96: {  	s4 =	sld [smem:$0x3FFD];
	_ =	sdelay $0x3  }
0x97: {  	_ =	strace s4  }
0x98: {  	_ =	strace $0x8FFFFFFF  }
0x99: {  	s19 =	sld [smem:$0x3FDB];
	_ =	sdelay $0x1  }
0x9a: {  	s5 =	simm.s32 $_scs_section_size  }
0x9b: {  	s6 =	simm.s32 $_size__tile_overlayer_lowered;
	s7 =	simm.s32 $_tile_overlayer_lowered  }
0x9c: {  	s22 =	simm.s32 $0x1BFF;
	s21 =	sshll.u32 s7, $0x1;
	s4 =	sadd.s32 s5, s19  }
0x9d: {  	s8 =	simm.s32 $0x0;
	s20 =	sshll.u32 s6, $0x1;
	s6 =	sadd.s32 s21, s4  }
0x9e: {  	[timem:s8], [sflag:s22] =	dma.local [hbm:s6], s20  }
0x9f: {  	_ =	swait.ge [sflag:s22], s20  }
0xa0: {  	s5 =	ssub.s32 $0x0, s20;
	[sflag:s22] =	ssyncset.done $0x0  }
0xa1: {  	[sflag:s22] =	ssyncadd.s32 s5;
	_ =	sdelay $0x1  }
0xa2: {  	s23 =	simm.s32 $0x1B8B  }
0xa3: {  	_ =	swait.ge [sflag:s23], $0x1  }
0xa4: {  	[sflag:s23] =	ssyncset.done $0x0  }
0xa5: {  	s25 =	simm.s32 $0x1B8E;
	s24 =	sld [smem:$0x3FFE];
	[sflag:s23] =	ssyncadd.s32 $0xFFFFFFFF  }
0xa6: {  	s26 =	simm.s32 $execute0_lowered;
	[smem:$0x3FD2] =	sst s25  }
0xa7: {  	s6 =	sshll.u32 s26, $0x1;
	_ =	strace $0x80000046;
	[dreg:$0x1] =	wrdreg $0xFFFFFFFF  }
0xa8: {  	s28 =	simm.s32 $_size_execute0_lowered;
	s4 =	sadd.s32 s4, s6;
	[dreg:$0x0] =	wrdreg $0x0  }
0xa9: {  	s6 =	sshll.u32 s28, $0x1;
	[dreg:$0x2] =	wrdreg s4  }
0xaa: {  	[dreg:$0x3] =	wrdreg s6  }
0xab: {  	[dreg:$0x4] =	wrdreg $0xC0  }
0xac: {  	_ =	task [dreg:s8], $0x5FFFF  }
0xad: {  	[dreg:$0x1] =	wrdreg $0xFFFFFFFF  }
0xae: {  	[dreg:$0x0] =	wrdreg $0x60  }
0xaf: {  	[dreg:$0x2] =	wrdreg s2  }
0xb0: {  	[dreg:$0x3] =	wrdreg s18  }
0xb1: {  	[dreg:$0x4] =	wrdreg s24  }
0xb2: {  	[dreg:$0x5] =	wrdreg $0xB8800  }
0xb3: {  	[dreg:$0x6] =	wrdreg $0x1F1000  }
0xb4: {  	[dreg:$0x7] =	wrdreg $0x9  }
0xb5: {  	_ =	task.clear_ibuf [dreg:s8], $0x8FFFF;
	_ =	strace $0x90000046  }
0xb6: {  	s29 =	simm.s32 $0x9;
	_ =	strace $0x80000048  }
0xb7: {  	_ =	swait.ge [sflag:s29], $0x1  }
0xb8: {  	[sflag:s29] =	ssyncadd.s32 $0xFFFFFFFF  }
0xb9: {  	_ =	strace $0x90000048  }
0xba: {  	_ =	sfence  }
0xbb: {  	s30 =	sld [smem:$0x0];
	_ =	sdelay $0x2  }
0xbc: {  	s31 =	sshll.u32 s1, $0xD;
	s1 =	sshrl.u32 s1, $0x2  }
0xbd: {  	s3 =	sand.u32 $0x4000, s31;
	s1 =	sadd.s32 s1, s30  }
0xbe: {  	s0 =	sor.u32 s3, s0;
	s1 =	sshll.u32 s1, $0x11  }
0xbf: {  	s0 =	sor.u32 s1, s0  }
0xc0: {  	s0 =	sadd.s32 $0x8F2B, s0  }
0xc1: {  	[sflag:s0] =	ssyncadd.remote.s32 $0x1  }
0xc2: {  	_ =	sfence.sel $0xFFFF  }
0xc3: {  	[dreg:$0x0] =	wrdreg $0xFFFFFFFF;
	(pc) =	sbr.abs _section_cstart, $3  }
0xc4: {  	[dreg:$0x1] =	wrdreg $0xFFFFFFFF  }
0xc5: {  	_ =	task.clear_ibuf [dreg:s8], $0x2FFFF;
	_ =	strace $0x9FFFFFFF  }
0xc6: {  	(tm) =	ssettm $0x7FFFFFFF  }
0xc7: {  	_ =	shalt  }
tec
execute0_lowered:
.L_overlay_start_1:
0x0: {  	(tag) =	ssettag $0x1  }
0x1: {  	s0 =	srdreg.scid;
	s8 =	stileid.u32  }
0x2: {  	s4 =	sand.u32 $0x1, s0;
	s19 =	sor.u32 $0x10, s8;
	s1 =	smul.u32 $0x1400, s8  }
0x3: {  	s18 =	sor.u32 $0x20, s8;
	s17 =	sor.u32 $0x30, s8;
	s12 =	smul.u32 $0x138800, s4  }
0x4: {  	s16 =	sor.u32 $0x40, s8;
	s13 =	sor.u32 $0x50, s8;
	s2 =	smul.u32 $0x1400, s19  }
0x5: {  	s11 =	sor.u32 $0x60, s8;
	s9 =	sor.u32 $0x70, s8;
	s6 =	smul.u32 $0x1400, s18  }
0x6: {  	s5 =	sor.u32 $0x80, s8;
	s25 =	sor.u32 $0x90, s8;
	s7 =	smul.u32 $0x1400, s17  }
0x7: {  	s10 =	sor.u32 $0xA0, s8;
	s14 =	smul.u32 $0x1400, s16;
	[smem:$0x7C3] =	sst s5  }
0x8: {  	s0 =	ssub.s32 $0x2, s4;
	s15 =	smul.u32 $0x1400, s13;
	[smem:$0x7C4] =	sst s25  }
0x9: {  	[smem:$0x7C5] =	sst s10;
	s20 =	smul.u32 $0x1400, s11;
	s3 =	sshrl.u32 s0, $0x1  }
0xa: {  	s25 =	smul.u32 $0x1400, s25;
	s0 =	ssub.s32 s0, s3;
	s3 =	sor.u32 $0xB0, s8  }
0xb: {  	s21 =	sadd.s32 s1, s12;
	s1 =	smul.u32 $0x1400, s9;
	s22 =	sadd.s32 s12, s2  }
0xc: {  	s23 =	sadd.s32 s12, s6;
	s6 =	smul.u32 $0x1400, s5;
	s24 =	sadd.s32 s12, s7  }
0xd: {  	s14 =	sadd.s32 s12, s14;
	s15 =	sadd.s32 s12, s15;
	s2 =	smul.u32 $0x1400, s10  }
0xe: {  	s26 =	sadd.s32 s12, s20;
	s7 =	sor.u32 $0xC0, s8;
	s29 =	smul.u32 $0x1400, s3  }
0xf: {  	s5 =	sor.u32 $0xD0, s8;
	[smem:$0x7EA] =	sst s0;
	s31 =	smul.u32 $0x1400, s7  }
0x10: {  	s10 =	sor.u32 $0xF0, s8;
	[smem:$0x7C6] =	sst s3;
	s0 =	smul.u32 $0x1400, s5  }
0x11: {  	s25 =	sadd.s32 s12, s25;
	[smem:$0x7C7] =	sst s5;
	s5 =	smul.u32 $0x1400, s10  }
0x12: {  	s21 =	sshrl.u32 s21, $0x3;
	s14 =	sshrl.u32 s14, $0x3;
	s15 =	sshrl.u32 s15, $0x3  }
0x13: {  	s28 =	sadd.s32 s12, s1;
	s30 =	sadd.s32 s12, s6;
	s6 =	sor.u32 $0xE0, s8  }
0x14: {  	s20 =	sadd.s32 s12, s2;
	[smem:$0x7C8] =	sst s6;
	s3 =	smul.u32 $0x1400, s6  }
0x15: {  	s29 =	sadd.s32 s12, s29;
	s31 =	sadd.s32 s12, s31;
	s6 =	sshll.u32 s4, $0x4  }
0x16: {  	s2 =	sadd.s32 s12, s0;
	s1 =	sor.u32 s8, s6;
	s6 =	rddreg [dreg:$0x2]  }
0x17: {  	s5 =	sadd.s32 s12, s5;
	s20 =	sshrl.u32 s20, $0x3;
	s0 =	sadd.s32 $0x2A00, s6  }
0x18: {  	s3 =	sadd.s32 s12, s3;
	s12 =	smul.u32 $0x2710, s1;
	s21 =	sadd.s32 s0, s21  }
0x19: {  	s1 =	sshrl.u32 s23, $0x3;
	s14 =	sadd.s32 s0, s14;
	[dreg:$0x6] =	wrdreg s21  }
0x1a: {  	s23 =	sshrl.u32 s24, $0x3;
	s24 =	sadd.s32 s0, s15;
	[dreg:$0xa] =	wrdreg s14  }
0x1b: {  	s2 =	sshrl.u32 s2, $0x3;
	s20 =	sadd.s32 s0, s20;
	[dreg:$0xb] =	wrdreg s24  }
0x1c: {  	s22 =	sshrl.u32 s22, $0x3;
	s2 =	sadd.s32 s0, s2;
	[dreg:$0x10] =	wrdreg s20  }
0x1d: {  	s21 =	sadd.s32 s0, s22;
	[dreg:$0x13] =	wrdreg s2  }
0x1e: {  	s22 =	sadd.s32 s0, s1;
	s1 =	sshrl.u32 s28, $0x3;
	s28 =	sld [smem:$0x7C3]  }
0x1f: {  	p0 =	seq.s32 s4, $0x1;
	s26 =	sshrl.u32 s26, $0x3;
	[dreg:$0x7] =	wrdreg s21  }
0x20: {  	s3 =	sshrl.u32 s3, $0x3;
	s14 =	sadd.s32 s0, s26;
	[dreg:$0x8] =	wrdreg s22  }
0x21: {  	s2 =	smul.u32 $0x5, s11;
	s3 =	sadd.s32 s0, s3;
	[dreg:$0xc] =	wrdreg s14  }
0x22: {  	s21 =	sadd.s32 s0, s23;
	s14 =	smul.u32 $0x5, s8;
	[dreg:$0x14] =	wrdreg s3  }
0x23: {  	s23 =	sshrl.u32 s25, $0x3;
	s25 =	sshrl.u32 s29, $0x3;
	s29 =	sld [smem:$0x7C4]  }
0x24: {  	s15 =	sadd.s32 s0, s1;
	s22 =	smul.u32 $0x5, s19;
	[dreg:$0x9] =	wrdreg s21  }
0x25: {  	s1 =	sshrl.u32 s31, $0x3;
	[dreg:$0xd] =	wrdreg s15;
	s21 =	sshrl.u32 s30, $0x3  }
0x26: {  	s24 =	sadd.s32 s0, s23;
	s23 =	smul.u32 $0x5, s17;
	s30 =	sld [smem:$0x7C5]  }
0x27: {  	s26 =	sadd.s32 s0, s25;
	s25 =	simm.s32 $0x2400;
	[dreg:$0xf] =	wrdreg s24  }
0x28: {  	s15 =	sadd.s32 s0, s21;
	[dreg:$0x11] =	wrdreg s26;
	s21 =	sadd.s32 s0, s1  }
0x29: {  	s25 =	simm.s32 @!p0 $0x1E00;
	s1 =	sshrl.u32 s5, $0x3;
	[dreg:$0xe] =	wrdreg s15  }
0x2a: {  	[dreg:$0x12] =	wrdreg s21;
	s25 =	sadd.s32 s25, s6;
	s0 =	sadd.s32 s0, s1  }
0x2b: {  	s5 =	smov.u32 s6;
	[dreg:$0x15] =	wrdreg s0;
	s6 =	sadd.s32 s25, s14  }
0x2c: {  	s3 =	smul.u32 $0x5, s28;
	s14 =	sadd.s32 s25, s22;
	[dreg:$0x16] =	wrdreg s6  }
0x2d: {  	s15 =	smul.u32 $0x5, s18;
	s2 =	sadd.s32 s25, s2;
	[dreg:$0x17] =	wrdreg s14  }
0x2e: {  	s21 =	smul.u32 $0x5, s9;
	s3 =	sadd.s32 s25, s3;
	[dreg:$0x1c] =	wrdreg s2  }
0x2f: {  	s22 =	sadd.s32 s25, s15;
	[dreg:$0x1e] =	wrdreg s3  }
0x30: {  	s6 =	sadd.s32 s25, s23;
	s23 =	sadd.s32 s25, s21;
	s21 =	sld [smem:$0x7C8]  }
0x31: {  	s20 =	smul.u32 $0x5, s16;
	[dreg:$0x18] =	wrdreg s22  }
0x32: {  	s24 =	smul.u32 $0x5, s13;
	s22 =	sld [smem:$0x7C6]  }
0x33: {  	s4 =	smul.u32 $0x27100, s4;
	s15 =	sadd.s32 s25, s20;
	[dreg:$0x19] =	wrdreg s6  }
0x34: {  	s26 =	smul.u32 $0x5, s29;
	s20 =	sadd.s32 s25, s24;
	[dreg:$0x1a] =	wrdreg s15  }
0x35: {  	s0 =	smul.u32 $0x5, s30;
	[dreg:$0x1b] =	wrdreg s20  }
0x36: {  	s14 =	smul.u32 $0x5, s7;
	s6 =	sld [smem:$0x7C7]  }
0x37: {  	s24 =	sadd.s32 s25, s26;
	s26 =	smul.u32 $0x5, s10;
	[dreg:$0x1d] =	wrdreg s23  }
0x38: {  	[dreg:$0x1f] =	wrdreg s24;
	s0 =	sadd.s32 s25, s0;
	s20 =	smov.u32 s10  }
0x39: {  	s15 =	smul.u32 $0x2710, s8;
	[smem:$0x7C9] =	sst s0;
	s14 =	sadd.s32 s25, s14  }
0x3a: {  	s0 =	sadd.s32 s25, s26;
	s3 =	smul.u32 $0x5, s21;
	[smem:$0x7CB] =	sst s14  }
0x3b: {  	s26 =	sadd.s32 $0x28, s12;
	[smem:$0x7CE] =	sst s0;
	s1 =	smul.u32 $0x5, s22  }
0x3c: {  	s0 =	sadd.s32 s15, s4;
	s2 =	smul.u32 $0x5, s6;
	s24 =	sadd.s32 s25, s3  }
0x3d: {  	s14 =	sshrl.u32 s26, $0x3;
	s15 =	sadd.s32 $0x4E228, s12;
	[smem:$0x7CD] =	sst s24  }
0x3e: {  	s1 =	sadd.s32 s25, s1;
	s23 =	sadd.s32 s25, s2;
	s2 =	rddreg [dreg:$0x1]  }
0x3f: {  	s26 =	sadd.s32 $0x4E278, s12;
	s25 =	sshrl.u32 s12, $0x3;
	[smem:$0x7CA] =	sst s1  }
0x40: {  	s24 =	sadd.s32 $0x78, s12;
	[smem:$0x7CC] =	sst s23;
	s1 =	simm.s32 $0x0  }
0x41: {  	s10 =	sadd.s32 s2, s25;
	s3 =	sadd.s32 s2, s14;
	s23 =	sshrl.u32 s15, $0x3  }
0x42: {  	s25 =	sshrl.u32 s24, $0x3;
	s14 =	sshrl.u32 s26, $0x3;
	[smem:$0x7FF] =	sst s1  }
0x43: {  	s15 =	sadd.s32 $0xC8, s12;
	[smem:$0x7CF] =	sst s3;
	s3 =	sadd.s32 s2, s23  }
0x44: {  	s24 =	sadd.s32 $0x4E2C8, s12;
	[smem:$0x7D0] =	sst s3;
	s3 =	sadd.s32 s2, s25  }
0x45: {  	s26 =	sadd.s32 $0x118, s12;
	s23 =	sshrl.u32 s15, $0x3;
	[smem:$0x7D1] =	sst s3  }
0x46: {  	s3 =	sadd.s32 s2, s14;
	s14 =	sadd.s32 $0x4E318, s12;
	s12 =	rddreg [dreg:$0x0]  }
0x47: {  	s4 =	sshrl.u32 s26, $0x3;
	s25 =	sshrl.u32 s24, $0x3;
	[smem:$0x7D2] =	sst s3  }
0x48: {  	s3 =	sadd.s32 s2, s23;
	s15 =	sshrl.u32 s14, $0x3;
	s14 =	rddreg [dreg:$0x3]  }
0x49: {  	s23 =	sadd.s32 $0x140, s0;
	[smem:$0x7D3] =	sst s3;
	s3 =	sadd.s32 s2, s25  }
0x4a: {  	s0 =	sadd.s32 $0x4E340, s0;
	[smem:$0x7D4] =	sst s3;
	s3 =	sadd.s32 s2, s4  }
0x4b: {  	s0 =	sshrl.u32 s0, $0x3;
	s25 =	smul.u32 $0x5000, s8;
	[smem:$0x7D5] =	sst s3  }
0x4c: {  	s0 =	sadd.s32 s0, s2;
	s3 =	sadd.s32 s2, s15;
	s15 =	rddreg [dreg:$0x4]  }
0x4d: {  	s24 =	sshrl.u32 s23, $0x3;
	s23 =	sadd.s32 $0x1800, s5;
	[smem:$0x7D8] =	sst s0  }
0x4e: {  	s0 =	smul.u32 $0x5000, s19;
	s26 =	sshrl.u32 s25, $0x2;
	[smem:$0x7D6] =	sst s3  }
0x4f: {  	s3 =	sadd.s32 s24, s2;
	s24 =	smul.u32 $0xA0, s8;
	s2 =	sadd.s32 s26, s14  }
0x50: {  	[smem:$0x7D7] =	sst s3;
	s3 =	smul.u32 $0xA0, s19;
	s19 =	sadd.s32 $0x1A00, s5  }
0x51: {  	s26 =	smul.u32 $0x5000, s18;
	_ =	strace $0x80000047;
	[smem:$0x7D9] =	sst s19  }
0x52: {  	s25 =	sadd.s32 $0x1600, s5;
	s18 =	smul.u32 $0xA0, s18;
	[smem:$0x7DA] =	sst s23  }
0x53: {  	p0 =	sgt.u32 s8, $0x9;
	s5 =	smul.u32 $0xA0, s17;
	[smem:$0x7DB] =	sst s25  }
0x54: {  	s0 =	sshrl.u32 s0, $0x2;
	[smem:$0x7DC] =	sst s2;
	s19 =	smul.u32 $0x5000, s13  }
0x55: {  	s4 =	sshrl.u32 s24, $0x2;
	s0 =	sadd.s32 s0, s14;
	s24 =	smul.u32 $0xA0, s13  }
0x56: {  	s2 =	sshrl.u32 s26, $0x2;
	s18 =	sshrl.u32 s18, $0x2;
	s25 =	smul.u32 $0x5000, s11  }
0x57: {  	s11 =	smul.u32 $0xA0, s11;
	[smem:$0x7F2] =	sst s10;
	s4 =	sadd.s32 s4, s15  }
0x58: {  	[smem:$0x7DE] =	sst s0;
	s23 =	sshrl.u32 s5, $0x2;
	s5 =	smul.u32 $0x5000, s9  }
0x59: {  	s3 =	sshrl.u32 s3, $0x2;
	[smem:$0x7DD] =	sst s4;
	s4 =	smul.u32 $0x5000, s17  }
0x5a: {  	s2 =	sadd.s32 s2, s14;
	s3 =	sadd.s32 s3, s15;
	s17 =	smul.u32 $0x5000, s16  }
0x5b: {  	[smem:$0x7E0] =	sst s2;
	s16 =	smul.u32 $0xA0, s16;
	s13 =	sshrl.u32 s24, $0x2  }
0x5c: {  	s24 =	smul.u32 $0xA0, s28;
	[smem:$0x7DF] =	sst s3;
	s3 =	sadd.s32 s18, s15  }
0x5d: {  	s13 =	sadd.s32 s13, s15;
	s18 =	sshrl.u32 s11, $0x2;
	s0 =	sshrl.u32 s4, $0x2  }
0x5e: {  	[smem:$0x7E1] =	sst s3;
	s26 =	sshrl.u32 s16, $0x2;
	s16 =	smul.u32 $0xA0, s9  }
0x5f: {  	s2 =	sshrl.u32 s17, $0x2;
	s3 =	sadd.s32 s23, s15;
	s17 =	smul.u32 $0x5000, s28  }
0x60: {  	s11 =	sadd.s32 s18, s15;
	s18 =	sshrl.u32 s24, $0x2;
	s24 =	smul.u32 $0xA0, s30  }
0x61: {  	s0 =	sadd.s32 s0, s14;
	[smem:$0x7E3] =	sst s3;
	s2 =	sadd.s32 s2, s14  }
0x62: {  	s3 =	sadd.s32 s18, s15;
	s8 =	smov.u32 s11;
	[smem:$0x7E2] =	sst s0  }
0x63: {  	s11 =	sadd.s32 $0x14, s10;
	[smem:$0x7E4] =	sst s2;
	s0 =	sshrl.u32 s19, $0x2  }
0x64: {  	s19 =	sadd.s32 s26, s15;
	s2 =	sshrl.u32 s25, $0x2;
	[smem:$0x7E5] =	sst s3  }
0x65: {  	s25 =	smul.u32 $0x5000, s29;
	s18 =	sshrl.u32 s24, $0x2;
	[smem:$0x7EF] =	sst s11  }
0x66: {  	s23 =	sadd.s32 s0, s14;
	s26 =	sadd.s32 s2, s14;
	s0 =	sshrl.u32 s5, $0x2  }
0x67: {  	s5 =	sshrl.u32 s16, $0x2;
	s2 =	sshrl.u32 s17, $0x2;
	s16 =	smul.u32 $0xA0, s29  }
0x68: {  	s17 =	smul.u32 $0x5000, s30;
	s28 =	sadd.s32 s0, s14;
	s29 =	sadd.s32 s5, s15  }
0x69: {  	s31 =	sadd.s32 s2, s14;
	s0 =	sshrl.u32 s25, $0x2;
	s25 =	smul.u32 $0x5000, s22  }
0x6a: {  	s5 =	smov.u32 s23;
	s9 =	sshrl.u32 s16, $0x2;
	s16 =	smul.u32 $0xA0, s22  }
0x6b: {  	s23 =	sld [smem:$0x7EA];
	s2 =	sshrl.u32 s17, $0x2;
	s17 =	smul.u32 $0x5000, s7  }
0x6c: {  	s0 =	sadd.s32 s0, s14;
	s22 =	smul.u32 $0xA0, s7;
	s7 =	smov.u32 s26  }
0x6d: {  	s26 =	smul.u32 $0x5000, s6;
	[smem:$0x7E6] =	sst s0;
	s3 =	sadd.s32 s9, s15  }
0x6e: {  	s2 =	sadd.s32 s2, s14;
	s9 =	smul.u32 $0xA0, s6;
	[smem:$0x7E7] =	sst s3  }
0x6f: {  	s0 =	sshrl.u32 s25, $0x2;
	s6 =	smul.u32 $0x5000, s20;
	[smem:$0x7E8] =	sst s2  }
0x70: {  	s3 =	sadd.s32 s18, s15;
	s24 =	sadd.s32 s0, s14;
	s0 =	sshrl.u32 s26, $0x2  }
0x71: {  	s2 =	sshrl.u32 s17, $0x2;
	[smem:$0x7E9] =	sst s3;
	s17 =	sadd.s32 s0, s14  }
0x72: {  	s0 =	sshrl.u32 s6, $0x2;
	s3 =	smax.u32 s23, $0x1;
	[smem:$0x7F4] =	sst s24  }
0x73: {  	s6 =	smov.u32 s13;
	s13 =	sadd.s32 $0x9C40, s10;
	[smem:$0x7EB] =	sst s3  }
0x74: {  	s4 =	sshrl.u32 s16, $0x2;
	s23 =	sadd.s32 $0x9C4A, s10;
	[smem:$0x7EC] =	sst s13  }
0x75: {  	s20 =	smul.u32 $0xA0, s20;
	s30 =	sadd.s32 s4, s15;
	[smem:$0x7EE] =	sst s23  }
0x76: {  	s18 =	sshrl.u32 s22, $0x2;
	s25 =	sadd.s32 s2, s14;
	[smem:$0x7F5] =	sst s30  }
0x77: {  	s16 =	smul.u32 $0x5000, s21;
	s26 =	sadd.s32 s18, s15;
	[smem:$0x7F6] =	sst s25  }
0x78: {  	s11 =	simm.s32 $0x0;
	s22 =	smul.u32 $0xA0, s21;
	[smem:$0x7F7] =	sst s26  }
0x79: {  	s4 =	sshrl.u32 s9, $0x2;
	s13 =	sadd.s32 $0x9C54, s10;
	[smem:$0x7F8] =	sst s17  }
0x7a: {  	s2 =	sshrl.u32 s16, $0x2;
	s23 =	sadd.s32 $0x9C5E, s10;
	[smem:$0x7F0] =	sst s13  }
0x7b: {  	s18 =	sadd.s32 s4, s15;
	s21 =	sshrl.u32 s22, $0x2;
	[smem:$0x7F3] =	sst s23  }
0x7c: {  	s22 =	sshrl.u32 s20, $0x2;
	s20 =	sadd.s32 s0, s14;
	[smem:$0x7F9] =	sst s18  }
0x7d: {  	s9 =	sadd.s32 s21, s15;
	s21 =	sadd.s32 $0xA, s10;
	[smem:$0x7FC] =	sst s20  }
.Ltmp0:
0x7e: {  	s16 =	sadd.s32 s2, s14;
	[smem:$0x7ED] =	sst s21;
	(pc) =	sbr.rel .LBB2_1-.Ltmp0, $4  }
0x7f: {  	s4 =	smov.u32 s29;
	s0 =	smov.u32 s31;
	[smem:$0x7FA] =	sst s16  }
0x80: {  	s29 =	simm.s32 $0x19;
	s22 =	sadd.s32 s22, s15;
	[smem:$0x7FB] =	sst s9  }
0x81: {  	s31 =	simm.s32 $0x28;
	s21 =	sadd.s32 $0x1E, s10;
	[smem:$0x7FD] =	sst s22  }
0x82: {  	s2 =	smov.u32 s28;
	s28 =	simm.s32 $0xB800;
	[smem:$0x7F1] =	sst s21  }
.LBB2_7:
0x83: {  	s3 =	simm.s32 $0x17  }
0x84: {  	_ =	swait.ge [sflag:s3], $0x1400  }
0x85: {  	[sflag:s3] =	ssyncset.done $0x0  }
0x86: {  	[sflag:s3] =	ssyncadd.s32 $0xFFFFEC00  }
0x87: {  	_ =	swait.ge [sflag:s3], $0x28  }
0x88: {  	[sflag:s3] =	ssyncset.done $0x0  }
0x89: {  	s11 =	simm.s32 $0x18;
	[sflag:s3] =	ssyncadd.s32 $0xFFFFFFD8  }
0x8a: {  	_ =	swait.ge [sflag:s11], $0x1400  }
0x8b: {  	[sflag:s11] =	ssyncset.done $0x0  }
0x8c: {  	[sflag:s11] =	ssyncadd.s32 $0xFFFFEC00  }
0x8d: {  	_ =	swait.ge [sflag:s11], $0x28  }
0x8e: {  	[sflag:s11] =	ssyncset.done $0x0  }
0x8f: {  	s13 =	simm.s32 $0x15;
	[sflag:s11] =	ssyncadd.s32 $0xFFFFFFD8  }
0x90: {  	_ =	swait.ge [sflag:s13], $0x1400  }
0x91: {  	[sflag:s13] =	ssyncset.done $0x0  }
0x92: {  	[sflag:s13] =	ssyncadd.s32 $0xFFFFEC00  }
0x93: {  	_ =	swait.ge [sflag:s13], $0x28  }
0x94: {  	[sflag:s13] =	ssyncset.done $0x0  }
0x95: {  	s16 =	simm.s32 $0x16;
	[sflag:s13] =	ssyncadd.s32 $0xFFFFFFD8  }
0x96: {  	_ =	swait.ge [sflag:s16], $0x1400  }
0x97: {  	[sflag:s16] =	ssyncset.done $0x0  }
0x98: {  	[sflag:s16] =	ssyncadd.s32 $0xFFFFEC00  }
0x99: {  	_ =	swait.ge [sflag:s16], $0x28  }
0x9a: {  	[sflag:s16] =	ssyncset.done $0x0  }
0x9b: {  	[sflag:s16] =	ssyncadd.s32 $0xFFFFFFD8  }
0x9c: {  	[bflag:$0x0] =	sbarrier.arrive $0xFFFF  }
0x9d: {  	s9 =	sld [smem:$0x7DC]  }
0x9e: {  	s17 =	stileid.u32  }
0x9f: {  	s3 =	sshll.u32 s17, $0x6  }
0xa0: {  	s3 =	sor.u32 $0x1C19, s3;
	s11 =	rddreg [dreg:$0x6];
	s10 =	sshrl.u32 s9, $0x3  }
0xa1: {  	[hbm:s11], [sflag:s3] =	dma.local [spmem:s10], $0x280  }
0xa2: {  	s18 =	sld [smem:$0x7DD]  }
0xa3: {  	s20 =	sld [smem:$0x7DE]  }
0xa4: {  	s13 =	simm.s32 $0xB000  }
0xa5: {  	[tilespmem:s13], [sflag:$0x19] =	stream.linear.gather [spmem:s18], $0x28, $0x38;
	[tilespmem:$0x1F378] =	vst v63  }
0xa6: {  	s11 =	rddreg [dreg:$0x7];
	s21 =	sshrl.u32 s20, $0x3  }
0xa7: {  	[hbm:s11], [sflag:s3] =	dma.local [spmem:s21], $0x280  }
0xa8: {  	s22 =	sld [smem:$0x7DF]  }
0xa9: {  	s23 =	sld [smem:$0x7E0]  }
0xaa: {  	s21 =	simm.s32 $0xB080  }
0xab: {  	[tilespmem:s21], [sflag:$0x19] =	stream.linear.gather [spmem:s22], $0x28, $0x38;
	[tilespmem:$0x1F378] =	vst v63  }
0xac: {  	s11 =	rddreg [dreg:$0x8];
	s24 =	sshrl.u32 s23, $0x3  }
0xad: {  	[hbm:s11], [sflag:s3] =	dma.local [spmem:s24], $0x280  }
0xae: {  	s25 =	sld [smem:$0x7E1]  }
0xaf: {  	s26 =	sld [smem:$0x7E2]  }
0xb0: {  	s23 =	simm.s32 $0xB100  }
0xb1: {  	[tilespmem:s23], [sflag:$0x19] =	stream.linear.gather [spmem:s25], $0x28, $0x38;
	[tilespmem:$0x1F378] =	vst v63  }
0xb2: {  	s11 =	rddreg [dreg:$0x9];
	s9 =	sshrl.u32 s26, $0x3  }
0xb3: {  	[hbm:s11], [sflag:s3] =	dma.local [spmem:s9], $0x280  }
0xb4: {  	s11 =	sld [smem:$0x7E3]  }
0xb5: {  	s17 =	sld [smem:$0x7E4]  }
0xb6: {  	s16 =	simm.s32 $0xB180  }
0xb7: {  	[tilespmem:s16], [sflag:$0x19] =	stream.linear.gather [spmem:s11], $0x28, $0x38;
	[tilespmem:$0x1F378] =	vst v63  }
0xb8: {  	s20 =	simm.s32 $0xB200;
	s18 =	sshrl.u32 s17, $0x3;
	s11 =	rddreg [dreg:$0xa]  }
0xb9: {  	[hbm:s11], [sflag:s3] =	dma.local [spmem:s18], $0x280  }
0xba: {  	[tilespmem:s20], [sflag:$0x19] =	stream.linear.gather [spmem:s19], $0x28, $0x38;
	[tilespmem:$0x1F378] =	vst v63  }
0xbb: {  	s22 =	sshrl.u32 s5, $0x3;
	s24 =	simm.s32 $0xB280;
	s11 =	rddreg [dreg:$0xb]  }
0xbc: {  	[hbm:s11], [sflag:s3] =	dma.local [spmem:s22], $0x280  }
0xbd: {  	[tilespmem:s24], [sflag:$0x19] =	stream.linear.gather [spmem:s6], $0x28, $0x38;
	[tilespmem:$0x1F378] =	vst v63  }
0xbe: {  	s25 =	sshrl.u32 s7, $0x3;
	s26 =	simm.s32 $0xB300;
	s11 =	rddreg [dreg:$0xc]  }
0xbf: {  	[hbm:s11], [sflag:s3] =	dma.local [spmem:s25], $0x280  }
0xc0: {  	[tilespmem:s26], [sflag:$0x19] =	stream.linear.gather [spmem:s8], $0x28, $0x38;
	[tilespmem:$0x1F378] =	vst v63  }
0xc1: {  	s9 =	sshrl.u32 s2, $0x3;
	s11 =	rddreg [dreg:$0xd]  }
0xc2: {  	[hbm:s11], [sflag:s3] =	dma.local [spmem:s9], $0x280  }
0xc3: {  	s11 =	simm.s32 $0xB380  }
0xc4: {  	[tilespmem:s11], [sflag:$0x19] =	stream.linear.gather [spmem:s4], $0x28, $0x38;
	[tilespmem:$0x1F378] =	vst v63  }
0xc5: {  	s16 =	sshrl.u32 s0, $0x3;
	s11 =	rddreg [dreg:$0xe]  }
0xc6: {  	[hbm:s11], [sflag:s3] =	dma.local [spmem:s16], $0x280  }
0xc7: {  	s17 =	sld [smem:$0x7E5]  }
0xc8: {  	s20 =	sld [smem:$0x7E6]  }
0xc9: {  	s18 =	simm.s32 $0xB400  }
0xca: {  	[tilespmem:s18], [sflag:$0x19] =	stream.linear.gather [spmem:s17], $0x28, $0x38;
	[tilespmem:$0x1F378] =	vst v63  }
0xcb: {  	s11 =	rddreg [dreg:$0xf];
	s22 =	sshrl.u32 s20, $0x3  }
0xcc: {  	[hbm:s11], [sflag:s3] =	dma.local [spmem:s22], $0x280  }
0xcd: {  	s24 =	sld [smem:$0x7E7]  }
0xce: {  	s26 =	sld [smem:$0x7E8]  }
0xcf: {  	s25 =	simm.s32 $0xB480  }
0xd0: {  	[tilespmem:s25], [sflag:$0x19] =	stream.linear.gather [spmem:s24], $0x28, $0x38;
	[tilespmem:$0x1F378] =	vst v63  }
0xd1: {  	s11 =	rddreg [dreg:$0x10];
	s9 =	sshrl.u32 s26, $0x3  }
0xd2: {  	[hbm:s11], [sflag:s3] =	dma.local [spmem:s9], $0x280  }
0xd3: {  	s11 =	sld [smem:$0x7E9]  }
0xd4: {  	s24 =	sld [smem:$0x7F4]  }
0xd5: {  	s16 =	simm.s32 $0xB500  }
0xd6: {  	[tilespmem:s16], [sflag:$0x19] =	stream.linear.gather [spmem:s11], $0x28, $0x38;
	[tilespmem:$0x1F378] =	vst v63  }
0xd7: {  	s17 =	sshrl.u32 s24, $0x3;
	s11 =	rddreg [dreg:$0x11]  }
0xd8: {  	[hbm:s11], [sflag:s3] =	dma.local [spmem:s17], $0x280  }
0xd9: {  	s30 =	sld [smem:$0x7F5]  }
0xda: {  	s25 =	sld [smem:$0x7F6]  }
0xdb: {  	s18 =	simm.s32 $0xB580  }
0xdc: {  	[tilespmem:s18], [sflag:$0x19] =	stream.linear.gather [spmem:s30], $0x28, $0x38;
	[tilespmem:$0x1F378] =	vst v63  }
0xdd: {  	s11 =	rddreg [dreg:$0x12];
	s20 =	sshrl.u32 s25, $0x3  }
0xde: {  	[hbm:s11], [sflag:s3] =	dma.local [spmem:s20], $0x280  }
0xdf: {  	s26 =	sld [smem:$0x7F7]  }
0xe0: {  	s17 =	sld [smem:$0x7F8]  }
0xe1: {  	s22 =	simm.s32 $0xB600  }
0xe2: {  	[tilespmem:s22], [sflag:$0x19] =	stream.linear.gather [spmem:s26], $0x28, $0x38;
	[tilespmem:$0x1F378] =	vst v63  }
0xe3: {  	s11 =	rddreg [dreg:$0x13];
	s9 =	sshrl.u32 s17, $0x3  }
0xe4: {  	[hbm:s11], [sflag:s3] =	dma.local [spmem:s9], $0x280  }
0xe5: {  	s18 =	sld [smem:$0x7F9];
	_ =	sdelay $0x1  }
0xe6: {  	s16 =	simm.s32 $0xB680  }
0xe7: {  	[tilespmem:s16], [sflag:$0x19] =	stream.linear.gather [spmem:s18], $0x28, $0x38;
	[tilespmem:$0x1F378] =	vst v63  }
0xe8: {  	s16 =	sld [smem:$0x7FA];
	_ =	sdelay $0x2  }
0xe9: {  	s11 =	rddreg [dreg:$0x14];
	s20 =	sshrl.u32 s16, $0x3  }
0xea: {  	[hbm:s11], [sflag:s3] =	dma.local [spmem:s20], $0x280  }
0xeb: {  	s9 =	sld [smem:$0x7FB]  }
0xec: {  	s20 =	sld [smem:$0x7FC]  }
0xed: {  	s22 =	simm.s32 $0xB700  }
0xee: {  	[tilespmem:s22], [sflag:$0x19] =	stream.linear.gather [spmem:s9], $0x28, $0x38;
	[tilespmem:$0x1F378] =	vst v63  }
0xef: {  	s11 =	rddreg [dreg:$0x15];
	s10 =	sshrl.u32 @!p0 s20, $0x3  }
0xf0: {  	[hbm:s11], [sflag:s3] =	dma.local @!p0 [spmem:s10], $0x280  }
0xf1: {  	s22 =	sld [smem:$0x7FD];
	_ =	sdelay $0x1  }
0xf2: {  	s10 =	simm.s32 @!p0 $0xB780  }
0xf3: {  	[tilespmem:s10], [sflag:$0x19] =	stream.linear.gather @!p0 [spmem:s22], $0x28, $0x38;
	[tilespmem:$0x1F378] =	vst v63  }
0xf4: {  	_ =	swait.ge [sflag:s29], $0x280  }
0xf5: {  	[sflag:s29] =	ssyncset.done $0x0  }
0xf6: {  	[sflag:s29] =	ssyncadd.s32 $0xFFFFFD80  }
0xf7: {  	_ =	swait.ge [sflag:s29], $0x28  }
0xf8: {  	[sflag:s29] =	ssyncset.done $0x0  }
0xf9: {  	s11 =	rddreg [dreg:$0x16];
	[sflag:s29] =	ssyncadd.s32 $0xFFFFFFD8  }
0xfa: {  	[hbm4b:s11+s1] =	stream.linear.scatter [tilespmem:s13], [sflag:$0x19], $0x28, $0x38;
	[tilespmem:$0x1F378] =	vst v63  }
0xfb: {  	_ =	swait.ge [sflag:s29], $0x280  }
0xfc: {  	[sflag:s29] =	ssyncset.done $0x0  }
0xfd: {  	[sflag:s29] =	ssyncadd.s32 $0xFFFFFD80  }
0xfe: {  	_ =	swait.ge [sflag:s29], $0x28  }
0xff: {  	[sflag:s29] =	ssyncset.done $0x0  }
0x100: {  	s11 =	rddreg [dreg:$0x17];
	[sflag:s29] =	ssyncadd.s32 $0xFFFFFFD8  }
0x101: {  	[hbm4b:s11+s1] =	stream.linear.scatter [tilespmem:s21], [sflag:$0x19], $0x28, $0x38;
	[tilespmem:$0x1F378] =	vst v63  }
0x102: {  	_ =	swait.ge [sflag:s29], $0x280  }
0x103: {  	[sflag:s29] =	ssyncset.done $0x0  }
0x104: {  	[sflag:s29] =	ssyncadd.s32 $0xFFFFFD80  }
0x105: {  	_ =	swait.ge [sflag:s29], $0x28  }
0x106: {  	[sflag:s29] =	ssyncset.done $0x0  }
0x107: {  	s13 =	rddreg [dreg:$0x18];
	[sflag:s29] =	ssyncadd.s32 $0xFFFFFFD8  }
0x108: {  	[hbm4b:s13+s1] =	stream.linear.scatter [tilespmem:s23], [sflag:$0x19], $0x28, $0x38;
	[tilespmem:$0x1F378] =	vst v63  }
0x109: {  	_ =	swait.ge [sflag:s29], $0x280  }
0x10a: {  	[sflag:s29] =	ssyncset.done $0x0  }
0x10b: {  	[sflag:s29] =	ssyncadd.s32 $0xFFFFFD80  }
0x10c: {  	_ =	swait.ge [sflag:s29], $0x28  }
0x10d: {  	[sflag:s29] =	ssyncset.done $0x0  }
0x10e: {  	s23 =	simm.s32 $0xB180;
	s21 =	rddreg [dreg:$0x19];
	[sflag:s29] =	ssyncadd.s32 $0xFFFFFFD8  }
0x10f: {  	[hbm4b:s21+s1] =	stream.linear.scatter [tilespmem:s23], [sflag:$0x19], $0x28, $0x38;
	[tilespmem:$0x1F378] =	vst v63  }
0x110: {  	_ =	swait.ge [sflag:s29], $0x280  }
0x111: {  	[sflag:s29] =	ssyncset.done $0x0  }
0x112: {  	[sflag:s29] =	ssyncadd.s32 $0xFFFFFD80  }
0x113: {  	_ =	swait.ge [sflag:s29], $0x28  }
0x114: {  	[sflag:s29] =	ssyncset.done $0x0  }
0x115: {  	s13 =	simm.s32 $0xB200;
	s11 =	rddreg [dreg:$0x1a];
	[sflag:s29] =	ssyncadd.s32 $0xFFFFFFD8  }
0x116: {  	[hbm4b:s11+s1] =	stream.linear.scatter [tilespmem:s13], [sflag:$0x19], $0x28, $0x38;
	[tilespmem:$0x1F378] =	vst v63  }
0x117: {  	_ =	swait.ge [sflag:s29], $0x280  }
0x118: {  	[sflag:s29] =	ssyncset.done $0x0  }
0x119: {  	[sflag:s29] =	ssyncadd.s32 $0xFFFFFD80  }
0x11a: {  	_ =	swait.ge [sflag:s29], $0x28  }
0x11b: {  	[sflag:s29] =	ssyncset.done $0x0  }
0x11c: {  	s23 =	simm.s32 $0xB280;
	s21 =	rddreg [dreg:$0x1b];
	[sflag:s29] =	ssyncadd.s32 $0xFFFFFFD8  }
0x11d: {  	[hbm4b:s21+s1] =	stream.linear.scatter [tilespmem:s23], [sflag:$0x19], $0x28, $0x38;
	[tilespmem:$0x1F378] =	vst v63  }
0x11e: {  	_ =	swait.ge [sflag:s29], $0x280  }
0x11f: {  	[sflag:s29] =	ssyncset.done $0x0  }
0x120: {  	[sflag:s29] =	ssyncadd.s32 $0xFFFFFD80  }
0x121: {  	_ =	swait.ge [sflag:s29], $0x28  }
0x122: {  	[sflag:s29] =	ssyncset.done $0x0  }
0x123: {  	s13 =	simm.s32 $0xB300;
	s11 =	rddreg [dreg:$0x1c];
	[sflag:s29] =	ssyncadd.s32 $0xFFFFFFD8  }
0x124: {  	[hbm4b:s11+s1] =	stream.linear.scatter [tilespmem:s13], [sflag:$0x19], $0x28, $0x38;
	[tilespmem:$0x1F378] =	vst v63  }
0x125: {  	_ =	swait.ge [sflag:s29], $0x280  }
0x126: {  	[sflag:s29] =	ssyncset.done $0x0  }
0x127: {  	[sflag:s29] =	ssyncadd.s32 $0xFFFFFD80  }
0x128: {  	_ =	swait.ge [sflag:s29], $0x28  }
0x129: {  	[sflag:s29] =	ssyncset.done $0x0  }
0x12a: {  	s23 =	simm.s32 $0xB380;
	s21 =	rddreg [dreg:$0x1d];
	[sflag:s29] =	ssyncadd.s32 $0xFFFFFFD8  }
0x12b: {  	[hbm4b:s21+s1] =	stream.linear.scatter [tilespmem:s23], [sflag:$0x19], $0x28, $0x38;
	[tilespmem:$0x1F378] =	vst v63  }
0x12c: {  	_ =	swait.ge [sflag:s29], $0x280  }
0x12d: {  	[sflag:s29] =	ssyncset.done $0x0  }
0x12e: {  	[sflag:s29] =	ssyncadd.s32 $0xFFFFFD80  }
0x12f: {  	_ =	swait.ge [sflag:s29], $0x28  }
0x130: {  	[sflag:s29] =	ssyncset.done $0x0  }
0x131: {  	s13 =	simm.s32 $0xB400;
	s11 =	rddreg [dreg:$0x1e];
	[sflag:s29] =	ssyncadd.s32 $0xFFFFFFD8  }
0x132: {  	[hbm4b:s11+s1] =	stream.linear.scatter [tilespmem:s13], [sflag:$0x19], $0x28, $0x38;
	[tilespmem:$0x1F378] =	vst v63  }
0x133: {  	_ =	swait.ge [sflag:s29], $0x280  }
0x134: {  	[sflag:s29] =	ssyncset.done $0x0  }
0x135: {  	[sflag:s29] =	ssyncadd.s32 $0xFFFFFD80  }
0x136: {  	_ =	swait.ge [sflag:s29], $0x28  }
0x137: {  	[sflag:s29] =	ssyncset.done $0x0  }
0x138: {  	s23 =	simm.s32 $0xB480;
	s21 =	rddreg [dreg:$0x1f];
	[sflag:s29] =	ssyncadd.s32 $0xFFFFFFD8  }
0x139: {  	[hbm4b:s21+s1] =	stream.linear.scatter [tilespmem:s23], [sflag:$0x19], $0x28, $0x38;
	[tilespmem:$0x1F378] =	vst v63  }
0x13a: {  	_ =	swait.ge [sflag:s29], $0x280  }
0x13b: {  	[sflag:s29] =	ssyncset.done $0x0  }
0x13c: {  	[sflag:s29] =	ssyncadd.s32 $0xFFFFFD80  }
0x13d: {  	_ =	swait.ge [sflag:s29], $0x28  }
0x13e: {  	s11 =	sld [smem:$0x7C9]  }
0x13f: {  	[sflag:s29] =	ssyncset.done $0x0  }
0x140: {  	s13 =	simm.s32 $0xB500;
	[sflag:s29] =	ssyncadd.s32 $0xFFFFFFD8  }
0x141: {  	[hbm4b:s11+s1] =	stream.linear.scatter [tilespmem:s13], [sflag:$0x19], $0x28, $0x38;
	[tilespmem:$0x1F378] =	vst v63  }
0x142: {  	_ =	swait.ge [sflag:s29], $0x280  }
0x143: {  	[sflag:s29] =	ssyncset.done $0x0  }
0x144: {  	[sflag:s29] =	ssyncadd.s32 $0xFFFFFD80  }
0x145: {  	_ =	swait.ge [sflag:s29], $0x28  }
0x146: {  	s21 =	sld [smem:$0x7CA]  }
0x147: {  	[sflag:s29] =	ssyncset.done $0x0  }
0x148: {  	s23 =	simm.s32 $0xB580;
	[sflag:s29] =	ssyncadd.s32 $0xFFFFFFD8  }
0x149: {  	[hbm4b:s21+s1] =	stream.linear.scatter [tilespmem:s23], [sflag:$0x19], $0x28, $0x38;
	[tilespmem:$0x1F378] =	vst v63  }
0x14a: {  	_ =	swait.ge [sflag:s29], $0x280  }
0x14b: {  	[sflag:s29] =	ssyncset.done $0x0  }
0x14c: {  	[sflag:s29] =	ssyncadd.s32 $0xFFFFFD80  }
0x14d: {  	_ =	swait.ge [sflag:s29], $0x28  }
0x14e: {  	s11 =	sld [smem:$0x7CB]  }
0x14f: {  	[sflag:s29] =	ssyncset.done $0x0  }
0x150: {  	s13 =	simm.s32 $0xB600;
	[sflag:s29] =	ssyncadd.s32 $0xFFFFFFD8  }
0x151: {  	[hbm4b:s11+s1] =	stream.linear.scatter [tilespmem:s13], [sflag:$0x19], $0x28, $0x38;
	[tilespmem:$0x1F378] =	vst v63  }
0x152: {  	_ =	swait.ge [sflag:s29], $0x280  }
0x153: {  	[sflag:s29] =	ssyncset.done $0x0  }
0x154: {  	[sflag:s29] =	ssyncadd.s32 $0xFFFFFD80  }
0x155: {  	_ =	swait.ge [sflag:s29], $0x28  }
0x156: {  	s21 =	sld [smem:$0x7CC]  }
0x157: {  	[sflag:s29] =	ssyncset.done $0x0  }
0x158: {  	s23 =	simm.s32 $0xB680;
	[sflag:s29] =	ssyncadd.s32 $0xFFFFFFD8  }
0x159: {  	[hbm4b:s21+s1] =	stream.linear.scatter [tilespmem:s23], [sflag:$0x19], $0x28, $0x38;
	[tilespmem:$0x1F378] =	vst v63  }
0x15a: {  	_ =	swait.ge [sflag:s29], $0x280  }
0x15b: {  	[sflag:s29] =	ssyncset.done $0x0  }
0x15c: {  	[sflag:s29] =	ssyncadd.s32 $0xFFFFFD80  }
0x15d: {  	_ =	swait.ge [sflag:s29], $0x28  }
0x15e: {  	s11 =	sld [smem:$0x7CD]  }
0x15f: {  	[sflag:s29] =	ssyncset.done $0x0  }
0x160: {  	s3 =	simm.s32 @!p0 $0x19;
	s13 =	simm.s32 $0xB700;
	[sflag:s29] =	ssyncadd.s32 $0xFFFFFFD8  }
0x161: {  	[hbm4b:s11+s1] =	stream.linear.scatter [tilespmem:s13], [sflag:$0x19], $0x28, $0x38;
	[tilespmem:$0x1F378] =	vst v63  }
0x162: {  	_ =	swait.ge @!p0 [sflag:s3], $0x280  }
0x163: {  	[sflag:s3] =	ssyncset.done @!p0 $0x0  }
0x164: {  	[sflag:s3] =	ssyncadd.s32 @!p0 $0xFFFFFD80  }
0x165: {  	_ =	swait.ge @!p0 [sflag:s3], $0x28  }
0x166: {  	s13 =	sld [smem:$0x7CE]  }
0x167: {  	[sflag:s3] =	ssyncset.done @!p0 $0x0  }
0x168: {  	s11 =	simm.s32 @!p0 $0x0;
	[sflag:s3] =	ssyncadd.s32 @!p0 $0xFFFFFFD8  }
0x169: {  	[hbm4b:s13+s11] =	stream.linear.scatter @!p0 [tilespmem:s10], [sflag:$0x19], $0x28, $0x38;
	[tilespmem:$0x1F378] =	vst v63  }
0x16a: {  	_ =	swait.ge [sflag:s29], $0x28  }
0x16b: {  	[sflag:s29] =	ssyncset.done $0x0  }
0x16c: {  	[sflag:s29] =	ssyncadd.s32 $0xFFFFFFD8  }
0x16d: {  	_ =	swait.ge [sflag:s29], $0x28  }
0x16e: {  	[sflag:s29] =	ssyncset.done $0x0  }
0x16f: {  	[sflag:s29] =	ssyncadd.s32 $0xFFFFFFD8  }
0x170: {  	_ =	swait.ge [sflag:s29], $0x28  }
0x171: {  	[sflag:s29] =	ssyncset.done $0x0  }
0x172: {  	[sflag:s29] =	ssyncadd.s32 $0xFFFFFFD8  }
0x173: {  	_ =	swait.ge [sflag:s29], $0x28  }
0x174: {  	[sflag:s29] =	ssyncset.done $0x0  }
0x175: {  	[sflag:s29] =	ssyncadd.s32 $0xFFFFFFD8  }
0x176: {  	_ =	swait.ge [sflag:s29], $0x28  }
0x177: {  	[sflag:s29] =	ssyncset.done $0x0  }
0x178: {  	[sflag:s29] =	ssyncadd.s32 $0xFFFFFFD8  }
0x179: {  	_ =	swait.ge [sflag:s29], $0x28  }
0x17a: {  	[sflag:s29] =	ssyncset.done $0x0  }
0x17b: {  	[sflag:s29] =	ssyncadd.s32 $0xFFFFFFD8  }
0x17c: {  	_ =	swait.ge [sflag:s29], $0x28  }
0x17d: {  	[sflag:s29] =	ssyncset.done $0x0  }
0x17e: {  	[sflag:s29] =	ssyncadd.s32 $0xFFFFFFD8  }
0x17f: {  	_ =	swait.ge [sflag:s29], $0x28  }
0x180: {  	[sflag:s29] =	ssyncset.done $0x0  }
0x181: {  	[sflag:s29] =	ssyncadd.s32 $0xFFFFFFD8  }
0x182: {  	_ =	swait.ge [sflag:s29], $0x28  }
0x183: {  	[sflag:s29] =	ssyncset.done $0x0  }
0x184: {  	[sflag:s29] =	ssyncadd.s32 $0xFFFFFFD8  }
0x185: {  	_ =	swait.ge [sflag:s29], $0x28  }
0x186: {  	[sflag:s29] =	ssyncset.done $0x0  }
0x187: {  	[sflag:s29] =	ssyncadd.s32 $0xFFFFFFD8  }
0x188: {  	_ =	swait.ge [sflag:s29], $0x28  }
0x189: {  	[sflag:s29] =	ssyncset.done $0x0  }
0x18a: {  	[sflag:s29] =	ssyncadd.s32 $0xFFFFFFD8  }
0x18b: {  	_ =	swait.ge [sflag:s29], $0x28  }
0x18c: {  	[sflag:s29] =	ssyncset.done $0x0  }
0x18d: {  	[sflag:s29] =	ssyncadd.s32 $0xFFFFFFD8  }
0x18e: {  	_ =	swait.ge [sflag:s29], $0x28  }
0x18f: {  	[sflag:s29] =	ssyncset.done $0x0  }
0x190: {  	[sflag:s29] =	ssyncadd.s32 $0xFFFFFFD8  }
0x191: {  	_ =	swait.ge [sflag:s29], $0x28  }
0x192: {  	[sflag:s29] =	ssyncset.done $0x0  }
0x193: {  	[sflag:s29] =	ssyncadd.s32 $0xFFFFFFD8  }
0x194: {  	_ =	swait.ge [sflag:s29], $0x28  }
0x195: {  	[sflag:s29] =	ssyncset.done $0x0  }
0x196: {  	[sflag:s29] =	ssyncadd.s32 $0xFFFFFFD8  }
0x197: {  	_ =	swait.ge @!p0 [sflag:s3], $0x28  }
0x198: {  	s21 =	sld [smem:$0x7C2]  }
0x199: {  	s23 =	sld [smem:$0x7EB];
	_ =	sdelay $0x1  }
0x19a: {  	s11 =	sadd.s32 $0x1, s21  }
0x19b: {  	p1 =	sne.s32 s11, s23  }
.Ltmp1:
0x19c: {  	_ = 	snop;
	(pc) =	sbr.rel @!p1 .LBB2_8-.Ltmp1, $3  }
0x19d: {  	_ =	sdelay $0x1  }
0x19e: {  	[sflag:s3] =	ssyncset.done @!p0 $0x0  }
0x19f: {  	[sflag:s3] =	ssyncadd.s32 @!p0 $0xFFFFFFD8  }
.LBB2_1:
0x1a0: {  	s3 =	sld [smem:$0x7D9]  }
0x1a1: {  	[smem:$0x7C2] =	sst s11  }
0x1a2: {  	s21 =	simm.s32 $0x1000;
	s10 =	sld [smem:$0x7DA]  }
0x1a3: {  	[tilespmem:s21], [sflag:$0x19] =	stream.linear.gather [hbm4b:s3+s1], $0x1400, $0x38;
	[tilespmem:$0x1F378] =	vst v63  }
0x1a4: {  	s23 =	simm.s32 $0xB000;
	s11 =	sld [smem:$0x7DB]  }
0x1a5: {  	[tilespmem:s23], [sflag:$0x19] =	stream.linear.gather [hbm4b:s10+s1], $0x80, $0x38;
	[tilespmem:$0x1F378] =	vst v63  }
0x1a6: {  	_ = 	snop  }
0x1a7: {  	[tilespmem:s28], [sflag:$0x19] =	stream.linear.gather [hbm4b:s11+s1], $0x80, $0x38;
	[tilespmem:$0x1F378] =	vst v63  }
0x1a8: {  	_ =	swait.ge [sflag:s29], $0x1400  }
0x1a9: {  	[sflag:s29] =	ssyncset.done $0x0  }
0x1aa: {  	[sflag:s29] =	ssyncadd.s32 $0xFFFFEC00  }
0x1ab: {  	_ =	swait.ge [sflag:s29], $0x80  }
0x1ac: {  	[sflag:s29] =	ssyncset.done $0x0  }
0x1ad: {  	[sflag:s29] =	ssyncadd.s32 $0xFFFFFF80  }
0x1ae: {  	_ =	swait.ge [sflag:s29], $0x80  }
0x1af: {  	s10 =	sld [smem:$0x7DC]  }
0x1b0: {  	[sflag:s29] =	ssyncset.done $0x0  }
0x1b1: {  	s13 =	sld [smem:$0x7DD];
	[sflag:s29] =	ssyncadd.s32 $0xFFFFFF80  }
0x1b2: {  	[spmem:s10] =	stream.linear.scatter [tilespmem:s21], [sflag:$0x19], $0x1400, $0x38;
	[tilespmem:$0x1F378] =	vst v63  }
0x1b3: {  	_ = 	snop  }
0x1b4: {  	[spmem:s13] =	stream.linear.scatter [tilespmem:s23], [sflag:$0x19], $0x28, $0x38;
	[tilespmem:$0x1F378] =	vst v63  }
0x1b5: {  	s13 =	sld [smem:$0x7DE];
	_ =	sdelay $0x1  }
0x1b6: {  	s3 =	sld [smem:$0x7DF]  }
0x1b7: {  	[spmem:s13] =	stream.linear.scatter [tilespmem:s21], [sflag:$0x19], $0x1400, $0x38;
	[tilespmem:$0x1F378] =	vst v63  }
0x1b8: {  	s10 =	sld [smem:$0x7E0]  }
0x1b9: {  	[spmem:s3] =	stream.linear.scatter [tilespmem:s23], [sflag:$0x19], $0x28, $0x38;
	[tilespmem:$0x1F378] =	vst v63  }
0x1ba: {  	s11 =	sld [smem:$0x7E1]  }
0x1bb: {  	[spmem:s10] =	stream.linear.scatter [tilespmem:s21], [sflag:$0x19], $0x1400, $0x38;
	[tilespmem:$0x1F378] =	vst v63  }
0x1bc: {  	s13 =	sld [smem:$0x7E2]  }
0x1bd: {  	[spmem:s11] =	stream.linear.scatter [tilespmem:s23], [sflag:$0x19], $0x28, $0x38;
	[tilespmem:$0x1F378] =	vst v63  }
0x1be: {  	s3 =	sld [smem:$0x7E3]  }
0x1bf: {  	[spmem:s13] =	stream.linear.scatter [tilespmem:s21], [sflag:$0x19], $0x1400, $0x38;
	[tilespmem:$0x1F378] =	vst v63  }
0x1c0: {  	s10 =	sld [smem:$0x7E4]  }
0x1c1: {  	[spmem:s3] =	stream.linear.scatter [tilespmem:s23], [sflag:$0x19], $0x28, $0x38;
	[tilespmem:$0x1F378] =	vst v63  }
0x1c2: {  	_ = 	snop  }
0x1c3: {  	[spmem:s10] =	stream.linear.scatter [tilespmem:s21], [sflag:$0x19], $0x1400, $0x38;
	[tilespmem:$0x1F378] =	vst v63  }
0x1c4: {  	_ = 	snop  }
0x1c5: {  	[spmem:s19] =	stream.linear.scatter [tilespmem:s23], [sflag:$0x19], $0x28, $0x38;
	[tilespmem:$0x1F378] =	vst v63  }
0x1c6: {  	_ = 	snop  }
0x1c7: {  	[spmem:s5] =	stream.linear.scatter [tilespmem:s21], [sflag:$0x19], $0x1400, $0x38;
	[tilespmem:$0x1F378] =	vst v63  }
0x1c8: {  	_ = 	snop  }
0x1c9: {  	[spmem:s6] =	stream.linear.scatter [tilespmem:s23], [sflag:$0x19], $0x28, $0x38;
	[tilespmem:$0x1F378] =	vst v63  }
0x1ca: {  	_ = 	snop  }
0x1cb: {  	[spmem:s7] =	stream.linear.scatter [tilespmem:s21], [sflag:$0x19], $0x1400, $0x38;
	[tilespmem:$0x1F378] =	vst v63  }
0x1cc: {  	_ = 	snop  }
0x1cd: {  	[spmem:s8] =	stream.linear.scatter [tilespmem:s23], [sflag:$0x19], $0x28, $0x38;
	[tilespmem:$0x1F378] =	vst v63  }
0x1ce: {  	_ = 	snop  }
0x1cf: {  	[spmem:s2] =	stream.linear.scatter [tilespmem:s21], [sflag:$0x19], $0x1400, $0x38;
	[tilespmem:$0x1F378] =	vst v63  }
0x1d0: {  	_ = 	snop  }
0x1d1: {  	[spmem:s4] =	stream.linear.scatter [tilespmem:s23], [sflag:$0x19], $0x28, $0x38;
	[tilespmem:$0x1F378] =	vst v63  }
0x1d2: {  	s11 =	sld [smem:$0x7E5]  }
0x1d3: {  	[spmem:s0] =	stream.linear.scatter [tilespmem:s21], [sflag:$0x19], $0x1400, $0x38;
	[tilespmem:$0x1F378] =	vst v63  }
0x1d4: {  	s13 =	sld [smem:$0x7E6]  }
0x1d5: {  	[spmem:s11] =	stream.linear.scatter [tilespmem:s23], [sflag:$0x19], $0x28, $0x38;
	[tilespmem:$0x1F378] =	vst v63  }
0x1d6: {  	s10 =	sld [smem:$0x7E7]  }
0x1d7: {  	[spmem:s13] =	stream.linear.scatter [tilespmem:s21], [sflag:$0x19], $0x1400, $0x38;
	[tilespmem:$0x1F378] =	vst v63  }
0x1d8: {  	s11 =	sld [smem:$0x7E8]  }
0x1d9: {  	[spmem:s10] =	stream.linear.scatter [tilespmem:s23], [sflag:$0x19], $0x28, $0x38;
	[tilespmem:$0x1F378] =	vst v63  }
0x1da: {  	s13 =	sld [smem:$0x7E9]  }
0x1db: {  	[spmem:s11] =	stream.linear.scatter [tilespmem:s21], [sflag:$0x19], $0x1400, $0x38;
	[tilespmem:$0x1F378] =	vst v63  }
0x1dc: {  	_ = 	snop  }
0x1dd: {  	[spmem:s13] =	stream.linear.scatter [tilespmem:s23], [sflag:$0x19], $0x28, $0x38;
	[tilespmem:$0x1F378] =	vst v63  }
0x1de: {  	_ = 	snop  }
0x1df: {  	[spmem:s24] =	stream.linear.scatter [tilespmem:s21], [sflag:$0x19], $0x1400, $0x38;
	[tilespmem:$0x1F378] =	vst v63  }
0x1e0: {  	_ = 	snop  }
0x1e1: {  	[spmem:s30] =	stream.linear.scatter [tilespmem:s23], [sflag:$0x19], $0x28, $0x38;
	[tilespmem:$0x1F378] =	vst v63  }
0x1e2: {  	_ = 	snop  }
0x1e3: {  	[spmem:s25] =	stream.linear.scatter [tilespmem:s21], [sflag:$0x19], $0x1400, $0x38;
	[tilespmem:$0x1F378] =	vst v63  }
0x1e4: {  	_ = 	snop  }
0x1e5: {  	[spmem:s26] =	stream.linear.scatter [tilespmem:s23], [sflag:$0x19], $0x28, $0x38;
	[tilespmem:$0x1F378] =	vst v63  }
0x1e6: {  	_ = 	snop  }
0x1e7: {  	[spmem:s17] =	stream.linear.scatter [tilespmem:s21], [sflag:$0x19], $0x1400, $0x38;
	[tilespmem:$0x1F378] =	vst v63  }
0x1e8: {  	_ = 	snop  }
0x1e9: {  	[spmem:s18] =	stream.linear.scatter [tilespmem:s23], [sflag:$0x19], $0x28, $0x38;
	[tilespmem:$0x1F378] =	vst v63  }
0x1ea: {  	_ = 	snop  }
0x1eb: {  	[spmem:s16] =	stream.linear.scatter [tilespmem:s21], [sflag:$0x19], $0x1400, $0x38;
	[tilespmem:$0x1F378] =	vst v63  }
0x1ec: {  	_ = 	snop  }
0x1ed: {  	[spmem:s9] =	stream.linear.scatter [tilespmem:s23], [sflag:$0x19], $0x28, $0x38;
	[tilespmem:$0x1F378] =	vst v63  }
0x1ee: {  	s10 =	simm.s32 @!p0 $0x1000  }
0x1ef: {  	[spmem:s20] =	stream.linear.scatter @!p0 [tilespmem:s10], [sflag:$0x19], $0x1400, $0x38;
	[tilespmem:$0x1F378] =	vst v63  }
0x1f0: {  	s10 =	simm.s32 @!p0 $0xB000  }
0x1f1: {  	[spmem:s22] =	stream.linear.scatter @!p0 [tilespmem:s10], [sflag:$0x19], $0x28, $0x38;
	[tilespmem:$0x1F378] =	vst v63  }
0x1f2: {  	_ =	swait.ge [sflag:s29], $0x1400  }
0x1f3: {  	[sflag:s29] =	ssyncset.done $0x0  }
0x1f4: {  	[sflag:s29] =	ssyncadd.s32 $0xFFFFEC00  }
0x1f5: {  	_ =	swait.ge [sflag:s29], $0x28  }
0x1f6: {  	[sflag:s29] =	ssyncset.done $0x0  }
0x1f7: {  	[sflag:s29] =	ssyncadd.s32 $0xFFFFFFD8  }
0x1f8: {  	_ =	swait.ge [sflag:s29], $0x1400  }
0x1f9: {  	[sflag:s29] =	ssyncset.done $0x0  }
0x1fa: {  	[sflag:s29] =	ssyncadd.s32 $0xFFFFEC00  }
0x1fb: {  	_ =	swait.ge [sflag:s29], $0x28  }
0x1fc: {  	[sflag:s29] =	ssyncset.done $0x0  }
0x1fd: {  	[sflag:s29] =	ssyncadd.s32 $0xFFFFFFD8  }
0x1fe: {  	_ =	swait.ge [sflag:s29], $0x1400  }
0x1ff: {  	[sflag:s29] =	ssyncset.done $0x0  }
0x200: {  	[sflag:s29] =	ssyncadd.s32 $0xFFFFEC00  }
0x201: {  	_ =	swait.ge [sflag:s29], $0x28  }
0x202: {  	[sflag:s29] =	ssyncset.done $0x0  }
0x203: {  	[sflag:s29] =	ssyncadd.s32 $0xFFFFFFD8  }
0x204: {  	_ =	swait.ge [sflag:s29], $0x1400  }
0x205: {  	[sflag:s29] =	ssyncset.done $0x0  }
0x206: {  	[sflag:s29] =	ssyncadd.s32 $0xFFFFEC00  }
0x207: {  	_ =	swait.ge [sflag:s29], $0x28  }
0x208: {  	[sflag:s29] =	ssyncset.done $0x0  }
0x209: {  	[sflag:s29] =	ssyncadd.s32 $0xFFFFFFD8  }
0x20a: {  	_ =	swait.ge [sflag:s29], $0x1400  }
0x20b: {  	[sflag:s29] =	ssyncset.done $0x0  }
0x20c: {  	[sflag:s29] =	ssyncadd.s32 $0xFFFFEC00  }
0x20d: {  	_ =	swait.ge [sflag:s29], $0x28  }
0x20e: {  	[sflag:s29] =	ssyncset.done $0x0  }
0x20f: {  	[sflag:s29] =	ssyncadd.s32 $0xFFFFFFD8  }
0x210: {  	_ =	swait.ge [sflag:s29], $0x1400  }
0x211: {  	[sflag:s29] =	ssyncset.done $0x0  }
0x212: {  	[sflag:s29] =	ssyncadd.s32 $0xFFFFEC00  }
0x213: {  	_ =	swait.ge [sflag:s29], $0x28  }
0x214: {  	[sflag:s29] =	ssyncset.done $0x0  }
0x215: {  	[sflag:s29] =	ssyncadd.s32 $0xFFFFFFD8  }
0x216: {  	_ =	swait.ge [sflag:s29], $0x1400  }
0x217: {  	[sflag:s29] =	ssyncset.done $0x0  }
0x218: {  	[sflag:s29] =	ssyncadd.s32 $0xFFFFEC00  }
0x219: {  	_ =	swait.ge [sflag:s29], $0x28  }
0x21a: {  	[sflag:s29] =	ssyncset.done $0x0  }
0x21b: {  	[sflag:s29] =	ssyncadd.s32 $0xFFFFFFD8  }
0x21c: {  	_ =	swait.ge [sflag:s29], $0x1400  }
0x21d: {  	[sflag:s29] =	ssyncset.done $0x0  }
0x21e: {  	[sflag:s29] =	ssyncadd.s32 $0xFFFFEC00  }
0x21f: {  	_ =	swait.ge [sflag:s29], $0x28  }
0x220: {  	[sflag:s29] =	ssyncset.done $0x0  }
0x221: {  	[sflag:s29] =	ssyncadd.s32 $0xFFFFFFD8  }
0x222: {  	_ =	swait.ge [sflag:s29], $0x1400  }
0x223: {  	[sflag:s29] =	ssyncset.done $0x0  }
0x224: {  	[sflag:s29] =	ssyncadd.s32 $0xFFFFEC00  }
0x225: {  	_ =	swait.ge [sflag:s29], $0x28  }
0x226: {  	[sflag:s29] =	ssyncset.done $0x0  }
0x227: {  	[sflag:s29] =	ssyncadd.s32 $0xFFFFFFD8  }
0x228: {  	_ =	swait.ge [sflag:s29], $0x1400  }
0x229: {  	[sflag:s29] =	ssyncset.done $0x0  }
0x22a: {  	[sflag:s29] =	ssyncadd.s32 $0xFFFFEC00  }
0x22b: {  	_ =	swait.ge [sflag:s29], $0x28  }
0x22c: {  	[sflag:s29] =	ssyncset.done $0x0  }
0x22d: {  	[sflag:s29] =	ssyncadd.s32 $0xFFFFFFD8  }
0x22e: {  	_ =	swait.ge [sflag:s29], $0x1400  }
0x22f: {  	[sflag:s29] =	ssyncset.done $0x0  }
0x230: {  	[sflag:s29] =	ssyncadd.s32 $0xFFFFEC00  }
0x231: {  	_ =	swait.ge [sflag:s29], $0x28  }
0x232: {  	[sflag:s29] =	ssyncset.done $0x0  }
0x233: {  	[sflag:s29] =	ssyncadd.s32 $0xFFFFFFD8  }
0x234: {  	_ =	swait.ge [sflag:s29], $0x1400  }
0x235: {  	[sflag:s29] =	ssyncset.done $0x0  }
0x236: {  	[sflag:s29] =	ssyncadd.s32 $0xFFFFEC00  }
0x237: {  	_ =	swait.ge [sflag:s29], $0x28  }
0x238: {  	[sflag:s29] =	ssyncset.done $0x0  }
0x239: {  	[sflag:s29] =	ssyncadd.s32 $0xFFFFFFD8  }
0x23a: {  	_ =	swait.ge [sflag:s29], $0x1400  }
0x23b: {  	[sflag:s29] =	ssyncset.done $0x0  }
0x23c: {  	[sflag:s29] =	ssyncadd.s32 $0xFFFFEC00  }
0x23d: {  	_ =	swait.ge [sflag:s29], $0x28  }
0x23e: {  	[sflag:s29] =	ssyncset.done $0x0  }
0x23f: {  	[sflag:s29] =	ssyncadd.s32 $0xFFFFFFD8  }
0x240: {  	_ =	swait.ge [sflag:s29], $0x1400  }
0x241: {  	[sflag:s29] =	ssyncset.done $0x0  }
0x242: {  	[sflag:s29] =	ssyncadd.s32 $0xFFFFEC00  }
0x243: {  	_ =	swait.ge [sflag:s29], $0x28  }
0x244: {  	[sflag:s29] =	ssyncset.done $0x0  }
0x245: {  	[sflag:s29] =	ssyncadd.s32 $0xFFFFFFD8  }
0x246: {  	_ =	swait.ge [sflag:s29], $0x1400  }
0x247: {  	[sflag:s29] =	ssyncset.done $0x0  }
0x248: {  	[sflag:s29] =	ssyncadd.s32 $0xFFFFEC00  }
0x249: {  	_ =	swait.ge [sflag:s29], $0x28  }
0x24a: {  	[sflag:s29] =	ssyncset.done $0x0  }
0x24b: {  	s10 =	simm.s32 @!p0 $0x19;
	[sflag:s29] =	ssyncadd.s32 $0xFFFFFFD8  }
0x24c: {  	_ =	swait.ge @!p0 [sflag:s10], $0x1400  }
0x24d: {  	[sflag:s10] =	ssyncset.done @!p0 $0x0  }
0x24e: {  	[sflag:s10] =	ssyncadd.s32 @!p0 $0xFFFFEC00  }
0x24f: {  	_ =	swait.ge @!p0 [sflag:s10], $0x28  }
0x250: {  	[sflag:s10] =	ssyncset.done @!p0 $0x0  }
0x251: {  	[sflag:s10] =	ssyncadd.s32 @!p0 $0xFFFFFFD8  }
0x252: {  	[bflag:$0x0] =	sbarrier.arrive $0xFFFF  }
0x253: {  	s9 =	sld [smem:$0x7F2];
	_ =	sdelay $0x1  }
0x254: {  	s10 =	sld [smem:$0x7EC]  }
0x255: {  	[tilespmem:s1], [sflag:$0x1] =	stream.linear.gather [hbm4b:s9+s1], $0x28, $0x38;
	[tilespmem:$0x1F378] =	vst v63  }
0x256: {  	s11 =	simm.s32 $0x800;
	s13 =	sld [smem:$0x7CF]  }
0x257: {  	[tilespmem:s11], [sflag:$0x1] =	stream.linear.gather [hbm4b:s10+s1], $0x28, $0x38;
	[tilespmem:$0x1F378] =	vst v63  }
0x258: {  	s16 =	sld [smem:$0x7D0];
	s9 =	simm.s32 $0x80  }
0x259: {  	[tilespmem:s9], [sflag:$0x2] =	stream.linear.gather [hbm4b:s13+s1], $0x28, $0x38;
	[tilespmem:$0x1F378] =	vst v63  }
0x25a: {  	s17 =	simm.s32 $0x880;
	s18 =	sld [smem:$0x7ED]  }
0x25b: {  	[tilespmem:s17], [sflag:$0x2] =	stream.linear.gather [hbm4b:s16+s1], $0x28, $0x38;
	[tilespmem:$0x1F378] =	vst v63  }
0x25c: {  	s20 =	sld [smem:$0x7EE];
	s10 =	simm.s32 $0x100  }
0x25d: {  	[tilespmem:s10], [sflag:$0x3] =	stream.linear.gather [hbm4b:s18+s1], $0x28, $0x38;
	[tilespmem:$0x1F378] =	vst v63  }
0x25e: {  	s22 =	simm.s32 $0x900;
	s23 =	sld [smem:$0x7D1]  }
0x25f: {  	[tilespmem:s22], [sflag:$0x3] =	stream.linear.gather [hbm4b:s20+s1], $0x28, $0x38;
	[tilespmem:$0x1F378] =	vst v63  }
0x260: {  	s24 =	sld [smem:$0x7D2];
	s11 =	simm.s32 $0x180  }
0x261: {  	[tilespmem:s11], [sflag:$0x4] =	stream.linear.gather [hbm4b:s23+s1], $0x28, $0x38;
	[tilespmem:$0x1F378] =	vst v63  }
0x262: {  	s25 =	simm.s32 $0x980;
	s26 =	sld [smem:$0x7EF]  }
0x263: {  	[tilespmem:s25], [sflag:$0x4] =	stream.linear.gather [hbm4b:s24+s1], $0x28, $0x38;
	[tilespmem:$0x1F378] =	vst v63  }
0x264: {  	s30 =	simm.s32 $0x200;
	s16 =	sld [smem:$0x7F0]  }
0x265: {  	[tilespmem:s30], [sflag:$0x5] =	stream.linear.gather [hbm4b:s26+s1], $0x28, $0x38;
	[tilespmem:$0x1F378] =	vst v63  }
0x266: {  	s17 =	simm.s32 $0xA00;
	s18 =	sld [smem:$0x7D3]  }
0x267: {  	[tilespmem:s17], [sflag:$0x5] =	stream.linear.gather [hbm4b:s16+s1], $0x28, $0x38;
	[tilespmem:$0x1F378] =	vst v63  }
0x268: {  	s20 =	simm.s32 $0x280;
	s22 =	sld [smem:$0x7D4]  }
0x269: {  	[tilespmem:s20], [sflag:$0x6] =	stream.linear.gather [hbm4b:s18+s1], $0x28, $0x38;
	[tilespmem:$0x1F378] =	vst v63  }
0x26a: {  	s23 =	simm.s32 $0xA80;
	s24 =	sld [smem:$0x7F1]  }
0x26b: {  	[tilespmem:s23], [sflag:$0x6] =	stream.linear.gather [hbm4b:s22+s1], $0x28, $0x38;
	[tilespmem:$0x1F378] =	vst v63  }
0x26c: {  	s25 =	simm.s32 $0x300;
	s26 =	sld [smem:$0x7F3]  }
0x26d: {  	[tilespmem:s25], [sflag:$0x7] =	stream.linear.gather [hbm4b:s24+s1], $0x28, $0x38;
	[tilespmem:$0x1F378] =	vst v63  }
0x26e: {  	s13 =	sld [smem:$0x7D5];
	s30 =	simm.s32 $0xB00  }
0x26f: {  	[tilespmem:s30], [sflag:$0x7] =	stream.linear.gather [hbm4b:s26+s1], $0x28, $0x38;
	[tilespmem:$0x1F378] =	vst v63  }
0x270: {  	s16 =	simm.s32 $0x380;
	s17 =	sld [smem:$0x7D6]  }
0x271: {  	[tilespmem:s16], [sflag:$0x8] =	stream.linear.gather [hbm4b:s13+s1], $0x28, $0x38;
	[tilespmem:$0x1F378] =	vst v63  }
0x272: {  	s18 =	simm.s32 $0xB80;
	s20 =	simm.s32 $0x1  }
0x273: {  	[tilespmem:s18], [sflag:$0x8] =	stream.linear.gather [hbm4b:s17+s1], $0x28, $0x38;
	[tilespmem:$0x1F378] =	vst v63  }
0x274: {  	_ =	swait.ge [sflag:s20], $0x28  }
0x275: {  	[sflag:s20] =	ssyncset.done $0x0  }
0x276: {  	[sflag:s20] =	ssyncadd.s32 $0xFFFFFFD8  }
0x277: {  	_ =	swait.ge [sflag:s20], $0x28  }
0x278: {  	[sflag:s20] =	ssyncset.done $0x0  }
0x279: {  	s22 =	simm.s32 $0x2;
	[sflag:s20] =	ssyncadd.s32 $0xFFFFFFD8  }
0x27a: {  	[tilespmem:s21], [sflag:$0xD] =	stream.indirect.gather [hbm4b:s12+s31], $0x80, s1, s31, $0xb8;
	[tilespmem:$0x1F378] =	vst v63  }
0x27b: {  	_ =	swait.ge [sflag:s22], $0x28  }
0x27c: {  	[sflag:s22] =	ssyncset.done $0x0  }
0x27d: {  	[sflag:s22] =	ssyncadd.s32 $0xFFFFFFD8  }
0x27e: {  	_ =	swait.ge [sflag:s22], $0x28  }
0x27f: {  	[sflag:s22] =	ssyncset.done $0x0  }
0x280: {  	s23 =	simm.s32 $0x2400;
	s24 =	simm.s32 $0x3;
	[sflag:s22] =	ssyncadd.s32 $0xFFFFFFD8  }
0x281: {  	[tilespmem:s23], [sflag:$0xE] =	stream.indirect.gather [hbm4b:s12+s31], $0x80, s9, s31, $0xb8;
	[tilespmem:$0x1F378] =	vst v63  }
0x282: {  	_ =	swait.ge [sflag:s24], $0x28  }
0x283: {  	[sflag:s24] =	ssyncset.done $0x0  }
0x284: {  	[sflag:s24] =	ssyncadd.s32 $0xFFFFFFD8  }
0x285: {  	_ =	swait.ge [sflag:s24], $0x28  }
0x286: {  	[sflag:s24] =	ssyncset.done $0x0  }
0x287: {  	s25 =	simm.s32 $0x3800;
	s26 =	simm.s32 $0x4;
	[sflag:s24] =	ssyncadd.s32 $0xFFFFFFD8  }
0x288: {  	[tilespmem:s25], [sflag:$0xF] =	stream.indirect.gather [hbm4b:s12+s31], $0x80, s10, s31, $0xb8;
	[tilespmem:$0x1F378] =	vst v63  }
0x289: {  	_ =	swait.ge [sflag:s26], $0x28  }
0x28a: {  	[sflag:s26] =	ssyncset.done $0x0  }
0x28b: {  	[sflag:s26] =	ssyncadd.s32 $0xFFFFFFD8  }
.Ltmp2:
0x28c: {  	_ =	swait.ge [sflag:s26], $0x28;
	(pc) =	sbr.rel .LBB2_2-.Ltmp2, $4  }
0x28d: {  	[sflag:s26] =	ssyncset.done $0x0  }
0x28e: {  	s30 =	simm.s32 $0x4C00;
	s10 =	sld [smem:$0x7D8];
	[sflag:s26] =	ssyncadd.s32 $0xFFFFFFD8  }
0x28f: {  	[tilespmem:s30], [sflag:$0x10] =	stream.indirect.gather [hbm4b:s12+s31], $0x80, s11, s31, $0xb8;
	[tilespmem:$0x1F378] =	vst v63  }
0x290: {  	s13 =	simm.s32 $0x0;
	s11 =	sld [smem:$0x7D7]  }
.LBB2_3:
0x291: {  	s16 =	sadd.s32 $0x8, s13  }
0x292: {  	s18 =	smul.u32 $0xAB, s16;
	_ =	sdelay $0x1  }
0x293: {  	s18 =	sshrl.u32 s18, $0xB  }
0x294: {  	s18 =	sand.u32 $0x1F, s18  }
0x295: {  	s18 =	smul.u32 $0xC, s18;
	_ =	sdelay $0x1  }
0x296: {  	s16 =	ssub.s32 s16, s18  }
0x297: {  	s16 =	sand.u32 $0xFF, s16  }
0x298: {  	s30 =	sadd.s32 $0x1, s16;
	s16 =	sshll.u32 s16, $0x7  }
0x299: {  	[tilespmem:s16], [sflag:s30] =	stream.linear.gather [hbm4b:s11+s1], $0x28, $0x38;
	[tilespmem:$0x1F378] =	vst v63  }
0x29a: {  	s17 =	smov.u32 @p1 s13;
	s16 =	sor.u32 $0x800, s16  }
0x29b: {  	[tilespmem:s16], [sflag:s30] =	stream.linear.gather [hbm4b:s10+s1], $0x28, $0x38;
	[tilespmem:$0x1F378] =	vst v63  }
.LBB2_5:
0x29c: {  	s16 =	sadd.s32 $0x4, s13  }
0x29d: {  	s18 =	smul.u32 $0xAB, s16;
	_ =	sdelay $0x1  }
0x29e: {  	s18 =	sshrl.u32 s18, $0xB  }
0x29f: {  	s18 =	sand.u32 $0x1F, s18  }
0x2a0: {  	s30 =	smov.u32 s0;
	s18 =	smul.u32 $0xC, s18  }
0x2a1: {  	s9 =	smov.u32 s4;
	s20 =	smov.u32 s2;
	s21 =	smov.u32 s8  }
0x2a2: {  	s22 =	smov.u32 s7;
	s23 =	smov.u32 s6;
	s18 =	ssub.s32 s16, s18  }
0x2a3: {  	s24 =	smov.u32 s5;
	s25 =	smov.u32 s19;
	s18 =	sand.u32 $0xFF, s18  }
0x2a4: {  	s19 =	smov.u32 s25;
	s5 =	smov.u32 s24;
	s26 =	sadd.s32 $0x1, s18  }
0x2a5: {  	s6 =	smov.u32 s23;
	s7 =	smov.u32 s22;
	_ =	swait.ge [sflag:s26], $0x28  }
0x2a6: {  	s8 =	smov.u32 s21;
	s16 =	sand.u32 $0x7, s16;
	[sflag:s26] =	ssyncset.done $0x0  }
0x2a7: {  	s2 =	smov.u32 s20;
	s3 =	smul.u32 $0x5000, s16;
	[sflag:s26] =	ssyncadd.s32 $0xFFFFFFD8  }
0x2a8: {  	s4 =	smov.u32 s9;
	s0 =	smov.u32 s30;
	_ =	swait.ge [sflag:s26], $0x28  }
0x2a9: {  	s16 =	sadd.s32 $0xD, s16;
	s3 =	sshrl.u32 s3, $0x2;
	[sflag:s26] =	ssyncset.done $0x0  }
0x2aa: {  	s18 =	sshll.u32 s18, $0x7;
	s3 =	sadd.s32 $0x1000, s3;
	[sflag:s26] =	ssyncadd.s32 $0xFFFFFFD8  }
0x2ab: {  	[tilespmem:s3], [sflag:s16] =	stream.indirect.gather [hbm4b:s12+s31], $0x80, s18, s31, $0xb8;
	[tilespmem:$0x1F378] =	vst v63  }
.LBB2_6:
0x2ac: {  	s3 =	smul.u32 $0xAB, s13;
	_ =	sdelay $0x1  }
0x2ad: {  	s3 =	sshrl.u32 s3, $0xB  }
0x2ae: {  	s3 =	sand.u32 $0x1F, s3  }
0x2af: {  	s16 =	sand.u32 $0x7, s13;
	s3 =	smul.u32 $0xC, s3  }
0x2b0: {  	s17 =	sadd.s32 $0x15, s17;
	s18 =	sadd.s32 $0xD, s16;
	s16 =	smul.u32 $0x5000, s16  }
0x2b1: {  	_ =	swait.ge [sflag:s18], $0x1400;
	s3 =	ssub.s32 s13, s3;
	s13 =	sadd.s32 $0x1, s13  }
0x2b2: {  	[sflag:s18] =	ssyncset.done $0x0;
	s3 =	sand.u32 $0xEF, s3;
	p1 =	sne.s32 s13, $0xFA  }
.Ltmp3:
0x2b3: {  	s16 =	sshrl.u32 s16, $0x2;
	s3 =	sshll.u32 s3, $0x7;
	(pc) =	sbr.rel @!p1 .LBB2_7-.Ltmp3, $4  }
0x2b4: {  	[sflag:s18] =	ssyncadd.s32 $0xFFFFEC00;
	s16 =	sadd.s32 $0x1000, s16;
	s3 =	sor.u32 $0x800, s3  }
0x2b5: {  	[spmem:s14] =	stream.indirect.scatter.add.f32 [tilespmem:s16], [sflag:s17], $0x80, s3, s31, $0xb8;
	[tilespmem:$0x1F378] =	vst v63  }
0x2b6: {  	s11 =	sadd.s32 $0x5, s11;
	s10 =	sadd.s32 $0x5, s10  }
0x2b7: {  	[spmem:s15] =	stream.indirect.scatter.add.f32 [tilespmem:s28], [sflag:s17], $0x1, s3, s31, $0xb8;
	[tilespmem:$0x1F378] =	vst v63  }
.LBB2_2:
0x2b8: {  	p1 =	slt.u32 s13, $0x4  }
0x2b9: {  	s17 =	sand.u32 @!p1 $0x3, s13  }
0x2ba: {  	p2 =	sgt.u32 @!p1 s13, $0xF1;
	s16 =	sadd.s32 @!p1 $0x15, s17  }
0x2bb: {  	p2 =	por p1, !p2;
	_ =	swait.ge @!p1 [sflag:s16], $0x1400  }
.Ltmp4:
0x2bc: {  	[sflag:s16] =	ssyncset.done @!p1 $0x0;
	(pc) =	sbr.rel @p2 .LBB2_3-.Ltmp4, $4  }
0x2bd: {  	[sflag:s16] =	ssyncadd.s32 @!p1 $0xFFFFEC00  }
0x2be: {  	_ =	swait.ge @!p1 [sflag:s16], $0x28  }
0x2bf: {  	[sflag:s16] =	ssyncset.done @!p1 $0x0  }
0x2c0: {  	[sflag:s16] =	ssyncadd.s32 @!p1 $0xFFFFFFD8  }
0x2c1: {  	p1 =	sgt.u32 s13, $0xF5  }
.Ltmp5:
0x2c2: {  	_ = 	snop;
	(pc) =	sbr.rel @p1 .LBB2_6-.Ltmp5, $4  }
.Ltmp6:
0x2c3: {  	_ = 	snop;
	(pc) =	sbr.rel @!p1 .LBB2_5-.Ltmp6, $4  }
0x2c4: {  	_ = 	snop  }
0x2c5: {  	_ = 	snop  }
0x2c6: {  	_ = 	snop  }
0x2c7: {  	_ = 	snop  }
.LBB2_8:
0x2c8: {  	_ =	sfence.sel $0x180000  }
0x2c9: {  	[bflag:$0x0] =	sbarrier.arrive $0xFFFF  }
0x2ca: {  	_ =	strace $0x90000047  }
0x2cb: {  	s0 =	stileid.u32;
	[bflag:$0x2] =	sbarrier.arrive $0xFFFF  }
0x2cc: {  	p0 =	sne.s32 s0, $0x0;
	s0 =	rddreg [dreg:$0x5]  }
0x2cd: {  	s0 =	sadd.s32 @!p0 $0x100000, s0  }
0x2ce: {  	[sflag:s0] =	ssyncadd.tile.s32 @!p0 $0x1;
	_ =	shalt  }
.Lfunc_end2:
_tile_overlayer_lowered:
.L_overlay_start_2:
0x2cf: {  	(tag) =	ssettag $0x2  }
0x2d0: {  	s0 =	rddreg [dreg:$0x0];
	s2 =	stileid.u32  }
0x2d1: {  	s1 =	rddreg [dreg:$0x1];
	p0 =	sne.s32 s2, $0x0  }
0x2d2: {  	s3 =	rddreg [dreg:$0x2];
	[bflag:$0x3] =	sbarrier.arrive $0xFFFF;
	s2 =	simm.s32 @!p0 $0x1C1A  }
0x2d3: {  	[timem:s3], [sflag:s2] =	dma.local @!p0 [hbm:s0], s1  }
0x2d4: {  	s0 =	simm.s32 @!p0 $0x1A  }
0x2d5: {  	_ =	swait.ge @!p0 [sflag:s0], s1  }
0x2d6: {  	s1 =	ssub.s32 @!p0 $0x0, s1;
	[sflag:s0] =	ssyncset.done @!p0 $0x0  }
0x2d7: {  	[sflag:s0] =	ssyncadd.s32 @!p0 s1  }
0x2d8: {  	[bflag:$0x3] =	sbarrier.arrive $0xFFFF  }
0x2d9: {  	_ =	shalt  }

</sc_bundles>
